<compile_context>
chip_gen: v7x
topology: tpu7x:2x2x1
jax: 0.10.2.dev20260603
libtpu: 0.0.44.dev20260713+nightly
codegen_flags: <defaults>
</compile_context>

<pallas_src>
import functools

import jax
import jax.numpy as jnp
from jax import lax
from jax.experimental import pallas as pl
from jax.experimental.pallas import tpu as pltpu
from jax.experimental.pallas import tpu_sc as plsc

N_NODES = 100000
N_EDGES = 1600000
EMB = 16
HID = 32
NCLS = 10
NG = 256

NPAD = 100352
NHALF = NPAD // 2
X2 = 2 * NPAD
EPAD = 1605632
EPT = EPAD // 16
NCHUNK = EPT // 128
BLK_E = 2048
TBLK = 2048
PBLK = 2048
ACC_ROWS = 50304
ACC2 = 100480
RPT2 = NPAD // 16
DEG_ROWS = 3200
RPT = NHALF // 16
DPT = DEG_ROWS // 16 - 4
DHALF = NHALF // 16

_MESH = plsc.VectorSubcoreMesh(
    core_axis_name="c", subcore_axis_name="s", num_cores=2, num_subcores=16)

def _embed_body(x0_ref, x1_ref, se_ref, ce_ref, outn_ref, outs_ref):
    col = lax.broadcasted_iota(jnp.int32, (TBLK, EMB), 1)
    oh0 = (col == x0_ref[...]).astype(jnp.float32)
    oh1 = (col == x1_ref[...]).astype(jnp.float32)
    e0 = lax.dot_general(oh0, se_ref[...], (((1,), (0,)), ((), ())),
                         preferred_element_type=jnp.float32)
    e1 = lax.dot_general(oh1, ce_ref[...], (((1,), (0,)), ((), ())),
                         preferred_element_type=jnp.float32)
    outn_ref[...] = jnp.concatenate([e0, e1], axis=-1)
    outs_ref[0] = e0
    outs_ref[1] = e1


def _embed(x0, x1, se, ce):
    return pl.pallas_call(
        _embed_body,
        grid=(NPAD // TBLK,),
        in_specs=[
            pl.BlockSpec((TBLK, 1), lambda i: (i, 0)),
            pl.BlockSpec((TBLK, 1), lambda i: (i, 0)),
            pl.BlockSpec((EMB, EMB), lambda i: (0, 0)),
            pl.BlockSpec((EMB, EMB), lambda i: (0, 0)),
        ],
        out_specs=[
            pl.BlockSpec((TBLK, HID), lambda i: (i, 0)),
            pl.BlockSpec((2, TBLK, EMB), lambda i: (0, i, 0)),
        ],
        out_shape=[
            jax.ShapeDtypeStruct((NPAD, HID), jnp.float32),
            jax.ShapeDtypeStruct((2, NPAD, EMB), jnp.float32),
        ],
    )(x0, x1, se, ce)


def _deg_body(dst_hbm, deg_hbm, dstb, sidx, hist, zbuf16, deg_sh):
    c = lax.axis_index("c")
    s = lax.axis_index("s")
    base_node = c * NHALF
    lane = lax.broadcasted_iota(jnp.int32, (16,), 0)
    zero16 = jnp.zeros((16,), jnp.float32)
    ones16 = jnp.ones((16,), jnp.float32)

    @pl.loop(0, 128)
    def _(r):
        zbuf16[r, pl.ds(0, 16)] = zero16

    @pl.loop(0, DEG_ROWS)
    def _(r):
        hist[r, pl.ds(0, 16)] = zero16

    @pl.loop(s, DEG_ROWS // 128, step=16)
    def _(k):
        pltpu.sync_copy(zbuf16, deg_sh.at[pl.ds(k * 128, 128)])

    plsc.subcore_barrier()

    ebase = s * EPT
    garb = NHALF + lane

    @pl.loop(0, NCHUNK)
    def _(k):
        @pl.when(k % 16 == 0)
        def _():
            blk = ebase + (k // 16) * BLK_E
            pltpu.sync_copy(dst_hbm.at[pl.ds(blk, BLK_E)], dstb)

        q = (k % 16) * 128
        for j in range(8):
            d = dstb[pl.ds(q + j * 16, 16)]
            local = d - base_node
            ok = plsc.bitcast(local, jnp.uint32) < jnp.uint32(NHALF)
            idx = jnp.where(ok, local, garb)
            plsc.addupdate_scatter(hist, [idx >> 4, idx & 15], ones16)

    @pl.loop(0, DEG_ROWS // 128)
    def _(m):
        for j in range(8):
            sidx[pl.ds(j * 16, 16)] = m * 128 + j * 16 + lane
        pltpu.sync_copy(hist.at[pl.ds(m * 128, 128)], deg_sh.at[sidx],
                        add=True)

    plsc.subcore_barrier()

    pltpu.sync_copy(deg_sh.at[pl.ds(s * DPT, DPT)],
                    deg_hbm.at[pl.ds(c * DHALF + s * DPT, DPT)])


_deg = pl.kernel(
    _deg_body,
    out_type=jax.ShapeDtypeStruct((NPAD // 16, 16), jnp.float32),
    mesh=_MESH,
    compiler_params=pltpu.CompilerParams(use_tc_tiling_on_sc=False, needs_layout_passes=False),
    scratch_types=[
        pltpu.VMEM((BLK_E,), jnp.int32),
        pltpu.VMEM((128,), jnp.int32),
        pltpu.VMEM((DEG_ROWS, 16), jnp.float32),
        pltpu.VMEM((128, 16), jnp.float32),
        pltpu.VMEM_SHARED((DEG_ROWS, 16), jnp.float32),
    ],
)


def _agg_body(h_hbm, src_hbm, dst_hbm, agg_hbm,
              srcb, dstb, sidx, rows0, rows1, zbuf, gsem0, gsem1, acc_sh):
    c = lax.axis_index("c")
    s = lax.axis_index("s")
    lane = lax.broadcasted_iota(jnp.int32, (16,), 0)
    zero16 = jnp.zeros((16,), jnp.float32)

    @pl.loop(0, 128)
    def _(r):
        zbuf[r, pl.ds(0, 16)] = zero16

    @pl.loop(s, ACC2 // 128, step=16)
    def _(k):
        pltpu.sync_copy(zbuf, acc_sh.at[pl.ds(k * 128, 128)])

    plsc.subcore_barrier()

    ebase = s * EPT
    garb = NPAD + lane
    npairs = NCHUNK // 2

    def stage(b, buf):
        blk = ebase + b * BLK_E
        pltpu.sync_copy(src_hbm.at[pl.ds(blk, BLK_E)], srcb.at[buf])
        pltpu.sync_copy(dst_hbm.at[pl.ds(blk, BLK_E)], dstb.at[buf])

    def gather(k, rbuf, sem):
        b = k // 16
        q = (k % 16) * 128
        return pltpu.async_copy(
            h_hbm.at[c].at[srcb.at[b % 2, pl.ds(q, 128)]], rbuf, sem)

    def make_sidx(k):
        b = k // 16
        q = (k % 16) * 128
        for j in range(8):
            d = dstb[b % 2, pl.ds(q + j * 16, 16)]
            ok = plsc.bitcast(d, jnp.uint32) < jnp.uint32(NPAD)
            sidx[pl.ds(j * 16, 16)] = jnp.where(ok, d, garb)

    stage(0, 0)
    g0 = gather(0, rows0, gsem0)

    @pl.loop(0, npairs)
    def _(p):
        k0 = 2 * p
        k1 = k0 + 1

        @pl.when((p % 8 == 6) & (p < npairs - 8))
        def _():
            b = p // 8 + 1
            stage(b, b % 2)

        make_sidx(k0)
        gather(k1, rows1, gsem1)
        g0w = pltpu.make_async_copy(
            h_hbm.at[c].at[srcb.at[(k0 // 16) % 2,
                                   pl.ds((k0 % 16) * 128, 128)]],
            rows0, gsem0)
        g0w.wait()
        pltpu.sync_copy(rows0, acc_sh.at[sidx], add=True)

        make_sidx(k1)

        @pl.when(p + 1 < npairs)
        def _():
            gather(k0 + 2, rows0, gsem0)

        g1w = pltpu.make_async_copy(
            h_hbm.at[c].at[srcb.at[(k1 // 16) % 2,
                                   pl.ds((k1 % 16) * 128, 128)]],
            rows1, gsem1)
        g1w.wait()
        pltpu.sync_copy(rows1, acc_sh.at[sidx], add=True)

    plsc.subcore_barrier()

    pltpu.sync_copy(acc_sh.at[pl.ds(s * RPT2, RPT2)],
                    agg_hbm.at[pl.ds(s * RPT2, RPT2), pl.ds(c * EMB, EMB)])


_agg = pl.kernel(
    _agg_body,
    out_type=jax.ShapeDtypeStruct((NPAD, HID), jnp.float32),
    mesh=_MESH,
    compiler_params=pltpu.CompilerParams(use_tc_tiling_on_sc=False, needs_layout_passes=False),
    scratch_types=[
        pltpu.VMEM((2, BLK_E), jnp.int32),
        pltpu.VMEM((2, BLK_E), jnp.int32),
        pltpu.VMEM((128,), jnp.int32),
        pltpu.VMEM((128, EMB), jnp.float32),
        pltpu.VMEM((128, EMB), jnp.float32),
        pltpu.VMEM((128, EMB), jnp.float32),
        pltpu.SemaphoreType.DMA,
        pltpu.SemaphoreType.DMA,
        pltpu.VMEM_SHARED((ACC2, EMB), jnp.float32),
    ],
)


def _combine_body(agg_ref, h_ref, deg_ref, wl_ref, wr_ref, b_ref,
                  outn_ref, outs_ref):
    inv = 1.0 / jnp.maximum(deg_ref[...], 1.0)
    aggm = agg_ref[...] * inv
    y = (lax.dot_general(aggm, wl_ref[...], (((1,), (1,)), ((), ())),
                         preferred_element_type=jnp.float32)
         + lax.dot_general(h_ref[...], wr_ref[...], (((1,), (1,)), ((), ())),
                           preferred_element_type=jnp.float32)
         + b_ref[...])
    y = jnp.maximum(y, 0.0)
    outn_ref[...] = y
    outs_ref[0] = y[:, :EMB]
    outs_ref[1] = y[:, EMB:]


def _combine(agg, h, deg, Wl, Wr, b):
    return pl.pallas_call(
        _combine_body,
        grid=(NPAD // TBLK,),
        in_specs=[
            pl.BlockSpec((TBLK, HID), lambda i: (i, 0)),
            pl.BlockSpec((TBLK, HID), lambda i: (i, 0)),
            pl.BlockSpec((TBLK, 1), lambda i: (i, 0)),
            pl.BlockSpec((HID, HID), lambda i: (0, 0)),
            pl.BlockSpec((HID, HID), lambda i: (0, 0)),
            pl.BlockSpec((1, HID), lambda i: (0, 0)),
        ],
        out_specs=[
            pl.BlockSpec((TBLK, HID), lambda i: (i, 0)),
            pl.BlockSpec((2, TBLK, EMB), lambda i: (0, i, 0)),
        ],
        out_shape=[
            jax.ShapeDtypeStruct((NPAD, HID), jnp.float32),
            jax.ShapeDtypeStruct((2, NPAD, EMB), jnp.float32),
        ],
    )(agg, h, deg, Wl, Wr, b)


def _cpool_body(agg_ref, h_ref, deg_ref, batch_ref, wl_ref, wr_ref, b_ref,
                wc_ref, bc_ref, out_ref, pooled, cnt):
    i = pl.program_id(0)

    @pl.when(i == 0)
    def _():
        pooled[...] = jnp.zeros_like(pooled)
        cnt[...] = jnp.zeros_like(cnt)

    inv = 1.0 / jnp.maximum(deg_ref[...], 1.0)
    aggm = agg_ref[...] * inv
    h2 = jnp.maximum(
        lax.dot_general(aggm, wl_ref[...], (((1,), (1,)), ((), ())),
                        preferred_element_type=jnp.float32)
        + lax.dot_general(h_ref[...], wr_ref[...], (((1,), (1,)), ((), ())),
                          preferred_element_type=jnp.float32)
        + b_ref[...], 0.0)

    oh = (lax.broadcasted_iota(jnp.int32, (NG, PBLK), 0)
          == batch_ref[...]).astype(jnp.float32)
    pooled[...] += lax.dot_general(oh, h2, (((1,), (0,)), ((), ())),
                                   preferred_element_type=jnp.float32)
    cnt[...] += jnp.sum(oh, axis=1, keepdims=True)

    @pl.when(i == pl.num_programs(0) - 1)
    def _():
        pm = pooled[...] / jnp.maximum(cnt[...], 1.0)
        out_ref[...] = (lax.dot_general(pm, wc_ref[...],
                                        (((1,), (1,)), ((), ())),
                                        preferred_element_type=jnp.float32)
                        + bc_ref[...])


def _cpool(agg, h, deg, batch2d, Wl, Wr, b, Wc, bc):
    return pl.pallas_call(
        _cpool_body,
        grid=(NPAD // PBLK,),
        in_specs=[
            pl.BlockSpec((PBLK, HID), lambda i: (i, 0)),
            pl.BlockSpec((PBLK, HID), lambda i: (i, 0)),
            pl.BlockSpec((PBLK, 1), lambda i: (i, 0)),
            pl.BlockSpec((1, PBLK), lambda i: (0, i)),
            pl.BlockSpec((HID, HID), lambda i: (0, 0)),
            pl.BlockSpec((HID, HID), lambda i: (0, 0)),
            pl.BlockSpec((1, HID), lambda i: (0, 0)),
            pl.BlockSpec((NCLS, HID), lambda i: (0, 0)),
            pl.BlockSpec((1, NCLS), lambda i: (0, 0)),
        ],
        out_specs=pl.BlockSpec((NG, NCLS), lambda i: (0, 0)),
        out_shape=jax.ShapeDtypeStruct((NG, NCLS), jnp.float32),
        scratch_shapes=[
            pltpu.VMEM((NG, HID), jnp.float32),
            pltpu.VMEM((NG, 1), jnp.float32),
        ],
    )(agg, h, deg, batch2d, Wl, Wr, b, Wc, bc)


def kernel(x, edge_index, batch, shape_emb, color_emb,
           W1l, W1r, b1, W2l, W2r, b2, Wc, bc):
    x = x.astype(jnp.int32)
    src = edge_index[0].astype(jnp.int32)
    dst = edge_index[1].astype(jnp.int32)
    batch = batch.astype(jnp.int32)

    xp = jnp.zeros((NPAD, 2), jnp.int32).at[:N_NODES].set(x)
    srcp = jnp.concatenate([src, jnp.zeros((EPAD - N_EDGES,), jnp.int32)])
    dstp = jnp.concatenate(
        [dst, jnp.full((EPAD - N_EDGES,), 1 << 30, jnp.int32)])
    batchp = jnp.concatenate(
        [batch, jnp.full((NPAD - N_NODES,), -1, jnp.int32)]).reshape(1, NPAD)
    deg = _deg(dstp)
    degc = deg.reshape(NPAD, 1)
    h0n, h0s = _embed(xp[:, :1], xp[:, 1:], shape_emb, color_emb)
    agg1 = _agg(h0s, srcp, dstp)
    h1n, h1s = _combine(agg1, h0n, degc, W1l, W1r, b1.reshape(1, HID))
    agg2 = _agg(h1s, srcp, dstp)
    return _cpool(agg2, h1n, degc, batchp, W2l, W2r, b2.reshape(1, HID),
                  Wc, bc.reshape(1, NCLS))

# --- scband reference (transcript-rebuilt; emitter-appended) ---
"""Pipeline reference for scband-sprgraph-net-88648124990950 (READ-ONLY COPY).

The authoritative reference and input builder live on the scoring server;
editing this copy changes nothing except your own understanding.
"""

import jax, jax.numpy as jnp
import numpy as np

N = 100000
E = 1600000
NS = 16
NC = 16
EMB = 16
HID = 32
NCLS = 10
NG = 256


def setup_inputs(seed: int = 0) -> dict:
    key = jax.random.key(seed)
    ks = jax.random.split(key, 13)
    x = jax.random.randint(ks[0], (N, 2), 0, NS)
    edge_index = jax.random.randint(ks[1], (2, E), 0, N)
    batch = jnp.sort(jax.random.randint(ks[2], (N,), 0, NG))
    shape_emb = jax.random.normal(ks[3], (NS, EMB), jnp.float32) * 0.1
    color_emb = jax.random.normal(ks[4], (NC, EMB), jnp.float32) * 0.1
    W1l = jax.random.normal(ks[5], (HID, 2 * EMB), jnp.float32) * (1.0 / np.sqrt(2 * EMB))
    W1r = jax.random.normal(ks[6], (HID, 2 * EMB), jnp.float32) * (1.0 / np.sqrt(2 * EMB))
    b1 = jnp.zeros((HID,), jnp.float32)
    W2l = jax.random.normal(ks[7], (HID, HID), jnp.float32) * (1.0 / np.sqrt(HID))
    W2r = jax.random.normal(ks[8], (HID, HID), jnp.float32) * (1.0 / np.sqrt(HID))
    b2 = jnp.zeros((HID,), jnp.float32)
    Wc = jax.random.normal(ks[9], (NCLS, HID), jnp.float32) * (1.0 / np.sqrt(HID))
    bc = jnp.zeros((NCLS,), jnp.float32)
    return {
        "x": x, "edge_index": edge_index, "batch": batch,
        "shape_emb": shape_emb, "color_emb": color_emb,
        "W1l": W1l, "W1r": W1r, "b1": b1,
        "W2l": W2l, "W2r": W2r, "b2": b2,
        "Wc": Wc, "bc": bc,
    }


def reference(x, edge_index, batch, shape_emb, color_emb, W1l, W1r, b1, W2l, W2r, b2, Wc, bc):
    src = edge_index[0]
    dst = edge_index[1]

    def sage(h, Wl, Wr, b):
        msg = jnp.take(h, src, axis=0)
        agg = jax.ops.segment_sum(msg, dst, num_segments=N)
        deg = jax.ops.segment_sum(jnp.ones((E,), h.dtype), dst, num_segments=N)
        agg = agg / jnp.maximum(deg, 1.0)[:, None]
        return agg @ Wl.T + h @ Wr.T + b

    h = jnp.concatenate([jnp.take(shape_emb, x[:, 0], axis=0),
                         jnp.take(color_emb, x[:, 1], axis=0)], axis=-1)
    h = jax.nn.relu(sage(h, W1l, W1r, b1))
    h = jax.nn.relu(sage(h, W2l, W2r, b2))
    pooled = jax.ops.segment_sum(h, batch, num_segments=NG)
    cnt = jax.ops.segment_sum(jnp.ones((N,), h.dtype), batch, num_segments=NG)
    pooled = pooled / jnp.maximum(cnt, 1.0)[:, None]
    return pooled @ Wc.T + bc

if __name__ == "__main__":
    import jax
    _d = setup_inputs()
    print(jax.jit(kernel)(*tuple(_d.values())))

</pallas_src>

<mosaic_0001>
#map = affine_map<(d0, d1) -> (0)>
#map1 = affine_map<(d0, d1) -> (0, 0)>
module attributes {stable_mosaic.version = 14 : i64} {
  func.func @_deg_body(%arg0: i32, %arg1: i32, %arg2: memref<1605632xi32, #tpu.memory_space<hbm>>, %arg3: memref<6272x16xf32, #tpu.memory_space<hbm>>, %arg4: memref<2048xi32, #tpu.memory_space<vmem>>, %arg5: memref<128xi32, #tpu.memory_space<vmem>>, %arg6: memref<3200x16xf32, #tpu.memory_space<vmem>>, %arg7: memref<128x16xf32, #tpu.memory_space<vmem>>, %arg8: memref<3200x16xf32, #tpu.memory_space<vmem_shared>>) attributes {dimension_semantics = [#tpu.dimension_semantics<core_parallel>, #tpu.dimension_semantics<subcore_parallel>], iteration_bounds = array<i64: 2, 16>, scalar_prefetch = 0 : i64, scratch_operands = 5 : i64, tpu.core_type = #tpu.core_type<sc_vector_subcore>, window_params = [{transform_indices = #map}, {transform_indices = #map1}]} {
    %mul3A = arith.constant 50176 : i32
    %mul3A_0 = arith.muli %arg0, %mul3A : i32
    %iota3A = tpu.iota {dimensions = array<i32: 0>} : vector<16xi32>
    %broadcast_in_dim3A = arith.constant 0.000000e+00 : f32
    %broadcast_in_dim3A_1 = vector.broadcast %broadcast_in_dim3A : f32 to vector<16xf32>
    %broadcast_in_dim3A_2 = arith.constant 1.000000e+00 : f32
    %broadcast_in_dim3A_3 = vector.broadcast %broadcast_in_dim3A_2 : f32 to vector<16xf32>
    %scan3A = arith.constant 0 : i32
    %scan3A_4 = arith.constant 128 : i32
    %scan3A_5 = arith.addi %scan3A, %scan3A_4 : i32
    %scan3A_6 = arith.constant 1 : i32
    scf.for %scan3A_50 = %scan3A to %scan3A_5 step %scan3A_6  : i32 {
      %mul3A_51 = arith.constant 1 : i32
      %mul3A_52 = arith.muli %scan3A_50, %mul3A_51 : i32
      %add3A_53 = arith.constant 0 : i32
      %add3A_54 = arith.addi %add3A_53, %mul3A_52 : i32
      %swap3A = arith.index_cast %add3A_54 : i32 to index
      %swap3A_55 = arith.constant 0 : index
      %swap3A_56 = tpu.vector_load %arg7[%swap3A, %swap3A_55] {strides = array<i32>} : memref<128x16xf32, #tpu.memory_space<vmem>>, vector<16xf32>,
      tpu.vector_store %arg7[%swap3A, %swap3A_55], %broadcast_in_dim3A_1 {strides = array<i32>} : memref<128x16xf32, #tpu.memory_space<vmem>>, vector<16xf32>,
    }
    %scan3A_7 = arith.constant 128 : i32
    %scan3A_8 = arith.constant 0 : i32
    %scan3A_9 = arith.constant 3200 : i32
    %scan3A_10 = arith.addi %scan3A_8, %scan3A_9 : i32
    %scan3A_11 = arith.constant 1 : i32
    scf.for %scan3A_50 = %scan3A_8 to %scan3A_10 step %scan3A_11  : i32 {
      %mul3A_51 = arith.constant 1 : i32
      %mul3A_52 = arith.muli %scan3A_50, %mul3A_51 : i32
      %add3A_53 = arith.constant 0 : i32
      %add3A_54 = arith.addi %add3A_53, %mul3A_52 : i32
      %swap3A = arith.index_cast %add3A_54 : i32 to index
      %swap3A_55 = arith.constant 0 : index
      %swap3A_56 = tpu.vector_load %arg6[%swap3A, %swap3A_55] {strides = array<i32>} : memref<3200x16xf32, #tpu.memory_space<vmem>>, vector<16xf32>,
      tpu.vector_store %arg6[%swap3A, %swap3A_55], %broadcast_in_dim3A_1 {strides = array<i32>} : memref<3200x16xf32, #tpu.memory_space<vmem>>, vector<16xf32>,
    }
    %scan3A_12 = arith.constant 3200 : i32
    %sub3A = arith.constant 25 : i32
    %sub3A_13 = arith.subi %sub3A, %arg1 : i32
    %sub3A_14 = arith.constant 16 : i32
    %sub3A_15 = arith.constant 1 : i32
    %sub3A_16 = arith.subi %sub3A_14, %sub3A_15 : i32
    %add3A = arith.addi %sub3A_13, %sub3A_16 : i32
    %div3A = arith.constant 16 : i32
    %div3A_17 = arith.divsi %add3A, %div3A : i32
    %while3A = arith.constant 16 : i32
    %while3A_18 = arith.constant 0 : i32
    %while3A_19 = arith.subi %div3A_17, %while3A_18 : i32
    %while3A_20 = arith.addi %while3A_18, %while3A_19 : i32
    %while3A_21 = arith.constant 1 : i32
    %while3A_22 = arith.divsi %while3A_19, %while3A_21 : i32
    %while3A_23 = arith.muli %while3A_22, %while3A_21 : i32
    %while3A_24 = arith.addi %while3A_18, %while3A_23 : i32
    %while3A_25 = arith.constant 1 : i32
    scf.for %while3A_50 = %while3A_18 to %while3A_24 step %while3A_25  : i32 {
      %mul3A_51 = arith.muli %while3A_50, %while3A : i32
      %add3A_52 = arith.addi %arg1, %mul3A_51 : i32
      %mul3A_53 = arith.constant 128 : i32
      %mul3A_54 = arith.muli %add3A_52, %mul3A_53 : i32
      "tpu.region"() ({
        %run_scoped3A = tpu.sem_alloc : memref<!tpu.dma_semaphore, #tpu.memory_space<semaphore_mem>>
        %dma_start3A = arith.constant 0 : i32
        %dma_start3A_55 = tpu.memref_slice %arg8[%mul3A_54, %dma_start3A] : memref<3200x16xf32, #tpu.memory_space<vmem_shared>> -> memref<128x16xf32, #tpu.memory_space<vmem_shared>>
        %dma_start3A_56 = arith.constant 0 : i32
        %dma_start3A_57 = tpu.memref_slice %arg8[%mul3A_54, %dma_start3A_56] : memref<3200x16xf32, #tpu.memory_space<vmem_shared>> -> memref<128x16xf32, #tpu.memory_space<vmem_shared>>
        tpu.enqueue_dma source(%arg7 : memref<128x16xf32, #tpu.memory_space<vmem>>) target(%dma_start3A_57 : memref<128x16xf32, #tpu.memory_space<vmem_shared>>) target_semaphore(%run_scoped3A : memref<!tpu.dma_semaphore, #tpu.memory_space<semaphore_mem>>)
        %dma_wait3A = arith.constant 0 : i32
        %dma_wait3A_58 = tpu.memref_slice %arg8[%mul3A_54, %dma_wait3A] : memref<3200x16xf32, #tpu.memory_space<vmem_shared>> -> memref<128x16xf32, #tpu.memory_space<vmem_shared>>
        %dma_wait3A_59 = arith.constant 0 : i32
        %dma_wait3A_60 = tpu.memref_slice %arg8[%mul3A_54, %dma_wait3A_59] : memref<3200x16xf32, #tpu.memory_space<vmem_shared>> -> memref<128x16xf32, #tpu.memory_space<vmem_shared>>
        tpu.wait_dma2 semaphore(%run_scoped3A : memref<!tpu.dma_semaphore, #tpu.memory_space<semaphore_mem>>) src(%arg7 : memref<128x16xf32, #tpu.memory_space<vmem>>) dst(%dma_wait3A_60 : memref<128x16xf32, #tpu.memory_space<vmem_shared>>)
        tpu.yield
      }) : () -> ()
    }
    %while3A_26 = arith.constant 1 : i32
    scf.for %while3A_50 = %while3A_24 to %while3A_20 step %while3A_26  : i32 {
      %mul3A_51 = arith.muli %while3A_50, %while3A : i32
      %add3A_52 = arith.addi %arg1, %mul3A_51 : i32
      %mul3A_53 = arith.constant 128 : i32
      %mul3A_54 = arith.muli %add3A_52, %mul3A_53 : i32
      "tpu.region"() ({
        %run_scoped3A = tpu.sem_alloc : memref<!tpu.dma_semaphore, #tpu.memory_space<semaphore_mem>>
        %dma_start3A = arith.constant 0 : i32
        %dma_start3A_55 = tpu.memref_slice %arg8[%mul3A_54, %dma_start3A] : memref<3200x16xf32, #tpu.memory_space<vmem_shared>> -> memref<128x16xf32, #tpu.memory_space<vmem_shared>>
        %dma_start3A_56 = arith.constant 0 : i32
        %dma_start3A_57 = tpu.memref_slice %arg8[%mul3A_54, %dma_start3A_56] : memref<3200x16xf32, #tpu.memory_space<vmem_shared>> -> memref<128x16xf32, #tpu.memory_space<vmem_shared>>
        tpu.enqueue_dma source(%arg7 : memref<128x16xf32, #tpu.memory_space<vmem>>) target(%dma_start3A_57 : memref<128x16xf32, #tpu.memory_space<vmem_shared>>) target_semaphore(%run_scoped3A : memref<!tpu.dma_semaphore, #tpu.memory_space<semaphore_mem>>)
        %dma_wait3A = arith.constant 0 : i32
        %dma_wait3A_58 = tpu.memref_slice %arg8[%mul3A_54, %dma_wait3A] : memref<3200x16xf32, #tpu.memory_space<vmem_shared>> -> memref<128x16xf32, #tpu.memory_space<vmem_shared>>
        %dma_wait3A_59 = arith.constant 0 : i32
        %dma_wait3A_60 = tpu.memref_slice %arg8[%mul3A_54, %dma_wait3A_59] : memref<3200x16xf32, #tpu.memory_space<vmem_shared>> -> memref<128x16xf32, #tpu.memory_space<vmem_shared>>
        tpu.wait_dma2 semaphore(%run_scoped3A : memref<!tpu.dma_semaphore, #tpu.memory_space<semaphore_mem>>) src(%arg7 : memref<128x16xf32, #tpu.memory_space<vmem>>) dst(%dma_wait3A_60 : memref<128x16xf32, #tpu.memory_space<vmem_shared>>)
        tpu.yield
      }) : () -> ()
    }
    %barrier3A = arith.constant 0 : index
    tpu.barrier barrier_id(%barrier3A)
    %mul3A_27 = arith.constant 100352 : i32
    %mul3A_28 = arith.muli %arg1, %mul3A_27 : i32
    %add3A_29 = arith.constant 50176 : i32
    %add3A_30 = vector.broadcast %add3A_29 : i32 to vector<16xi32>
    %add3A_31 = arith.addi %add3A_30, %iota3A : vector<16xi32>
    %scan3A_32 = arith.constant 0 : i32
    %scan3A_33 = arith.constant 784 : i32
    %scan3A_34 = arith.addi %scan3A_32, %scan3A_33 : i32
    %scan3A_35 = arith.constant 1 : i32
    scf.for %scan3A_50 = %scan3A_32 to %scan3A_34 step %scan3A_35  : i32 {
      %mul3A_51 = arith.constant 1 : i32
      %mul3A_52 = arith.muli %scan3A_50, %mul3A_51 : i32
      %add3A_53 = arith.constant 0 : i32
      %add3A_54 = arith.addi %add3A_53, %mul3A_52 : i32
      %jit3A = arith.constant 16 : i32
      %eq3A = arith.constant 0 : i32
      %eq3A_55 = arith.cmpi eq, %jit3A, %eq3A : i32
      %jit3A_56 = arith.constant 1 : i32
      %select_n3A = arith.select %eq3A_55, %jit3A_56, %jit3A : i32
      %rem3A = arith.remsi %add3A_54, %select_n3A : i32
      %ne3A = arith.constant 0 : i32
      %ne3A_57 = arith.cmpi ne, %rem3A, %ne3A : i32
      %lt3A = arith.constant 0 : i32
      %lt3A_58 = arith.cmpi slt, %rem3A, %lt3A : i32
      %lt3A_59 = arith.constant 0 : i32
      %lt3A_60 = arith.cmpi slt, %select_n3A, %lt3A_59 : i32
      %ne3A_61 = arith.xori %lt3A_58, %lt3A_60 : i1
      %and3A = arith.andi %ne3A_61, %ne3A_57 : i1
      %add3A_62 = arith.addi %rem3A, %select_n3A : i32
      %select_n3A_63 = arith.select %and3A, %add3A_62, %rem3A : i32
      %eq3A_64 = arith.constant 0 : i32
      %eq3A_65 = arith.cmpi eq, %select_n3A_63, %eq3A_64 : i32
      %convert_element_type3A = arith.extui %eq3A_65 : i1 to i32
      %cond3A = arith.constant 0 : i32
      %cond3A_66 = arith.cmpi ne, %convert_element_type3A, %cond3A : i32
      scf.if %cond3A_66 {
        %jit3A_218 = arith.constant 16 : i32
        %div3A_219 = arith.divsi %add3A_54, %jit3A_218 : i32
        %sign3A = arith.constant 0 : i32
        %sign3A_220 = arith.cmpi sgt, %add3A_54, %sign3A : i32
        %sign3A_221 = arith.extui %sign3A_220 : i1 to i32
        %sign3A_222 = arith.constant 0 : i32
        %sign3A_223 = arith.cmpi slt, %add3A_54, %sign3A_222 : i32
        %sign3A_224 = arith.extui %sign3A_223 : i1 to i32
        %sign3A_225 = arith.subi %sign3A_221, %sign3A_224 : i32
        %sign3A_226 = arith.constant 0 : i32
        %sign3A_227 = arith.cmpi sgt, %jit3A_218, %sign3A_226 : i32
        %sign3A_228 = arith.extui %sign3A_227 : i1 to i32
        %sign3A_229 = arith.constant 0 : i32
        %sign3A_230 = arith.cmpi slt, %jit3A_218, %sign3A_229 : i32
        %sign3A_231 = arith.extui %sign3A_230 : i1 to i32
        %sign3A_232 = arith.subi %sign3A_228, %sign3A_231 : i32
        %ne3A_233 = arith.cmpi ne, %sign3A_225, %sign3A_232 : i32
        %rem3A_234 = arith.remsi %add3A_54, %jit3A_218 : i32
        %ne3A_235 = arith.constant 0 : i32
        %ne3A_236 = arith.cmpi ne, %rem3A_234, %ne3A_235 : i32
        %and3A_237 = arith.andi %ne3A_233, %ne3A_236 : i1
        %sub3A_238 = arith.constant 1 : i32
        %sub3A_239 = arith.subi %div3A_219, %sub3A_238 : i32
        %select_n3A_240 = arith.select %and3A_237, %sub3A_239, %div3A_219 : i32
        %mul3A_241 = arith.constant 2048 : i32
        %mul3A_242 = arith.muli %select_n3A_240, %mul3A_241 : i32
        %add3A_243 = arith.addi %mul3A_28, %mul3A_242 : i32
        "tpu.region"() ({
          %run_scoped3A = tpu.sem_alloc : memref<!tpu.dma_semaphore, #tpu.memory_space<semaphore_mem>>
          %dma_start3A = tpu.memref_slice %arg2[%add3A_243] : memref<1605632xi32, #tpu.memory_space<hbm>> -> memref<2048xi32, #tpu.memory_space<hbm>>
          %dma_start3A_244 = tpu.memref_slice %arg2[%add3A_243] : memref<1605632xi32, #tpu.memory_space<hbm>> -> memref<2048xi32, #tpu.memory_space<hbm>>
          tpu.enqueue_dma source(%dma_start3A_244 : memref<2048xi32, #tpu.memory_space<hbm>>) target(%arg4 : memref<2048xi32, #tpu.memory_space<vmem>>) target_semaphore(%run_scoped3A : memref<!tpu.dma_semaphore, #tpu.memory_space<semaphore_mem>>)
          %dma_wait3A = tpu.memref_slice %arg2[%add3A_243] : memref<1605632xi32, #tpu.memory_space<hbm>> -> memref<2048xi32, #tpu.memory_space<hbm>>
          %dma_wait3A_245 = tpu.memref_slice %arg2[%add3A_243] : memref<1605632xi32, #tpu.memory_space<hbm>> -> memref<2048xi32, #tpu.memory_space<hbm>>
          tpu.wait_dma2 semaphore(%run_scoped3A : memref<!tpu.dma_semaphore, #tpu.memory_space<semaphore_mem>>) src(%dma_wait3A_245 : memref<2048xi32, #tpu.memory_space<hbm>>) dst(%arg4 : memref<2048xi32, #tpu.memory_space<vmem>>)
          tpu.yield
        }) : () -> ()
      } else {
      }
      %jit3A_67 = arith.constant 16 : i32
      %eq3A_68 = arith.constant 0 : i32
      %eq3A_69 = arith.cmpi eq, %jit3A_67, %eq3A_68 : i32
      %jit3A_70 = arith.constant 1 : i32
      %select_n3A_71 = arith.select %eq3A_69, %jit3A_70, %jit3A_67 : i32
      %rem3A_72 = arith.remsi %add3A_54, %select_n3A_71 : i32
      %ne3A_73 = arith.constant 0 : i32
      %ne3A_74 = arith.cmpi ne, %rem3A_72, %ne3A_73 : i32
      %lt3A_75 = arith.constant 0 : i32
      %lt3A_76 = arith.cmpi slt, %rem3A_72, %lt3A_75 : i32
      %lt3A_77 = arith.constant 0 : i32
      %lt3A_78 = arith.cmpi slt, %select_n3A_71, %lt3A_77 : i32
      %ne3A_79 = arith.xori %lt3A_76, %lt3A_78 : i1
      %and3A_80 = arith.andi %ne3A_79, %ne3A_74 : i1
      %add3A_81 = arith.addi %rem3A_72, %select_n3A_71 : i32
      %select_n3A_82 = arith.select %and3A_80, %add3A_81, %rem3A_72 : i32
      %mul3A_83 = arith.constant 128 : i32
      %mul3A_84 = arith.muli %select_n3A_82, %mul3A_83 : i32
      %add3A_85 = arith.constant 0 : i32
      %add3A_86 = arith.addi %mul3A_84, %add3A_85 : i32
      %get3A = arith.index_cast %add3A_86 : i32 to index
      %get3A_87 = tpu.vector_load %arg4[%get3A] {strides = array<i32>} : memref<2048xi32, #tpu.memory_space<vmem>>, vector<16xi32>,
      %sub3A_88 = vector.broadcast %mul3A_0 : i32 to vector<16xi32>
      %sub3A_89 = arith.subi %get3A_87, %sub3A_88 : vector<16xi32>
      %bitcast3A = vector.bitcast %sub3A_89 : vector<16xi32> to vector<16xi32>
      %lt3A_90 = arith.constant 50176 : i32
      %lt3A_91 = vector.broadcast %lt3A_90 : i32 to vector<16xi32>
      %lt3A_92 = arith.cmpi ult, %bitcast3A, %lt3A_91 : vector<16xi32>
      %select_n3A_93 = arith.select %lt3A_92, %sub3A_89, %add3A_31 : vector<16xi1>, vector<16xi32>
      %shift_right_arithmetic3A = arith.constant 4 : i32
      %shift_right_arithmetic3A_94 = vector.broadcast %shift_right_arithmetic3A : i32 to vector<16xi32>
      %shift_right_arithmetic3A_95 = arith.shrsi %select_n3A_93, %shift_right_arithmetic3A_94 : vector<16xi32>
      %and3A_96 = arith.constant 15 : i32
      %and3A_97 = vector.broadcast %and3A_96 : i32 to vector<16xi32>
      %and3A_98 = arith.andi %select_n3A_93, %and3A_97 : vector<16xi32>
      tpu.vector_store_idx %arg6[%shift_right_arithmetic3A_95, %and3A_98], %broadcast_in_dim3A_3 {add = true} : memref<3200x16xf32, #tpu.memory_space<vmem>>[vector<16xi32>, vector<16xi32>], vector<16xf32>,
      %add3A_99 = arith.constant 16 : i32
      %add3A_100 = arith.addi %mul3A_84, %add3A_99 : i32
      %get3A_101 = arith.index_cast %add3A_100 : i32 to index
      %get3A_102 = tpu.vector_load %arg4[%get3A_101] {strides = array<i32>} : memref<2048xi32, #tpu.memory_space<vmem>>, vector<16xi32>,
      %sub3A_103 = vector.broadcast %mul3A_0 : i32 to vector<16xi32>
      %sub3A_104 = arith.subi %get3A_102, %sub3A_103 : vector<16xi32>
      %bitcast3A_105 = vector.bitcast %sub3A_104 : vector<16xi32> to vector<16xi32>
      %lt3A_106 = arith.constant 50176 : i32
      %lt3A_107 = vector.broadcast %lt3A_106 : i32 to vector<16xi32>
      %lt3A_108 = arith.cmpi ult, %bitcast3A_105, %lt3A_107 : vector<16xi32>
      %select_n3A_109 = arith.select %lt3A_108, %sub3A_104, %add3A_31 : vector<16xi1>, vector<16xi32>
      %shift_right_arithmetic3A_110 = arith.constant 4 : i32
      %shift_right_arithmetic3A_111 = vector.broadcast %shift_right_arithmetic3A_110 : i32 to vector<16xi32>
      %shift_right_arithmetic3A_112 = arith.shrsi %select_n3A_109, %shift_right_arithmetic3A_111 : vector<16xi32>
      %and3A_113 = arith.constant 15 : i32
      %and3A_114 = vector.broadcast %and3A_113 : i32 to vector<16xi32>
      %and3A_115 = arith.andi %select_n3A_109, %and3A_114 : vector<16xi32>
      tpu.vector_store_idx %arg6[%shift_right_arithmetic3A_112, %and3A_115], %broadcast_in_dim3A_3 {add = true} : memref<3200x16xf32, #tpu.memory_space<vmem>>[vector<16xi32>, vector<16xi32>], vector<16xf32>,
      %add3A_116 = arith.constant 32 : i32
      %add3A_117 = arith.addi %mul3A_84, %add3A_116 : i32
      %get3A_118 = arith.index_cast %add3A_117 : i32 to index
      %get3A_119 = tpu.vector_load %arg4[%get3A_118] {strides = array<i32>} : memref<2048xi32, #tpu.memory_space<vmem>>, vector<16xi32>,
      %sub3A_120 = vector.broadcast %mul3A_0 : i32 to vector<16xi32>
      %sub3A_121 = arith.subi %get3A_119, %sub3A_120 : vector<16xi32>
      %bitcast3A_122 = vector.bitcast %sub3A_121 : vector<16xi32> to vector<16xi32>
      %lt3A_123 = arith.constant 50176 : i32
      %lt3A_124 = vector.broadcast %lt3A_123 : i32 to vector<16xi32>
      %lt3A_125 = arith.cmpi ult, %bitcast3A_122, %lt3A_124 : vector<16xi32>
      %select_n3A_126 = arith.select %lt3A_125, %sub3A_121, %add3A_31 : vector<16xi1>, vector<16xi32>
      %shift_right_arithmetic3A_127 = arith.constant 4 : i32
      %shift_right_arithmetic3A_128 = vector.broadcast %shift_right_arithmetic3A_127 : i32 to vector<16xi32>
      %shift_right_arithmetic3A_129 = arith.shrsi %select_n3A_126, %shift_right_arithmetic3A_128 : vector<16xi32>
      %and3A_130 = arith.constant 15 : i32
      %and3A_131 = vector.broadcast %and3A_130 : i32 to vector<16xi32>
      %and3A_132 = arith.andi %select_n3A_126, %and3A_131 : vector<16xi32>
      tpu.vector_store_idx %arg6[%shift_right_arithmetic3A_129, %and3A_132], %broadcast_in_dim3A_3 {add = true} : memref<3200x16xf32, #tpu.memory_space<vmem>>[vector<16xi32>, vector<16xi32>], vector<16xf32>,
      %add3A_133 = arith.constant 48 : i32
      %add3A_134 = arith.addi %mul3A_84, %add3A_133 : i32
      %get3A_135 = arith.index_cast %add3A_134 : i32 to index
      %get3A_136 = tpu.vector_load %arg4[%get3A_135] {strides = array<i32>} : memref<2048xi32, #tpu.memory_space<vmem>>, vector<16xi32>,
      %sub3A_137 = vector.broadcast %mul3A_0 : i32 to vector<16xi32>
      %sub3A_138 = arith.subi %get3A_136, %sub3A_137 : vector<16xi32>
      %bitcast3A_139 = vector.bitcast %sub3A_138 : vector<16xi32> to vector<16xi32>
      %lt3A_140 = arith.constant 50176 : i32
      %lt3A_141 = vector.broadcast %lt3A_140 : i32 to vector<16xi32>
      %lt3A_142 = arith.cmpi ult, %bitcast3A_139, %lt3A_141 : vector<16xi32>
      %select_n3A_143 = arith.select %lt3A_142, %sub3A_138, %add3A_31 : vector<16xi1>, vector<16xi32>
      %shift_right_arithmetic3A_144 = arith.constant 4 : i32
      %shift_right_arithmetic3A_145 = vector.broadcast %shift_right_arithmetic3A_144 : i32 to vector<16xi32>
      %shift_right_arithmetic3A_146 = arith.shrsi %select_n3A_143, %shift_right_arithmetic3A_145 : vector<16xi32>
      %and3A_147 = arith.constant 15 : i32
      %and3A_148 = vector.broadcast %and3A_147 : i32 to vector<16xi32>
      %and3A_149 = arith.andi %select_n3A_143, %and3A_148 : vector<16xi32>
      tpu.vector_store_idx %arg6[%shift_right_arithmetic3A_146, %and3A_149], %broadcast_in_dim3A_3 {add = true} : memref<3200x16xf32, #tpu.memory_space<vmem>>[vector<16xi32>, vector<16xi32>], vector<16xf32>,
      %add3A_150 = arith.constant 64 : i32
      %add3A_151 = arith.addi %mul3A_84, %add3A_150 : i32
      %get3A_152 = arith.index_cast %add3A_151 : i32 to index
      %get3A_153 = tpu.vector_load %arg4[%get3A_152] {strides = array<i32>} : memref<2048xi32, #tpu.memory_space<vmem>>, vector<16xi32>,
      %sub3A_154 = vector.broadcast %mul3A_0 : i32 to vector<16xi32>
      %sub3A_155 = arith.subi %get3A_153, %sub3A_154 : vector<16xi32>
      %bitcast3A_156 = vector.bitcast %sub3A_155 : vector<16xi32> to vector<16xi32>
      %lt3A_157 = arith.constant 50176 : i32
      %lt3A_158 = vector.broadcast %lt3A_157 : i32 to vector<16xi32>
      %lt3A_159 = arith.cmpi ult, %bitcast3A_156, %lt3A_158 : vector<16xi32>
      %select_n3A_160 = arith.select %lt3A_159, %sub3A_155, %add3A_31 : vector<16xi1>, vector<16xi32>
      %shift_right_arithmetic3A_161 = arith.constant 4 : i32
      %shift_right_arithmetic3A_162 = vector.broadcast %shift_right_arithmetic3A_161 : i32 to vector<16xi32>
      %shift_right_arithmetic3A_163 = arith.shrsi %select_n3A_160, %shift_right_arithmetic3A_162 : vector<16xi32>
      %and3A_164 = arith.constant 15 : i32
      %and3A_165 = vector.broadcast %and3A_164 : i32 to vector<16xi32>
      %and3A_166 = arith.andi %select_n3A_160, %and3A_165 : vector<16xi32>
      tpu.vector_store_idx %arg6[%shift_right_arithmetic3A_163, %and3A_166], %broadcast_in_dim3A_3 {add = true} : memref<3200x16xf32, #tpu.memory_space<vmem>>[vector<16xi32>, vector<16xi32>], vector<16xf32>,
      %add3A_167 = arith.constant 80 : i32
      %add3A_168 = arith.addi %mul3A_84, %add3A_167 : i32
      %get3A_169 = arith.index_cast %add3A_168 : i32 to index
      %get3A_170 = tpu.vector_load %arg4[%get3A_169] {strides = array<i32>} : memref<2048xi32, #tpu.memory_space<vmem>>, vector<16xi32>,
      %sub3A_171 = vector.broadcast %mul3A_0 : i32 to vector<16xi32>
      %sub3A_172 = arith.subi %get3A_170, %sub3A_171 : vector<16xi32>
      %bitcast3A_173 = vector.bitcast %sub3A_172 : vector<16xi32> to vector<16xi32>
      %lt3A_174 = arith.constant 50176 : i32
      %lt3A_175 = vector.broadcast %lt3A_174 : i32 to vector<16xi32>
      %lt3A_176 = arith.cmpi ult, %bitcast3A_173, %lt3A_175 : vector<16xi32>
      %select_n3A_177 = arith.select %lt3A_176, %sub3A_172, %add3A_31 : vector<16xi1>, vector<16xi32>
      %shift_right_arithmetic3A_178 = arith.constant 4 : i32
      %shift_right_arithmetic3A_179 = vector.broadcast %shift_right_arithmetic3A_178 : i32 to vector<16xi32>
      %shift_right_arithmetic3A_180 = arith.shrsi %select_n3A_177, %shift_right_arithmetic3A_179 : vector<16xi32>
      %and3A_181 = arith.constant 15 : i32
      %and3A_182 = vector.broadcast %and3A_181 : i32 to vector<16xi32>
      %and3A_183 = arith.andi %select_n3A_177, %and3A_182 : vector<16xi32>
      tpu.vector_store_idx %arg6[%shift_right_arithmetic3A_180, %and3A_183], %broadcast_in_dim3A_3 {add = true} : memref<3200x16xf32, #tpu.memory_space<vmem>>[vector<16xi32>, vector<16xi32>], vector<16xf32>,
      %add3A_184 = arith.constant 96 : i32
      %add3A_185 = arith.addi %mul3A_84, %add3A_184 : i32
      %get3A_186 = arith.index_cast %add3A_185 : i32 to index
      %get3A_187 = tpu.vector_load %arg4[%get3A_186] {strides = array<i32>} : memref<2048xi32, #tpu.memory_space<vmem>>, vector<16xi32>,
      %sub3A_188 = vector.broadcast %mul3A_0 : i32 to vector<16xi32>
      %sub3A_189 = arith.subi %get3A_187, %sub3A_188 : vector<16xi32>
      %bitcast3A_190 = vector.bitcast %sub3A_189 : vector<16xi32> to vector<16xi32>
      %lt3A_191 = arith.constant 50176 : i32
      %lt3A_192 = vector.broadcast %lt3A_191 : i32 to vector<16xi32>
      %lt3A_193 = arith.cmpi ult, %bitcast3A_190, %lt3A_192 : vector<16xi32>
      %select_n3A_194 = arith.select %lt3A_193, %sub3A_189, %add3A_31 : vector<16xi1>, vector<16xi32>
      %shift_right_arithmetic3A_195 = arith.constant 4 : i32
      %shift_right_arithmetic3A_196 = vector.broadcast %shift_right_arithmetic3A_195 : i32 to vector<16xi32>
      %shift_right_arithmetic3A_197 = arith.shrsi %select_n3A_194, %shift_right_arithmetic3A_196 : vector<16xi32>
      %and3A_198 = arith.constant 15 : i32
      %and3A_199 = vector.broadcast %and3A_198 : i32 to vector<16xi32>
      %and3A_200 = arith.andi %select_n3A_194, %and3A_199 : vector<16xi32>
      tpu.vector_store_idx %arg6[%shift_right_arithmetic3A_197, %and3A_200], %broadcast_in_dim3A_3 {add = true} : memref<3200x16xf32, #tpu.memory_space<vmem>>[vector<16xi32>, vector<16xi32>], vector<16xf32>,
      %add3A_201 = arith.constant 112 : i32
      %add3A_202 = arith.addi %mul3A_84, %add3A_201 : i32
      %get3A_203 = arith.index_cast %add3A_202 : i32 to index
      %get3A_204 = tpu.vector_load %arg4[%get3A_203] {strides = array<i32>} : memref<2048xi32, #tpu.memory_space<vmem>>, vector<16xi32>,
      %sub3A_205 = vector.broadcast %mul3A_0 : i32 to vector<16xi32>
      %sub3A_206 = arith.subi %get3A_204, %sub3A_205 : vector<16xi32>
      %bitcast3A_207 = vector.bitcast %sub3A_206 : vector<16xi32> to vector<16xi32>
      %lt3A_208 = arith.constant 50176 : i32
      %lt3A_209 = vector.broadcast %lt3A_208 : i32 to vector<16xi32>
      %lt3A_210 = arith.cmpi ult, %bitcast3A_207, %lt3A_209 : vector<16xi32>
      %select_n3A_211 = arith.select %lt3A_210, %sub3A_206, %add3A_31 : vector<16xi1>, vector<16xi32>
      %shift_right_arithmetic3A_212 = arith.constant 4 : i32
      %shift_right_arithmetic3A_213 = vector.broadcast %shift_right_arithmetic3A_212 : i32 to vector<16xi32>
      %shift_right_arithmetic3A_214 = arith.shrsi %select_n3A_211, %shift_right_arithmetic3A_213 : vector<16xi32>
      %and3A_215 = arith.constant 15 : i32
      %and3A_216 = vector.broadcast %and3A_215 : i32 to vector<16xi32>
      %and3A_217 = arith.andi %select_n3A_211, %and3A_216 : vector<16xi32>
      tpu.vector_store_idx %arg6[%shift_right_arithmetic3A_214, %and3A_217], %broadcast_in_dim3A_3 {add = true} : memref<3200x16xf32, #tpu.memory_space<vmem>>[vector<16xi32>, vector<16xi32>], vector<16xf32>,
    }
    %scan3A_36 = arith.constant 784 : i32
    %scan3A_37 = arith.constant 0 : i32
    %scan3A_38 = arith.constant 25 : i32
    %scan3A_39 = arith.addi %scan3A_37, %scan3A_38 : i32
    %scan3A_40 = arith.constant 1 : i32
    scf.for %scan3A_50 = %scan3A_37 to %scan3A_39 step %scan3A_40  : i32 {
      %mul3A_51 = arith.constant 1 : i32
      %mul3A_52 = arith.muli %scan3A_50, %mul3A_51 : i32
      %add3A_53 = arith.constant 0 : i32
      %add3A_54 = arith.addi %add3A_53, %mul3A_52 : i32
      %mul3A_55 = arith.constant 128 : i32
      %mul3A_56 = arith.muli %add3A_54, %mul3A_55 : i32
      %add3A_57 = arith.constant 0 : i32
      %add3A_58 = arith.addi %mul3A_56, %add3A_57 : i32
      %add3A_59 = vector.broadcast %add3A_58 : i32 to vector<16xi32>
      %add3A_60 = arith.addi %add3A_59, %iota3A : vector<16xi32>
      %swap3A = arith.constant 0 : index
      %swap3A_61 = tpu.vector_load %arg5[%swap3A] {strides = array<i32>} : memref<128xi32, #tpu.memory_space<vmem>>, vector<16xi32>,
      tpu.vector_store %arg5[%swap3A], %add3A_60 {strides = array<i32>} : memref<128xi32, #tpu.memory_space<vmem>>, vector<16xi32>,
      %mul3A_62 = arith.constant 128 : i32
      %mul3A_63 = arith.muli %add3A_54, %mul3A_62 : i32
      %add3A_64 = arith.constant 16 : i32
      %add3A_65 = arith.addi %mul3A_63, %add3A_64 : i32
      %add3A_66 = vector.broadcast %add3A_65 : i32 to vector<16xi32>
      %add3A_67 = arith.addi %add3A_66, %iota3A : vector<16xi32>
      %swap3A_68 = arith.constant 16 : index
      %swap3A_69 = tpu.vector_load %arg5[%swap3A_68] {strides = array<i32>} : memref<128xi32, #tpu.memory_space<vmem>>, vector<16xi32>,
      tpu.vector_store %arg5[%swap3A_68], %add3A_67 {strides = array<i32>} : memref<128xi32, #tpu.memory_space<vmem>>, vector<16xi32>,
      %mul3A_70 = arith.constant 128 : i32
      %mul3A_71 = arith.muli %add3A_54, %mul3A_70 : i32
      %add3A_72 = arith.constant 32 : i32
      %add3A_73 = arith.addi %mul3A_71, %add3A_72 : i32
      %add3A_74 = vector.broadcast %add3A_73 : i32 to vector<16xi32>
      %add3A_75 = arith.addi %add3A_74, %iota3A : vector<16xi32>
      %swap3A_76 = arith.constant 32 : index
      %swap3A_77 = tpu.vector_load %arg5[%swap3A_76] {strides = array<i32>} : memref<128xi32, #tpu.memory_space<vmem>>, vector<16xi32>,
      tpu.vector_store %arg5[%swap3A_76], %add3A_75 {strides = array<i32>} : memref<128xi32, #tpu.memory_space<vmem>>, vector<16xi32>,
      %mul3A_78 = arith.constant 128 : i32
      %mul3A_79 = arith.muli %add3A_54, %mul3A_78 : i32
      %add3A_80 = arith.constant 48 : i32
      %add3A_81 = arith.addi %mul3A_79, %add3A_80 : i32
      %add3A_82 = vector.broadcast %add3A_81 : i32 to vector<16xi32>
      %add3A_83 = arith.addi %add3A_82, %iota3A : vector<16xi32>
      %swap3A_84 = arith.constant 48 : index
      %swap3A_85 = tpu.vector_load %arg5[%swap3A_84] {strides = array<i32>} : memref<128xi32, #tpu.memory_space<vmem>>, vector<16xi32>,
      tpu.vector_store %arg5[%swap3A_84], %add3A_83 {strides = array<i32>} : memref<128xi32, #tpu.memory_space<vmem>>, vector<16xi32>,
      %mul3A_86 = arith.constant 128 : i32
      %mul3A_87 = arith.muli %add3A_54, %mul3A_86 : i32
      %add3A_88 = arith.constant 64 : i32
      %add3A_89 = arith.addi %mul3A_87, %add3A_88 : i32
      %add3A_90 = vector.broadcast %add3A_89 : i32 to vector<16xi32>
      %add3A_91 = arith.addi %add3A_90, %iota3A : vector<16xi32>
      %swap3A_92 = arith.constant 64 : index
      %swap3A_93 = tpu.vector_load %arg5[%swap3A_92] {strides = array<i32>} : memref<128xi32, #tpu.memory_space<vmem>>, vector<16xi32>,
      tpu.vector_store %arg5[%swap3A_92], %add3A_91 {strides = array<i32>} : memref<128xi32, #tpu.memory_space<vmem>>, vector<16xi32>,
      %mul3A_94 = arith.constant 128 : i32
      %mul3A_95 = arith.muli %add3A_54, %mul3A_94 : i32
      %add3A_96 = arith.constant 80 : i32
      %add3A_97 = arith.addi %mul3A_95, %add3A_96 : i32
      %add3A_98 = vector.broadcast %add3A_97 : i32 to vector<16xi32>
      %add3A_99 = arith.addi %add3A_98, %iota3A : vector<16xi32>
      %swap3A_100 = arith.constant 80 : index
      %swap3A_101 = tpu.vector_load %arg5[%swap3A_100] {strides = array<i32>} : memref<128xi32, #tpu.memory_space<vmem>>, vector<16xi32>,
      tpu.vector_store %arg5[%swap3A_100], %add3A_99 {strides = array<i32>} : memref<128xi32, #tpu.memory_space<vmem>>, vector<16xi32>,
      %mul3A_102 = arith.constant 128 : i32
      %mul3A_103 = arith.muli %add3A_54, %mul3A_102 : i32
      %add3A_104 = arith.constant 96 : i32
      %add3A_105 = arith.addi %mul3A_103, %add3A_104 : i32
      %add3A_106 = vector.broadcast %add3A_105 : i32 to vector<16xi32>
      %add3A_107 = arith.addi %add3A_106, %iota3A : vector<16xi32>
      %swap3A_108 = arith.constant 96 : index
      %swap3A_109 = tpu.vector_load %arg5[%swap3A_108] {strides = array<i32>} : memref<128xi32, #tpu.memory_space<vmem>>, vector<16xi32>,
      tpu.vector_store %arg5[%swap3A_108], %add3A_107 {strides = array<i32>} : memref<128xi32, #tpu.memory_space<vmem>>, vector<16xi32>,
      %mul3A_110 = arith.constant 128 : i32
      %mul3A_111 = arith.muli %add3A_54, %mul3A_110 : i32
      %add3A_112 = arith.constant 112 : i32
      %add3A_113 = arith.addi %mul3A_111, %add3A_112 : i32
      %add3A_114 = vector.broadcast %add3A_113 : i32 to vector<16xi32>
      %add3A_115 = arith.addi %add3A_114, %iota3A : vector<16xi32>
      %swap3A_116 = arith.constant 112 : index
      %swap3A_117 = tpu.vector_load %arg5[%swap3A_116] {strides = array<i32>} : memref<128xi32, #tpu.memory_space<vmem>>, vector<16xi32>,
      tpu.vector_store %arg5[%swap3A_116], %add3A_115 {strides = array<i32>} : memref<128xi32, #tpu.memory_space<vmem>>, vector<16xi32>,
      %mul3A_118 = arith.constant 128 : i32
      %mul3A_119 = arith.muli %add3A_54, %mul3A_118 : i32
      "tpu.region"() ({
        %run_scoped3A = tpu.sem_alloc : memref<!tpu.dma_semaphore, #tpu.memory_space<semaphore_mem>>
        %dma_start3A = arith.constant 0 : i32
        %dma_start3A_120 = tpu.memref_slice %arg6[%mul3A_119, %dma_start3A] : memref<3200x16xf32, #tpu.memory_space<vmem>> -> memref<128x16xf32, #tpu.memory_space<vmem>>
        %dma_start3A_121 = arith.constant 0 : i32
        %dma_start3A_122 = arith.constant 0 : i32
        %dma_start3A_123 = tpu.memref_slice %arg8[%dma_start3A_121, %dma_start3A_122] : memref<3200x16xf32, #tpu.memory_space<vmem_shared>> -> memref<3200x16xf32, #tpu.memory_space<vmem_shared>>
        tpu.enqueue_indirect_dma source(%dma_start3A_120 : memref<128x16xf32, #tpu.memory_space<vmem>>) target(%dma_start3A_123 : memref<3200x16xf32, #tpu.memory_space<vmem_shared>>) offsets(%arg5 : memref<128xi32, #tpu.memory_space<vmem>>) semaphore(%run_scoped3A : memref<!tpu.dma_semaphore, #tpu.memory_space<semaphore_mem>>) {add = true}
        %dma_wait3A = arith.constant 0 : i32
        %dma_wait3A_124 = tpu.memref_slice %arg6[%mul3A_119, %dma_wait3A] : memref<3200x16xf32, #tpu.memory_space<vmem>> -> memref<128x16xf32, #tpu.memory_space<vmem>>
        %dma_wait3A_125 = arith.constant 0 : i32
        %dma_wait3A_126 = arith.constant 0 : i32
        %dma_wait3A_127 = tpu.memref_slice %arg8[%dma_wait3A_125, %dma_wait3A_126] : memref<3200x16xf32, #tpu.memory_space<vmem_shared>> -> memref<3200x16xf32, #tpu.memory_space<vmem_shared>>
        tpu.wait_indirect_dma semaphore(%run_scoped3A : memref<!tpu.dma_semaphore, #tpu.memory_space<semaphore_mem>>) src(%dma_wait3A_124 : memref<128x16xf32, #tpu.memory_space<vmem>>) dst(%dma_wait3A_127 : memref<3200x16xf32, #tpu.memory_space<vmem_shared>>)
        tpu.yield
      }) : () -> ()
    }
    %scan3A_41 = arith.constant 25 : i32
    %barrier3A_42 = arith.constant 0 : index
    tpu.barrier barrier_id(%barrier3A_42)
    %mul3A_43 = arith.constant 196 : i32
    %mul3A_44 = arith.muli %arg1, %mul3A_43 : i32
    %mul3A_45 = arith.constant 3136 : i32
    %mul3A_46 = arith.muli %arg0, %mul3A_45 : i32
    %mul3A_47 = arith.constant 196 : i32
    %mul3A_48 = arith.muli %arg1, %mul3A_47 : i32
    %add3A_49 = arith.addi %mul3A_46, %mul3A_48 : i32
    "tpu.region"() ({
      %run_scoped3A = tpu.sem_alloc : memref<!tpu.dma_semaphore, #tpu.memory_space<semaphore_mem>>
      %dma_start3A = arith.constant 0 : i32
      %dma_start3A_50 = tpu.memref_slice %arg3[%add3A_49, %dma_start3A] : memref<6272x16xf32, #tpu.memory_space<hbm>> -> memref<196x16xf32, #tpu.memory_space<hbm>>
      %dma_start3A_51 = arith.constant 0 : i32
      %dma_start3A_52 = tpu.memref_slice %arg8[%mul3A_44, %dma_start3A_51] : memref<3200x16xf32, #tpu.memory_space<vmem_shared>> -> memref<196x16xf32, #tpu.memory_space<vmem_shared>>
      tpu.enqueue_dma source(%dma_start3A_52 : memref<196x16xf32, #tpu.memory_space<vmem_shared>>) target(%dma_start3A_50 : memref<196x16xf32, #tpu.memory_space<hbm>>) target_semaphore(%run_scoped3A : memref<!tpu.dma_semaphore, #tpu.memory_space<semaphore_mem>>)
      %dma_wait3A = arith.constant 0 : i32
      %dma_wait3A_53 = tpu.memref_slice %arg3[%add3A_49, %dma_wait3A] : memref<6272x16xf32, #tpu.memory_space<hbm>> -> memref<196x16xf32, #tpu.memory_space<hbm>>
      %dma_wait3A_54 = arith.constant 0 : i32
      %dma_wait3A_55 = tpu.memref_slice %arg8[%mul3A_44, %dma_wait3A_54] : memref<3200x16xf32, #tpu.memory_space<vmem_shared>> -> memref<196x16xf32, #tpu.memory_space<vmem_shared>>
      tpu.wait_dma2 semaphore(%run_scoped3A : memref<!tpu.dma_semaphore, #tpu.memory_space<semaphore_mem>>) src(%dma_wait3A_55 : memref<196x16xf32, #tpu.memory_space<vmem_shared>>) dst(%dma_wait3A_53 : memref<196x16xf32, #tpu.memory_space<hbm>>)
      tpu.yield
    }) : () -> ()
    return
  }
}

#map = affine_map<(d0, d1) -> (0, 0, 0)>
#map1 = affine_map<(d0, d1) -> (0)>
#map2 = affine_map<(d0, d1) -> (0, 0)>
module attributes {stable_mosaic.version = 14 : i64} {
  func.func @_agg_body(%arg0: i32, %arg1: i32, %arg2: memref<2x100352x16xf32, #tpu.memory_space<hbm>>, %arg3: memref<1605632xi32, #tpu.memory_space<hbm>>, %arg4: memref<1605632xi32, #tpu.memory_space<hbm>>, %arg5: memref<100352x32xf32, #tpu.memory_space<hbm>>, %arg6: memref<2x2048xi32, #tpu.memory_space<vmem>>, %arg7: memref<2x2048xi32, #tpu.memory_space<vmem>>, %arg8: memref<128xi32, #tpu.memory_space<vmem>>, %arg9: memref<128x16xf32, #tpu.memory_space<vmem>>, %arg10: memref<128x16xf32, #tpu.memory_space<vmem>>, %arg11: memref<128x16xf32, #tpu.memory_space<vmem>>, %arg12: memref<!tpu.dma_semaphore, #tpu.memory_space<semaphore_mem>>, %arg13: memref<!tpu.dma_semaphore, #tpu.memory_space<semaphore_mem>>, %arg14: memref<100480x16xf32, #tpu.memory_space<vmem_shared>>) attributes {dimension_semantics = [#tpu.dimension_semantics<core_parallel>, #tpu.dimension_semantics<subcore_parallel>], iteration_bounds = array<i64: 2, 16>, scalar_prefetch = 0 : i64, scratch_operands = 9 : i64, tpu.core_type = #tpu.core_type<sc_vector_subcore>, window_params = [{transform_indices = #map}, {transform_indices = #map1}, {transform_indices = #map1}, {transform_indices = #map2}]} {
    %iota3A = tpu.iota {dimensions = array<i32: 0>} : vector<16xi32>
    %broadcast_in_dim3A = arith.constant 0.000000e+00 : f32
    %broadcast_in_dim3A_0 = vector.broadcast %broadcast_in_dim3A : f32 to vector<16xf32>
    %scan3A = arith.constant 0 : i32
    %scan3A_1 = arith.constant 128 : i32
    %scan3A_2 = arith.addi %scan3A, %scan3A_1 : i32
    %scan3A_3 = arith.constant 1 : i32
    scf.for %scan3A_48 = %scan3A to %scan3A_2 step %scan3A_3  : i32 {
      %mul3A_49 = arith.constant 1 : i32
      %mul3A_50 = arith.muli %scan3A_48, %mul3A_49 : i32
      %add3A_51 = arith.constant 0 : i32
      %add3A_52 = arith.addi %add3A_51, %mul3A_50 : i32
      %swap3A = arith.index_cast %add3A_52 : i32 to index
      %swap3A_53 = arith.constant 0 : index
      %swap3A_54 = tpu.vector_load %arg11[%swap3A, %swap3A_53] {strides = array<i32>} : memref<128x16xf32, #tpu.memory_space<vmem>>, vector<16xf32>,
      tpu.vector_store %arg11[%swap3A, %swap3A_53], %broadcast_in_dim3A_0 {strides = array<i32>} : memref<128x16xf32, #tpu.memory_space<vmem>>, vector<16xf32>,
    }
    %scan3A_4 = arith.constant 128 : i32
    %sub3A = arith.constant 785 : i32
    %sub3A_5 = arith.subi %sub3A, %arg1 : i32
    %sub3A_6 = arith.constant 16 : i32
    %sub3A_7 = arith.constant 1 : i32
    %sub3A_8 = arith.subi %sub3A_6, %sub3A_7 : i32
    %add3A = arith.addi %sub3A_5, %sub3A_8 : i32
    %div3A = arith.constant 16 : i32
    %div3A_9 = arith.divsi %add3A, %div3A : i32
    %while3A = arith.constant 16 : i32
    %while3A_10 = arith.constant 0 : i32
    %while3A_11 = arith.subi %div3A_9, %while3A_10 : i32
    %while3A_12 = arith.addi %while3A_10, %while3A_11 : i32
    %while3A_13 = arith.constant 1 : i32
    %while3A_14 = arith.divsi %while3A_11, %while3A_13 : i32
    %while3A_15 = arith.muli %while3A_14, %while3A_13 : i32
    %while3A_16 = arith.addi %while3A_10, %while3A_15 : i32
    %while3A_17 = arith.constant 1 : i32
    scf.for %while3A_48 = %while3A_10 to %while3A_16 step %while3A_17  : i32 {
      %mul3A_49 = arith.muli %while3A_48, %while3A : i32
      %add3A_50 = arith.addi %arg1, %mul3A_49 : i32
      %mul3A_51 = arith.constant 128 : i32
      %mul3A_52 = arith.muli %add3A_50, %mul3A_51 : i32
      "tpu.region"() ({
        %run_scoped3A_53 = tpu.sem_alloc : memref<!tpu.dma_semaphore, #tpu.memory_space<semaphore_mem>>
        %dma_start3A_54 = arith.constant 0 : i32
        %dma_start3A_55 = tpu.memref_slice %arg14[%mul3A_52, %dma_start3A_54] : memref<100480x16xf32, #tpu.memory_space<vmem_shared>> -> memref<128x16xf32, #tpu.memory_space<vmem_shared>>
        %dma_start3A_56 = arith.constant 0 : i32
        %dma_start3A_57 = tpu.memref_slice %arg14[%mul3A_52, %dma_start3A_56] : memref<100480x16xf32, #tpu.memory_space<vmem_shared>> -> memref<128x16xf32, #tpu.memory_space<vmem_shared>>
        tpu.enqueue_dma source(%arg11 : memref<128x16xf32, #tpu.memory_space<vmem>>) target(%dma_start3A_57 : memref<128x16xf32, #tpu.memory_space<vmem_shared>>) target_semaphore(%run_scoped3A_53 : memref<!tpu.dma_semaphore, #tpu.memory_space<semaphore_mem>>)
        %dma_wait3A = arith.constant 0 : i32
        %dma_wait3A_58 = tpu.memref_slice %arg14[%mul3A_52, %dma_wait3A] : memref<100480x16xf32, #tpu.memory_space<vmem_shared>> -> memref<128x16xf32, #tpu.memory_space<vmem_shared>>
        %dma_wait3A_59 = arith.constant 0 : i32
        %dma_wait3A_60 = tpu.memref_slice %arg14[%mul3A_52, %dma_wait3A_59] : memref<100480x16xf32, #tpu.memory_space<vmem_shared>> -> memref<128x16xf32, #tpu.memory_space<vmem_shared>>
        tpu.wait_dma2 semaphore(%run_scoped3A_53 : memref<!tpu.dma_semaphore, #tpu.memory_space<semaphore_mem>>) src(%arg11 : memref<128x16xf32, #tpu.memory_space<vmem>>) dst(%dma_wait3A_60 : memref<128x16xf32, #tpu.memory_space<vmem_shared>>)
        tpu.yield
      }) : () -> ()
    }
    %while3A_18 = arith.constant 1 : i32
    scf.for %while3A_48 = %while3A_16 to %while3A_12 step %while3A_18  : i32 {
      %mul3A_49 = arith.muli %while3A_48, %while3A : i32
      %add3A_50 = arith.addi %arg1, %mul3A_49 : i32
      %mul3A_51 = arith.constant 128 : i32
      %mul3A_52 = arith.muli %add3A_50, %mul3A_51 : i32
      "tpu.region"() ({
        %run_scoped3A_53 = tpu.sem_alloc : memref<!tpu.dma_semaphore, #tpu.memory_space<semaphore_mem>>
        %dma_start3A_54 = arith.constant 0 : i32
        %dma_start3A_55 = tpu.memref_slice %arg14[%mul3A_52, %dma_start3A_54] : memref<100480x16xf32, #tpu.memory_space<vmem_shared>> -> memref<128x16xf32, #tpu.memory_space<vmem_shared>>
        %dma_start3A_56 = arith.constant 0 : i32
        %dma_start3A_57 = tpu.memref_slice %arg14[%mul3A_52, %dma_start3A_56] : memref<100480x16xf32, #tpu.memory_space<vmem_shared>> -> memref<128x16xf32, #tpu.memory_space<vmem_shared>>
        tpu.enqueue_dma source(%arg11 : memref<128x16xf32, #tpu.memory_space<vmem>>) target(%dma_start3A_57 : memref<128x16xf32, #tpu.memory_space<vmem_shared>>) target_semaphore(%run_scoped3A_53 : memref<!tpu.dma_semaphore, #tpu.memory_space<semaphore_mem>>)
        %dma_wait3A = arith.constant 0 : i32
        %dma_wait3A_58 = tpu.memref_slice %arg14[%mul3A_52, %dma_wait3A] : memref<100480x16xf32, #tpu.memory_space<vmem_shared>> -> memref<128x16xf32, #tpu.memory_space<vmem_shared>>
        %dma_wait3A_59 = arith.constant 0 : i32
        %dma_wait3A_60 = tpu.memref_slice %arg14[%mul3A_52, %dma_wait3A_59] : memref<100480x16xf32, #tpu.memory_space<vmem_shared>> -> memref<128x16xf32, #tpu.memory_space<vmem_shared>>
        tpu.wait_dma2 semaphore(%run_scoped3A_53 : memref<!tpu.dma_semaphore, #tpu.memory_space<semaphore_mem>>) src(%arg11 : memref<128x16xf32, #tpu.memory_space<vmem>>) dst(%dma_wait3A_60 : memref<128x16xf32, #tpu.memory_space<vmem_shared>>)
        tpu.yield
      }) : () -> ()
    }
    %barrier3A = arith.constant 0 : index
    tpu.barrier barrier_id(%barrier3A)
    %mul3A = arith.constant 100352 : i32
    %mul3A_19 = arith.muli %arg1, %mul3A : i32
    %add3A_20 = arith.constant 100352 : i32
    %add3A_21 = vector.broadcast %add3A_20 : i32 to vector<16xi32>
    %add3A_22 = arith.addi %add3A_21, %iota3A : vector<16xi32>
    %add3A_23 = arith.constant 0 : i32
    %add3A_24 = arith.addi %mul3A_19, %add3A_23 : i32
    %run_scoped3A = arith.constant 0 : i32
    "tpu.region"() ({
      %run_scoped3A_48 = tpu.sem_alloc : memref<!tpu.dma_semaphore, #tpu.memory_space<semaphore_mem>>
      %dma_start3A_49 = arith.constant 0 : i32
      %dma_start3A_50 = tpu.memref_slice %arg6[%run_scoped3A, %dma_start3A_49] : memref<2x2048xi32, #tpu.memory_space<vmem>> -> memref<1x2048xi32, #tpu.memory_space<vmem>>
      %dma_start3A_51 = tpu.memref_squeeze %dma_start3A_50 : memref<1x2048xi32, #tpu.memory_space<vmem>> -> memref<2048xi32, #tpu.memory_space<vmem>>
      %dma_start3A_52 = tpu.memref_slice %arg3[%add3A_24] : memref<1605632xi32, #tpu.memory_space<hbm>> -> memref<2048xi32, #tpu.memory_space<hbm>>
      %dma_start3A_53 = arith.constant 0 : i32
      %dma_start3A_54 = tpu.memref_slice %arg6[%run_scoped3A, %dma_start3A_53] : memref<2x2048xi32, #tpu.memory_space<vmem>> -> memref<1x2048xi32, #tpu.memory_space<vmem>>
      %dma_start3A_55 = tpu.memref_squeeze %dma_start3A_54 : memref<1x2048xi32, #tpu.memory_space<vmem>> -> memref<2048xi32, #tpu.memory_space<vmem>>
      %dma_start3A_56 = tpu.memref_slice %arg3[%add3A_24] : memref<1605632xi32, #tpu.memory_space<hbm>> -> memref<2048xi32, #tpu.memory_space<hbm>>
      tpu.enqueue_dma source(%dma_start3A_56 : memref<2048xi32, #tpu.memory_space<hbm>>) target(%dma_start3A_55 : memref<2048xi32, #tpu.memory_space<vmem>>) target_semaphore(%run_scoped3A_48 : memref<!tpu.dma_semaphore, #tpu.memory_space<semaphore_mem>>)
      %dma_wait3A = arith.constant 0 : i32
      %dma_wait3A_57 = tpu.memref_slice %arg6[%run_scoped3A, %dma_wait3A] : memref<2x2048xi32, #tpu.memory_space<vmem>> -> memref<1x2048xi32, #tpu.memory_space<vmem>>
      %dma_wait3A_58 = tpu.memref_squeeze %dma_wait3A_57 : memref<1x2048xi32, #tpu.memory_space<vmem>> -> memref<2048xi32, #tpu.memory_space<vmem>>
      %dma_wait3A_59 = tpu.memref_slice %arg3[%add3A_24] : memref<1605632xi32, #tpu.memory_space<hbm>> -> memref<2048xi32, #tpu.memory_space<hbm>>
      %dma_wait3A_60 = arith.constant 0 : i32
      %dma_wait3A_61 = tpu.memref_slice %arg6[%run_scoped3A, %dma_wait3A_60] : memref<2x2048xi32, #tpu.memory_space<vmem>> -> memref<1x2048xi32, #tpu.memory_space<vmem>>
      %dma_wait3A_62 = tpu.memref_squeeze %dma_wait3A_61 : memref<1x2048xi32, #tpu.memory_space<vmem>> -> memref<2048xi32, #tpu.memory_space<vmem>>
      %dma_wait3A_63 = tpu.memref_slice %arg3[%add3A_24] : memref<1605632xi32, #tpu.memory_space<hbm>> -> memref<2048xi32, #tpu.memory_space<hbm>>
      tpu.wait_dma2 semaphore(%run_scoped3A_48 : memref<!tpu.dma_semaphore, #tpu.memory_space<semaphore_mem>>) src(%dma_wait3A_63 : memref<2048xi32, #tpu.memory_space<hbm>>) dst(%dma_wait3A_62 : memref<2048xi32, #tpu.memory_space<vmem>>)
      tpu.yield
    }) : () -> ()
    %run_scoped3A_25 = arith.constant 0 : i32
    "tpu.region"() ({
      %run_scoped3A_48 = tpu.sem_alloc : memref<!tpu.dma_semaphore, #tpu.memory_space<semaphore_mem>>
      %dma_start3A_49 = arith.constant 0 : i32
      %dma_start3A_50 = tpu.memref_slice %arg7[%run_scoped3A_25, %dma_start3A_49] : memref<2x2048xi32, #tpu.memory_space<vmem>> -> memref<1x2048xi32, #tpu.memory_space<vmem>>
      %dma_start3A_51 = tpu.memref_squeeze %dma_start3A_50 : memref<1x2048xi32, #tpu.memory_space<vmem>> -> memref<2048xi32, #tpu.memory_space<vmem>>
      %dma_start3A_52 = tpu.memref_slice %arg4[%add3A_24] : memref<1605632xi32, #tpu.memory_space<hbm>> -> memref<2048xi32, #tpu.memory_space<hbm>>
      %dma_start3A_53 = arith.constant 0 : i32
      %dma_start3A_54 = tpu.memref_slice %arg7[%run_scoped3A_25, %dma_start3A_53] : memref<2x2048xi32, #tpu.memory_space<vmem>> -> memref<1x2048xi32, #tpu.memory_space<vmem>>
      %dma_start3A_55 = tpu.memref_squeeze %dma_start3A_54 : memref<1x2048xi32, #tpu.memory_space<vmem>> -> memref<2048xi32, #tpu.memory_space<vmem>>
      %dma_start3A_56 = tpu.memref_slice %arg4[%add3A_24] : memref<1605632xi32, #tpu.memory_space<hbm>> -> memref<2048xi32, #tpu.memory_space<hbm>>
      tpu.enqueue_dma source(%dma_start3A_56 : memref<2048xi32, #tpu.memory_space<hbm>>) target(%dma_start3A_55 : memref<2048xi32, #tpu.memory_space<vmem>>) target_semaphore(%run_scoped3A_48 : memref<!tpu.dma_semaphore, #tpu.memory_space<semaphore_mem>>)
      %dma_wait3A = arith.constant 0 : i32
      %dma_wait3A_57 = tpu.memref_slice %arg7[%run_scoped3A_25, %dma_wait3A] : memref<2x2048xi32, #tpu.memory_space<vmem>> -> memref<1x2048xi32, #tpu.memory_space<vmem>>
      %dma_wait3A_58 = tpu.memref_squeeze %dma_wait3A_57 : memref<1x2048xi32, #tpu.memory_space<vmem>> -> memref<2048xi32, #tpu.memory_space<vmem>>
      %dma_wait3A_59 = tpu.memref_slice %arg4[%add3A_24] : memref<1605632xi32, #tpu.memory_space<hbm>> -> memref<2048xi32, #tpu.memory_space<hbm>>
      %dma_wait3A_60 = arith.constant 0 : i32
      %dma_wait3A_61 = tpu.memref_slice %arg7[%run_scoped3A_25, %dma_wait3A_60] : memref<2x2048xi32, #tpu.memory_space<vmem>> -> memref<1x2048xi32, #tpu.memory_space<vmem>>
      %dma_wait3A_62 = tpu.memref_squeeze %dma_wait3A_61 : memref<1x2048xi32, #tpu.memory_space<vmem>> -> memref<2048xi32, #tpu.memory_space<vmem>>
      %dma_wait3A_63 = tpu.memref_slice %arg4[%add3A_24] : memref<1605632xi32, #tpu.memory_space<hbm>> -> memref<2048xi32, #tpu.memory_space<hbm>>
      tpu.wait_dma2 semaphore(%run_scoped3A_48 : memref<!tpu.dma_semaphore, #tpu.memory_space<semaphore_mem>>) src(%dma_wait3A_63 : memref<2048xi32, #tpu.memory_space<hbm>>) dst(%dma_wait3A_62 : memref<2048xi32, #tpu.memory_space<vmem>>)
      tpu.yield
    }) : () -> ()
    %dma_start3A = arith.constant 0 : i32
    %dma_start3A_26 = arith.constant 0 : i32
    %dma_start3A_27 = tpu.memref_slice %arg6[%dma_start3A, %dma_start3A_26] : memref<2x2048xi32, #tpu.memory_space<vmem>> -> memref<1x128xi32, #tpu.memory_space<vmem>>
    %dma_start3A_28 = tpu.memref_squeeze %dma_start3A_27 : memref<1x128xi32, #tpu.memory_space<vmem>> -> memref<128xi32, #tpu.memory_space<vmem>>
    %dma_start3A_29 = arith.constant 0 : i32
    %dma_start3A_30 = arith.constant 0 : i32
    %dma_start3A_31 = tpu.memref_slice %arg2[%arg0, %dma_start3A_29, %dma_start3A_30] : memref<2x100352x16xf32, #tpu.memory_space<hbm>> -> memref<1x100352x16xf32, #tpu.memory_space<hbm>>
    %dma_start3A_32 = tpu.memref_squeeze %dma_start3A_31 : memref<1x100352x16xf32, #tpu.memory_space<hbm>> -> memref<100352x16xf32, #tpu.memory_space<hbm>>
    %dma_start3A_33 = arith.constant 0 : i32
    %dma_start3A_34 = arith.constant 0 : i32
    %dma_start3A_35 = tpu.memref_slice %dma_start3A_32[%dma_start3A_33, %dma_start3A_34] : memref<100352x16xf32, #tpu.memory_space<hbm>> -> memref<100352x16xf32, #tpu.memory_space<hbm>>
    tpu.enqueue_indirect_dma source(%dma_start3A_35 : memref<100352x16xf32, #tpu.memory_space<hbm>>) target(%arg9 : memref<128x16xf32, #tpu.memory_space<vmem>>) offsets(%dma_start3A_28 : memref<128xi32, #tpu.memory_space<vmem>>) semaphore(%arg12 : memref<!tpu.dma_semaphore, #tpu.memory_space<semaphore_mem>>)
    %scan3A_36 = arith.constant 0 : i32
    %scan3A_37 = arith.constant 392 : i32
    %scan3A_38 = arith.addi %scan3A_36, %scan3A_37 : i32
    %scan3A_39 = arith.constant 1 : i32
    scf.for %scan3A_48 = %scan3A_36 to %scan3A_38 step %scan3A_39  : i32 {
      %mul3A_49 = arith.constant 1 : i32
      %mul3A_50 = arith.muli %scan3A_48, %mul3A_49 : i32
      %add3A_51 = arith.constant 0 : i32
      %add3A_52 = arith.addi %add3A_51, %mul3A_50 : i32
      %mul3A_53 = arith.constant 2 : i32
      %mul3A_54 = arith.muli %mul3A_53, %add3A_52 : i32
      %add3A_55 = arith.constant 1 : i32
      %add3A_56 = arith.addi %mul3A_54, %add3A_55 : i32
      %jit3A = arith.constant 8 : i32
      %eq3A = arith.constant 0 : i32
      %eq3A_57 = arith.cmpi eq, %jit3A, %eq3A : i32
      %jit3A_58 = arith.constant 1 : i32
      %select_n3A = arith.select %eq3A_57, %jit3A_58, %jit3A : i32
      %rem3A = arith.remsi %add3A_52, %select_n3A : i32
      %ne3A = arith.constant 0 : i32
      %ne3A_59 = arith.cmpi ne, %rem3A, %ne3A : i32
      %lt3A = arith.constant 0 : i32
      %lt3A_60 = arith.cmpi slt, %rem3A, %lt3A : i32
      %lt3A_61 = arith.constant 0 : i32
      %lt3A_62 = arith.cmpi slt, %select_n3A, %lt3A_61 : i32
      %ne3A_63 = arith.xori %lt3A_60, %lt3A_62 : i1
      %and3A = arith.andi %ne3A_63, %ne3A_59 : i1
      %add3A_64 = arith.addi %rem3A, %select_n3A : i32
      %select_n3A_65 = arith.select %and3A, %add3A_64, %rem3A : i32
      %eq3A_66 = arith.constant 6 : i32
      %eq3A_67 = arith.cmpi eq, %select_n3A_65, %eq3A_66 : i32
      %lt3A_68 = arith.constant 384 : i32
      %lt3A_69 = arith.cmpi slt, %add3A_52, %lt3A_68 : i32
      %and3A_70 = arith.andi %eq3A_67, %lt3A_69 : i1
      %convert_element_type3A = arith.extui %and3A_70 : i1 to i32
      %cond3A = arith.constant 0 : i32
      %cond3A_71 = arith.cmpi ne, %convert_element_type3A, %cond3A : i32
      scf.if %cond3A_71 {
        %jit3A_807 = arith.constant 8 : i32
        %div3A_808 = arith.divsi %add3A_52, %jit3A_807 : i32
        %sign3A_809 = arith.constant 0 : i32
        %sign3A_810 = arith.cmpi sgt, %add3A_52, %sign3A_809 : i32
        %sign3A_811 = arith.extui %sign3A_810 : i1 to i32
        %sign3A_812 = arith.constant 0 : i32
        %sign3A_813 = arith.cmpi slt, %add3A_52, %sign3A_812 : i32
        %sign3A_814 = arith.extui %sign3A_813 : i1 to i32
        %sign3A_815 = arith.subi %sign3A_811, %sign3A_814 : i32
        %sign3A_816 = arith.constant 0 : i32
        %sign3A_817 = arith.cmpi sgt, %jit3A_807, %sign3A_816 : i32
        %sign3A_818 = arith.extui %sign3A_817 : i1 to i32
        %sign3A_819 = arith.constant 0 : i32
        %sign3A_820 = arith.cmpi slt, %jit3A_807, %sign3A_819 : i32
        %sign3A_821 = arith.extui %sign3A_820 : i1 to i32
        %sign3A_822 = arith.subi %sign3A_818, %sign3A_821 : i32
        %ne3A_823 = arith.cmpi ne, %sign3A_815, %sign3A_822 : i32
        %rem3A_824 = arith.remsi %add3A_52, %jit3A_807 : i32
        %ne3A_825 = arith.constant 0 : i32
        %ne3A_826 = arith.cmpi ne, %rem3A_824, %ne3A_825 : i32
        %and3A_827 = arith.andi %ne3A_823, %ne3A_826 : i1
        %sub3A_828 = arith.constant 1 : i32
        %sub3A_829 = arith.subi %div3A_808, %sub3A_828 : i32
        %select_n3A_830 = arith.select %and3A_827, %sub3A_829, %div3A_808 : i32
        %add3A_831 = arith.constant 1 : i32
        %add3A_832 = arith.addi %select_n3A_830, %add3A_831 : i32
        %jit3A_833 = arith.constant 2 : i32
        %eq3A_834 = arith.constant 0 : i32
        %eq3A_835 = arith.cmpi eq, %jit3A_833, %eq3A_834 : i32
        %jit3A_836 = arith.constant 1 : i32
        %select_n3A_837 = arith.select %eq3A_835, %jit3A_836, %jit3A_833 : i32
        %rem3A_838 = arith.remsi %add3A_832, %select_n3A_837 : i32
        %ne3A_839 = arith.constant 0 : i32
        %ne3A_840 = arith.cmpi ne, %rem3A_838, %ne3A_839 : i32
        %lt3A_841 = arith.constant 0 : i32
        %lt3A_842 = arith.cmpi slt, %rem3A_838, %lt3A_841 : i32
        %lt3A_843 = arith.constant 0 : i32
        %lt3A_844 = arith.cmpi slt, %select_n3A_837, %lt3A_843 : i32
        %ne3A_845 = arith.xori %lt3A_842, %lt3A_844 : i1
        %and3A_846 = arith.andi %ne3A_845, %ne3A_840 : i1
        %add3A_847 = arith.addi %rem3A_838, %select_n3A_837 : i32
        %select_n3A_848 = arith.select %and3A_846, %add3A_847, %rem3A_838 : i32
        %mul3A_849 = arith.constant 2048 : i32
        %mul3A_850 = arith.muli %add3A_832, %mul3A_849 : i32
        %add3A_851 = arith.addi %mul3A_19, %mul3A_850 : i32
        "tpu.region"() ({
          %run_scoped3A_852 = tpu.sem_alloc : memref<!tpu.dma_semaphore, #tpu.memory_space<semaphore_mem>>
          %dma_start3A_853 = arith.constant 0 : i32
          %dma_start3A_854 = tpu.memref_slice %arg6[%select_n3A_848, %dma_start3A_853] : memref<2x2048xi32, #tpu.memory_space<vmem>> -> memref<1x2048xi32, #tpu.memory_space<vmem>>
          %dma_start3A_855 = tpu.memref_squeeze %dma_start3A_854 : memref<1x2048xi32, #tpu.memory_space<vmem>> -> memref<2048xi32, #tpu.memory_space<vmem>>
          %dma_start3A_856 = tpu.memref_slice %arg3[%add3A_851] : memref<1605632xi32, #tpu.memory_space<hbm>> -> memref<2048xi32, #tpu.memory_space<hbm>>
          %dma_start3A_857 = arith.constant 0 : i32
          %dma_start3A_858 = tpu.memref_slice %arg6[%select_n3A_848, %dma_start3A_857] : memref<2x2048xi32, #tpu.memory_space<vmem>> -> memref<1x2048xi32, #tpu.memory_space<vmem>>
          %dma_start3A_859 = tpu.memref_squeeze %dma_start3A_858 : memref<1x2048xi32, #tpu.memory_space<vmem>> -> memref<2048xi32, #tpu.memory_space<vmem>>
          %dma_start3A_860 = tpu.memref_slice %arg3[%add3A_851] : memref<1605632xi32, #tpu.memory_space<hbm>> -> memref<2048xi32, #tpu.memory_space<hbm>>
          tpu.enqueue_dma source(%dma_start3A_860 : memref<2048xi32, #tpu.memory_space<hbm>>) target(%dma_start3A_859 : memref<2048xi32, #tpu.memory_space<vmem>>) target_semaphore(%run_scoped3A_852 : memref<!tpu.dma_semaphore, #tpu.memory_space<semaphore_mem>>)
          %dma_wait3A_861 = arith.constant 0 : i32
          %dma_wait3A_862 = tpu.memref_slice %arg6[%select_n3A_848, %dma_wait3A_861] : memref<2x2048xi32, #tpu.memory_space<vmem>> -> memref<1x2048xi32, #tpu.memory_space<vmem>>
          %dma_wait3A_863 = tpu.memref_squeeze %dma_wait3A_862 : memref<1x2048xi32, #tpu.memory_space<vmem>> -> memref<2048xi32, #tpu.memory_space<vmem>>
          %dma_wait3A_864 = tpu.memref_slice %arg3[%add3A_851] : memref<1605632xi32, #tpu.memory_space<hbm>> -> memref<2048xi32, #tpu.memory_space<hbm>>
          %dma_wait3A_865 = arith.constant 0 : i32
          %dma_wait3A_866 = tpu.memref_slice %arg6[%select_n3A_848, %dma_wait3A_865] : memref<2x2048xi32, #tpu.memory_space<vmem>> -> memref<1x2048xi32, #tpu.memory_space<vmem>>
          %dma_wait3A_867 = tpu.memref_squeeze %dma_wait3A_866 : memref<1x2048xi32, #tpu.memory_space<vmem>> -> memref<2048xi32, #tpu.memory_space<vmem>>
          %dma_wait3A_868 = tpu.memref_slice %arg3[%add3A_851] : memref<1605632xi32, #tpu.memory_space<hbm>> -> memref<2048xi32, #tpu.memory_space<hbm>>
          tpu.wait_dma2 semaphore(%run_scoped3A_852 : memref<!tpu.dma_semaphore, #tpu.memory_space<semaphore_mem>>) src(%dma_wait3A_868 : memref<2048xi32, #tpu.memory_space<hbm>>) dst(%dma_wait3A_867 : memref<2048xi32, #tpu.memory_space<vmem>>)
          tpu.yield
        }) : () -> ()
        "tpu.region"() ({
          %run_scoped3A_852 = tpu.sem_alloc : memref<!tpu.dma_semaphore, #tpu.memory_space<semaphore_mem>>
          %dma_start3A_853 = arith.constant 0 : i32
          %dma_start3A_854 = tpu.memref_slice %arg7[%select_n3A_848, %dma_start3A_853] : memref<2x2048xi32, #tpu.memory_space<vmem>> -> memref<1x2048xi32, #tpu.memory_space<vmem>>
          %dma_start3A_855 = tpu.memref_squeeze %dma_start3A_854 : memref<1x2048xi32, #tpu.memory_space<vmem>> -> memref<2048xi32, #tpu.memory_space<vmem>>
          %dma_start3A_856 = tpu.memref_slice %arg4[%add3A_851] : memref<1605632xi32, #tpu.memory_space<hbm>> -> memref<2048xi32, #tpu.memory_space<hbm>>
          %dma_start3A_857 = arith.constant 0 : i32
          %dma_start3A_858 = tpu.memref_slice %arg7[%select_n3A_848, %dma_start3A_857] : memref<2x2048xi32, #tpu.memory_space<vmem>> -> memref<1x2048xi32, #tpu.memory_space<vmem>>
          %dma_start3A_859 = tpu.memref_squeeze %dma_start3A_858 : memref<1x2048xi32, #tpu.memory_space<vmem>> -> memref<2048xi32, #tpu.memory_space<vmem>>
          %dma_start3A_860 = tpu.memref_slice %arg4[%add3A_851] : memref<1605632xi32, #tpu.memory_space<hbm>> -> memref<2048xi32, #tpu.memory_space<hbm>>
          tpu.enqueue_dma source(%dma_start3A_860 : memref<2048xi32, #tpu.memory_space<hbm>>) target(%dma_start3A_859 : memref<2048xi32, #tpu.memory_space<vmem>>) target_semaphore(%run_scoped3A_852 : memref<!tpu.dma_semaphore, #tpu.memory_space<semaphore_mem>>)
          %dma_wait3A_861 = arith.constant 0 : i32
          %dma_wait3A_862 = tpu.memref_slice %arg7[%select_n3A_848, %dma_wait3A_861] : memref<2x2048xi32, #tpu.memory_space<vmem>> -> memref<1x2048xi32, #tpu.memory_space<vmem>>
          %dma_wait3A_863 = tpu.memref_squeeze %dma_wait3A_862 : memref<1x2048xi32, #tpu.memory_space<vmem>> -> memref<2048xi32, #tpu.memory_space<vmem>>
          %dma_wait3A_864 = tpu.memref_slice %arg4[%add3A_851] : memref<1605632xi32, #tpu.memory_space<hbm>> -> memref<2048xi32, #tpu.memory_space<hbm>>
          %dma_wait3A_865 = arith.constant 0 : i32
          %dma_wait3A_866 = tpu.memref_slice %arg7[%select_n3A_848, %dma_wait3A_865] : memref<2x2048xi32, #tpu.memory_space<vmem>> -> memref<1x2048xi32, #tpu.memory_space<vmem>>
          %dma_wait3A_867 = tpu.memref_squeeze %dma_wait3A_866 : memref<1x2048xi32, #tpu.memory_space<vmem>> -> memref<2048xi32, #tpu.memory_space<vmem>>
          %dma_wait3A_868 = tpu.memref_slice %arg4[%add3A_851] : memref<1605632xi32, #tpu.memory_space<hbm>> -> memref<2048xi32, #tpu.memory_space<hbm>>
          tpu.wait_dma2 semaphore(%run_scoped3A_852 : memref<!tpu.dma_semaphore, #tpu.memory_space<semaphore_mem>>) src(%dma_wait3A_868 : memref<2048xi32, #tpu.memory_space<hbm>>) dst(%dma_wait3A_867 : memref<2048xi32, #tpu.memory_space<vmem>>)
          tpu.yield
        }) : () -> ()
      } else {
      }
      %jit3A_72 = arith.constant 16 : i32
      %div3A_73 = arith.divsi %mul3A_54, %jit3A_72 : i32
      %sign3A = arith.constant 0 : i32
      %sign3A_74 = arith.cmpi sgt, %mul3A_54, %sign3A : i32
      %sign3A_75 = arith.extui %sign3A_74 : i1 to i32
      %sign3A_76 = arith.constant 0 : i32
      %sign3A_77 = arith.cmpi slt, %mul3A_54, %sign3A_76 : i32
      %sign3A_78 = arith.extui %sign3A_77 : i1 to i32
      %sign3A_79 = arith.subi %sign3A_75, %sign3A_78 : i32
      %sign3A_80 = arith.constant 0 : i32
      %sign3A_81 = arith.cmpi sgt, %jit3A_72, %sign3A_80 : i32
      %sign3A_82 = arith.extui %sign3A_81 : i1 to i32
      %sign3A_83 = arith.constant 0 : i32
      %sign3A_84 = arith.cmpi slt, %jit3A_72, %sign3A_83 : i32
      %sign3A_85 = arith.extui %sign3A_84 : i1 to i32
      %sign3A_86 = arith.subi %sign3A_82, %sign3A_85 : i32
      %ne3A_87 = arith.cmpi ne, %sign3A_79, %sign3A_86 : i32
      %rem3A_88 = arith.remsi %mul3A_54, %jit3A_72 : i32
      %ne3A_89 = arith.constant 0 : i32
      %ne3A_90 = arith.cmpi ne, %rem3A_88, %ne3A_89 : i32
      %and3A_91 = arith.andi %ne3A_87, %ne3A_90 : i1
      %sub3A_92 = arith.constant 1 : i32
      %sub3A_93 = arith.subi %div3A_73, %sub3A_92 : i32
      %select_n3A_94 = arith.select %and3A_91, %sub3A_93, %div3A_73 : i32
      %jit3A_95 = arith.constant 16 : i32
      %eq3A_96 = arith.constant 0 : i32
      %eq3A_97 = arith.cmpi eq, %jit3A_95, %eq3A_96 : i32
      %jit3A_98 = arith.constant 1 : i32
      %select_n3A_99 = arith.select %eq3A_97, %jit3A_98, %jit3A_95 : i32
      %rem3A_100 = arith.remsi %mul3A_54, %select_n3A_99 : i32
      %ne3A_101 = arith.constant 0 : i32
      %ne3A_102 = arith.cmpi ne, %rem3A_100, %ne3A_101 : i32
      %lt3A_103 = arith.constant 0 : i32
      %lt3A_104 = arith.cmpi slt, %rem3A_100, %lt3A_103 : i32
      %lt3A_105 = arith.constant 0 : i32
      %lt3A_106 = arith.cmpi slt, %select_n3A_99, %lt3A_105 : i32
      %ne3A_107 = arith.xori %lt3A_104, %lt3A_106 : i1
      %and3A_108 = arith.andi %ne3A_107, %ne3A_102 : i1
      %add3A_109 = arith.addi %rem3A_100, %select_n3A_99 : i32
      %select_n3A_110 = arith.select %and3A_108, %add3A_109, %rem3A_100 : i32
      %mul3A_111 = arith.constant 128 : i32
      %mul3A_112 = arith.muli %select_n3A_110, %mul3A_111 : i32
      %jit3A_113 = arith.constant 2 : i32
      %eq3A_114 = arith.constant 0 : i32
      %eq3A_115 = arith.cmpi eq, %jit3A_113, %eq3A_114 : i32
      %jit3A_116 = arith.constant 1 : i32
      %select_n3A_117 = arith.select %eq3A_115, %jit3A_116, %jit3A_113 : i32
      %rem3A_118 = arith.remsi %select_n3A_94, %select_n3A_117 : i32
      %ne3A_119 = arith.constant 0 : i32
      %ne3A_120 = arith.cmpi ne, %rem3A_118, %ne3A_119 : i32
      %lt3A_121 = arith.constant 0 : i32
      %lt3A_122 = arith.cmpi slt, %rem3A_118, %lt3A_121 : i32
      %lt3A_123 = arith.constant 0 : i32
      %lt3A_124 = arith.cmpi slt, %select_n3A_117, %lt3A_123 : i32
      %ne3A_125 = arith.xori %lt3A_122, %lt3A_124 : i1
      %and3A_126 = arith.andi %ne3A_125, %ne3A_120 : i1
      %add3A_127 = arith.addi %rem3A_118, %select_n3A_117 : i32
      %select_n3A_128 = arith.select %and3A_126, %add3A_127, %rem3A_118 : i32
      %add3A_129 = arith.constant 0 : i32
      %add3A_130 = arith.addi %mul3A_112, %add3A_129 : i32
      %get3A = arith.index_cast %select_n3A_128 : i32 to index
      %get3A_131 = arith.index_cast %add3A_130 : i32 to index
      %get3A_132 = tpu.vector_load %arg7[%get3A, %get3A_131] {strides = array<i32>} : memref<2x2048xi32, #tpu.memory_space<vmem>>, vector<16xi32>,
      %bitcast3A = vector.bitcast %get3A_132 : vector<16xi32> to vector<16xi32>
      %lt3A_133 = arith.constant 100352 : i32
      %lt3A_134 = vector.broadcast %lt3A_133 : i32 to vector<16xi32>
      %lt3A_135 = arith.cmpi ult, %bitcast3A, %lt3A_134 : vector<16xi32>
      %select_n3A_136 = arith.select %lt3A_135, %get3A_132, %add3A_22 : vector<16xi1>, vector<16xi32>
      %swap3A = arith.constant 0 : index
      %swap3A_137 = tpu.vector_load %arg8[%swap3A] {strides = array<i32>} : memref<128xi32, #tpu.memory_space<vmem>>, vector<16xi32>,
      tpu.vector_store %arg8[%swap3A], %select_n3A_136 {strides = array<i32>} : memref<128xi32, #tpu.memory_space<vmem>>, vector<16xi32>,
      %jit3A_138 = arith.constant 2 : i32
      %eq3A_139 = arith.constant 0 : i32
      %eq3A_140 = arith.cmpi eq, %jit3A_138, %eq3A_139 : i32
      %jit3A_141 = arith.constant 1 : i32
      %select_n3A_142 = arith.select %eq3A_140, %jit3A_141, %jit3A_138 : i32
      %rem3A_143 = arith.remsi %select_n3A_94, %select_n3A_142 : i32
      %ne3A_144 = arith.constant 0 : i32
      %ne3A_145 = arith.cmpi ne, %rem3A_143, %ne3A_144 : i32
      %lt3A_146 = arith.constant 0 : i32
      %lt3A_147 = arith.cmpi slt, %rem3A_143, %lt3A_146 : i32
      %lt3A_148 = arith.constant 0 : i32
      %lt3A_149 = arith.cmpi slt, %select_n3A_142, %lt3A_148 : i32
      %ne3A_150 = arith.xori %lt3A_147, %lt3A_149 : i1
      %and3A_151 = arith.andi %ne3A_150, %ne3A_145 : i1
      %add3A_152 = arith.addi %rem3A_143, %select_n3A_142 : i32
      %select_n3A_153 = arith.select %and3A_151, %add3A_152, %rem3A_143 : i32
      %add3A_154 = arith.constant 16 : i32
      %add3A_155 = arith.addi %mul3A_112, %add3A_154 : i32
      %get3A_156 = arith.index_cast %select_n3A_153 : i32 to index
      %get3A_157 = arith.index_cast %add3A_155 : i32 to index
      %get3A_158 = tpu.vector_load %arg7[%get3A_156, %get3A_157] {strides = array<i32>} : memref<2x2048xi32, #tpu.memory_space<vmem>>, vector<16xi32>,
      %bitcast3A_159 = vector.bitcast %get3A_158 : vector<16xi32> to vector<16xi32>
      %lt3A_160 = arith.constant 100352 : i32
      %lt3A_161 = vector.broadcast %lt3A_160 : i32 to vector<16xi32>
      %lt3A_162 = arith.cmpi ult, %bitcast3A_159, %lt3A_161 : vector<16xi32>
      %select_n3A_163 = arith.select %lt3A_162, %get3A_158, %add3A_22 : vector<16xi1>, vector<16xi32>
      %swap3A_164 = arith.constant 16 : index
      %swap3A_165 = tpu.vector_load %arg8[%swap3A_164] {strides = array<i32>} : memref<128xi32, #tpu.memory_space<vmem>>, vector<16xi32>,
      tpu.vector_store %arg8[%swap3A_164], %select_n3A_163 {strides = array<i32>} : memref<128xi32, #tpu.memory_space<vmem>>, vector<16xi32>,
      %jit3A_166 = arith.constant 2 : i32
      %eq3A_167 = arith.constant 0 : i32
      %eq3A_168 = arith.cmpi eq, %jit3A_166, %eq3A_167 : i32
      %jit3A_169 = arith.constant 1 : i32
      %select_n3A_170 = arith.select %eq3A_168, %jit3A_169, %jit3A_166 : i32
      %rem3A_171 = arith.remsi %select_n3A_94, %select_n3A_170 : i32
      %ne3A_172 = arith.constant 0 : i32
      %ne3A_173 = arith.cmpi ne, %rem3A_171, %ne3A_172 : i32
      %lt3A_174 = arith.constant 0 : i32
      %lt3A_175 = arith.cmpi slt, %rem3A_171, %lt3A_174 : i32
      %lt3A_176 = arith.constant 0 : i32
      %lt3A_177 = arith.cmpi slt, %select_n3A_170, %lt3A_176 : i32
      %ne3A_178 = arith.xori %lt3A_175, %lt3A_177 : i1
      %and3A_179 = arith.andi %ne3A_178, %ne3A_173 : i1
      %add3A_180 = arith.addi %rem3A_171, %select_n3A_170 : i32
      %select_n3A_181 = arith.select %and3A_179, %add3A_180, %rem3A_171 : i32
      %add3A_182 = arith.constant 32 : i32
      %add3A_183 = arith.addi %mul3A_112, %add3A_182 : i32
      %get3A_184 = arith.index_cast %select_n3A_181 : i32 to index
      %get3A_185 = arith.index_cast %add3A_183 : i32 to index
      %get3A_186 = tpu.vector_load %arg7[%get3A_184, %get3A_185] {strides = array<i32>} : memref<2x2048xi32, #tpu.memory_space<vmem>>, vector<16xi32>,
      %bitcast3A_187 = vector.bitcast %get3A_186 : vector<16xi32> to vector<16xi32>
      %lt3A_188 = arith.constant 100352 : i32
      %lt3A_189 = vector.broadcast %lt3A_188 : i32 to vector<16xi32>
      %lt3A_190 = arith.cmpi ult, %bitcast3A_187, %lt3A_189 : vector<16xi32>
      %select_n3A_191 = arith.select %lt3A_190, %get3A_186, %add3A_22 : vector<16xi1>, vector<16xi32>
      %swap3A_192 = arith.constant 32 : index
      %swap3A_193 = tpu.vector_load %arg8[%swap3A_192] {strides = array<i32>} : memref<128xi32, #tpu.memory_space<vmem>>, vector<16xi32>,
      tpu.vector_store %arg8[%swap3A_192], %select_n3A_191 {strides = array<i32>} : memref<128xi32, #tpu.memory_space<vmem>>, vector<16xi32>,
      %jit3A_194 = arith.constant 2 : i32
      %eq3A_195 = arith.constant 0 : i32
      %eq3A_196 = arith.cmpi eq, %jit3A_194, %eq3A_195 : i32
      %jit3A_197 = arith.constant 1 : i32
      %select_n3A_198 = arith.select %eq3A_196, %jit3A_197, %jit3A_194 : i32
      %rem3A_199 = arith.remsi %select_n3A_94, %select_n3A_198 : i32
      %ne3A_200 = arith.constant 0 : i32
      %ne3A_201 = arith.cmpi ne, %rem3A_199, %ne3A_200 : i32
      %lt3A_202 = arith.constant 0 : i32
      %lt3A_203 = arith.cmpi slt, %rem3A_199, %lt3A_202 : i32
      %lt3A_204 = arith.constant 0 : i32
      %lt3A_205 = arith.cmpi slt, %select_n3A_198, %lt3A_204 : i32
      %ne3A_206 = arith.xori %lt3A_203, %lt3A_205 : i1
      %and3A_207 = arith.andi %ne3A_206, %ne3A_201 : i1
      %add3A_208 = arith.addi %rem3A_199, %select_n3A_198 : i32
      %select_n3A_209 = arith.select %and3A_207, %add3A_208, %rem3A_199 : i32
      %add3A_210 = arith.constant 48 : i32
      %add3A_211 = arith.addi %mul3A_112, %add3A_210 : i32
      %get3A_212 = arith.index_cast %select_n3A_209 : i32 to index
      %get3A_213 = arith.index_cast %add3A_211 : i32 to index
      %get3A_214 = tpu.vector_load %arg7[%get3A_212, %get3A_213] {strides = array<i32>} : memref<2x2048xi32, #tpu.memory_space<vmem>>, vector<16xi32>,
      %bitcast3A_215 = vector.bitcast %get3A_214 : vector<16xi32> to vector<16xi32>
      %lt3A_216 = arith.constant 100352 : i32
      %lt3A_217 = vector.broadcast %lt3A_216 : i32 to vector<16xi32>
      %lt3A_218 = arith.cmpi ult, %bitcast3A_215, %lt3A_217 : vector<16xi32>
      %select_n3A_219 = arith.select %lt3A_218, %get3A_214, %add3A_22 : vector<16xi1>, vector<16xi32>
      %swap3A_220 = arith.constant 48 : index
      %swap3A_221 = tpu.vector_load %arg8[%swap3A_220] {strides = array<i32>} : memref<128xi32, #tpu.memory_space<vmem>>, vector<16xi32>,
      tpu.vector_store %arg8[%swap3A_220], %select_n3A_219 {strides = array<i32>} : memref<128xi32, #tpu.memory_space<vmem>>, vector<16xi32>,
      %jit3A_222 = arith.constant 2 : i32
      %eq3A_223 = arith.constant 0 : i32
      %eq3A_224 = arith.cmpi eq, %jit3A_222, %eq3A_223 : i32
      %jit3A_225 = arith.constant 1 : i32
      %select_n3A_226 = arith.select %eq3A_224, %jit3A_225, %jit3A_222 : i32
      %rem3A_227 = arith.remsi %select_n3A_94, %select_n3A_226 : i32
      %ne3A_228 = arith.constant 0 : i32
      %ne3A_229 = arith.cmpi ne, %rem3A_227, %ne3A_228 : i32
      %lt3A_230 = arith.constant 0 : i32
      %lt3A_231 = arith.cmpi slt, %rem3A_227, %lt3A_230 : i32
      %lt3A_232 = arith.constant 0 : i32
      %lt3A_233 = arith.cmpi slt, %select_n3A_226, %lt3A_232 : i32
      %ne3A_234 = arith.xori %lt3A_231, %lt3A_233 : i1
      %and3A_235 = arith.andi %ne3A_234, %ne3A_229 : i1
      %add3A_236 = arith.addi %rem3A_227, %select_n3A_226 : i32
      %select_n3A_237 = arith.select %and3A_235, %add3A_236, %rem3A_227 : i32
      %add3A_238 = arith.constant 64 : i32
      %add3A_239 = arith.addi %mul3A_112, %add3A_238 : i32
      %get3A_240 = arith.index_cast %select_n3A_237 : i32 to index
      %get3A_241 = arith.index_cast %add3A_239 : i32 to index
      %get3A_242 = tpu.vector_load %arg7[%get3A_240, %get3A_241] {strides = array<i32>} : memref<2x2048xi32, #tpu.memory_space<vmem>>, vector<16xi32>,
      %bitcast3A_243 = vector.bitcast %get3A_242 : vector<16xi32> to vector<16xi32>
      %lt3A_244 = arith.constant 100352 : i32
      %lt3A_245 = vector.broadcast %lt3A_244 : i32 to vector<16xi32>
      %lt3A_246 = arith.cmpi ult, %bitcast3A_243, %lt3A_245 : vector<16xi32>
      %select_n3A_247 = arith.select %lt3A_246, %get3A_242, %add3A_22 : vector<16xi1>, vector<16xi32>
      %swap3A_248 = arith.constant 64 : index
      %swap3A_249 = tpu.vector_load %arg8[%swap3A_248] {strides = array<i32>} : memref<128xi32, #tpu.memory_space<vmem>>, vector<16xi32>,
      tpu.vector_store %arg8[%swap3A_248], %select_n3A_247 {strides = array<i32>} : memref<128xi32, #tpu.memory_space<vmem>>, vector<16xi32>,
      %jit3A_250 = arith.constant 2 : i32
      %eq3A_251 = arith.constant 0 : i32
      %eq3A_252 = arith.cmpi eq, %jit3A_250, %eq3A_251 : i32
      %jit3A_253 = arith.constant 1 : i32
      %select_n3A_254 = arith.select %eq3A_252, %jit3A_253, %jit3A_250 : i32
      %rem3A_255 = arith.remsi %select_n3A_94, %select_n3A_254 : i32
      %ne3A_256 = arith.constant 0 : i32
      %ne3A_257 = arith.cmpi ne, %rem3A_255, %ne3A_256 : i32
      %lt3A_258 = arith.constant 0 : i32
      %lt3A_259 = arith.cmpi slt, %rem3A_255, %lt3A_258 : i32
      %lt3A_260 = arith.constant 0 : i32
      %lt3A_261 = arith.cmpi slt, %select_n3A_254, %lt3A_260 : i32
      %ne3A_262 = arith.xori %lt3A_259, %lt3A_261 : i1
      %and3A_263 = arith.andi %ne3A_262, %ne3A_257 : i1
      %add3A_264 = arith.addi %rem3A_255, %select_n3A_254 : i32
      %select_n3A_265 = arith.select %and3A_263, %add3A_264, %rem3A_255 : i32
      %add3A_266 = arith.constant 80 : i32
      %add3A_267 = arith.addi %mul3A_112, %add3A_266 : i32
      %get3A_268 = arith.index_cast %select_n3A_265 : i32 to index
      %get3A_269 = arith.index_cast %add3A_267 : i32 to index
      %get3A_270 = tpu.vector_load %arg7[%get3A_268, %get3A_269] {strides = array<i32>} : memref<2x2048xi32, #tpu.memory_space<vmem>>, vector<16xi32>,
      %bitcast3A_271 = vector.bitcast %get3A_270 : vector<16xi32> to vector<16xi32>
      %lt3A_272 = arith.constant 100352 : i32
      %lt3A_273 = vector.broadcast %lt3A_272 : i32 to vector<16xi32>
      %lt3A_274 = arith.cmpi ult, %bitcast3A_271, %lt3A_273 : vector<16xi32>
      %select_n3A_275 = arith.select %lt3A_274, %get3A_270, %add3A_22 : vector<16xi1>, vector<16xi32>
      %swap3A_276 = arith.constant 80 : index
      %swap3A_277 = tpu.vector_load %arg8[%swap3A_276] {strides = array<i32>} : memref<128xi32, #tpu.memory_space<vmem>>, vector<16xi32>,
      tpu.vector_store %arg8[%swap3A_276], %select_n3A_275 {strides = array<i32>} : memref<128xi32, #tpu.memory_space<vmem>>, vector<16xi32>,
      %jit3A_278 = arith.constant 2 : i32
      %eq3A_279 = arith.constant 0 : i32
      %eq3A_280 = arith.cmpi eq, %jit3A_278, %eq3A_279 : i32
      %jit3A_281 = arith.constant 1 : i32
      %select_n3A_282 = arith.select %eq3A_280, %jit3A_281, %jit3A_278 : i32
      %rem3A_283 = arith.remsi %select_n3A_94, %select_n3A_282 : i32
      %ne3A_284 = arith.constant 0 : i32
      %ne3A_285 = arith.cmpi ne, %rem3A_283, %ne3A_284 : i32
      %lt3A_286 = arith.constant 0 : i32
      %lt3A_287 = arith.cmpi slt, %rem3A_283, %lt3A_286 : i32
      %lt3A_288 = arith.constant 0 : i32
      %lt3A_289 = arith.cmpi slt, %select_n3A_282, %lt3A_288 : i32
      %ne3A_290 = arith.xori %lt3A_287, %lt3A_289 : i1
      %and3A_291 = arith.andi %ne3A_290, %ne3A_285 : i1
      %add3A_292 = arith.addi %rem3A_283, %select_n3A_282 : i32
      %select_n3A_293 = arith.select %and3A_291, %add3A_292, %rem3A_283 : i32
      %add3A_294 = arith.constant 96 : i32
      %add3A_295 = arith.addi %mul3A_112, %add3A_294 : i32
      %get3A_296 = arith.index_cast %select_n3A_293 : i32 to index
      %get3A_297 = arith.index_cast %add3A_295 : i32 to index
      %get3A_298 = tpu.vector_load %arg7[%get3A_296, %get3A_297] {strides = array<i32>} : memref<2x2048xi32, #tpu.memory_space<vmem>>, vector<16xi32>,
      %bitcast3A_299 = vector.bitcast %get3A_298 : vector<16xi32> to vector<16xi32>
      %lt3A_300 = arith.constant 100352 : i32
      %lt3A_301 = vector.broadcast %lt3A_300 : i32 to vector<16xi32>
      %lt3A_302 = arith.cmpi ult, %bitcast3A_299, %lt3A_301 : vector<16xi32>
      %select_n3A_303 = arith.select %lt3A_302, %get3A_298, %add3A_22 : vector<16xi1>, vector<16xi32>
      %swap3A_304 = arith.constant 96 : index
      %swap3A_305 = tpu.vector_load %arg8[%swap3A_304] {strides = array<i32>} : memref<128xi32, #tpu.memory_space<vmem>>, vector<16xi32>,
      tpu.vector_store %arg8[%swap3A_304], %select_n3A_303 {strides = array<i32>} : memref<128xi32, #tpu.memory_space<vmem>>, vector<16xi32>,
      %jit3A_306 = arith.constant 2 : i32
      %eq3A_307 = arith.constant 0 : i32
      %eq3A_308 = arith.cmpi eq, %jit3A_306, %eq3A_307 : i32
      %jit3A_309 = arith.constant 1 : i32
      %select_n3A_310 = arith.select %eq3A_308, %jit3A_309, %jit3A_306 : i32
      %rem3A_311 = arith.remsi %select_n3A_94, %select_n3A_310 : i32
      %ne3A_312 = arith.constant 0 : i32
      %ne3A_313 = arith.cmpi ne, %rem3A_311, %ne3A_312 : i32
      %lt3A_314 = arith.constant 0 : i32
      %lt3A_315 = arith.cmpi slt, %rem3A_311, %lt3A_314 : i32
      %lt3A_316 = arith.constant 0 : i32
      %lt3A_317 = arith.cmpi slt, %select_n3A_310, %lt3A_316 : i32
      %ne3A_318 = arith.xori %lt3A_315, %lt3A_317 : i1
      %and3A_319 = arith.andi %ne3A_318, %ne3A_313 : i1
      %add3A_320 = arith.addi %rem3A_311, %select_n3A_310 : i32
      %select_n3A_321 = arith.select %and3A_319, %add3A_320, %rem3A_311 : i32
      %add3A_322 = arith.constant 112 : i32
      %add3A_323 = arith.addi %mul3A_112, %add3A_322 : i32
      %get3A_324 = arith.index_cast %select_n3A_321 : i32 to index
      %get3A_325 = arith.index_cast %add3A_323 : i32 to index
      %get3A_326 = tpu.vector_load %arg7[%get3A_324, %get3A_325] {strides = array<i32>} : memref<2x2048xi32, #tpu.memory_space<vmem>>, vector<16xi32>,
      %bitcast3A_327 = vector.bitcast %get3A_326 : vector<16xi32> to vector<16xi32>
      %lt3A_328 = arith.constant 100352 : i32
      %lt3A_329 = vector.broadcast %lt3A_328 : i32 to vector<16xi32>
      %lt3A_330 = arith.cmpi ult, %bitcast3A_327, %lt3A_329 : vector<16xi32>
      %select_n3A_331 = arith.select %lt3A_330, %get3A_326, %add3A_22 : vector<16xi1>, vector<16xi32>
      %swap3A_332 = arith.constant 112 : index
      %swap3A_333 = tpu.vector_load %arg8[%swap3A_332] {strides = array<i32>} : memref<128xi32, #tpu.memory_space<vmem>>, vector<16xi32>,
      tpu.vector_store %arg8[%swap3A_332], %select_n3A_331 {strides = array<i32>} : memref<128xi32, #tpu.memory_space<vmem>>, vector<16xi32>,
      %jit3A_334 = arith.constant 16 : i32
      %div3A_335 = arith.divsi %add3A_56, %jit3A_334 : i32
      %sign3A_336 = arith.constant 0 : i32
      %sign3A_337 = arith.cmpi sgt, %add3A_56, %sign3A_336 : i32
      %sign3A_338 = arith.extui %sign3A_337 : i1 to i32
      %sign3A_339 = arith.constant 0 : i32
      %sign3A_340 = arith.cmpi slt, %add3A_56, %sign3A_339 : i32
      %sign3A_341 = arith.extui %sign3A_340 : i1 to i32
      %sign3A_342 = arith.subi %sign3A_338, %sign3A_341 : i32
      %sign3A_343 = arith.constant 0 : i32
      %sign3A_344 = arith.cmpi sgt, %jit3A_334, %sign3A_343 : i32
      %sign3A_345 = arith.extui %sign3A_344 : i1 to i32
      %sign3A_346 = arith.constant 0 : i32
      %sign3A_347 = arith.cmpi slt, %jit3A_334, %sign3A_346 : i32
      %sign3A_348 = arith.extui %sign3A_347 : i1 to i32
      %sign3A_349 = arith.subi %sign3A_345, %sign3A_348 : i32
      %ne3A_350 = arith.cmpi ne, %sign3A_342, %sign3A_349 : i32
      %rem3A_351 = arith.remsi %add3A_56, %jit3A_334 : i32
      %ne3A_352 = arith.constant 0 : i32
      %ne3A_353 = arith.cmpi ne, %rem3A_351, %ne3A_352 : i32
      %and3A_354 = arith.andi %ne3A_350, %ne3A_353 : i1
      %sub3A_355 = arith.constant 1 : i32
      %sub3A_356 = arith.subi %div3A_335, %sub3A_355 : i32
      %select_n3A_357 = arith.select %and3A_354, %sub3A_356, %div3A_335 : i32
      %jit3A_358 = arith.constant 16 : i32
      %eq3A_359 = arith.constant 0 : i32
      %eq3A_360 = arith.cmpi eq, %jit3A_358, %eq3A_359 : i32
      %jit3A_361 = arith.constant 1 : i32
      %select_n3A_362 = arith.select %eq3A_360, %jit3A_361, %jit3A_358 : i32
      %rem3A_363 = arith.remsi %add3A_56, %select_n3A_362 : i32
      %ne3A_364 = arith.constant 0 : i32
      %ne3A_365 = arith.cmpi ne, %rem3A_363, %ne3A_364 : i32
      %lt3A_366 = arith.constant 0 : i32
      %lt3A_367 = arith.cmpi slt, %rem3A_363, %lt3A_366 : i32
      %lt3A_368 = arith.constant 0 : i32
      %lt3A_369 = arith.cmpi slt, %select_n3A_362, %lt3A_368 : i32
      %ne3A_370 = arith.xori %lt3A_367, %lt3A_369 : i1
      %and3A_371 = arith.andi %ne3A_370, %ne3A_365 : i1
      %add3A_372 = arith.addi %rem3A_363, %select_n3A_362 : i32
      %select_n3A_373 = arith.select %and3A_371, %add3A_372, %rem3A_363 : i32
      %mul3A_374 = arith.constant 128 : i32
      %mul3A_375 = arith.muli %select_n3A_373, %mul3A_374 : i32
      %jit3A_376 = arith.constant 2 : i32
      %eq3A_377 = arith.constant 0 : i32
      %eq3A_378 = arith.cmpi eq, %jit3A_376, %eq3A_377 : i32
      %jit3A_379 = arith.constant 1 : i32
      %select_n3A_380 = arith.select %eq3A_378, %jit3A_379, %jit3A_376 : i32
      %rem3A_381 = arith.remsi %select_n3A_357, %select_n3A_380 : i32
      %ne3A_382 = arith.constant 0 : i32
      %ne3A_383 = arith.cmpi ne, %rem3A_381, %ne3A_382 : i32
      %lt3A_384 = arith.constant 0 : i32
      %lt3A_385 = arith.cmpi slt, %rem3A_381, %lt3A_384 : i32
      %lt3A_386 = arith.constant 0 : i32
      %lt3A_387 = arith.cmpi slt, %select_n3A_380, %lt3A_386 : i32
      %ne3A_388 = arith.xori %lt3A_385, %lt3A_387 : i1
      %and3A_389 = arith.andi %ne3A_388, %ne3A_383 : i1
      %add3A_390 = arith.addi %rem3A_381, %select_n3A_380 : i32
      %select_n3A_391 = arith.select %and3A_389, %add3A_390, %rem3A_381 : i32
      %dma_start3A_392 = tpu.memref_slice %arg6[%select_n3A_391, %mul3A_375] : memref<2x2048xi32, #tpu.memory_space<vmem>> -> memref<1x128xi32, #tpu.memory_space<vmem>>
      %dma_start3A_393 = tpu.memref_squeeze %dma_start3A_392 : memref<1x128xi32, #tpu.memory_space<vmem>> -> memref<128xi32, #tpu.memory_space<vmem>>
      %dma_start3A_394 = arith.constant 0 : i32
      %dma_start3A_395 = arith.constant 0 : i32
      %dma_start3A_396 = tpu.memref_slice %arg2[%arg0, %dma_start3A_394, %dma_start3A_395] : memref<2x100352x16xf32, #tpu.memory_space<hbm>> -> memref<1x100352x16xf32, #tpu.memory_space<hbm>>
      %dma_start3A_397 = tpu.memref_squeeze %dma_start3A_396 : memref<1x100352x16xf32, #tpu.memory_space<hbm>> -> memref<100352x16xf32, #tpu.memory_space<hbm>>
      %dma_start3A_398 = arith.constant 0 : i32
      %dma_start3A_399 = arith.constant 0 : i32
      %dma_start3A_400 = tpu.memref_slice %dma_start3A_397[%dma_start3A_398, %dma_start3A_399] : memref<100352x16xf32, #tpu.memory_space<hbm>> -> memref<100352x16xf32, #tpu.memory_space<hbm>>
      tpu.enqueue_indirect_dma source(%dma_start3A_400 : memref<100352x16xf32, #tpu.memory_space<hbm>>) target(%arg10 : memref<128x16xf32, #tpu.memory_space<vmem>>) offsets(%dma_start3A_393 : memref<128xi32, #tpu.memory_space<vmem>>) semaphore(%arg13 : memref<!tpu.dma_semaphore, #tpu.memory_space<semaphore_mem>>)
      %jit3A_401 = arith.constant 16 : i32
      %div3A_402 = arith.divsi %mul3A_54, %jit3A_401 : i32
      %sign3A_403 = arith.constant 0 : i32
      %sign3A_404 = arith.cmpi sgt, %mul3A_54, %sign3A_403 : i32
      %sign3A_405 = arith.extui %sign3A_404 : i1 to i32
      %sign3A_406 = arith.constant 0 : i32
      %sign3A_407 = arith.cmpi slt, %mul3A_54, %sign3A_406 : i32
      %sign3A_408 = arith.extui %sign3A_407 : i1 to i32
      %sign3A_409 = arith.subi %sign3A_405, %sign3A_408 : i32
      %sign3A_410 = arith.constant 0 : i32
      %sign3A_411 = arith.cmpi sgt, %jit3A_401, %sign3A_410 : i32
      %sign3A_412 = arith.extui %sign3A_411 : i1 to i32
      %sign3A_413 = arith.constant 0 : i32
      %sign3A_414 = arith.cmpi slt, %jit3A_401, %sign3A_413 : i32
      %sign3A_415 = arith.extui %sign3A_414 : i1 to i32
      %sign3A_416 = arith.subi %sign3A_412, %sign3A_415 : i32
      %ne3A_417 = arith.cmpi ne, %sign3A_409, %sign3A_416 : i32
      %rem3A_418 = arith.remsi %mul3A_54, %jit3A_401 : i32
      %ne3A_419 = arith.constant 0 : i32
      %ne3A_420 = arith.cmpi ne, %rem3A_418, %ne3A_419 : i32
      %and3A_421 = arith.andi %ne3A_417, %ne3A_420 : i1
      %sub3A_422 = arith.constant 1 : i32
      %sub3A_423 = arith.subi %div3A_402, %sub3A_422 : i32
      %select_n3A_424 = arith.select %and3A_421, %sub3A_423, %div3A_402 : i32
      %jit3A_425 = arith.constant 2 : i32
      %eq3A_426 = arith.constant 0 : i32
      %eq3A_427 = arith.cmpi eq, %jit3A_425, %eq3A_426 : i32
      %jit3A_428 = arith.constant 1 : i32
      %select_n3A_429 = arith.select %eq3A_427, %jit3A_428, %jit3A_425 : i32
      %rem3A_430 = arith.remsi %select_n3A_424, %select_n3A_429 : i32
      %ne3A_431 = arith.constant 0 : i32
      %ne3A_432 = arith.cmpi ne, %rem3A_430, %ne3A_431 : i32
      %lt3A_433 = arith.constant 0 : i32
      %lt3A_434 = arith.cmpi slt, %rem3A_430, %lt3A_433 : i32
      %lt3A_435 = arith.constant 0 : i32
      %lt3A_436 = arith.cmpi slt, %select_n3A_429, %lt3A_435 : i32
      %ne3A_437 = arith.xori %lt3A_434, %lt3A_436 : i1
      %and3A_438 = arith.andi %ne3A_437, %ne3A_432 : i1
      %add3A_439 = arith.addi %rem3A_430, %select_n3A_429 : i32
      %select_n3A_440 = arith.select %and3A_438, %add3A_439, %rem3A_430 : i32
      %jit3A_441 = arith.constant 16 : i32
      %eq3A_442 = arith.constant 0 : i32
      %eq3A_443 = arith.cmpi eq, %jit3A_441, %eq3A_442 : i32
      %jit3A_444 = arith.constant 1 : i32
      %select_n3A_445 = arith.select %eq3A_443, %jit3A_444, %jit3A_441 : i32
      %rem3A_446 = arith.remsi %mul3A_54, %select_n3A_445 : i32
      %ne3A_447 = arith.constant 0 : i32
      %ne3A_448 = arith.cmpi ne, %rem3A_446, %ne3A_447 : i32
      %lt3A_449 = arith.constant 0 : i32
      %lt3A_450 = arith.cmpi slt, %rem3A_446, %lt3A_449 : i32
      %lt3A_451 = arith.constant 0 : i32
      %lt3A_452 = arith.cmpi slt, %select_n3A_445, %lt3A_451 : i32
      %ne3A_453 = arith.xori %lt3A_450, %lt3A_452 : i1
      %and3A_454 = arith.andi %ne3A_453, %ne3A_448 : i1
      %add3A_455 = arith.addi %rem3A_446, %select_n3A_445 : i32
      %select_n3A_456 = arith.select %and3A_454, %add3A_455, %rem3A_446 : i32
      %mul3A_457 = arith.constant 128 : i32
      %mul3A_458 = arith.muli %select_n3A_456, %mul3A_457 : i32
      %dma_wait3A = tpu.memref_slice %arg6[%select_n3A_440, %mul3A_458] : memref<2x2048xi32, #tpu.memory_space<vmem>> -> memref<1x128xi32, #tpu.memory_space<vmem>>
      %dma_wait3A_459 = tpu.memref_squeeze %dma_wait3A : memref<1x128xi32, #tpu.memory_space<vmem>> -> memref<128xi32, #tpu.memory_space<vmem>>
      %dma_wait3A_460 = arith.constant 0 : i32
      %dma_wait3A_461 = arith.constant 0 : i32
      %dma_wait3A_462 = tpu.memref_slice %arg2[%arg0, %dma_wait3A_460, %dma_wait3A_461] : memref<2x100352x16xf32, #tpu.memory_space<hbm>> -> memref<1x100352x16xf32, #tpu.memory_space<hbm>>
      %dma_wait3A_463 = tpu.memref_squeeze %dma_wait3A_462 : memref<1x100352x16xf32, #tpu.memory_space<hbm>> -> memref<100352x16xf32, #tpu.memory_space<hbm>>
      %dma_wait3A_464 = arith.constant 0 : i32
      %dma_wait3A_465 = arith.constant 0 : i32
      %dma_wait3A_466 = tpu.memref_slice %dma_wait3A_463[%dma_wait3A_464, %dma_wait3A_465] : memref<100352x16xf32, #tpu.memory_space<hbm>> -> memref<100352x16xf32, #tpu.memory_space<hbm>>
      tpu.wait_indirect_dma semaphore(%arg12 : memref<!tpu.dma_semaphore, #tpu.memory_space<semaphore_mem>>) src(%dma_wait3A_466 : memref<100352x16xf32, #tpu.memory_space<hbm>>) dst(%arg9 : memref<128x16xf32, #tpu.memory_space<vmem>>)
      "tpu.region"() ({
        %run_scoped3A_807 = tpu.sem_alloc : memref<!tpu.dma_semaphore, #tpu.memory_space<semaphore_mem>>
        %dma_start3A_808 = arith.constant 0 : i32
        %dma_start3A_809 = arith.constant 0 : i32
        %dma_start3A_810 = tpu.memref_slice %arg14[%dma_start3A_808, %dma_start3A_809] : memref<100480x16xf32, #tpu.memory_space<vmem_shared>> -> memref<100480x16xf32, #tpu.memory_space<vmem_shared>>
        tpu.enqueue_indirect_dma source(%arg9 : memref<128x16xf32, #tpu.memory_space<vmem>>) target(%dma_start3A_810 : memref<100480x16xf32, #tpu.memory_space<vmem_shared>>) offsets(%arg8 : memref<128xi32, #tpu.memory_space<vmem>>) semaphore(%run_scoped3A_807 : memref<!tpu.dma_semaphore, #tpu.memory_space<semaphore_mem>>) {add = true}
        %dma_wait3A_811 = arith.constant 0 : i32
        %dma_wait3A_812 = arith.constant 0 : i32
        %dma_wait3A_813 = tpu.memref_slice %arg14[%dma_wait3A_811, %dma_wait3A_812] : memref<100480x16xf32, #tpu.memory_space<vmem_shared>> -> memref<100480x16xf32, #tpu.memory_space<vmem_shared>>
        tpu.wait_indirect_dma semaphore(%run_scoped3A_807 : memref<!tpu.dma_semaphore, #tpu.memory_space<semaphore_mem>>) src(%arg9 : memref<128x16xf32, #tpu.memory_space<vmem>>) dst(%dma_wait3A_813 : memref<100480x16xf32, #tpu.memory_space<vmem_shared>>)
        tpu.yield
      }) : () -> ()
      %jit3A_467 = arith.constant 16 : i32
      %div3A_468 = arith.divsi %add3A_56, %jit3A_467 : i32
      %sign3A_469 = arith.constant 0 : i32
      %sign3A_470 = arith.cmpi sgt, %add3A_56, %sign3A_469 : i32
      %sign3A_471 = arith.extui %sign3A_470 : i1 to i32
      %sign3A_472 = arith.constant 0 : i32
      %sign3A_473 = arith.cmpi slt, %add3A_56, %sign3A_472 : i32
      %sign3A_474 = arith.extui %sign3A_473 : i1 to i32
      %sign3A_475 = arith.subi %sign3A_471, %sign3A_474 : i32
      %sign3A_476 = arith.constant 0 : i32
      %sign3A_477 = arith.cmpi sgt, %jit3A_467, %sign3A_476 : i32
      %sign3A_478 = arith.extui %sign3A_477 : i1 to i32
      %sign3A_479 = arith.constant 0 : i32
      %sign3A_480 = arith.cmpi slt, %jit3A_467, %sign3A_479 : i32
      %sign3A_481 = arith.extui %sign3A_480 : i1 to i32
      %sign3A_482 = arith.subi %sign3A_478, %sign3A_481 : i32
      %ne3A_483 = arith.cmpi ne, %sign3A_475, %sign3A_482 : i32
      %rem3A_484 = arith.remsi %add3A_56, %jit3A_467 : i32
      %ne3A_485 = arith.constant 0 : i32
      %ne3A_486 = arith.cmpi ne, %rem3A_484, %ne3A_485 : i32
      %and3A_487 = arith.andi %ne3A_483, %ne3A_486 : i1
      %sub3A_488 = arith.constant 1 : i32
      %sub3A_489 = arith.subi %div3A_468, %sub3A_488 : i32
      %select_n3A_490 = arith.select %and3A_487, %sub3A_489, %div3A_468 : i32
      %jit3A_491 = arith.constant 16 : i32
      %eq3A_492 = arith.constant 0 : i32
      %eq3A_493 = arith.cmpi eq, %jit3A_491, %eq3A_492 : i32
      %jit3A_494 = arith.constant 1 : i32
      %select_n3A_495 = arith.select %eq3A_493, %jit3A_494, %jit3A_491 : i32
      %rem3A_496 = arith.remsi %add3A_56, %select_n3A_495 : i32
      %ne3A_497 = arith.constant 0 : i32
      %ne3A_498 = arith.cmpi ne, %rem3A_496, %ne3A_497 : i32
      %lt3A_499 = arith.constant 0 : i32
      %lt3A_500 = arith.cmpi slt, %rem3A_496, %lt3A_499 : i32
      %lt3A_501 = arith.constant 0 : i32
      %lt3A_502 = arith.cmpi slt, %select_n3A_495, %lt3A_501 : i32
      %ne3A_503 = arith.xori %lt3A_500, %lt3A_502 : i1
      %and3A_504 = arith.andi %ne3A_503, %ne3A_498 : i1
      %add3A_505 = arith.addi %rem3A_496, %select_n3A_495 : i32
      %select_n3A_506 = arith.select %and3A_504, %add3A_505, %rem3A_496 : i32
      %mul3A_507 = arith.constant 128 : i32
      %mul3A_508 = arith.muli %select_n3A_506, %mul3A_507 : i32
      %jit3A_509 = arith.constant 2 : i32
      %eq3A_510 = arith.constant 0 : i32
      %eq3A_511 = arith.cmpi eq, %jit3A_509, %eq3A_510 : i32
      %jit3A_512 = arith.constant 1 : i32
      %select_n3A_513 = arith.select %eq3A_511, %jit3A_512, %jit3A_509 : i32
      %rem3A_514 = arith.remsi %select_n3A_490, %select_n3A_513 : i32
      %ne3A_515 = arith.constant 0 : i32
      %ne3A_516 = arith.cmpi ne, %rem3A_514, %ne3A_515 : i32
      %lt3A_517 = arith.constant 0 : i32
      %lt3A_518 = arith.cmpi slt, %rem3A_514, %lt3A_517 : i32
      %lt3A_519 = arith.constant 0 : i32
      %lt3A_520 = arith.cmpi slt, %select_n3A_513, %lt3A_519 : i32
      %ne3A_521 = arith.xori %lt3A_518, %lt3A_520 : i1
      %and3A_522 = arith.andi %ne3A_521, %ne3A_516 : i1
      %add3A_523 = arith.addi %rem3A_514, %select_n3A_513 : i32
      %select_n3A_524 = arith.select %and3A_522, %add3A_523, %rem3A_514 : i32
      %add3A_525 = arith.constant 0 : i32
      %add3A_526 = arith.addi %mul3A_508, %add3A_525 : i32
      %get3A_527 = arith.index_cast %select_n3A_524 : i32 to index
      %get3A_528 = arith.index_cast %add3A_526 : i32 to index
      %get3A_529 = tpu.vector_load %arg7[%get3A_527, %get3A_528] {strides = array<i32>} : memref<2x2048xi32, #tpu.memory_space<vmem>>, vector<16xi32>,
      %bitcast3A_530 = vector.bitcast %get3A_529 : vector<16xi32> to vector<16xi32>
      %lt3A_531 = arith.constant 100352 : i32
      %lt3A_532 = vector.broadcast %lt3A_531 : i32 to vector<16xi32>
      %lt3A_533 = arith.cmpi ult, %bitcast3A_530, %lt3A_532 : vector<16xi32>
      %select_n3A_534 = arith.select %lt3A_533, %get3A_529, %add3A_22 : vector<16xi1>, vector<16xi32>
      %swap3A_535 = arith.constant 0 : index
      %swap3A_536 = tpu.vector_load %arg8[%swap3A_535] {strides = array<i32>} : memref<128xi32, #tpu.memory_space<vmem>>, vector<16xi32>,
      tpu.vector_store %arg8[%swap3A_535], %select_n3A_534 {strides = array<i32>} : memref<128xi32, #tpu.memory_space<vmem>>, vector<16xi32>,
      %jit3A_537 = arith.constant 2 : i32
      %eq3A_538 = arith.constant 0 : i32
      %eq3A_539 = arith.cmpi eq, %jit3A_537, %eq3A_538 : i32
      %jit3A_540 = arith.constant 1 : i32
      %select_n3A_541 = arith.select %eq3A_539, %jit3A_540, %jit3A_537 : i32
      %rem3A_542 = arith.remsi %select_n3A_490, %select_n3A_541 : i32
      %ne3A_543 = arith.constant 0 : i32
      %ne3A_544 = arith.cmpi ne, %rem3A_542, %ne3A_543 : i32
      %lt3A_545 = arith.constant 0 : i32
      %lt3A_546 = arith.cmpi slt, %rem3A_542, %lt3A_545 : i32
      %lt3A_547 = arith.constant 0 : i32
      %lt3A_548 = arith.cmpi slt, %select_n3A_541, %lt3A_547 : i32
      %ne3A_549 = arith.xori %lt3A_546, %lt3A_548 : i1
      %and3A_550 = arith.andi %ne3A_549, %ne3A_544 : i1
      %add3A_551 = arith.addi %rem3A_542, %select_n3A_541 : i32
      %select_n3A_552 = arith.select %and3A_550, %add3A_551, %rem3A_542 : i32
      %add3A_553 = arith.constant 16 : i32
      %add3A_554 = arith.addi %mul3A_508, %add3A_553 : i32
      %get3A_555 = arith.index_cast %select_n3A_552 : i32 to index
      %get3A_556 = arith.index_cast %add3A_554 : i32 to index
      %get3A_557 = tpu.vector_load %arg7[%get3A_555, %get3A_556] {strides = array<i32>} : memref<2x2048xi32, #tpu.memory_space<vmem>>, vector<16xi32>,
      %bitcast3A_558 = vector.bitcast %get3A_557 : vector<16xi32> to vector<16xi32>
      %lt3A_559 = arith.constant 100352 : i32
      %lt3A_560 = vector.broadcast %lt3A_559 : i32 to vector<16xi32>
      %lt3A_561 = arith.cmpi ult, %bitcast3A_558, %lt3A_560 : vector<16xi32>
      %select_n3A_562 = arith.select %lt3A_561, %get3A_557, %add3A_22 : vector<16xi1>, vector<16xi32>
      %swap3A_563 = arith.constant 16 : index
      %swap3A_564 = tpu.vector_load %arg8[%swap3A_563] {strides = array<i32>} : memref<128xi32, #tpu.memory_space<vmem>>, vector<16xi32>,
      tpu.vector_store %arg8[%swap3A_563], %select_n3A_562 {strides = array<i32>} : memref<128xi32, #tpu.memory_space<vmem>>, vector<16xi32>,
      %jit3A_565 = arith.constant 2 : i32
      %eq3A_566 = arith.constant 0 : i32
      %eq3A_567 = arith.cmpi eq, %jit3A_565, %eq3A_566 : i32
      %jit3A_568 = arith.constant 1 : i32
      %select_n3A_569 = arith.select %eq3A_567, %jit3A_568, %jit3A_565 : i32
      %rem3A_570 = arith.remsi %select_n3A_490, %select_n3A_569 : i32
      %ne3A_571 = arith.constant 0 : i32
      %ne3A_572 = arith.cmpi ne, %rem3A_570, %ne3A_571 : i32
      %lt3A_573 = arith.constant 0 : i32
      %lt3A_574 = arith.cmpi slt, %rem3A_570, %lt3A_573 : i32
      %lt3A_575 = arith.constant 0 : i32
      %lt3A_576 = arith.cmpi slt, %select_n3A_569, %lt3A_575 : i32
      %ne3A_577 = arith.xori %lt3A_574, %lt3A_576 : i1
      %and3A_578 = arith.andi %ne3A_577, %ne3A_572 : i1
      %add3A_579 = arith.addi %rem3A_570, %select_n3A_569 : i32
      %select_n3A_580 = arith.select %and3A_578, %add3A_579, %rem3A_570 : i32
      %add3A_581 = arith.constant 32 : i32
      %add3A_582 = arith.addi %mul3A_508, %add3A_581 : i32
      %get3A_583 = arith.index_cast %select_n3A_580 : i32 to index
      %get3A_584 = arith.index_cast %add3A_582 : i32 to index
      %get3A_585 = tpu.vector_load %arg7[%get3A_583, %get3A_584] {strides = array<i32>} : memref<2x2048xi32, #tpu.memory_space<vmem>>, vector<16xi32>,
      %bitcast3A_586 = vector.bitcast %get3A_585 : vector<16xi32> to vector<16xi32>
      %lt3A_587 = arith.constant 100352 : i32
      %lt3A_588 = vector.broadcast %lt3A_587 : i32 to vector<16xi32>
      %lt3A_589 = arith.cmpi ult, %bitcast3A_586, %lt3A_588 : vector<16xi32>
      %select_n3A_590 = arith.select %lt3A_589, %get3A_585, %add3A_22 : vector<16xi1>, vector<16xi32>
      %swap3A_591 = arith.constant 32 : index
      %swap3A_592 = tpu.vector_load %arg8[%swap3A_591] {strides = array<i32>} : memref<128xi32, #tpu.memory_space<vmem>>, vector<16xi32>,
      tpu.vector_store %arg8[%swap3A_591], %select_n3A_590 {strides = array<i32>} : memref<128xi32, #tpu.memory_space<vmem>>, vector<16xi32>,
      %jit3A_593 = arith.constant 2 : i32
      %eq3A_594 = arith.constant 0 : i32
      %eq3A_595 = arith.cmpi eq, %jit3A_593, %eq3A_594 : i32
      %jit3A_596 = arith.constant 1 : i32
      %select_n3A_597 = arith.select %eq3A_595, %jit3A_596, %jit3A_593 : i32
      %rem3A_598 = arith.remsi %select_n3A_490, %select_n3A_597 : i32
      %ne3A_599 = arith.constant 0 : i32
      %ne3A_600 = arith.cmpi ne, %rem3A_598, %ne3A_599 : i32
      %lt3A_601 = arith.constant 0 : i32
      %lt3A_602 = arith.cmpi slt, %rem3A_598, %lt3A_601 : i32
      %lt3A_603 = arith.constant 0 : i32
      %lt3A_604 = arith.cmpi slt, %select_n3A_597, %lt3A_603 : i32
      %ne3A_605 = arith.xori %lt3A_602, %lt3A_604 : i1
      %and3A_606 = arith.andi %ne3A_605, %ne3A_600 : i1
      %add3A_607 = arith.addi %rem3A_598, %select_n3A_597 : i32
      %select_n3A_608 = arith.select %and3A_606, %add3A_607, %rem3A_598 : i32
      %add3A_609 = arith.constant 48 : i32
      %add3A_610 = arith.addi %mul3A_508, %add3A_609 : i32
      %get3A_611 = arith.index_cast %select_n3A_608 : i32 to index
      %get3A_612 = arith.index_cast %add3A_610 : i32 to index
      %get3A_613 = tpu.vector_load %arg7[%get3A_611, %get3A_612] {strides = array<i32>} : memref<2x2048xi32, #tpu.memory_space<vmem>>, vector<16xi32>,
      %bitcast3A_614 = vector.bitcast %get3A_613 : vector<16xi32> to vector<16xi32>
      %lt3A_615 = arith.constant 100352 : i32
      %lt3A_616 = vector.broadcast %lt3A_615 : i32 to vector<16xi32>
      %lt3A_617 = arith.cmpi ult, %bitcast3A_614, %lt3A_616 : vector<16xi32>
      %select_n3A_618 = arith.select %lt3A_617, %get3A_613, %add3A_22 : vector<16xi1>, vector<16xi32>
      %swap3A_619 = arith.constant 48 : index
      %swap3A_620 = tpu.vector_load %arg8[%swap3A_619] {strides = array<i32>} : memref<128xi32, #tpu.memory_space<vmem>>, vector<16xi32>,
      tpu.vector_store %arg8[%swap3A_619], %select_n3A_618 {strides = array<i32>} : memref<128xi32, #tpu.memory_space<vmem>>, vector<16xi32>,
      %jit3A_621 = arith.constant 2 : i32
      %eq3A_622 = arith.constant 0 : i32
      %eq3A_623 = arith.cmpi eq, %jit3A_621, %eq3A_622 : i32
      %jit3A_624 = arith.constant 1 : i32
      %select_n3A_625 = arith.select %eq3A_623, %jit3A_624, %jit3A_621 : i32
      %rem3A_626 = arith.remsi %select_n3A_490, %select_n3A_625 : i32
      %ne3A_627 = arith.constant 0 : i32
      %ne3A_628 = arith.cmpi ne, %rem3A_626, %ne3A_627 : i32
      %lt3A_629 = arith.constant 0 : i32
      %lt3A_630 = arith.cmpi slt, %rem3A_626, %lt3A_629 : i32
      %lt3A_631 = arith.constant 0 : i32
      %lt3A_632 = arith.cmpi slt, %select_n3A_625, %lt3A_631 : i32
      %ne3A_633 = arith.xori %lt3A_630, %lt3A_632 : i1
      %and3A_634 = arith.andi %ne3A_633, %ne3A_628 : i1
      %add3A_635 = arith.addi %rem3A_626, %select_n3A_625 : i32
      %select_n3A_636 = arith.select %and3A_634, %add3A_635, %rem3A_626 : i32
      %add3A_637 = arith.constant 64 : i32
      %add3A_638 = arith.addi %mul3A_508, %add3A_637 : i32
      %get3A_639 = arith.index_cast %select_n3A_636 : i32 to index
      %get3A_640 = arith.index_cast %add3A_638 : i32 to index
      %get3A_641 = tpu.vector_load %arg7[%get3A_639, %get3A_640] {strides = array<i32>} : memref<2x2048xi32, #tpu.memory_space<vmem>>, vector<16xi32>,
      %bitcast3A_642 = vector.bitcast %get3A_641 : vector<16xi32> to vector<16xi32>
      %lt3A_643 = arith.constant 100352 : i32
      %lt3A_644 = vector.broadcast %lt3A_643 : i32 to vector<16xi32>
      %lt3A_645 = arith.cmpi ult, %bitcast3A_642, %lt3A_644 : vector<16xi32>
      %select_n3A_646 = arith.select %lt3A_645, %get3A_641, %add3A_22 : vector<16xi1>, vector<16xi32>
      %swap3A_647 = arith.constant 64 : index
      %swap3A_648 = tpu.vector_load %arg8[%swap3A_647] {strides = array<i32>} : memref<128xi32, #tpu.memory_space<vmem>>, vector<16xi32>,
      tpu.vector_store %arg8[%swap3A_647], %select_n3A_646 {strides = array<i32>} : memref<128xi32, #tpu.memory_space<vmem>>, vector<16xi32>,
      %jit3A_649 = arith.constant 2 : i32
      %eq3A_650 = arith.constant 0 : i32
      %eq3A_651 = arith.cmpi eq, %jit3A_649, %eq3A_650 : i32
      %jit3A_652 = arith.constant 1 : i32
      %select_n3A_653 = arith.select %eq3A_651, %jit3A_652, %jit3A_649 : i32
      %rem3A_654 = arith.remsi %select_n3A_490, %select_n3A_653 : i32
      %ne3A_655 = arith.constant 0 : i32
      %ne3A_656 = arith.cmpi ne, %rem3A_654, %ne3A_655 : i32
      %lt3A_657 = arith.constant 0 : i32
      %lt3A_658 = arith.cmpi slt, %rem3A_654, %lt3A_657 : i32
      %lt3A_659 = arith.constant 0 : i32
      %lt3A_660 = arith.cmpi slt, %select_n3A_653, %lt3A_659 : i32
      %ne3A_661 = arith.xori %lt3A_658, %lt3A_660 : i1
      %and3A_662 = arith.andi %ne3A_661, %ne3A_656 : i1
      %add3A_663 = arith.addi %rem3A_654, %select_n3A_653 : i32
      %select_n3A_664 = arith.select %and3A_662, %add3A_663, %rem3A_654 : i32
      %add3A_665 = arith.constant 80 : i32
      %add3A_666 = arith.addi %mul3A_508, %add3A_665 : i32
      %get3A_667 = arith.index_cast %select_n3A_664 : i32 to index
      %get3A_668 = arith.index_cast %add3A_666 : i32 to index
      %get3A_669 = tpu.vector_load %arg7[%get3A_667, %get3A_668] {strides = array<i32>} : memref<2x2048xi32, #tpu.memory_space<vmem>>, vector<16xi32>,
      %bitcast3A_670 = vector.bitcast %get3A_669 : vector<16xi32> to vector<16xi32>
      %lt3A_671 = arith.constant 100352 : i32
      %lt3A_672 = vector.broadcast %lt3A_671 : i32 to vector<16xi32>
      %lt3A_673 = arith.cmpi ult, %bitcast3A_670, %lt3A_672 : vector<16xi32>
      %select_n3A_674 = arith.select %lt3A_673, %get3A_669, %add3A_22 : vector<16xi1>, vector<16xi32>
      %swap3A_675 = arith.constant 80 : index
      %swap3A_676 = tpu.vector_load %arg8[%swap3A_675] {strides = array<i32>} : memref<128xi32, #tpu.memory_space<vmem>>, vector<16xi32>,
      tpu.vector_store %arg8[%swap3A_675], %select_n3A_674 {strides = array<i32>} : memref<128xi32, #tpu.memory_space<vmem>>, vector<16xi32>,
      %jit3A_677 = arith.constant 2 : i32
      %eq3A_678 = arith.constant 0 : i32
      %eq3A_679 = arith.cmpi eq, %jit3A_677, %eq3A_678 : i32
      %jit3A_680 = arith.constant 1 : i32
      %select_n3A_681 = arith.select %eq3A_679, %jit3A_680, %jit3A_677 : i32
      %rem3A_682 = arith.remsi %select_n3A_490, %select_n3A_681 : i32
      %ne3A_683 = arith.constant 0 : i32
      %ne3A_684 = arith.cmpi ne, %rem3A_682, %ne3A_683 : i32
      %lt3A_685 = arith.constant 0 : i32
      %lt3A_686 = arith.cmpi slt, %rem3A_682, %lt3A_685 : i32
      %lt3A_687 = arith.constant 0 : i32
      %lt3A_688 = arith.cmpi slt, %select_n3A_681, %lt3A_687 : i32
      %ne3A_689 = arith.xori %lt3A_686, %lt3A_688 : i1
      %and3A_690 = arith.andi %ne3A_689, %ne3A_684 : i1
      %add3A_691 = arith.addi %rem3A_682, %select_n3A_681 : i32
      %select_n3A_692 = arith.select %and3A_690, %add3A_691, %rem3A_682 : i32
      %add3A_693 = arith.constant 96 : i32
      %add3A_694 = arith.addi %mul3A_508, %add3A_693 : i32
      %get3A_695 = arith.index_cast %select_n3A_692 : i32 to index
      %get3A_696 = arith.index_cast %add3A_694 : i32 to index
      %get3A_697 = tpu.vector_load %arg7[%get3A_695, %get3A_696] {strides = array<i32>} : memref<2x2048xi32, #tpu.memory_space<vmem>>, vector<16xi32>,
      %bitcast3A_698 = vector.bitcast %get3A_697 : vector<16xi32> to vector<16xi32>
      %lt3A_699 = arith.constant 100352 : i32
      %lt3A_700 = vector.broadcast %lt3A_699 : i32 to vector<16xi32>
      %lt3A_701 = arith.cmpi ult, %bitcast3A_698, %lt3A_700 : vector<16xi32>
      %select_n3A_702 = arith.select %lt3A_701, %get3A_697, %add3A_22 : vector<16xi1>, vector<16xi32>
      %swap3A_703 = arith.constant 96 : index
      %swap3A_704 = tpu.vector_load %arg8[%swap3A_703] {strides = array<i32>} : memref<128xi32, #tpu.memory_space<vmem>>, vector<16xi32>,
      tpu.vector_store %arg8[%swap3A_703], %select_n3A_702 {strides = array<i32>} : memref<128xi32, #tpu.memory_space<vmem>>, vector<16xi32>,
      %jit3A_705 = arith.constant 2 : i32
      %eq3A_706 = arith.constant 0 : i32
      %eq3A_707 = arith.cmpi eq, %jit3A_705, %eq3A_706 : i32
      %jit3A_708 = arith.constant 1 : i32
      %select_n3A_709 = arith.select %eq3A_707, %jit3A_708, %jit3A_705 : i32
      %rem3A_710 = arith.remsi %select_n3A_490, %select_n3A_709 : i32
      %ne3A_711 = arith.constant 0 : i32
      %ne3A_712 = arith.cmpi ne, %rem3A_710, %ne3A_711 : i32
      %lt3A_713 = arith.constant 0 : i32
      %lt3A_714 = arith.cmpi slt, %rem3A_710, %lt3A_713 : i32
      %lt3A_715 = arith.constant 0 : i32
      %lt3A_716 = arith.cmpi slt, %select_n3A_709, %lt3A_715 : i32
      %ne3A_717 = arith.xori %lt3A_714, %lt3A_716 : i1
      %and3A_718 = arith.andi %ne3A_717, %ne3A_712 : i1
      %add3A_719 = arith.addi %rem3A_710, %select_n3A_709 : i32
      %select_n3A_720 = arith.select %and3A_718, %add3A_719, %rem3A_710 : i32
      %add3A_721 = arith.constant 112 : i32
      %add3A_722 = arith.addi %mul3A_508, %add3A_721 : i32
      %get3A_723 = arith.index_cast %select_n3A_720 : i32 to index
      %get3A_724 = arith.index_cast %add3A_722 : i32 to index
      %get3A_725 = tpu.vector_load %arg7[%get3A_723, %get3A_724] {strides = array<i32>} : memref<2x2048xi32, #tpu.memory_space<vmem>>, vector<16xi32>,
      %bitcast3A_726 = vector.bitcast %get3A_725 : vector<16xi32> to vector<16xi32>
      %lt3A_727 = arith.constant 100352 : i32
      %lt3A_728 = vector.broadcast %lt3A_727 : i32 to vector<16xi32>
      %lt3A_729 = arith.cmpi ult, %bitcast3A_726, %lt3A_728 : vector<16xi32>
      %select_n3A_730 = arith.select %lt3A_729, %get3A_725, %add3A_22 : vector<16xi1>, vector<16xi32>
      %swap3A_731 = arith.constant 112 : index
      %swap3A_732 = tpu.vector_load %arg8[%swap3A_731] {strides = array<i32>} : memref<128xi32, #tpu.memory_space<vmem>>, vector<16xi32>,
      tpu.vector_store %arg8[%swap3A_731], %select_n3A_730 {strides = array<i32>} : memref<128xi32, #tpu.memory_space<vmem>>, vector<16xi32>,
      %add3A_733 = arith.constant 1 : i32
      %add3A_734 = arith.addi %add3A_52, %add3A_733 : i32
      %lt3A_735 = arith.constant 392 : i32
      %lt3A_736 = arith.cmpi slt, %add3A_734, %lt3A_735 : i32
      %convert_element_type3A_737 = arith.extui %lt3A_736 : i1 to i32
      %cond3A_738 = arith.constant 0 : i32
      %cond3A_739 = arith.cmpi ne, %convert_element_type3A_737, %cond3A_738 : i32
      scf.if %cond3A_739 {
        %add3A_807 = arith.constant 2 : i32
        %add3A_808 = arith.addi %mul3A_54, %add3A_807 : i32
        %jit3A_809 = arith.constant 16 : i32
        %div3A_810 = arith.divsi %add3A_808, %jit3A_809 : i32
        %sign3A_811 = arith.constant 0 : i32
        %sign3A_812 = arith.cmpi sgt, %add3A_808, %sign3A_811 : i32
        %sign3A_813 = arith.extui %sign3A_812 : i1 to i32
        %sign3A_814 = arith.constant 0 : i32
        %sign3A_815 = arith.cmpi slt, %add3A_808, %sign3A_814 : i32
        %sign3A_816 = arith.extui %sign3A_815 : i1 to i32
        %sign3A_817 = arith.subi %sign3A_813, %sign3A_816 : i32
        %sign3A_818 = arith.constant 0 : i32
        %sign3A_819 = arith.cmpi sgt, %jit3A_809, %sign3A_818 : i32
        %sign3A_820 = arith.extui %sign3A_819 : i1 to i32
        %sign3A_821 = arith.constant 0 : i32
        %sign3A_822 = arith.cmpi slt, %jit3A_809, %sign3A_821 : i32
        %sign3A_823 = arith.extui %sign3A_822 : i1 to i32
        %sign3A_824 = arith.subi %sign3A_820, %sign3A_823 : i32
        %ne3A_825 = arith.cmpi ne, %sign3A_817, %sign3A_824 : i32
        %rem3A_826 = arith.remsi %add3A_808, %jit3A_809 : i32
        %ne3A_827 = arith.constant 0 : i32
        %ne3A_828 = arith.cmpi ne, %rem3A_826, %ne3A_827 : i32
        %and3A_829 = arith.andi %ne3A_825, %ne3A_828 : i1
        %sub3A_830 = arith.constant 1 : i32
        %sub3A_831 = arith.subi %div3A_810, %sub3A_830 : i32
        %select_n3A_832 = arith.select %and3A_829, %sub3A_831, %div3A_810 : i32
        %jit3A_833 = arith.constant 16 : i32
        %eq3A_834 = arith.constant 0 : i32
        %eq3A_835 = arith.cmpi eq, %jit3A_833, %eq3A_834 : i32
        %jit3A_836 = arith.constant 1 : i32
        %select_n3A_837 = arith.select %eq3A_835, %jit3A_836, %jit3A_833 : i32
        %rem3A_838 = arith.remsi %add3A_808, %select_n3A_837 : i32
        %ne3A_839 = arith.constant 0 : i32
        %ne3A_840 = arith.cmpi ne, %rem3A_838, %ne3A_839 : i32
        %lt3A_841 = arith.constant 0 : i32
        %lt3A_842 = arith.cmpi slt, %rem3A_838, %lt3A_841 : i32
        %lt3A_843 = arith.constant 0 : i32
        %lt3A_844 = arith.cmpi slt, %select_n3A_837, %lt3A_843 : i32
        %ne3A_845 = arith.xori %lt3A_842, %lt3A_844 : i1
        %and3A_846 = arith.andi %ne3A_845, %ne3A_840 : i1
        %add3A_847 = arith.addi %rem3A_838, %select_n3A_837 : i32
        %select_n3A_848 = arith.select %and3A_846, %add3A_847, %rem3A_838 : i32
        %mul3A_849 = arith.constant 128 : i32
        %mul3A_850 = arith.muli %select_n3A_848, %mul3A_849 : i32
        %jit3A_851 = arith.constant 2 : i32
        %eq3A_852 = arith.constant 0 : i32
        %eq3A_853 = arith.cmpi eq, %jit3A_851, %eq3A_852 : i32
        %jit3A_854 = arith.constant 1 : i32
        %select_n3A_855 = arith.select %eq3A_853, %jit3A_854, %jit3A_851 : i32
        %rem3A_856 = arith.remsi %select_n3A_832, %select_n3A_855 : i32
        %ne3A_857 = arith.constant 0 : i32
        %ne3A_858 = arith.cmpi ne, %rem3A_856, %ne3A_857 : i32
        %lt3A_859 = arith.constant 0 : i32
        %lt3A_860 = arith.cmpi slt, %rem3A_856, %lt3A_859 : i32
        %lt3A_861 = arith.constant 0 : i32
        %lt3A_862 = arith.cmpi slt, %select_n3A_855, %lt3A_861 : i32
        %ne3A_863 = arith.xori %lt3A_860, %lt3A_862 : i1
        %and3A_864 = arith.andi %ne3A_863, %ne3A_858 : i1
        %add3A_865 = arith.addi %rem3A_856, %select_n3A_855 : i32
        %select_n3A_866 = arith.select %and3A_864, %add3A_865, %rem3A_856 : i32
        %dma_start3A_867 = tpu.memref_slice %arg6[%select_n3A_866, %mul3A_850] : memref<2x2048xi32, #tpu.memory_space<vmem>> -> memref<1x128xi32, #tpu.memory_space<vmem>>
        %dma_start3A_868 = tpu.memref_squeeze %dma_start3A_867 : memref<1x128xi32, #tpu.memory_space<vmem>> -> memref<128xi32, #tpu.memory_space<vmem>>
        %dma_start3A_869 = arith.constant 0 : i32
        %dma_start3A_870 = arith.constant 0 : i32
        %dma_start3A_871 = tpu.memref_slice %arg2[%arg0, %dma_start3A_869, %dma_start3A_870] : memref<2x100352x16xf32, #tpu.memory_space<hbm>> -> memref<1x100352x16xf32, #tpu.memory_space<hbm>>
        %dma_start3A_872 = tpu.memref_squeeze %dma_start3A_871 : memref<1x100352x16xf32, #tpu.memory_space<hbm>> -> memref<100352x16xf32, #tpu.memory_space<hbm>>
        %dma_start3A_873 = arith.constant 0 : i32
        %dma_start3A_874 = arith.constant 0 : i32
        %dma_start3A_875 = tpu.memref_slice %dma_start3A_872[%dma_start3A_873, %dma_start3A_874] : memref<100352x16xf32, #tpu.memory_space<hbm>> -> memref<100352x16xf32, #tpu.memory_space<hbm>>
        tpu.enqueue_indirect_dma source(%dma_start3A_875 : memref<100352x16xf32, #tpu.memory_space<hbm>>) target(%arg9 : memref<128x16xf32, #tpu.memory_space<vmem>>) offsets(%dma_start3A_868 : memref<128xi32, #tpu.memory_space<vmem>>) semaphore(%arg12 : memref<!tpu.dma_semaphore, #tpu.memory_space<semaphore_mem>>)
      } else {
      }
      %jit3A_740 = arith.constant 16 : i32
      %div3A_741 = arith.divsi %add3A_56, %jit3A_740 : i32
      %sign3A_742 = arith.constant 0 : i32
      %sign3A_743 = arith.cmpi sgt, %add3A_56, %sign3A_742 : i32
      %sign3A_744 = arith.extui %sign3A_743 : i1 to i32
      %sign3A_745 = arith.constant 0 : i32
      %sign3A_746 = arith.cmpi slt, %add3A_56, %sign3A_745 : i32
      %sign3A_747 = arith.extui %sign3A_746 : i1 to i32
      %sign3A_748 = arith.subi %sign3A_744, %sign3A_747 : i32
      %sign3A_749 = arith.constant 0 : i32
      %sign3A_750 = arith.cmpi sgt, %jit3A_740, %sign3A_749 : i32
      %sign3A_751 = arith.extui %sign3A_750 : i1 to i32
      %sign3A_752 = arith.constant 0 : i32
      %sign3A_753 = arith.cmpi slt, %jit3A_740, %sign3A_752 : i32
      %sign3A_754 = arith.extui %sign3A_753 : i1 to i32
      %sign3A_755 = arith.subi %sign3A_751, %sign3A_754 : i32
      %ne3A_756 = arith.cmpi ne, %sign3A_748, %sign3A_755 : i32
      %rem3A_757 = arith.remsi %add3A_56, %jit3A_740 : i32
      %ne3A_758 = arith.constant 0 : i32
      %ne3A_759 = arith.cmpi ne, %rem3A_757, %ne3A_758 : i32
      %and3A_760 = arith.andi %ne3A_756, %ne3A_759 : i1
      %sub3A_761 = arith.constant 1 : i32
      %sub3A_762 = arith.subi %div3A_741, %sub3A_761 : i32
      %select_n3A_763 = arith.select %and3A_760, %sub3A_762, %div3A_741 : i32
      %jit3A_764 = arith.constant 2 : i32
      %eq3A_765 = arith.constant 0 : i32
      %eq3A_766 = arith.cmpi eq, %jit3A_764, %eq3A_765 : i32
      %jit3A_767 = arith.constant 1 : i32
      %select_n3A_768 = arith.select %eq3A_766, %jit3A_767, %jit3A_764 : i32
      %rem3A_769 = arith.remsi %select_n3A_763, %select_n3A_768 : i32
      %ne3A_770 = arith.constant 0 : i32
      %ne3A_771 = arith.cmpi ne, %rem3A_769, %ne3A_770 : i32
      %lt3A_772 = arith.constant 0 : i32
      %lt3A_773 = arith.cmpi slt, %rem3A_769, %lt3A_772 : i32
      %lt3A_774 = arith.constant 0 : i32
      %lt3A_775 = arith.cmpi slt, %select_n3A_768, %lt3A_774 : i32
      %ne3A_776 = arith.xori %lt3A_773, %lt3A_775 : i1
      %and3A_777 = arith.andi %ne3A_776, %ne3A_771 : i1
      %add3A_778 = arith.addi %rem3A_769, %select_n3A_768 : i32
      %select_n3A_779 = arith.select %and3A_777, %add3A_778, %rem3A_769 : i32
      %jit3A_780 = arith.constant 16 : i32
      %eq3A_781 = arith.constant 0 : i32
      %eq3A_782 = arith.cmpi eq, %jit3A_780, %eq3A_781 : i32
      %jit3A_783 = arith.constant 1 : i32
      %select_n3A_784 = arith.select %eq3A_782, %jit3A_783, %jit3A_780 : i32
      %rem3A_785 = arith.remsi %add3A_56, %select_n3A_784 : i32
      %ne3A_786 = arith.constant 0 : i32
      %ne3A_787 = arith.cmpi ne, %rem3A_785, %ne3A_786 : i32
      %lt3A_788 = arith.constant 0 : i32
      %lt3A_789 = arith.cmpi slt, %rem3A_785, %lt3A_788 : i32
      %lt3A_790 = arith.constant 0 : i32
      %lt3A_791 = arith.cmpi slt, %select_n3A_784, %lt3A_790 : i32
      %ne3A_792 = arith.xori %lt3A_789, %lt3A_791 : i1
      %and3A_793 = arith.andi %ne3A_792, %ne3A_787 : i1
      %add3A_794 = arith.addi %rem3A_785, %select_n3A_784 : i32
      %select_n3A_795 = arith.select %and3A_793, %add3A_794, %rem3A_785 : i32
      %mul3A_796 = arith.constant 128 : i32
      %mul3A_797 = arith.muli %select_n3A_795, %mul3A_796 : i32
      %dma_wait3A_798 = tpu.memref_slice %arg6[%select_n3A_779, %mul3A_797] : memref<2x2048xi32, #tpu.memory_space<vmem>> -> memref<1x128xi32, #tpu.memory_space<vmem>>
      %dma_wait3A_799 = tpu.memref_squeeze %dma_wait3A_798 : memref<1x128xi32, #tpu.memory_space<vmem>> -> memref<128xi32, #tpu.memory_space<vmem>>
      %dma_wait3A_800 = arith.constant 0 : i32
      %dma_wait3A_801 = arith.constant 0 : i32
      %dma_wait3A_802 = tpu.memref_slice %arg2[%arg0, %dma_wait3A_800, %dma_wait3A_801] : memref<2x100352x16xf32, #tpu.memory_space<hbm>> -> memref<1x100352x16xf32, #tpu.memory_space<hbm>>
      %dma_wait3A_803 = tpu.memref_squeeze %dma_wait3A_802 : memref<1x100352x16xf32, #tpu.memory_space<hbm>> -> memref<100352x16xf32, #tpu.memory_space<hbm>>
      %dma_wait3A_804 = arith.constant 0 : i32
      %dma_wait3A_805 = arith.constant 0 : i32
      %dma_wait3A_806 = tpu.memref_slice %dma_wait3A_803[%dma_wait3A_804, %dma_wait3A_805] : memref<100352x16xf32, #tpu.memory_space<hbm>> -> memref<100352x16xf32, #tpu.memory_space<hbm>>
      tpu.wait_indirect_dma semaphore(%arg13 : memref<!tpu.dma_semaphore, #tpu.memory_space<semaphore_mem>>) src(%dma_wait3A_806 : memref<100352x16xf32, #tpu.memory_space<hbm>>) dst(%arg10 : memref<128x16xf32, #tpu.memory_space<vmem>>)
      "tpu.region"() ({
        %run_scoped3A_807 = tpu.sem_alloc : memref<!tpu.dma_semaphore, #tpu.memory_space<semaphore_mem>>
        %dma_start3A_808 = arith.constant 0 : i32
        %dma_start3A_809 = arith.constant 0 : i32
        %dma_start3A_810 = tpu.memref_slice %arg14[%dma_start3A_808, %dma_start3A_809] : memref<100480x16xf32, #tpu.memory_space<vmem_shared>> -> memref<100480x16xf32, #tpu.memory_space<vmem_shared>>
        tpu.enqueue_indirect_dma source(%arg10 : memref<128x16xf32, #tpu.memory_space<vmem>>) target(%dma_start3A_810 : memref<100480x16xf32, #tpu.memory_space<vmem_shared>>) offsets(%arg8 : memref<128xi32, #tpu.memory_space<vmem>>) semaphore(%run_scoped3A_807 : memref<!tpu.dma_semaphore, #tpu.memory_space<semaphore_mem>>) {add = true}
        %dma_wait3A_811 = arith.constant 0 : i32
        %dma_wait3A_812 = arith.constant 0 : i32
        %dma_wait3A_813 = tpu.memref_slice %arg14[%dma_wait3A_811, %dma_wait3A_812] : memref<100480x16xf32, #tpu.memory_space<vmem_shared>> -> memref<100480x16xf32, #tpu.memory_space<vmem_shared>>
        tpu.wait_indirect_dma semaphore(%run_scoped3A_807 : memref<!tpu.dma_semaphore, #tpu.memory_space<semaphore_mem>>) src(%arg10 : memref<128x16xf32, #tpu.memory_space<vmem>>) dst(%dma_wait3A_813 : memref<100480x16xf32, #tpu.memory_space<vmem_shared>>)
        tpu.yield
      }) : () -> ()
    }
    %scan3A_40 = arith.constant 392 : i32
    %barrier3A_41 = arith.constant 0 : index
    tpu.barrier barrier_id(%barrier3A_41)
    %mul3A_42 = arith.constant 6272 : i32
    %mul3A_43 = arith.muli %arg1, %mul3A_42 : i32
    %mul3A_44 = arith.constant 6272 : i32
    %mul3A_45 = arith.muli %arg1, %mul3A_44 : i32
    %mul3A_46 = arith.constant 16 : i32
    %mul3A_47 = arith.muli %arg0, %mul3A_46 : i32
    "tpu.region"() ({
      %run_scoped3A_48 = tpu.sem_alloc : memref<!tpu.dma_semaphore, #tpu.memory_space<semaphore_mem>>
      %dma_start3A_49 = tpu.memref_slice %arg5[%mul3A_45, %mul3A_47] : memref<100352x32xf32, #tpu.memory_space<hbm>> -> memref<6272x16xf32, #tpu.memory_space<hbm>>
      %dma_start3A_50 = arith.constant 0 : i32
      %dma_start3A_51 = tpu.memref_slice %arg14[%mul3A_43, %dma_start3A_50] : memref<100480x16xf32, #tpu.memory_space<vmem_shared>> -> memref<6272x16xf32, #tpu.memory_space<vmem_shared>>
      tpu.enqueue_dma source(%dma_start3A_51 : memref<6272x16xf32, #tpu.memory_space<vmem_shared>>) target(%dma_start3A_49 : memref<6272x16xf32, #tpu.memory_space<hbm>>) target_semaphore(%run_scoped3A_48 : memref<!tpu.dma_semaphore, #tpu.memory_space<semaphore_mem>>)
      %dma_wait3A = tpu.memref_slice %arg5[%mul3A_45, %mul3A_47] : memref<100352x32xf32, #tpu.memory_space<hbm>> -> memref<6272x16xf32, #tpu.memory_space<hbm>>
      %dma_wait3A_52 = arith.constant 0 : i32
      %dma_wait3A_53 = tpu.memref_slice %arg14[%mul3A_43, %dma_wait3A_52] : memref<100480x16xf32, #tpu.memory_space<vmem_shared>> -> memref<6272x16xf32, #tpu.memory_space<vmem_shared>>
      tpu.wait_dma2 semaphore(%run_scoped3A_48 : memref<!tpu.dma_semaphore, #tpu.memory_space<semaphore_mem>>) src(%dma_wait3A_53 : memref<6272x16xf32, #tpu.memory_space<vmem_shared>>) dst(%dma_wait3A : memref<6272x16xf32, #tpu.memory_space<hbm>>)
      tpu.yield
    }) : () -> ()
    return
  }
}

#map = affine_map<(d0, d1) -> (0, 0, 0)>
#map1 = affine_map<(d0, d1) -> (0)>
#map2 = affine_map<(d0, d1) -> (0, 0)>
module attributes {stable_mosaic.version = 14 : i64} {
  func.func @_agg_body(%arg0: i32, %arg1: i32, %arg2: memref<2x100352x16xf32, #tpu.memory_space<hbm>>, %arg3: memref<1605632xi32, #tpu.memory_space<hbm>>, %arg4: memref<1605632xi32, #tpu.memory_space<hbm>>, %arg5: memref<100352x32xf32, #tpu.memory_space<hbm>>, %arg6: memref<2x2048xi32, #tpu.memory_space<vmem>>, %arg7: memref<2x2048xi32, #tpu.memory_space<vmem>>, %arg8: memref<128xi32, #tpu.memory_space<vmem>>, %arg9: memref<128x16xf32, #tpu.memory_space<vmem>>, %arg10: memref<128x16xf32, #tpu.memory_space<vmem>>, %arg11: memref<128x16xf32, #tpu.memory_space<vmem>>, %arg12: memref<!tpu.dma_semaphore, #tpu.memory_space<semaphore_mem>>, %arg13: memref<!tpu.dma_semaphore, #tpu.memory_space<semaphore_mem>>, %arg14: memref<100480x16xf32, #tpu.memory_space<vmem_shared>>) attributes {dimension_semantics = [#tpu.dimension_semantics<core_parallel>, #tpu.dimension_semantics<subcore_parallel>], iteration_bounds = array<i64: 2, 16>, scalar_prefetch = 0 : i64, scratch_operands = 9 : i64, tpu.core_type = #tpu.core_type<sc_vector_subcore>, window_params = [{transform_indices = #map}, {transform_indices = #map1}, {transform_indices = #map1}, {transform_indices = #map2}]} {
    %iota3A = tpu.iota {dimensions = array<i32: 0>} : vector<16xi32>
    %broadcast_in_dim3A = arith.constant 0.000000e+00 : f32
    %broadcast_in_dim3A_0 = vector.broadcast %broadcast_in_dim3A : f32 to vector<16xf32>
    %scan3A = arith.constant 0 : i32
    %scan3A_1 = arith.constant 128 : i32
    %scan3A_2 = arith.addi %scan3A, %scan3A_1 : i32
    %scan3A_3 = arith.constant 1 : i32
    scf.for %scan3A_48 = %scan3A to %scan3A_2 step %scan3A_3  : i32 {
      %mul3A_49 = arith.constant 1 : i32
      %mul3A_50 = arith.muli %scan3A_48, %mul3A_49 : i32
      %add3A_51 = arith.constant 0 : i32
      %add3A_52 = arith.addi %add3A_51, %mul3A_50 : i32
      %swap3A = arith.index_cast %add3A_52 : i32 to index
      %swap3A_53 = arith.constant 0 : index
      %swap3A_54 = tpu.vector_load %arg11[%swap3A, %swap3A_53] {strides = array<i32>} : memref<128x16xf32, #tpu.memory_space<vmem>>, vector<16xf32>,
      tpu.vector_store %arg11[%swap3A, %swap3A_53], %broadcast_in_dim3A_0 {strides = array<i32>} : memref<128x16xf32, #tpu.memory_space<vmem>>, vector<16xf32>,
    }
    %scan3A_4 = arith.constant 128 : i32
    %sub3A = arith.constant 785 : i32
    %sub3A_5 = arith.subi %sub3A, %arg1 : i32
    %sub3A_6 = arith.constant 16 : i32
    %sub3A_7 = arith.constant 1 : i32
    %sub3A_8 = arith.subi %sub3A_6, %sub3A_7 : i32
    %add3A = arith.addi %sub3A_5, %sub3A_8 : i32
    %div3A = arith.constant 16 : i32
    %div3A_9 = arith.divsi %add3A, %div3A : i32
    %while3A = arith.constant 16 : i32
    %while3A_10 = arith.constant 0 : i32
    %while3A_11 = arith.subi %div3A_9, %while3A_10 : i32
    %while3A_12 = arith.addi %while3A_10, %while3A_11 : i32
    %while3A_13 = arith.constant 1 : i32
    %while3A_14 = arith.divsi %while3A_11, %while3A_13 : i32
    %while3A_15 = arith.muli %while3A_14, %while3A_13 : i32
    %while3A_16 = arith.addi %while3A_10, %while3A_15 : i32
    %while3A_17 = arith.constant 1 : i32
    scf.for %while3A_48 = %while3A_10 to %while3A_16 step %while3A_17  : i32 {
      %mul3A_49 = arith.muli %while3A_48, %while3A : i32
      %add3A_50 = arith.addi %arg1, %mul3A_49 : i32
      %mul3A_51 = arith.constant 128 : i32
      %mul3A_52 = arith.muli %add3A_50, %mul3A_51 : i32
      "tpu.region"() ({
        %run_scoped3A_53 = tpu.sem_alloc : memref<!tpu.dma_semaphore, #tpu.memory_space<semaphore_mem>>
        %dma_start3A_54 = arith.constant 0 : i32
        %dma_start3A_55 = tpu.memref_slice %arg14[%mul3A_52, %dma_start3A_54] : memref<100480x16xf32, #tpu.memory_space<vmem_shared>> -> memref<128x16xf32, #tpu.memory_space<vmem_shared>>
        %dma_start3A_56 = arith.constant 0 : i32
        %dma_start3A_57 = tpu.memref_slice %arg14[%mul3A_52, %dma_start3A_56] : memref<100480x16xf32, #tpu.memory_space<vmem_shared>> -> memref<128x16xf32, #tpu.memory_space<vmem_shared>>
        tpu.enqueue_dma source(%arg11 : memref<128x16xf32, #tpu.memory_space<vmem>>) target(%dma_start3A_57 : memref<128x16xf32, #tpu.memory_space<vmem_shared>>) target_semaphore(%run_scoped3A_53 : memref<!tpu.dma_semaphore, #tpu.memory_space<semaphore_mem>>)
        %dma_wait3A = arith.constant 0 : i32
        %dma_wait3A_58 = tpu.memref_slice %arg14[%mul3A_52, %dma_wait3A] : memref<100480x16xf32, #tpu.memory_space<vmem_shared>> -> memref<128x16xf32, #tpu.memory_space<vmem_shared>>
        %dma_wait3A_59 = arith.constant 0 : i32
        %dma_wait3A_60 = tpu.memref_slice %arg14[%mul3A_52, %dma_wait3A_59] : memref<100480x16xf32, #tpu.memory_space<vmem_shared>> -> memref<128x16xf32, #tpu.memory_space<vmem_shared>>
        tpu.wait_dma2 semaphore(%run_scoped3A_53 : memref<!tpu.dma_semaphore, #tpu.memory_space<semaphore_mem>>) src(%arg11 : memref<128x16xf32, #tpu.memory_space<vmem>>) dst(%dma_wait3A_60 : memref<128x16xf32, #tpu.memory_space<vmem_shared>>)
        tpu.yield
      }) : () -> ()
    }
    %while3A_18 = arith.constant 1 : i32
    scf.for %while3A_48 = %while3A_16 to %while3A_12 step %while3A_18  : i32 {
      %mul3A_49 = arith.muli %while3A_48, %while3A : i32
      %add3A_50 = arith.addi %arg1, %mul3A_49 : i32
      %mul3A_51 = arith.constant 128 : i32
      %mul3A_52 = arith.muli %add3A_50, %mul3A_51 : i32
      "tpu.region"() ({
        %run_scoped3A_53 = tpu.sem_alloc : memref<!tpu.dma_semaphore, #tpu.memory_space<semaphore_mem>>
        %dma_start3A_54 = arith.constant 0 : i32
        %dma_start3A_55 = tpu.memref_slice %arg14[%mul3A_52, %dma_start3A_54] : memref<100480x16xf32, #tpu.memory_space<vmem_shared>> -> memref<128x16xf32, #tpu.memory_space<vmem_shared>>
        %dma_start3A_56 = arith.constant 0 : i32
        %dma_start3A_57 = tpu.memref_slice %arg14[%mul3A_52, %dma_start3A_56] : memref<100480x16xf32, #tpu.memory_space<vmem_shared>> -> memref<128x16xf32, #tpu.memory_space<vmem_shared>>
        tpu.enqueue_dma source(%arg11 : memref<128x16xf32, #tpu.memory_space<vmem>>) target(%dma_start3A_57 : memref<128x16xf32, #tpu.memory_space<vmem_shared>>) target_semaphore(%run_scoped3A_53 : memref<!tpu.dma_semaphore, #tpu.memory_space<semaphore_mem>>)
        %dma_wait3A = arith.constant 0 : i32
        %dma_wait3A_58 = tpu.memref_slice %arg14[%mul3A_52, %dma_wait3A] : memref<100480x16xf32, #tpu.memory_space<vmem_shared>> -> memref<128x16xf32, #tpu.memory_space<vmem_shared>>
        %dma_wait3A_59 = arith.constant 0 : i32
        %dma_wait3A_60 = tpu.memref_slice %arg14[%mul3A_52, %dma_wait3A_59] : memref<100480x16xf32, #tpu.memory_space<vmem_shared>> -> memref<128x16xf32, #tpu.memory_space<vmem_shared>>
        tpu.wait_dma2 semaphore(%run_scoped3A_53 : memref<!tpu.dma_semaphore, #tpu.memory_space<semaphore_mem>>) src(%arg11 : memref<128x16xf32, #tpu.memory_space<vmem>>) dst(%dma_wait3A_60 : memref<128x16xf32, #tpu.memory_space<vmem_shared>>)
        tpu.yield
      }) : () -> ()
    }
    %barrier3A = arith.constant 0 : index
    tpu.barrier barrier_id(%barrier3A)
    %mul3A = arith.constant 100352 : i32
    %mul3A_19 = arith.muli %arg1, %mul3A : i32
    %add3A_20 = arith.constant 100352 : i32
    %add3A_21 = vector.broadcast %add3A_20 : i32 to vector<16xi32>
    %add3A_22 = arith.addi %add3A_21, %iota3A : vector<16xi32>
    %add3A_23 = arith.constant 0 : i32
    %add3A_24 = arith.addi %mul3A_19, %add3A_23 : i32
    %run_scoped3A = arith.constant 0 : i32
    "tpu.region"() ({
      %run_scoped3A_48 = tpu.sem_alloc : memref<!tpu.dma_semaphore, #tpu.memory_space<semaphore_mem>>
      %dma_start3A_49 = arith.constant 0 : i32
      %dma_start3A_50 = tpu.memref_slice %arg6[%run_scoped3A, %dma_start3A_49] : memref<2x2048xi32, #tpu.memory_space<vmem>> -> memref<1x2048xi32, #tpu.memory_space<vmem>>
      %dma_start3A_51 = tpu.memref_squeeze %dma_start3A_50 : memref<1x2048xi32, #tpu.memory_space<vmem>> -> memref<2048xi32, #tpu.memory_space<vmem>>
      %dma_start3A_52 = tpu.memref_slice %arg3[%add3A_24] : memref<1605632xi32, #tpu.memory_space<hbm>> -> memref<2048xi32, #tpu.memory_space<hbm>>
      %dma_start3A_53 = arith.constant 0 : i32
      %dma_start3A_54 = tpu.memref_slice %arg6[%run_scoped3A, %dma_start3A_53] : memref<2x2048xi32, #tpu.memory_space<vmem>> -> memref<1x2048xi32, #tpu.memory_space<vmem>>
      %dma_start3A_55 = tpu.memref_squeeze %dma_start3A_54 : memref<1x2048xi32, #tpu.memory_space<vmem>> -> memref<2048xi32, #tpu.memory_space<vmem>>
      %dma_start3A_56 = tpu.memref_slice %arg3[%add3A_24] : memref<1605632xi32, #tpu.memory_space<hbm>> -> memref<2048xi32, #tpu.memory_space<hbm>>
      tpu.enqueue_dma source(%dma_start3A_56 : memref<2048xi32, #tpu.memory_space<hbm>>) target(%dma_start3A_55 : memref<2048xi32, #tpu.memory_space<vmem>>) target_semaphore(%run_scoped3A_48 : memref<!tpu.dma_semaphore, #tpu.memory_space<semaphore_mem>>)
      %dma_wait3A = arith.constant 0 : i32
      %dma_wait3A_57 = tpu.memref_slice %arg6[%run_scoped3A, %dma_wait3A] : memref<2x2048xi32, #tpu.memory_space<vmem>> -> memref<1x2048xi32, #tpu.memory_space<vmem>>
      %dma_wait3A_58 = tpu.memref_squeeze %dma_wait3A_57 : memref<1x2048xi32, #tpu.memory_space<vmem>> -> memref<2048xi32, #tpu.memory_space<vmem>>
      %dma_wait3A_59 = tpu.memref_slice %arg3[%add3A_24] : memref<1605632xi32, #tpu.memory_space<hbm>> -> memref<2048xi32, #tpu.memory_space<hbm>>
      %dma_wait3A_60 = arith.constant 0 : i32
      %dma_wait3A_61 = tpu.memref_slice %arg6[%run_scoped3A, %dma_wait3A_60] : memref<2x2048xi32, #tpu.memory_space<vmem>> -> memref<1x2048xi32, #tpu.memory_space<vmem>>
      %dma_wait3A_62 = tpu.memref_squeeze %dma_wait3A_61 : memref<1x2048xi32, #tpu.memory_space<vmem>> -> memref<2048xi32, #tpu.memory_space<vmem>>
      %dma_wait3A_63 = tpu.memref_slice %arg3[%add3A_24] : memref<1605632xi32, #tpu.memory_space<hbm>> -> memref<2048xi32, #tpu.memory_space<hbm>>
      tpu.wait_dma2 semaphore(%run_scoped3A_48 : memref<!tpu.dma_semaphore, #tpu.memory_space<semaphore_mem>>) src(%dma_wait3A_63 : memref<2048xi32, #tpu.memory_space<hbm>>) dst(%dma_wait3A_62 : memref<2048xi32, #tpu.memory_space<vmem>>)
      tpu.yield
    }) : () -> ()
    %run_scoped3A_25 = arith.constant 0 : i32
    "tpu.region"() ({
      %run_scoped3A_48 = tpu.sem_alloc : memref<!tpu.dma_semaphore, #tpu.memory_space<semaphore_mem>>
      %dma_start3A_49 = arith.constant 0 : i32
      %dma_start3A_50 = tpu.memref_slice %arg7[%run_scoped3A_25, %dma_start3A_49] : memref<2x2048xi32, #tpu.memory_space<vmem>> -> memref<1x2048xi32, #tpu.memory_space<vmem>>
      %dma_start3A_51 = tpu.memref_squeeze %dma_start3A_50 : memref<1x2048xi32, #tpu.memory_space<vmem>> -> memref<2048xi32, #tpu.memory_space<vmem>>
      %dma_start3A_52 = tpu.memref_slice %arg4[%add3A_24] : memref<1605632xi32, #tpu.memory_space<hbm>> -> memref<2048xi32, #tpu.memory_space<hbm>>
      %dma_start3A_53 = arith.constant 0 : i32
      %dma_start3A_54 = tpu.memref_slice %arg7[%run_scoped3A_25, %dma_start3A_53] : memref<2x2048xi32, #tpu.memory_space<vmem>> -> memref<1x2048xi32, #tpu.memory_space<vmem>>
      %dma_start3A_55 = tpu.memref_squeeze %dma_start3A_54 : memref<1x2048xi32, #tpu.memory_space<vmem>> -> memref<2048xi32, #tpu.memory_space<vmem>>
      %dma_start3A_56 = tpu.memref_slice %arg4[%add3A_24] : memref<1605632xi32, #tpu.memory_space<hbm>> -> memref<2048xi32, #tpu.memory_space<hbm>>
      tpu.enqueue_dma source(%dma_start3A_56 : memref<2048xi32, #tpu.memory_space<hbm>>) target(%dma_start3A_55 : memref<2048xi32, #tpu.memory_space<vmem>>) target_semaphore(%run_scoped3A_48 : memref<!tpu.dma_semaphore, #tpu.memory_space<semaphore_mem>>)
      %dma_wait3A = arith.constant 0 : i32
      %dma_wait3A_57 = tpu.memref_slice %arg7[%run_scoped3A_25, %dma_wait3A] : memref<2x2048xi32, #tpu.memory_space<vmem>> -> memref<1x2048xi32, #tpu.memory_space<vmem>>
      %dma_wait3A_58 = tpu.memref_squeeze %dma_wait3A_57 : memref<1x2048xi32, #tpu.memory_space<vmem>> -> memref<2048xi32, #tpu.memory_space<vmem>>
      %dma_wait3A_59 = tpu.memref_slice %arg4[%add3A_24] : memref<1605632xi32, #tpu.memory_space<hbm>> -> memref<2048xi32, #tpu.memory_space<hbm>>
      %dma_wait3A_60 = arith.constant 0 : i32
      %dma_wait3A_61 = tpu.memref_slice %arg7[%run_scoped3A_25, %dma_wait3A_60] : memref<2x2048xi32, #tpu.memory_space<vmem>> -> memref<1x2048xi32, #tpu.memory_space<vmem>>
      %dma_wait3A_62 = tpu.memref_squeeze %dma_wait3A_61 : memref<1x2048xi32, #tpu.memory_space<vmem>> -> memref<2048xi32, #tpu.memory_space<vmem>>
      %dma_wait3A_63 = tpu.memref_slice %arg4[%add3A_24] : memref<1605632xi32, #tpu.memory_space<hbm>> -> memref<2048xi32, #tpu.memory_space<hbm>>
      tpu.wait_dma2 semaphore(%run_scoped3A_48 : memref<!tpu.dma_semaphore, #tpu.memory_space<semaphore_mem>>) src(%dma_wait3A_63 : memref<2048xi32, #tpu.memory_space<hbm>>) dst(%dma_wait3A_62 : memref<2048xi32, #tpu.memory_space<vmem>>)
      tpu.yield
    }) : () -> ()
    %dma_start3A = arith.constant 0 : i32
    %dma_start3A_26 = arith.constant 0 : i32
    %dma_start3A_27 = tpu.memref_slice %arg6[%dma_start3A, %dma_start3A_26] : memref<2x2048xi32, #tpu.memory_space<vmem>> -> memref<1x128xi32, #tpu.memory_space<vmem>>
    %dma_start3A_28 = tpu.memref_squeeze %dma_start3A_27 : memref<1x128xi32, #tpu.memory_space<vmem>> -> memref<128xi32, #tpu.memory_space<vmem>>
    %dma_start3A_29 = arith.constant 0 : i32
    %dma_start3A_30 = arith.constant 0 : i32
    %dma_start3A_31 = tpu.memref_slice %arg2[%arg0, %dma_start3A_29, %dma_start3A_30] : memref<2x100352x16xf32, #tpu.memory_space<hbm>> -> memref<1x100352x16xf32, #tpu.memory_space<hbm>>
    %dma_start3A_32 = tpu.memref_squeeze %dma_start3A_31 : memref<1x100352x16xf32, #tpu.memory_space<hbm>> -> memref<100352x16xf32, #tpu.memory_space<hbm>>
    %dma_start3A_33 = arith.constant 0 : i32
    %dma_start3A_34 = arith.constant 0 : i32
    %dma_start3A_35 = tpu.memref_slice %dma_start3A_32[%dma_start3A_33, %dma_start3A_34] : memref<100352x16xf32, #tpu.memory_space<hbm>> -> memref<100352x16xf32, #tpu.memory_space<hbm>>
    tpu.enqueue_indirect_dma source(%dma_start3A_35 : memref<100352x16xf32, #tpu.memory_space<hbm>>) target(%arg9 : memref<128x16xf32, #tpu.memory_space<vmem>>) offsets(%dma_start3A_28 : memref<128xi32, #tpu.memory_space<vmem>>) semaphore(%arg12 : memref<!tpu.dma_semaphore, #tpu.memory_space<semaphore_mem>>)
    %scan3A_36 = arith.constant 0 : i32
    %scan3A_37 = arith.constant 392 : i32
    %scan3A_38 = arith.addi %scan3A_36, %scan3A_37 : i32
    %scan3A_39 = arith.constant 1 : i32
    scf.for %scan3A_48 = %scan3A_36 to %scan3A_38 step %scan3A_39  : i32 {
      %mul3A_49 = arith.constant 1 : i32
      %mul3A_50 = arith.muli %scan3A_48, %mul3A_49 : i32
      %add3A_51 = arith.constant 0 : i32
      %add3A_52 = arith.addi %add3A_51, %mul3A_50 : i32
      %mul3A_53 = arith.constant 2 : i32
      %mul3A_54 = arith.muli %mul3A_53, %add3A_52 : i32
      %add3A_55 = arith.constant 1 : i32
      %add3A_56 = arith.addi %mul3A_54, %add3A_55 : i32
      %jit3A = arith.constant 8 : i32
      %eq3A = arith.constant 0 : i32
      %eq3A_57 = arith.cmpi eq, %jit3A, %eq3A : i32
      %jit3A_58 = arith.constant 1 : i32
      %select_n3A = arith.select %eq3A_57, %jit3A_58, %jit3A : i32
      %rem3A = arith.remsi %add3A_52, %select_n3A : i32
      %ne3A = arith.constant 0 : i32
      %ne3A_59 = arith.cmpi ne, %rem3A, %ne3A : i32
      %lt3A = arith.constant 0 : i32
      %lt3A_60 = arith.cmpi slt, %rem3A, %lt3A : i32
      %lt3A_61 = arith.constant 0 : i32
      %lt3A_62 = arith.cmpi slt, %select_n3A, %lt3A_61 : i32
      %ne3A_63 = arith.xori %lt3A_60, %lt3A_62 : i1
      %and3A = arith.andi %ne3A_63, %ne3A_59 : i1
      %add3A_64 = arith.addi %rem3A, %select_n3A : i32
      %select_n3A_65 = arith.select %and3A, %add3A_64, %rem3A : i32
      %eq3A_66 = arith.constant 6 : i32
      %eq3A_67 = arith.cmpi eq, %select_n3A_65, %eq3A_66 : i32
      %lt3A_68 = arith.constant 384 : i32
      %lt3A_69 = arith.cmpi slt, %add3A_52, %lt3A_68 : i32
      %and3A_70 = arith.andi %eq3A_67, %lt3A_69 : i1
      %convert_element_type3A = arith.extui %and3A_70 : i1 to i32
      %cond3A = arith.constant 0 : i32
      %cond3A_71 = arith.cmpi ne, %convert_element_type3A, %cond3A : i32
      scf.if %cond3A_71 {
        %jit3A_807 = arith.constant 8 : i32
        %div3A_808 = arith.divsi %add3A_52, %jit3A_807 : i32
        %sign3A_809 = arith.constant 0 : i32
        %sign3A_810 = arith.cmpi sgt, %add3A_52, %sign3A_809 : i32
        %sign3A_811 = arith.extui %sign3A_810 : i1 to i32
        %sign3A_812 = arith.constant 0 : i32
        %sign3A_813 = arith.cmpi slt, %add3A_52, %sign3A_812 : i32
        %sign3A_814 = arith.extui %sign3A_813 : i1 to i32
        %sign3A_815 = arith.subi %sign3A_811, %sign3A_814 : i32
        %sign3A_816 = arith.constant 0 : i32
        %sign3A_817 = arith.cmpi sgt, %jit3A_807, %sign3A_816 : i32
        %sign3A_818 = arith.extui %sign3A_817 : i1 to i32
        %sign3A_819 = arith.constant 0 : i32
        %sign3A_820 = arith.cmpi slt, %jit3A_807, %sign3A_819 : i32
        %sign3A_821 = arith.extui %sign3A_820 : i1 to i32
        %sign3A_822 = arith.subi %sign3A_818, %sign3A_821 : i32
        %ne3A_823 = arith.cmpi ne, %sign3A_815, %sign3A_822 : i32
        %rem3A_824 = arith.remsi %add3A_52, %jit3A_807 : i32
        %ne3A_825 = arith.constant 0 : i32
        %ne3A_826 = arith.cmpi ne, %rem3A_824, %ne3A_825 : i32
        %and3A_827 = arith.andi %ne3A_823, %ne3A_826 : i1
        %sub3A_828 = arith.constant 1 : i32
        %sub3A_829 = arith.subi %div3A_808, %sub3A_828 : i32
        %select_n3A_830 = arith.select %and3A_827, %sub3A_829, %div3A_808 : i32
        %add3A_831 = arith.constant 1 : i32
        %add3A_832 = arith.addi %select_n3A_830, %add3A_831 : i32
        %jit3A_833 = arith.constant 2 : i32
        %eq3A_834 = arith.constant 0 : i32
        %eq3A_835 = arith.cmpi eq, %jit3A_833, %eq3A_834 : i32
        %jit3A_836 = arith.constant 1 : i32
        %select_n3A_837 = arith.select %eq3A_835, %jit3A_836, %jit3A_833 : i32
        %rem3A_838 = arith.remsi %add3A_832, %select_n3A_837 : i32
        %ne3A_839 = arith.constant 0 : i32
        %ne3A_840 = arith.cmpi ne, %rem3A_838, %ne3A_839 : i32
        %lt3A_841 = arith.constant 0 : i32
        %lt3A_842 = arith.cmpi slt, %rem3A_838, %lt3A_841 : i32
        %lt3A_843 = arith.constant 0 : i32
        %lt3A_844 = arith.cmpi slt, %select_n3A_837, %lt3A_843 : i32
        %ne3A_845 = arith.xori %lt3A_842, %lt3A_844 : i1
        %and3A_846 = arith.andi %ne3A_845, %ne3A_840 : i1
        %add3A_847 = arith.addi %rem3A_838, %select_n3A_837 : i32
        %select_n3A_848 = arith.select %and3A_846, %add3A_847, %rem3A_838 : i32
        %mul3A_849 = arith.constant 2048 : i32
        %mul3A_850 = arith.muli %add3A_832, %mul3A_849 : i32
        %add3A_851 = arith.addi %mul3A_19, %mul3A_850 : i32
        "tpu.region"() ({
          %run_scoped3A_852 = tpu.sem_alloc : memref<!tpu.dma_semaphore, #tpu.memory_space<semaphore_mem>>
          %dma_start3A_853 = arith.constant 0 : i32
          %dma_start3A_854 = tpu.memref_slice %arg6[%select_n3A_848, %dma_start3A_853] : memref<2x2048xi32, #tpu.memory_space<vmem>> -> memref<1x2048xi32, #tpu.memory_space<vmem>>
          %dma_start3A_855 = tpu.memref_squeeze %dma_start3A_854 : memref<1x2048xi32, #tpu.memory_space<vmem>> -> memref<2048xi32, #tpu.memory_space<vmem>>
          %dma_start3A_856 = tpu.memref_slice %arg3[%add3A_851] : memref<1605632xi32, #tpu.memory_space<hbm>> -> memref<2048xi32, #tpu.memory_space<hbm>>
          %dma_start3A_857 = arith.constant 0 : i32
          %dma_start3A_858 = tpu.memref_slice %arg6[%select_n3A_848, %dma_start3A_857] : memref<2x2048xi32, #tpu.memory_space<vmem>> -> memref<1x2048xi32, #tpu.memory_space<vmem>>
          %dma_start3A_859 = tpu.memref_squeeze %dma_start3A_858 : memref<1x2048xi32, #tpu.memory_space<vmem>> -> memref<2048xi32, #tpu.memory_space<vmem>>
          %dma_start3A_860 = tpu.memref_slice %arg3[%add3A_851] : memref<1605632xi32, #tpu.memory_space<hbm>> -> memref<2048xi32, #tpu.memory_space<hbm>>
          tpu.enqueue_dma source(%dma_start3A_860 : memref<2048xi32, #tpu.memory_space<hbm>>) target(%dma_start3A_859 : memref<2048xi32, #tpu.memory_space<vmem>>) target_semaphore(%run_scoped3A_852 : memref<!tpu.dma_semaphore, #tpu.memory_space<semaphore_mem>>)
          %dma_wait3A_861 = arith.constant 0 : i32
          %dma_wait3A_862 = tpu.memref_slice %arg6[%select_n3A_848, %dma_wait3A_861] : memref<2x2048xi32, #tpu.memory_space<vmem>> -> memref<1x2048xi32, #tpu.memory_space<vmem>>
          %dma_wait3A_863 = tpu.memref_squeeze %dma_wait3A_862 : memref<1x2048xi32, #tpu.memory_space<vmem>> -> memref<2048xi32, #tpu.memory_space<vmem>>
          %dma_wait3A_864 = tpu.memref_slice %arg3[%add3A_851] : memref<1605632xi32, #tpu.memory_space<hbm>> -> memref<2048xi32, #tpu.memory_space<hbm>>
          %dma_wait3A_865 = arith.constant 0 : i32
          %dma_wait3A_866 = tpu.memref_slice %arg6[%select_n3A_848, %dma_wait3A_865] : memref<2x2048xi32, #tpu.memory_space<vmem>> -> memref<1x2048xi32, #tpu.memory_space<vmem>>
          %dma_wait3A_867 = tpu.memref_squeeze %dma_wait3A_866 : memref<1x2048xi32, #tpu.memory_space<vmem>> -> memref<2048xi32, #tpu.memory_space<vmem>>
          %dma_wait3A_868 = tpu.memref_slice %arg3[%add3A_851] : memref<1605632xi32, #tpu.memory_space<hbm>> -> memref<2048xi32, #tpu.memory_space<hbm>>
          tpu.wait_dma2 semaphore(%run_scoped3A_852 : memref<!tpu.dma_semaphore, #tpu.memory_space<semaphore_mem>>) src(%dma_wait3A_868 : memref<2048xi32, #tpu.memory_space<hbm>>) dst(%dma_wait3A_867 : memref<2048xi32, #tpu.memory_space<vmem>>)
          tpu.yield
        }) : () -> ()
        "tpu.region"() ({
          %run_scoped3A_852 = tpu.sem_alloc : memref<!tpu.dma_semaphore, #tpu.memory_space<semaphore_mem>>
          %dma_start3A_853 = arith.constant 0 : i32
          %dma_start3A_854 = tpu.memref_slice %arg7[%select_n3A_848, %dma_start3A_853] : memref<2x2048xi32, #tpu.memory_space<vmem>> -> memref<1x2048xi32, #tpu.memory_space<vmem>>
          %dma_start3A_855 = tpu.memref_squeeze %dma_start3A_854 : memref<1x2048xi32, #tpu.memory_space<vmem>> -> memref<2048xi32, #tpu.memory_space<vmem>>
          %dma_start3A_856 = tpu.memref_slice %arg4[%add3A_851] : memref<1605632xi32, #tpu.memory_space<hbm>> -> memref<2048xi32, #tpu.memory_space<hbm>>
          %dma_start3A_857 = arith.constant 0 : i32
          %dma_start3A_858 = tpu.memref_slice %arg7[%select_n3A_848, %dma_start3A_857] : memref<2x2048xi32, #tpu.memory_space<vmem>> -> memref<1x2048xi32, #tpu.memory_space<vmem>>
          %dma_start3A_859 = tpu.memref_squeeze %dma_start3A_858 : memref<1x2048xi32, #tpu.memory_space<vmem>> -> memref<2048xi32, #tpu.memory_space<vmem>>
          %dma_start3A_860 = tpu.memref_slice %arg4[%add3A_851] : memref<1605632xi32, #tpu.memory_space<hbm>> -> memref<2048xi32, #tpu.memory_space<hbm>>
          tpu.enqueue_dma source(%dma_start3A_860 : memref<2048xi32, #tpu.memory_space<hbm>>) target(%dma_start3A_859 : memref<2048xi32, #tpu.memory_space<vmem>>) target_semaphore(%run_scoped3A_852 : memref<!tpu.dma_semaphore, #tpu.memory_space<semaphore_mem>>)
          %dma_wait3A_861 = arith.constant 0 : i32
          %dma_wait3A_862 = tpu.memref_slice %arg7[%select_n3A_848, %dma_wait3A_861] : memref<2x2048xi32, #tpu.memory_space<vmem>> -> memref<1x2048xi32, #tpu.memory_space<vmem>>
          %dma_wait3A_863 = tpu.memref_squeeze %dma_wait3A_862 : memref<1x2048xi32, #tpu.memory_space<vmem>> -> memref<2048xi32, #tpu.memory_space<vmem>>
          %dma_wait3A_864 = tpu.memref_slice %arg4[%add3A_851] : memref<1605632xi32, #tpu.memory_space<hbm>> -> memref<2048xi32, #tpu.memory_space<hbm>>
          %dma_wait3A_865 = arith.constant 0 : i32
          %dma_wait3A_866 = tpu.memref_slice %arg7[%select_n3A_848, %dma_wait3A_865] : memref<2x2048xi32, #tpu.memory_space<vmem>> -> memref<1x2048xi32, #tpu.memory_space<vmem>>
          %dma_wait3A_867 = tpu.memref_squeeze %dma_wait3A_866 : memref<1x2048xi32, #tpu.memory_space<vmem>> -> memref<2048xi32, #tpu.memory_space<vmem>>
          %dma_wait3A_868 = tpu.memref_slice %arg4[%add3A_851] : memref<1605632xi32, #tpu.memory_space<hbm>> -> memref<2048xi32, #tpu.memory_space<hbm>>
          tpu.wait_dma2 semaphore(%run_scoped3A_852 : memref<!tpu.dma_semaphore, #tpu.memory_space<semaphore_mem>>) src(%dma_wait3A_868 : memref<2048xi32, #tpu.memory_space<hbm>>) dst(%dma_wait3A_867 : memref<2048xi32, #tpu.memory_space<vmem>>)
          tpu.yield
        }) : () -> ()
      } else {
      }
      %jit3A_72 = arith.constant 16 : i32
      %div3A_73 = arith.divsi %mul3A_54, %jit3A_72 : i32
      %sign3A = arith.constant 0 : i32
      %sign3A_74 = arith.cmpi sgt, %mul3A_54, %sign3A : i32
      %sign3A_75 = arith.extui %sign3A_74 : i1 to i32
      %sign3A_76 = arith.constant 0 : i32
      %sign3A_77 = arith.cmpi slt, %mul3A_54, %sign3A_76 : i32
      %sign3A_78 = arith.extui %sign3A_77 : i1 to i32
      %sign3A_79 = arith.subi %sign3A_75, %sign3A_78 : i32
      %sign3A_80 = arith.constant 0 : i32
      %sign3A_81 = arith.cmpi sgt, %jit3A_72, %sign3A_80 : i32
      %sign3A_82 = arith.extui %sign3A_81 : i1 to i32
      %sign3A_83 = arith.constant 0 : i32
      %sign3A_84 = arith.cmpi slt, %jit3A_72, %sign3A_83 : i32
      %sign3A_85 = arith.extui %sign3A_84 : i1 to i32
      %sign3A_86 = arith.subi %sign3A_82, %sign3A_85 : i32
      %ne3A_87 = arith.cmpi ne, %sign3A_79, %sign3A_86 : i32
      %rem3A_88 = arith.remsi %mul3A_54, %jit3A_72 : i32
      %ne3A_89 = arith.constant 0 : i32
      %ne3A_90 = arith.cmpi ne, %rem3A_88, %ne3A_89 : i32
      %and3A_91 = arith.andi %ne3A_87, %ne3A_90 : i1
      %sub3A_92 = arith.constant 1 : i32
      %sub3A_93 = arith.subi %div3A_73, %sub3A_92 : i32
      %select_n3A_94 = arith.select %and3A_91, %sub3A_93, %div3A_73 : i32
      %jit3A_95 = arith.constant 16 : i32
      %eq3A_96 = arith.constant 0 : i32
      %eq3A_97 = arith.cmpi eq, %jit3A_95, %eq3A_96 : i32
      %jit3A_98 = arith.constant 1 : i32
      %select_n3A_99 = arith.select %eq3A_97, %jit3A_98, %jit3A_95 : i32
      %rem3A_100 = arith.remsi %mul3A_54, %select_n3A_99 : i32
      %ne3A_101 = arith.constant 0 : i32
      %ne3A_102 = arith.cmpi ne, %rem3A_100, %ne3A_101 : i32
      %lt3A_103 = arith.constant 0 : i32
      %lt3A_104 = arith.cmpi slt, %rem3A_100, %lt3A_103 : i32
      %lt3A_105 = arith.constant 0 : i32
      %lt3A_106 = arith.cmpi slt, %select_n3A_99, %lt3A_105 : i32
      %ne3A_107 = arith.xori %lt3A_104, %lt3A_106 : i1
      %and3A_108 = arith.andi %ne3A_107, %ne3A_102 : i1
      %add3A_109 = arith.addi %rem3A_100, %select_n3A_99 : i32
      %select_n3A_110 = arith.select %and3A_108, %add3A_109, %rem3A_100 : i32
      %mul3A_111 = arith.constant 128 : i32
      %mul3A_112 = arith.muli %select_n3A_110, %mul3A_111 : i32
      %jit3A_113 = arith.constant 2 : i32
      %eq3A_114 = arith.constant 0 : i32
      %eq3A_115 = arith.cmpi eq, %jit3A_113, %eq3A_114 : i32
      %jit3A_116 = arith.constant 1 : i32
      %select_n3A_117 = arith.select %eq3A_115, %jit3A_116, %jit3A_113 : i32
      %rem3A_118 = arith.remsi %select_n3A_94, %select_n3A_117 : i32
      %ne3A_119 = arith.constant 0 : i32
      %ne3A_120 = arith.cmpi ne, %rem3A_118, %ne3A_119 : i32
      %lt3A_121 = arith.constant 0 : i32
      %lt3A_122 = arith.cmpi slt, %rem3A_118, %lt3A_121 : i32
      %lt3A_123 = arith.constant 0 : i32
      %lt3A_124 = arith.cmpi slt, %select_n3A_117, %lt3A_123 : i32
      %ne3A_125 = arith.xori %lt3A_122, %lt3A_124 : i1
      %and3A_126 = arith.andi %ne3A_125, %ne3A_120 : i1
      %add3A_127 = arith.addi %rem3A_118, %select_n3A_117 : i32
      %select_n3A_128 = arith.select %and3A_126, %add3A_127, %rem3A_118 : i32
      %add3A_129 = arith.constant 0 : i32
      %add3A_130 = arith.addi %mul3A_112, %add3A_129 : i32
      %get3A = arith.index_cast %select_n3A_128 : i32 to index
      %get3A_131 = arith.index_cast %add3A_130 : i32 to index
      %get3A_132 = tpu.vector_load %arg7[%get3A, %get3A_131] {strides = array<i32>} : memref<2x2048xi32, #tpu.memory_space<vmem>>, vector<16xi32>,
      %bitcast3A = vector.bitcast %get3A_132 : vector<16xi32> to vector<16xi32>
      %lt3A_133 = arith.constant 100352 : i32
      %lt3A_134 = vector.broadcast %lt3A_133 : i32 to vector<16xi32>
      %lt3A_135 = arith.cmpi ult, %bitcast3A, %lt3A_134 : vector<16xi32>
      %select_n3A_136 = arith.select %lt3A_135, %get3A_132, %add3A_22 : vector<16xi1>, vector<16xi32>
      %swap3A = arith.constant 0 : index
      %swap3A_137 = tpu.vector_load %arg8[%swap3A] {strides = array<i32>} : memref<128xi32, #tpu.memory_space<vmem>>, vector<16xi32>,
      tpu.vector_store %arg8[%swap3A], %select_n3A_136 {strides = array<i32>} : memref<128xi32, #tpu.memory_space<vmem>>, vector<16xi32>,
      %jit3A_138 = arith.constant 2 : i32
      %eq3A_139 = arith.constant 0 : i32
      %eq3A_140 = arith.cmpi eq, %jit3A_138, %eq3A_139 : i32
      %jit3A_141 = arith.constant 1 : i32
      %select_n3A_142 = arith.select %eq3A_140, %jit3A_141, %jit3A_138 : i32
      %rem3A_143 = arith.remsi %select_n3A_94, %select_n3A_142 : i32
      %ne3A_144 = arith.constant 0 : i32
      %ne3A_145 = arith.cmpi ne, %rem3A_143, %ne3A_144 : i32
      %lt3A_146 = arith.constant 0 : i32
      %lt3A_147 = arith.cmpi slt, %rem3A_143, %lt3A_146 : i32
      %lt3A_148 = arith.constant 0 : i32
      %lt3A_149 = arith.cmpi slt, %select_n3A_142, %lt3A_148 : i32
      %ne3A_150 = arith.xori %lt3A_147, %lt3A_149 : i1
      %and3A_151 = arith.andi %ne3A_150, %ne3A_145 : i1
      %add3A_152 = arith.addi %rem3A_143, %select_n3A_142 : i32
      %select_n3A_153 = arith.select %and3A_151, %add3A_152, %rem3A_143 : i32
      %add3A_154 = arith.constant 16 : i32
      %add3A_155 = arith.addi %mul3A_112, %add3A_154 : i32
      %get3A_156 = arith.index_cast %select_n3A_153 : i32 to index
      %get3A_157 = arith.index_cast %add3A_155 : i32 to index
      %get3A_158 = tpu.vector_load %arg7[%get3A_156, %get3A_157] {strides = array<i32>} : memref<2x2048xi32, #tpu.memory_space<vmem>>, vector<16xi32>,
      %bitcast3A_159 = vector.bitcast %get3A_158 : vector<16xi32> to vector<16xi32>
      %lt3A_160 = arith.constant 100352 : i32
      %lt3A_161 = vector.broadcast %lt3A_160 : i32 to vector<16xi32>
      %lt3A_162 = arith.cmpi ult, %bitcast3A_159, %lt3A_161 : vector<16xi32>
      %select_n3A_163 = arith.select %lt3A_162, %get3A_158, %add3A_22 : vector<16xi1>, vector<16xi32>
      %swap3A_164 = arith.constant 16 : index
      %swap3A_165 = tpu.vector_load %arg8[%swap3A_164] {strides = array<i32>} : memref<128xi32, #tpu.memory_space<vmem>>, vector<16xi32>,
      tpu.vector_store %arg8[%swap3A_164], %select_n3A_163 {strides = array<i32>} : memref<128xi32, #tpu.memory_space<vmem>>, vector<16xi32>,
      %jit3A_166 = arith.constant 2 : i32
      %eq3A_167 = arith.constant 0 : i32
      %eq3A_168 = arith.cmpi eq, %jit3A_166, %eq3A_167 : i32
      %jit3A_169 = arith.constant 1 : i32
      %select_n3A_170 = arith.select %eq3A_168, %jit3A_169, %jit3A_166 : i32
      %rem3A_171 = arith.remsi %select_n3A_94, %select_n3A_170 : i32
      %ne3A_172 = arith.constant 0 : i32
      %ne3A_173 = arith.cmpi ne, %rem3A_171, %ne3A_172 : i32
      %lt3A_174 = arith.constant 0 : i32
      %lt3A_175 = arith.cmpi slt, %rem3A_171, %lt3A_174 : i32
      %lt3A_176 = arith.constant 0 : i32
      %lt3A_177 = arith.cmpi slt, %select_n3A_170, %lt3A_176 : i32
      %ne3A_178 = arith.xori %lt3A_175, %lt3A_177 : i1
      %and3A_179 = arith.andi %ne3A_178, %ne3A_173 : i1
      %add3A_180 = arith.addi %rem3A_171, %select_n3A_170 : i32
      %select_n3A_181 = arith.select %and3A_179, %add3A_180, %rem3A_171 : i32
      %add3A_182 = arith.constant 32 : i32
      %add3A_183 = arith.addi %mul3A_112, %add3A_182 : i32
      %get3A_184 = arith.index_cast %select_n3A_181 : i32 to index
      %get3A_185 = arith.index_cast %add3A_183 : i32 to index
      %get3A_186 = tpu.vector_load %arg7[%get3A_184, %get3A_185] {strides = array<i32>} : memref<2x2048xi32, #tpu.memory_space<vmem>>, vector<16xi32>,
      %bitcast3A_187 = vector.bitcast %get3A_186 : vector<16xi32> to vector<16xi32>
      %lt3A_188 = arith.constant 100352 : i32
      %lt3A_189 = vector.broadcast %lt3A_188 : i32 to vector<16xi32>
      %lt3A_190 = arith.cmpi ult, %bitcast3A_187, %lt3A_189 : vector<16xi32>
      %select_n3A_191 = arith.select %lt3A_190, %get3A_186, %add3A_22 : vector<16xi1>, vector<16xi32>
      %swap3A_192 = arith.constant 32 : index
      %swap3A_193 = tpu.vector_load %arg8[%swap3A_192] {strides = array<i32>} : memref<128xi32, #tpu.memory_space<vmem>>, vector<16xi32>,
      tpu.vector_store %arg8[%swap3A_192], %select_n3A_191 {strides = array<i32>} : memref<128xi32, #tpu.memory_space<vmem>>, vector<16xi32>,
      %jit3A_194 = arith.constant 2 : i32
      %eq3A_195 = arith.constant 0 : i32
      %eq3A_196 = arith.cmpi eq, %jit3A_194, %eq3A_195 : i32
      %jit3A_197 = arith.constant 1 : i32
      %select_n3A_198 = arith.select %eq3A_196, %jit3A_197, %jit3A_194 : i32
      %rem3A_199 = arith.remsi %select_n3A_94, %select_n3A_198 : i32
      %ne3A_200 = arith.constant 0 : i32
      %ne3A_201 = arith.cmpi ne, %rem3A_199, %ne3A_200 : i32
      %lt3A_202 = arith.constant 0 : i32
      %lt3A_203 = arith.cmpi slt, %rem3A_199, %lt3A_202 : i32
      %lt3A_204 = arith.constant 0 : i32
      %lt3A_205 = arith.cmpi slt, %select_n3A_198, %lt3A_204 : i32
      %ne3A_206 = arith.xori %lt3A_203, %lt3A_205 : i1
      %and3A_207 = arith.andi %ne3A_206, %ne3A_201 : i1
      %add3A_208 = arith.addi %rem3A_199, %select_n3A_198 : i32
      %select_n3A_209 = arith.select %and3A_207, %add3A_208, %rem3A_199 : i32
      %add3A_210 = arith.constant 48 : i32
      %add3A_211 = arith.addi %mul3A_112, %add3A_210 : i32
      %get3A_212 = arith.index_cast %select_n3A_209 : i32 to index
      %get3A_213 = arith.index_cast %add3A_211 : i32 to index
      %get3A_214 = tpu.vector_load %arg7[%get3A_212, %get3A_213] {strides = array<i32>} : memref<2x2048xi32, #tpu.memory_space<vmem>>, vector<16xi32>,
      %bitcast3A_215 = vector.bitcast %get3A_214 : vector<16xi32> to vector<16xi32>
      %lt3A_216 = arith.constant 100352 : i32
      %lt3A_217 = vector.broadcast %lt3A_216 : i32 to vector<16xi32>
      %lt3A_218 = arith.cmpi ult, %bitcast3A_215, %lt3A_217 : vector<16xi32>
      %select_n3A_219 = arith.select %lt3A_218, %get3A_214, %add3A_22 : vector<16xi1>, vector<16xi32>
      %swap3A_220 = arith.constant 48 : index
      %swap3A_221 = tpu.vector_load %arg8[%swap3A_220] {strides = array<i32>} : memref<128xi32, #tpu.memory_space<vmem>>, vector<16xi32>,
      tpu.vector_store %arg8[%swap3A_220], %select_n3A_219 {strides = array<i32>} : memref<128xi32, #tpu.memory_space<vmem>>, vector<16xi32>,
      %jit3A_222 = arith.constant 2 : i32
      %eq3A_223 = arith.constant 0 : i32
      %eq3A_224 = arith.cmpi eq, %jit3A_222, %eq3A_223 : i32
      %jit3A_225 = arith.constant 1 : i32
      %select_n3A_226 = arith.select %eq3A_224, %jit3A_225, %jit3A_222 : i32
      %rem3A_227 = arith.remsi %select_n3A_94, %select_n3A_226 : i32
      %ne3A_228 = arith.constant 0 : i32
      %ne3A_229 = arith.cmpi ne, %rem3A_227, %ne3A_228 : i32
      %lt3A_230 = arith.constant 0 : i32
      %lt3A_231 = arith.cmpi slt, %rem3A_227, %lt3A_230 : i32
      %lt3A_232 = arith.constant 0 : i32
      %lt3A_233 = arith.cmpi slt, %select_n3A_226, %lt3A_232 : i32
      %ne3A_234 = arith.xori %lt3A_231, %lt3A_233 : i1
      %and3A_235 = arith.andi %ne3A_234, %ne3A_229 : i1
      %add3A_236 = arith.addi %rem3A_227, %select_n3A_226 : i32
      %select_n3A_237 = arith.select %and3A_235, %add3A_236, %rem3A_227 : i32
      %add3A_238 = arith.constant 64 : i32
      %add3A_239 = arith.addi %mul3A_112, %add3A_238 : i32
      %get3A_240 = arith.index_cast %select_n3A_237 : i32 to index
      %get3A_241 = arith.index_cast %add3A_239 : i32 to index
      %get3A_242 = tpu.vector_load %arg7[%get3A_240, %get3A_241] {strides = array<i32>} : memref<2x2048xi32, #tpu.memory_space<vmem>>, vector<16xi32>,
      %bitcast3A_243 = vector.bitcast %get3A_242 : vector<16xi32> to vector<16xi32>
      %lt3A_244 = arith.constant 100352 : i32
      %lt3A_245 = vector.broadcast %lt3A_244 : i32 to vector<16xi32>
      %lt3A_246 = arith.cmpi ult, %bitcast3A_243, %lt3A_245 : vector<16xi32>
      %select_n3A_247 = arith.select %lt3A_246, %get3A_242, %add3A_22 : vector<16xi1>, vector<16xi32>
      %swap3A_248 = arith.constant 64 : index
      %swap3A_249 = tpu.vector_load %arg8[%swap3A_248] {strides = array<i32>} : memref<128xi32, #tpu.memory_space<vmem>>, vector<16xi32>,
      tpu.vector_store %arg8[%swap3A_248], %select_n3A_247 {strides = array<i32>} : memref<128xi32, #tpu.memory_space<vmem>>, vector<16xi32>,
      %jit3A_250 = arith.constant 2 : i32
      %eq3A_251 = arith.constant 0 : i32
      %eq3A_252 = arith.cmpi eq, %jit3A_250, %eq3A_251 : i32
      %jit3A_253 = arith.constant 1 : i32
      %select_n3A_254 = arith.select %eq3A_252, %jit3A_253, %jit3A_250 : i32
      %rem3A_255 = arith.remsi %select_n3A_94, %select_n3A_254 : i32
      %ne3A_256 = arith.constant 0 : i32
      %ne3A_257 = arith.cmpi ne, %rem3A_255, %ne3A_256 : i32
      %lt3A_258 = arith.constant 0 : i32
      %lt3A_259 = arith.cmpi slt, %rem3A_255, %lt3A_258 : i32
      %lt3A_260 = arith.constant 0 : i32
      %lt3A_261 = arith.cmpi slt, %select_n3A_254, %lt3A_260 : i32
      %ne3A_262 = arith.xori %lt3A_259, %lt3A_261 : i1
      %and3A_263 = arith.andi %ne3A_262, %ne3A_257 : i1
      %add3A_264 = arith.addi %rem3A_255, %select_n3A_254 : i32
      %select_n3A_265 = arith.select %and3A_263, %add3A_264, %rem3A_255 : i32
      %add3A_266 = arith.constant 80 : i32
      %add3A_267 = arith.addi %mul3A_112, %add3A_266 : i32
      %get3A_268 = arith.index_cast %select_n3A_265 : i32 to index
      %get3A_269 = arith.index_cast %add3A_267 : i32 to index
      %get3A_270 = tpu.vector_load %arg7[%get3A_268, %get3A_269] {strides = array<i32>} : memref<2x2048xi32, #tpu.memory_space<vmem>>, vector<16xi32>,
      %bitcast3A_271 = vector.bitcast %get3A_270 : vector<16xi32> to vector<16xi32>
      %lt3A_272 = arith.constant 100352 : i32
      %lt3A_273 = vector.broadcast %lt3A_272 : i32 to vector<16xi32>
      %lt3A_274 = arith.cmpi ult, %bitcast3A_271, %lt3A_273 : vector<16xi32>
      %select_n3A_275 = arith.select %lt3A_274, %get3A_270, %add3A_22 : vector<16xi1>, vector<16xi32>
      %swap3A_276 = arith.constant 80 : index
      %swap3A_277 = tpu.vector_load %arg8[%swap3A_276] {strides = array<i32>} : memref<128xi32, #tpu.memory_space<vmem>>, vector<16xi32>,
      tpu.vector_store %arg8[%swap3A_276], %select_n3A_275 {strides = array<i32>} : memref<128xi32, #tpu.memory_space<vmem>>, vector<16xi32>,
      %jit3A_278 = arith.constant 2 : i32
      %eq3A_279 = arith.constant 0 : i32
      %eq3A_280 = arith.cmpi eq, %jit3A_278, %eq3A_279 : i32
      %jit3A_281 = arith.constant 1 : i32
      %select_n3A_282 = arith.select %eq3A_280, %jit3A_281, %jit3A_278 : i32
      %rem3A_283 = arith.remsi %select_n3A_94, %select_n3A_282 : i32
      %ne3A_284 = arith.constant 0 : i32
      %ne3A_285 = arith.cmpi ne, %rem3A_283, %ne3A_284 : i32
      %lt3A_286 = arith.constant 0 : i32
      %lt3A_287 = arith.cmpi slt, %rem3A_283, %lt3A_286 : i32
      %lt3A_288 = arith.constant 0 : i32
      %lt3A_289 = arith.cmpi slt, %select_n3A_282, %lt3A_288 : i32
      %ne3A_290 = arith.xori %lt3A_287, %lt3A_289 : i1
      %and3A_291 = arith.andi %ne3A_290, %ne3A_285 : i1
      %add3A_292 = arith.addi %rem3A_283, %select_n3A_282 : i32
      %select_n3A_293 = arith.select %and3A_291, %add3A_292, %rem3A_283 : i32
      %add3A_294 = arith.constant 96 : i32
      %add3A_295 = arith.addi %mul3A_112, %add3A_294 : i32
      %get3A_296 = arith.index_cast %select_n3A_293 : i32 to index
      %get3A_297 = arith.index_cast %add3A_295 : i32 to index
      %get3A_298 = tpu.vector_load %arg7[%get3A_296, %get3A_297] {strides = array<i32>} : memref<2x2048xi32, #tpu.memory_space<vmem>>, vector<16xi32>,
      %bitcast3A_299 = vector.bitcast %get3A_298 : vector<16xi32> to vector<16xi32>
      %lt3A_300 = arith.constant 100352 : i32
      %lt3A_301 = vector.broadcast %lt3A_300 : i32 to vector<16xi32>
      %lt3A_302 = arith.cmpi ult, %bitcast3A_299, %lt3A_301 : vector<16xi32>
      %select_n3A_303 = arith.select %lt3A_302, %get3A_298, %add3A_22 : vector<16xi1>, vector<16xi32>
      %swap3A_304 = arith.constant 96 : index
      %swap3A_305 = tpu.vector_load %arg8[%swap3A_304] {strides = array<i32>} : memref<128xi32, #tpu.memory_space<vmem>>, vector<16xi32>,
      tpu.vector_store %arg8[%swap3A_304], %select_n3A_303 {strides = array<i32>} : memref<128xi32, #tpu.memory_space<vmem>>, vector<16xi32>,
      %jit3A_306 = arith.constant 2 : i32
      %eq3A_307 = arith.constant 0 : i32
      %eq3A_308 = arith.cmpi eq, %jit3A_306, %eq3A_307 : i32
      %jit3A_309 = arith.constant 1 : i32
      %select_n3A_310 = arith.select %eq3A_308, %jit3A_309, %jit3A_306 : i32
      %rem3A_311 = arith.remsi %select_n3A_94, %select_n3A_310 : i32
      %ne3A_312 = arith.constant 0 : i32
      %ne3A_313 = arith.cmpi ne, %rem3A_311, %ne3A_312 : i32
      %lt3A_314 = arith.constant 0 : i32
      %lt3A_315 = arith.cmpi slt, %rem3A_311, %lt3A_314 : i32
      %lt3A_316 = arith.constant 0 : i32
      %lt3A_317 = arith.cmpi slt, %select_n3A_310, %lt3A_316 : i32
      %ne3A_318 = arith.xori %lt3A_315, %lt3A_317 : i1
      %and3A_319 = arith.andi %ne3A_318, %ne3A_313 : i1
      %add3A_320 = arith.addi %rem3A_311, %select_n3A_310 : i32
      %select_n3A_321 = arith.select %and3A_319, %add3A_320, %rem3A_311 : i32
      %add3A_322 = arith.constant 112 : i32
      %add3A_323 = arith.addi %mul3A_112, %add3A_322 : i32
      %get3A_324 = arith.index_cast %select_n3A_321 : i32 to index
      %get3A_325 = arith.index_cast %add3A_323 : i32 to index
      %get3A_326 = tpu.vector_load %arg7[%get3A_324, %get3A_325] {strides = array<i32>} : memref<2x2048xi32, #tpu.memory_space<vmem>>, vector<16xi32>,
      %bitcast3A_327 = vector.bitcast %get3A_326 : vector<16xi32> to vector<16xi32>
      %lt3A_328 = arith.constant 100352 : i32
      %lt3A_329 = vector.broadcast %lt3A_328 : i32 to vector<16xi32>
      %lt3A_330 = arith.cmpi ult, %bitcast3A_327, %lt3A_329 : vector<16xi32>
      %select_n3A_331 = arith.select %lt3A_330, %get3A_326, %add3A_22 : vector<16xi1>, vector<16xi32>
      %swap3A_332 = arith.constant 112 : index
      %swap3A_333 = tpu.vector_load %arg8[%swap3A_332] {strides = array<i32>} : memref<128xi32, #tpu.memory_space<vmem>>, vector<16xi32>,
      tpu.vector_store %arg8[%swap3A_332], %select_n3A_331 {strides = array<i32>} : memref<128xi32, #tpu.memory_space<vmem>>, vector<16xi32>,
      %jit3A_334 = arith.constant 16 : i32
      %div3A_335 = arith.divsi %add3A_56, %jit3A_334 : i32
      %sign3A_336 = arith.constant 0 : i32
      %sign3A_337 = arith.cmpi sgt, %add3A_56, %sign3A_336 : i32
      %sign3A_338 = arith.extui %sign3A_337 : i1 to i32
      %sign3A_339 = arith.constant 0 : i32
      %sign3A_340 = arith.cmpi slt, %add3A_56, %sign3A_339 : i32
      %sign3A_341 = arith.extui %sign3A_340 : i1 to i32
      %sign3A_342 = arith.subi %sign3A_338, %sign3A_341 : i32
      %sign3A_343 = arith.constant 0 : i32
      %sign3A_344 = arith.cmpi sgt, %jit3A_334, %sign3A_343 : i32
      %sign3A_345 = arith.extui %sign3A_344 : i1 to i32
      %sign3A_346 = arith.constant 0 : i32
      %sign3A_347 = arith.cmpi slt, %jit3A_334, %sign3A_346 : i32
      %sign3A_348 = arith.extui %sign3A_347 : i1 to i32
      %sign3A_349 = arith.subi %sign3A_345, %sign3A_348 : i32
      %ne3A_350 = arith.cmpi ne, %sign3A_342, %sign3A_349 : i32
      %rem3A_351 = arith.remsi %add3A_56, %jit3A_334 : i32
      %ne3A_352 = arith.constant 0 : i32
      %ne3A_353 = arith.cmpi ne, %rem3A_351, %ne3A_352 : i32
      %and3A_354 = arith.andi %ne3A_350, %ne3A_353 : i1
      %sub3A_355 = arith.constant 1 : i32
      %sub3A_356 = arith.subi %div3A_335, %sub3A_355 : i32
      %select_n3A_357 = arith.select %and3A_354, %sub3A_356, %div3A_335 : i32
      %jit3A_358 = arith.constant 16 : i32
      %eq3A_359 = arith.constant 0 : i32
      %eq3A_360 = arith.cmpi eq, %jit3A_358, %eq3A_359 : i32
      %jit3A_361 = arith.constant 1 : i32
      %select_n3A_362 = arith.select %eq3A_360, %jit3A_361, %jit3A_358 : i32
      %rem3A_363 = arith.remsi %add3A_56, %select_n3A_362 : i32
      %ne3A_364 = arith.constant 0 : i32
      %ne3A_365 = arith.cmpi ne, %rem3A_363, %ne3A_364 : i32
      %lt3A_366 = arith.constant 0 : i32
      %lt3A_367 = arith.cmpi slt, %rem3A_363, %lt3A_366 : i32
      %lt3A_368 = arith.constant 0 : i32
      %lt3A_369 = arith.cmpi slt, %select_n3A_362, %lt3A_368 : i32
      %ne3A_370 = arith.xori %lt3A_367, %lt3A_369 : i1
      %and3A_371 = arith.andi %ne3A_370, %ne3A_365 : i1
      %add3A_372 = arith.addi %rem3A_363, %select_n3A_362 : i32
      %select_n3A_373 = arith.select %and3A_371, %add3A_372, %rem3A_363 : i32
      %mul3A_374 = arith.constant 128 : i32
      %mul3A_375 = arith.muli %select_n3A_373, %mul3A_374 : i32
      %jit3A_376 = arith.constant 2 : i32
      %eq3A_377 = arith.constant 0 : i32
      %eq3A_378 = arith.cmpi eq, %jit3A_376, %eq3A_377 : i32
      %jit3A_379 = arith.constant 1 : i32
      %select_n3A_380 = arith.select %eq3A_378, %jit3A_379, %jit3A_376 : i32
      %rem3A_381 = arith.remsi %select_n3A_357, %select_n3A_380 : i32
      %ne3A_382 = arith.constant 0 : i32
      %ne3A_383 = arith.cmpi ne, %rem3A_381, %ne3A_382 : i32
      %lt3A_384 = arith.constant 0 : i32
      %lt3A_385 = arith.cmpi slt, %rem3A_381, %lt3A_384 : i32
      %lt3A_386 = arith.constant 0 : i32
      %lt3A_387 = arith.cmpi slt, %select_n3A_380, %lt3A_386 : i32
      %ne3A_388 = arith.xori %lt3A_385, %lt3A_387 : i1
      %and3A_389 = arith.andi %ne3A_388, %ne3A_383 : i1
      %add3A_390 = arith.addi %rem3A_381, %select_n3A_380 : i32
      %select_n3A_391 = arith.select %and3A_389, %add3A_390, %rem3A_381 : i32
      %dma_start3A_392 = tpu.memref_slice %arg6[%select_n3A_391, %mul3A_375] : memref<2x2048xi32, #tpu.memory_space<vmem>> -> memref<1x128xi32, #tpu.memory_space<vmem>>
      %dma_start3A_393 = tpu.memref_squeeze %dma_start3A_392 : memref<1x128xi32, #tpu.memory_space<vmem>> -> memref<128xi32, #tpu.memory_space<vmem>>
      %dma_start3A_394 = arith.constant 0 : i32
      %dma_start3A_395 = arith.constant 0 : i32
      %dma_start3A_396 = tpu.memref_slice %arg2[%arg0, %dma_start3A_394, %dma_start3A_395] : memref<2x100352x16xf32, #tpu.memory_space<hbm>> -> memref<1x100352x16xf32, #tpu.memory_space<hbm>>
      %dma_start3A_397 = tpu.memref_squeeze %dma_start3A_396 : memref<1x100352x16xf32, #tpu.memory_space<hbm>> -> memref<100352x16xf32, #tpu.memory_space<hbm>>
      %dma_start3A_398 = arith.constant 0 : i32
      %dma_start3A_399 = arith.constant 0 : i32
      %dma_start3A_400 = tpu.memref_slice %dma_start3A_397[%dma_start3A_398, %dma_start3A_399] : memref<100352x16xf32, #tpu.memory_space<hbm>> -> memref<100352x16xf32, #tpu.memory_space<hbm>>
      tpu.enqueue_indirect_dma source(%dma_start3A_400 : memref<100352x16xf32, #tpu.memory_space<hbm>>) target(%arg10 : memref<128x16xf32, #tpu.memory_space<vmem>>) offsets(%dma_start3A_393 : memref<128xi32, #tpu.memory_space<vmem>>) semaphore(%arg13 : memref<!tpu.dma_semaphore, #tpu.memory_space<semaphore_mem>>)
      %jit3A_401 = arith.constant 16 : i32
      %div3A_402 = arith.divsi %mul3A_54, %jit3A_401 : i32
      %sign3A_403 = arith.constant 0 : i32
      %sign3A_404 = arith.cmpi sgt, %mul3A_54, %sign3A_403 : i32
      %sign3A_405 = arith.extui %sign3A_404 : i1 to i32
      %sign3A_406 = arith.constant 0 : i32
      %sign3A_407 = arith.cmpi slt, %mul3A_54, %sign3A_406 : i32
      %sign3A_408 = arith.extui %sign3A_407 : i1 to i32
      %sign3A_409 = arith.subi %sign3A_405, %sign3A_408 : i32
      %sign3A_410 = arith.constant 0 : i32
      %sign3A_411 = arith.cmpi sgt, %jit3A_401, %sign3A_410 : i32
      %sign3A_412 = arith.extui %sign3A_411 : i1 to i32
      %sign3A_413 = arith.constant 0 : i32
      %sign3A_414 = arith.cmpi slt, %jit3A_401, %sign3A_413 : i32
      %sign3A_415 = arith.extui %sign3A_414 : i1 to i32
      %sign3A_416 = arith.subi %sign3A_412, %sign3A_415 : i32
      %ne3A_417 = arith.cmpi ne, %sign3A_409, %sign3A_416 : i32
      %rem3A_418 = arith.remsi %mul3A_54, %jit3A_401 : i32
      %ne3A_419 = arith.constant 0 : i32
      %ne3A_420 = arith.cmpi ne, %rem3A_418, %ne3A_419 : i32
      %and3A_421 = arith.andi %ne3A_417, %ne3A_420 : i1
      %sub3A_422 = arith.constant 1 : i32
      %sub3A_423 = arith.subi %div3A_402, %sub3A_422 : i32
      %select_n3A_424 = arith.select %and3A_421, %sub3A_423, %div3A_402 : i32
      %jit3A_425 = arith.constant 2 : i32
      %eq3A_426 = arith.constant 0 : i32
      %eq3A_427 = arith.cmpi eq, %jit3A_425, %eq3A_426 : i32
      %jit3A_428 = arith.constant 1 : i32
      %select_n3A_429 = arith.select %eq3A_427, %jit3A_428, %jit3A_425 : i32
      %rem3A_430 = arith.remsi %select_n3A_424, %select_n3A_429 : i32
      %ne3A_431 = arith.constant 0 : i32
      %ne3A_432 = arith.cmpi ne, %rem3A_430, %ne3A_431 : i32
      %lt3A_433 = arith.constant 0 : i32
      %lt3A_434 = arith.cmpi slt, %rem3A_430, %lt3A_433 : i32
      %lt3A_435 = arith.constant 0 : i32
      %lt3A_436 = arith.cmpi slt, %select_n3A_429, %lt3A_435 : i32
      %ne3A_437 = arith.xori %lt3A_434, %lt3A_436 : i1
      %and3A_438 = arith.andi %ne3A_437, %ne3A_432 : i1
      %add3A_439 = arith.addi %rem3A_430, %select_n3A_429 : i32
      %select_n3A_440 = arith.select %and3A_438, %add3A_439, %rem3A_430 : i32
      %jit3A_441 = arith.constant 16 : i32
      %eq3A_442 = arith.constant 0 : i32
      %eq3A_443 = arith.cmpi eq, %jit3A_441, %eq3A_442 : i32
      %jit3A_444 = arith.constant 1 : i32
      %select_n3A_445 = arith.select %eq3A_443, %jit3A_444, %jit3A_441 : i32
      %rem3A_446 = arith.remsi %mul3A_54, %select_n3A_445 : i32
      %ne3A_447 = arith.constant 0 : i32
      %ne3A_448 = arith.cmpi ne, %rem3A_446, %ne3A_447 : i32
      %lt3A_449 = arith.constant 0 : i32
      %lt3A_450 = arith.cmpi slt, %rem3A_446, %lt3A_449 : i32
      %lt3A_451 = arith.constant 0 : i32
      %lt3A_452 = arith.cmpi slt, %select_n3A_445, %lt3A_451 : i32
      %ne3A_453 = arith.xori %lt3A_450, %lt3A_452 : i1
      %and3A_454 = arith.andi %ne3A_453, %ne3A_448 : i1
      %add3A_455 = arith.addi %rem3A_446, %select_n3A_445 : i32
      %select_n3A_456 = arith.select %and3A_454, %add3A_455, %rem3A_446 : i32
      %mul3A_457 = arith.constant 128 : i32
      %mul3A_458 = arith.muli %select_n3A_456, %mul3A_457 : i32
      %dma_wait3A = tpu.memref_slice %arg6[%select_n3A_440, %mul3A_458] : memref<2x2048xi32, #tpu.memory_space<vmem>> -> memref<1x128xi32, #tpu.memory_space<vmem>>
      %dma_wait3A_459 = tpu.memref_squeeze %dma_wait3A : memref<1x128xi32, #tpu.memory_space<vmem>> -> memref<128xi32, #tpu.memory_space<vmem>>
      %dma_wait3A_460 = arith.constant 0 : i32
      %dma_wait3A_461 = arith.constant 0 : i32
      %dma_wait3A_462 = tpu.memref_slice %arg2[%arg0, %dma_wait3A_460, %dma_wait3A_461] : memref<2x100352x16xf32, #tpu.memory_space<hbm>> -> memref<1x100352x16xf32, #tpu.memory_space<hbm>>
      %dma_wait3A_463 = tpu.memref_squeeze %dma_wait3A_462 : memref<1x100352x16xf32, #tpu.memory_space<hbm>> -> memref<100352x16xf32, #tpu.memory_space<hbm>>
      %dma_wait3A_464 = arith.constant 0 : i32
      %dma_wait3A_465 = arith.constant 0 : i32
      %dma_wait3A_466 = tpu.memref_slice %dma_wait3A_463[%dma_wait3A_464, %dma_wait3A_465] : memref<100352x16xf32, #tpu.memory_space<hbm>> -> memref<100352x16xf32, #tpu.memory_space<hbm>>
      tpu.wait_indirect_dma semaphore(%arg12 : memref<!tpu.dma_semaphore, #tpu.memory_space<semaphore_mem>>) src(%dma_wait3A_466 : memref<100352x16xf32, #tpu.memory_space<hbm>>) dst(%arg9 : memref<128x16xf32, #tpu.memory_space<vmem>>)
      "tpu.region"() ({
        %run_scoped3A_807 = tpu.sem_alloc : memref<!tpu.dma_semaphore, #tpu.memory_space<semaphore_mem>>
        %dma_start3A_808 = arith.constant 0 : i32
        %dma_start3A_809 = arith.constant 0 : i32
        %dma_start3A_810 = tpu.memref_slice %arg14[%dma_start3A_808, %dma_start3A_809] : memref<100480x16xf32, #tpu.memory_space<vmem_shared>> -> memref<100480x16xf32, #tpu.memory_space<vmem_shared>>
        tpu.enqueue_indirect_dma source(%arg9 : memref<128x16xf32, #tpu.memory_space<vmem>>) target(%dma_start3A_810 : memref<100480x16xf32, #tpu.memory_space<vmem_shared>>) offsets(%arg8 : memref<128xi32, #tpu.memory_space<vmem>>) semaphore(%run_scoped3A_807 : memref<!tpu.dma_semaphore, #tpu.memory_space<semaphore_mem>>) {add = true}
        %dma_wait3A_811 = arith.constant 0 : i32
        %dma_wait3A_812 = arith.constant 0 : i32
        %dma_wait3A_813 = tpu.memref_slice %arg14[%dma_wait3A_811, %dma_wait3A_812] : memref<100480x16xf32, #tpu.memory_space<vmem_shared>> -> memref<100480x16xf32, #tpu.memory_space<vmem_shared>>
        tpu.wait_indirect_dma semaphore(%run_scoped3A_807 : memref<!tpu.dma_semaphore, #tpu.memory_space<semaphore_mem>>) src(%arg9 : memref<128x16xf32, #tpu.memory_space<vmem>>) dst(%dma_wait3A_813 : memref<100480x16xf32, #tpu.memory_space<vmem_shared>>)
        tpu.yield
      }) : () -> ()
      %jit3A_467 = arith.constant 16 : i32
      %div3A_468 = arith.divsi %add3A_56, %jit3A_467 : i32
      %sign3A_469 = arith.constant 0 : i32
      %sign3A_470 = arith.cmpi sgt, %add3A_56, %sign3A_469 : i32
      %sign3A_471 = arith.extui %sign3A_470 : i1 to i32
      %sign3A_472 = arith.constant 0 : i32
      %sign3A_473 = arith.cmpi slt, %add3A_56, %sign3A_472 : i32
      %sign3A_474 = arith.extui %sign3A_473 : i1 to i32
      %sign3A_475 = arith.subi %sign3A_471, %sign3A_474 : i32
      %sign3A_476 = arith.constant 0 : i32
      %sign3A_477 = arith.cmpi sgt, %jit3A_467, %sign3A_476 : i32
      %sign3A_478 = arith.extui %sign3A_477 : i1 to i32
      %sign3A_479 = arith.constant 0 : i32
      %sign3A_480 = arith.cmpi slt, %jit3A_467, %sign3A_479 : i32
      %sign3A_481 = arith.extui %sign3A_480 : i1 to i32
      %sign3A_482 = arith.subi %sign3A_478, %sign3A_481 : i32
      %ne3A_483 = arith.cmpi ne, %sign3A_475, %sign3A_482 : i32
      %rem3A_484 = arith.remsi %add3A_56, %jit3A_467 : i32
      %ne3A_485 = arith.constant 0 : i32
      %ne3A_486 = arith.cmpi ne, %rem3A_484, %ne3A_485 : i32
      %and3A_487 = arith.andi %ne3A_483, %ne3A_486 : i1
      %sub3A_488 = arith.constant 1 : i32
      %sub3A_489 = arith.subi %div3A_468, %sub3A_488 : i32
      %select_n3A_490 = arith.select %and3A_487, %sub3A_489, %div3A_468 : i32
      %jit3A_491 = arith.constant 16 : i32
      %eq3A_492 = arith.constant 0 : i32
      %eq3A_493 = arith.cmpi eq, %jit3A_491, %eq3A_492 : i32
      %jit3A_494 = arith.constant 1 : i32
      %select_n3A_495 = arith.select %eq3A_493, %jit3A_494, %jit3A_491 : i32
      %rem3A_496 = arith.remsi %add3A_56, %select_n3A_495 : i32
      %ne3A_497 = arith.constant 0 : i32
      %ne3A_498 = arith.cmpi ne, %rem3A_496, %ne3A_497 : i32
      %lt3A_499 = arith.constant 0 : i32
      %lt3A_500 = arith.cmpi slt, %rem3A_496, %lt3A_499 : i32
      %lt3A_501 = arith.constant 0 : i32
      %lt3A_502 = arith.cmpi slt, %select_n3A_495, %lt3A_501 : i32
      %ne3A_503 = arith.xori %lt3A_500, %lt3A_502 : i1
      %and3A_504 = arith.andi %ne3A_503, %ne3A_498 : i1
      %add3A_505 = arith.addi %rem3A_496, %select_n3A_495 : i32
      %select_n3A_506 = arith.select %and3A_504, %add3A_505, %rem3A_496 : i32
      %mul3A_507 = arith.constant 128 : i32
      %mul3A_508 = arith.muli %select_n3A_506, %mul3A_507 : i32
      %jit3A_509 = arith.constant 2 : i32
      %eq3A_510 = arith.constant 0 : i32
      %eq3A_511 = arith.cmpi eq, %jit3A_509, %eq3A_510 : i32
      %jit3A_512 = arith.constant 1 : i32
      %select_n3A_513 = arith.select %eq3A_511, %jit3A_512, %jit3A_509 : i32
      %rem3A_514 = arith.remsi %select_n3A_490, %select_n3A_513 : i32
      %ne3A_515 = arith.constant 0 : i32
      %ne3A_516 = arith.cmpi ne, %rem3A_514, %ne3A_515 : i32
      %lt3A_517 = arith.constant 0 : i32
      %lt3A_518 = arith.cmpi slt, %rem3A_514, %lt3A_517 : i32
      %lt3A_519 = arith.constant 0 : i32
      %lt3A_520 = arith.cmpi slt, %select_n3A_513, %lt3A_519 : i32
      %ne3A_521 = arith.xori %lt3A_518, %lt3A_520 : i1
      %and3A_522 = arith.andi %ne3A_521, %ne3A_516 : i1
      %add3A_523 = arith.addi %rem3A_514, %select_n3A_513 : i32
      %select_n3A_524 = arith.select %and3A_522, %add3A_523, %rem3A_514 : i32
      %add3A_525 = arith.constant 0 : i32
      %add3A_526 = arith.addi %mul3A_508, %add3A_525 : i32
      %get3A_527 = arith.index_cast %select_n3A_524 : i32 to index
      %get3A_528 = arith.index_cast %add3A_526 : i32 to index
      %get3A_529 = tpu.vector_load %arg7[%get3A_527, %get3A_528] {strides = array<i32>} : memref<2x2048xi32, #tpu.memory_space<vmem>>, vector<16xi32>,
      %bitcast3A_530 = vector.bitcast %get3A_529 : vector<16xi32> to vector<16xi32>
      %lt3A_531 = arith.constant 100352 : i32
      %lt3A_532 = vector.broadcast %lt3A_531 : i32 to vector<16xi32>
      %lt3A_533 = arith.cmpi ult, %bitcast3A_530, %lt3A_532 : vector<16xi32>
      %select_n3A_534 = arith.select %lt3A_533, %get3A_529, %add3A_22 : vector<16xi1>, vector<16xi32>
      %swap3A_535 = arith.constant 0 : index
      %swap3A_536 = tpu.vector_load %arg8[%swap3A_535] {strides = array<i32>} : memref<128xi32, #tpu.memory_space<vmem>>, vector<16xi32>,
      tpu.vector_store %arg8[%swap3A_535], %select_n3A_534 {strides = array<i32>} : memref<128xi32, #tpu.memory_space<vmem>>, vector<16xi32>,
      %jit3A_537 = arith.constant 2 : i32
      %eq3A_538 = arith.constant 0 : i32
      %eq3A_539 = arith.cmpi eq, %jit3A_537, %eq3A_538 : i32
      %jit3A_540 = arith.constant 1 : i32
      %select_n3A_541 = arith.select %eq3A_539, %jit3A_540, %jit3A_537 : i32
      %rem3A_542 = arith.remsi %select_n3A_490, %select_n3A_541 : i32
      %ne3A_543 = arith.constant 0 : i32
      %ne3A_544 = arith.cmpi ne, %rem3A_542, %ne3A_543 : i32
      %lt3A_545 = arith.constant 0 : i32
      %lt3A_546 = arith.cmpi slt, %rem3A_542, %lt3A_545 : i32
      %lt3A_547 = arith.constant 0 : i32
      %lt3A_548 = arith.cmpi slt, %select_n3A_541, %lt3A_547 : i32
      %ne3A_549 = arith.xori %lt3A_546, %lt3A_548 : i1
      %and3A_550 = arith.andi %ne3A_549, %ne3A_544 : i1
      %add3A_551 = arith.addi %rem3A_542, %select_n3A_541 : i32
      %select_n3A_552 = arith.select %and3A_550, %add3A_551, %rem3A_542 : i32
      %add3A_553 = arith.constant 16 : i32
      %add3A_554 = arith.addi %mul3A_508, %add3A_553 : i32
      %get3A_555 = arith.index_cast %select_n3A_552 : i32 to index
      %get3A_556 = arith.index_cast %add3A_554 : i32 to index
      %get3A_557 = tpu.vector_load %arg7[%get3A_555, %get3A_556] {strides = array<i32>} : memref<2x2048xi32, #tpu.memory_space<vmem>>, vector<16xi32>,
      %bitcast3A_558 = vector.bitcast %get3A_557 : vector<16xi32> to vector<16xi32>
      %lt3A_559 = arith.constant 100352 : i32
      %lt3A_560 = vector.broadcast %lt3A_559 : i32 to vector<16xi32>
      %lt3A_561 = arith.cmpi ult, %bitcast3A_558, %lt3A_560 : vector<16xi32>
      %select_n3A_562 = arith.select %lt3A_561, %get3A_557, %add3A_22 : vector<16xi1>, vector<16xi32>
      %swap3A_563 = arith.constant 16 : index
      %swap3A_564 = tpu.vector_load %arg8[%swap3A_563] {strides = array<i32>} : memref<128xi32, #tpu.memory_space<vmem>>, vector<16xi32>,
      tpu.vector_store %arg8[%swap3A_563], %select_n3A_562 {strides = array<i32>} : memref<128xi32, #tpu.memory_space<vmem>>, vector<16xi32>,
      %jit3A_565 = arith.constant 2 : i32
      %eq3A_566 = arith.constant 0 : i32
      %eq3A_567 = arith.cmpi eq, %jit3A_565, %eq3A_566 : i32
      %jit3A_568 = arith.constant 1 : i32
      %select_n3A_569 = arith.select %eq3A_567, %jit3A_568, %jit3A_565 : i32
      %rem3A_570 = arith.remsi %select_n3A_490, %select_n3A_569 : i32
      %ne3A_571 = arith.constant 0 : i32
      %ne3A_572 = arith.cmpi ne, %rem3A_570, %ne3A_571 : i32
      %lt3A_573 = arith.constant 0 : i32
      %lt3A_574 = arith.cmpi slt, %rem3A_570, %lt3A_573 : i32
      %lt3A_575 = arith.constant 0 : i32
      %lt3A_576 = arith.cmpi slt, %select_n3A_569, %lt3A_575 : i32
      %ne3A_577 = arith.xori %lt3A_574, %lt3A_576 : i1
      %and3A_578 = arith.andi %ne3A_577, %ne3A_572 : i1
      %add3A_579 = arith.addi %rem3A_570, %select_n3A_569 : i32
      %select_n3A_580 = arith.select %and3A_578, %add3A_579, %rem3A_570 : i32
      %add3A_581 = arith.constant 32 : i32
      %add3A_582 = arith.addi %mul3A_508, %add3A_581 : i32
      %get3A_583 = arith.index_cast %select_n3A_580 : i32 to index
      %get3A_584 = arith.index_cast %add3A_582 : i32 to index
      %get3A_585 = tpu.vector_load %arg7[%get3A_583, %get3A_584] {strides = array<i32>} : memref<2x2048xi32, #tpu.memory_space<vmem>>, vector<16xi32>,
      %bitcast3A_586 = vector.bitcast %get3A_585 : vector<16xi32> to vector<16xi32>
      %lt3A_587 = arith.constant 100352 : i32
      %lt3A_588 = vector.broadcast %lt3A_587 : i32 to vector<16xi32>
      %lt3A_589 = arith.cmpi ult, %bitcast3A_586, %lt3A_588 : vector<16xi32>
      %select_n3A_590 = arith.select %lt3A_589, %get3A_585, %add3A_22 : vector<16xi1>, vector<16xi32>
      %swap3A_591 = arith.constant 32 : index
      %swap3A_592 = tpu.vector_load %arg8[%swap3A_591] {strides = array<i32>} : memref<128xi32, #tpu.memory_space<vmem>>, vector<16xi32>,
      tpu.vector_store %arg8[%swap3A_591], %select_n3A_590 {strides = array<i32>} : memref<128xi32, #tpu.memory_space<vmem>>, vector<16xi32>,
      %jit3A_593 = arith.constant 2 : i32
      %eq3A_594 = arith.constant 0 : i32
      %eq3A_595 = arith.cmpi eq, %jit3A_593, %eq3A_594 : i32
      %jit3A_596 = arith.constant 1 : i32
      %select_n3A_597 = arith.select %eq3A_595, %jit3A_596, %jit3A_593 : i32
      %rem3A_598 = arith.remsi %select_n3A_490, %select_n3A_597 : i32
      %ne3A_599 = arith.constant 0 : i32
      %ne3A_600 = arith.cmpi ne, %rem3A_598, %ne3A_599 : i32
      %lt3A_601 = arith.constant 0 : i32
      %lt3A_602 = arith.cmpi slt, %rem3A_598, %lt3A_601 : i32
      %lt3A_603 = arith.constant 0 : i32
      %lt3A_604 = arith.cmpi slt, %select_n3A_597, %lt3A_603 : i32
      %ne3A_605 = arith.xori %lt3A_602, %lt3A_604 : i1
      %and3A_606 = arith.andi %ne3A_605, %ne3A_600 : i1
      %add3A_607 = arith.addi %rem3A_598, %select_n3A_597 : i32
      %select_n3A_608 = arith.select %and3A_606, %add3A_607, %rem3A_598 : i32
      %add3A_609 = arith.constant 48 : i32
      %add3A_610 = arith.addi %mul3A_508, %add3A_609 : i32
      %get3A_611 = arith.index_cast %select_n3A_608 : i32 to index
      %get3A_612 = arith.index_cast %add3A_610 : i32 to index
      %get3A_613 = tpu.vector_load %arg7[%get3A_611, %get3A_612] {strides = array<i32>} : memref<2x2048xi32, #tpu.memory_space<vmem>>, vector<16xi32>,
      %bitcast3A_614 = vector.bitcast %get3A_613 : vector<16xi32> to vector<16xi32>
      %lt3A_615 = arith.constant 100352 : i32
      %lt3A_616 = vector.broadcast %lt3A_615 : i32 to vector<16xi32>
      %lt3A_617 = arith.cmpi ult, %bitcast3A_614, %lt3A_616 : vector<16xi32>
      %select_n3A_618 = arith.select %lt3A_617, %get3A_613, %add3A_22 : vector<16xi1>, vector<16xi32>
      %swap3A_619 = arith.constant 48 : index
      %swap3A_620 = tpu.vector_load %arg8[%swap3A_619] {strides = array<i32>} : memref<128xi32, #tpu.memory_space<vmem>>, vector<16xi32>,
      tpu.vector_store %arg8[%swap3A_619], %select_n3A_618 {strides = array<i32>} : memref<128xi32, #tpu.memory_space<vmem>>, vector<16xi32>,
      %jit3A_621 = arith.constant 2 : i32
      %eq3A_622 = arith.constant 0 : i32
      %eq3A_623 = arith.cmpi eq, %jit3A_621, %eq3A_622 : i32
      %jit3A_624 = arith.constant 1 : i32
      %select_n3A_625 = arith.select %eq3A_623, %jit3A_624, %jit3A_621 : i32
      %rem3A_626 = arith.remsi %select_n3A_490, %select_n3A_625 : i32
      %ne3A_627 = arith.constant 0 : i32
      %ne3A_628 = arith.cmpi ne, %rem3A_626, %ne3A_627 : i32
      %lt3A_629 = arith.constant 0 : i32
      %lt3A_630 = arith.cmpi slt, %rem3A_626, %lt3A_629 : i32
      %lt3A_631 = arith.constant 0 : i32
      %lt3A_632 = arith.cmpi slt, %select_n3A_625, %lt3A_631 : i32
      %ne3A_633 = arith.xori %lt3A_630, %lt3A_632 : i1
      %and3A_634 = arith.andi %ne3A_633, %ne3A_628 : i1
      %add3A_635 = arith.addi %rem3A_626, %select_n3A_625 : i32
      %select_n3A_636 = arith.select %and3A_634, %add3A_635, %rem3A_626 : i32
      %add3A_637 = arith.constant 64 : i32
      %add3A_638 = arith.addi %mul3A_508, %add3A_637 : i32
      %get3A_639 = arith.index_cast %select_n3A_636 : i32 to index
      %get3A_640 = arith.index_cast %add3A_638 : i32 to index
      %get3A_641 = tpu.vector_load %arg7[%get3A_639, %get3A_640] {strides = array<i32>} : memref<2x2048xi32, #tpu.memory_space<vmem>>, vector<16xi32>,
      %bitcast3A_642 = vector.bitcast %get3A_641 : vector<16xi32> to vector<16xi32>
      %lt3A_643 = arith.constant 100352 : i32
      %lt3A_644 = vector.broadcast %lt3A_643 : i32 to vector<16xi32>
      %lt3A_645 = arith.cmpi ult, %bitcast3A_642, %lt3A_644 : vector<16xi32>
      %select_n3A_646 = arith.select %lt3A_645, %get3A_641, %add3A_22 : vector<16xi1>, vector<16xi32>
      %swap3A_647 = arith.constant 64 : index
      %swap3A_648 = tpu.vector_load %arg8[%swap3A_647] {strides = array<i32>} : memref<128xi32, #tpu.memory_space<vmem>>, vector<16xi32>,
      tpu.vector_store %arg8[%swap3A_647], %select_n3A_646 {strides = array<i32>} : memref<128xi32, #tpu.memory_space<vmem>>, vector<16xi32>,
      %jit3A_649 = arith.constant 2 : i32
      %eq3A_650 = arith.constant 0 : i32
      %eq3A_651 = arith.cmpi eq, %jit3A_649, %eq3A_650 : i32
      %jit3A_652 = arith.constant 1 : i32
      %select_n3A_653 = arith.select %eq3A_651, %jit3A_652, %jit3A_649 : i32
      %rem3A_654 = arith.remsi %select_n3A_490, %select_n3A_653 : i32
      %ne3A_655 = arith.constant 0 : i32
      %ne3A_656 = arith.cmpi ne, %rem3A_654, %ne3A_655 : i32
      %lt3A_657 = arith.constant 0 : i32
      %lt3A_658 = arith.cmpi slt, %rem3A_654, %lt3A_657 : i32
      %lt3A_659 = arith.constant 0 : i32
      %lt3A_660 = arith.cmpi slt, %select_n3A_653, %lt3A_659 : i32
      %ne3A_661 = arith.xori %lt3A_658, %lt3A_660 : i1
      %and3A_662 = arith.andi %ne3A_661, %ne3A_656 : i1
      %add3A_663 = arith.addi %rem3A_654, %select_n3A_653 : i32
      %select_n3A_664 = arith.select %and3A_662, %add3A_663, %rem3A_654 : i32
      %add3A_665 = arith.constant 80 : i32
      %add3A_666 = arith.addi %mul3A_508, %add3A_665 : i32
      %get3A_667 = arith.index_cast %select_n3A_664 : i32 to index
      %get3A_668 = arith.index_cast %add3A_666 : i32 to index
      %get3A_669 = tpu.vector_load %arg7[%get3A_667, %get3A_668] {strides = array<i32>} : memref<2x2048xi32, #tpu.memory_space<vmem>>, vector<16xi32>,
      %bitcast3A_670 = vector.bitcast %get3A_669 : vector<16xi32> to vector<16xi32>
      %lt3A_671 = arith.constant 100352 : i32
      %lt3A_672 = vector.broadcast %lt3A_671 : i32 to vector<16xi32>
      %lt3A_673 = arith.cmpi ult, %bitcast3A_670, %lt3A_672 : vector<16xi32>
      %select_n3A_674 = arith.select %lt3A_673, %get3A_669, %add3A_22 : vector<16xi1>, vector<16xi32>
      %swap3A_675 = arith.constant 80 : index
      %swap3A_676 = tpu.vector_load %arg8[%swap3A_675] {strides = array<i32>} : memref<128xi32, #tpu.memory_space<vmem>>, vector<16xi32>,
      tpu.vector_store %arg8[%swap3A_675], %select_n3A_674 {strides = array<i32>} : memref<128xi32, #tpu.memory_space<vmem>>, vector<16xi32>,
      %jit3A_677 = arith.constant 2 : i32
      %eq3A_678 = arith.constant 0 : i32
      %eq3A_679 = arith.cmpi eq, %jit3A_677, %eq3A_678 : i32
      %jit3A_680 = arith.constant 1 : i32
      %select_n3A_681 = arith.select %eq3A_679, %jit3A_680, %jit3A_677 : i32
      %rem3A_682 = arith.remsi %select_n3A_490, %select_n3A_681 : i32
      %ne3A_683 = arith.constant 0 : i32
      %ne3A_684 = arith.cmpi ne, %rem3A_682, %ne3A_683 : i32
      %lt3A_685 = arith.constant 0 : i32
      %lt3A_686 = arith.cmpi slt, %rem3A_682, %lt3A_685 : i32
      %lt3A_687 = arith.constant 0 : i32
      %lt3A_688 = arith.cmpi slt, %select_n3A_681, %lt3A_687 : i32
      %ne3A_689 = arith.xori %lt3A_686, %lt3A_688 : i1
      %and3A_690 = arith.andi %ne3A_689, %ne3A_684 : i1
      %add3A_691 = arith.addi %rem3A_682, %select_n3A_681 : i32
      %select_n3A_692 = arith.select %and3A_690, %add3A_691, %rem3A_682 : i32
      %add3A_693 = arith.constant 96 : i32
      %add3A_694 = arith.addi %mul3A_508, %add3A_693 : i32
      %get3A_695 = arith.index_cast %select_n3A_692 : i32 to index
      %get3A_696 = arith.index_cast %add3A_694 : i32 to index
      %get3A_697 = tpu.vector_load %arg7[%get3A_695, %get3A_696] {strides = array<i32>} : memref<2x2048xi32, #tpu.memory_space<vmem>>, vector<16xi32>,
      %bitcast3A_698 = vector.bitcast %get3A_697 : vector<16xi32> to vector<16xi32>
      %lt3A_699 = arith.constant 100352 : i32
      %lt3A_700 = vector.broadcast %lt3A_699 : i32 to vector<16xi32>
      %lt3A_701 = arith.cmpi ult, %bitcast3A_698, %lt3A_700 : vector<16xi32>
      %select_n3A_702 = arith.select %lt3A_701, %get3A_697, %add3A_22 : vector<16xi1>, vector<16xi32>
      %swap3A_703 = arith.constant 96 : index
      %swap3A_704 = tpu.vector_load %arg8[%swap3A_703] {strides = array<i32>} : memref<128xi32, #tpu.memory_space<vmem>>, vector<16xi32>,
      tpu.vector_store %arg8[%swap3A_703], %select_n3A_702 {strides = array<i32>} : memref<128xi32, #tpu.memory_space<vmem>>, vector<16xi32>,
      %jit3A_705 = arith.constant 2 : i32
      %eq3A_706 = arith.constant 0 : i32
      %eq3A_707 = arith.cmpi eq, %jit3A_705, %eq3A_706 : i32
      %jit3A_708 = arith.constant 1 : i32
      %select_n3A_709 = arith.select %eq3A_707, %jit3A_708, %jit3A_705 : i32
      %rem3A_710 = arith.remsi %select_n3A_490, %select_n3A_709 : i32
      %ne3A_711 = arith.constant 0 : i32
      %ne3A_712 = arith.cmpi ne, %rem3A_710, %ne3A_711 : i32
      %lt3A_713 = arith.constant 0 : i32
      %lt3A_714 = arith.cmpi slt, %rem3A_710, %lt3A_713 : i32
      %lt3A_715 = arith.constant 0 : i32
      %lt3A_716 = arith.cmpi slt, %select_n3A_709, %lt3A_715 : i32
      %ne3A_717 = arith.xori %lt3A_714, %lt3A_716 : i1
      %and3A_718 = arith.andi %ne3A_717, %ne3A_712 : i1
      %add3A_719 = arith.addi %rem3A_710, %select_n3A_709 : i32
      %select_n3A_720 = arith.select %and3A_718, %add3A_719, %rem3A_710 : i32
      %add3A_721 = arith.constant 112 : i32
      %add3A_722 = arith.addi %mul3A_508, %add3A_721 : i32
      %get3A_723 = arith.index_cast %select_n3A_720 : i32 to index
      %get3A_724 = arith.index_cast %add3A_722 : i32 to index
      %get3A_725 = tpu.vector_load %arg7[%get3A_723, %get3A_724] {strides = array<i32>} : memref<2x2048xi32, #tpu.memory_space<vmem>>, vector<16xi32>,
      %bitcast3A_726 = vector.bitcast %get3A_725 : vector<16xi32> to vector<16xi32>
      %lt3A_727 = arith.constant 100352 : i32
      %lt3A_728 = vector.broadcast %lt3A_727 : i32 to vector<16xi32>
      %lt3A_729 = arith.cmpi ult, %bitcast3A_726, %lt3A_728 : vector<16xi32>
      %select_n3A_730 = arith.select %lt3A_729, %get3A_725, %add3A_22 : vector<16xi1>, vector<16xi32>
      %swap3A_731 = arith.constant 112 : index
      %swap3A_732 = tpu.vector_load %arg8[%swap3A_731] {strides = array<i32>} : memref<128xi32, #tpu.memory_space<vmem>>, vector<16xi32>,
      tpu.vector_store %arg8[%swap3A_731], %select_n3A_730 {strides = array<i32>} : memref<128xi32, #tpu.memory_space<vmem>>, vector<16xi32>,
      %add3A_733 = arith.constant 1 : i32
      %add3A_734 = arith.addi %add3A_52, %add3A_733 : i32
      %lt3A_735 = arith.constant 392 : i32
      %lt3A_736 = arith.cmpi slt, %add3A_734, %lt3A_735 : i32
      %convert_element_type3A_737 = arith.extui %lt3A_736 : i1 to i32
      %cond3A_738 = arith.constant 0 : i32
      %cond3A_739 = arith.cmpi ne, %convert_element_type3A_737, %cond3A_738 : i32
      scf.if %cond3A_739 {
        %add3A_807 = arith.constant 2 : i32
        %add3A_808 = arith.addi %mul3A_54, %add3A_807 : i32
        %jit3A_809 = arith.constant 16 : i32
        %div3A_810 = arith.divsi %add3A_808, %jit3A_809 : i32
        %sign3A_811 = arith.constant 0 : i32
        %sign3A_812 = arith.cmpi sgt, %add3A_808, %sign3A_811 : i32
        %sign3A_813 = arith.extui %sign3A_812 : i1 to i32
        %sign3A_814 = arith.constant 0 : i32
        %sign3A_815 = arith.cmpi slt, %add3A_808, %sign3A_814 : i32
        %sign3A_816 = arith.extui %sign3A_815 : i1 to i32
        %sign3A_817 = arith.subi %sign3A_813, %sign3A_816 : i32
        %sign3A_818 = arith.constant 0 : i32
        %sign3A_819 = arith.cmpi sgt, %jit3A_809, %sign3A_818 : i32
        %sign3A_820 = arith.extui %sign3A_819 : i1 to i32
        %sign3A_821 = arith.constant 0 : i32
        %sign3A_822 = arith.cmpi slt, %jit3A_809, %sign3A_821 : i32
        %sign3A_823 = arith.extui %sign3A_822 : i1 to i32
        %sign3A_824 = arith.subi %sign3A_820, %sign3A_823 : i32
        %ne3A_825 = arith.cmpi ne, %sign3A_817, %sign3A_824 : i32
        %rem3A_826 = arith.remsi %add3A_808, %jit3A_809 : i32
        %ne3A_827 = arith.constant 0 : i32
        %ne3A_828 = arith.cmpi ne, %rem3A_826, %ne3A_827 : i32
        %and3A_829 = arith.andi %ne3A_825, %ne3A_828 : i1
        %sub3A_830 = arith.constant 1 : i32
        %sub3A_831 = arith.subi %div3A_810, %sub3A_830 : i32
        %select_n3A_832 = arith.select %and3A_829, %sub3A_831, %div3A_810 : i32
        %jit3A_833 = arith.constant 16 : i32
        %eq3A_834 = arith.constant 0 : i32
        %eq3A_835 = arith.cmpi eq, %jit3A_833, %eq3A_834 : i32
        %jit3A_836 = arith.constant 1 : i32
        %select_n3A_837 = arith.select %eq3A_835, %jit3A_836, %jit3A_833 : i32
        %rem3A_838 = arith.remsi %add3A_808, %select_n3A_837 : i32
        %ne3A_839 = arith.constant 0 : i32
        %ne3A_840 = arith.cmpi ne, %rem3A_838, %ne3A_839 : i32
        %lt3A_841 = arith.constant 0 : i32
        %lt3A_842 = arith.cmpi slt, %rem3A_838, %lt3A_841 : i32
        %lt3A_843 = arith.constant 0 : i32
        %lt3A_844 = arith.cmpi slt, %select_n3A_837, %lt3A_843 : i32
        %ne3A_845 = arith.xori %lt3A_842, %lt3A_844 : i1
        %and3A_846 = arith.andi %ne3A_845, %ne3A_840 : i1
        %add3A_847 = arith.addi %rem3A_838, %select_n3A_837 : i32
        %select_n3A_848 = arith.select %and3A_846, %add3A_847, %rem3A_838 : i32
        %mul3A_849 = arith.constant 128 : i32
        %mul3A_850 = arith.muli %select_n3A_848, %mul3A_849 : i32
        %jit3A_851 = arith.constant 2 : i32
        %eq3A_852 = arith.constant 0 : i32
        %eq3A_853 = arith.cmpi eq, %jit3A_851, %eq3A_852 : i32
        %jit3A_854 = arith.constant 1 : i32
        %select_n3A_855 = arith.select %eq3A_853, %jit3A_854, %jit3A_851 : i32
        %rem3A_856 = arith.remsi %select_n3A_832, %select_n3A_855 : i32
        %ne3A_857 = arith.constant 0 : i32
        %ne3A_858 = arith.cmpi ne, %rem3A_856, %ne3A_857 : i32
        %lt3A_859 = arith.constant 0 : i32
        %lt3A_860 = arith.cmpi slt, %rem3A_856, %lt3A_859 : i32
        %lt3A_861 = arith.constant 0 : i32
        %lt3A_862 = arith.cmpi slt, %select_n3A_855, %lt3A_861 : i32
        %ne3A_863 = arith.xori %lt3A_860, %lt3A_862 : i1
        %and3A_864 = arith.andi %ne3A_863, %ne3A_858 : i1
        %add3A_865 = arith.addi %rem3A_856, %select_n3A_855 : i32
        %select_n3A_866 = arith.select %and3A_864, %add3A_865, %rem3A_856 : i32
        %dma_start3A_867 = tpu.memref_slice %arg6[%select_n3A_866, %mul3A_850] : memref<2x2048xi32, #tpu.memory_space<vmem>> -> memref<1x128xi32, #tpu.memory_space<vmem>>
        %dma_start3A_868 = tpu.memref_squeeze %dma_start3A_867 : memref<1x128xi32, #tpu.memory_space<vmem>> -> memref<128xi32, #tpu.memory_space<vmem>>
        %dma_start3A_869 = arith.constant 0 : i32
        %dma_start3A_870 = arith.constant 0 : i32
        %dma_start3A_871 = tpu.memref_slice %arg2[%arg0, %dma_start3A_869, %dma_start3A_870] : memref<2x100352x16xf32, #tpu.memory_space<hbm>> -> memref<1x100352x16xf32, #tpu.memory_space<hbm>>
        %dma_start3A_872 = tpu.memref_squeeze %dma_start3A_871 : memref<1x100352x16xf32, #tpu.memory_space<hbm>> -> memref<100352x16xf32, #tpu.memory_space<hbm>>
        %dma_start3A_873 = arith.constant 0 : i32
        %dma_start3A_874 = arith.constant 0 : i32
        %dma_start3A_875 = tpu.memref_slice %dma_start3A_872[%dma_start3A_873, %dma_start3A_874] : memref<100352x16xf32, #tpu.memory_space<hbm>> -> memref<100352x16xf32, #tpu.memory_space<hbm>>
        tpu.enqueue_indirect_dma source(%dma_start3A_875 : memref<100352x16xf32, #tpu.memory_space<hbm>>) target(%arg9 : memref<128x16xf32, #tpu.memory_space<vmem>>) offsets(%dma_start3A_868 : memref<128xi32, #tpu.memory_space<vmem>>) semaphore(%arg12 : memref<!tpu.dma_semaphore, #tpu.memory_space<semaphore_mem>>)
      } else {
      }
      %jit3A_740 = arith.constant 16 : i32
      %div3A_741 = arith.divsi %add3A_56, %jit3A_740 : i32
      %sign3A_742 = arith.constant 0 : i32
      %sign3A_743 = arith.cmpi sgt, %add3A_56, %sign3A_742 : i32
      %sign3A_744 = arith.extui %sign3A_743 : i1 to i32
      %sign3A_745 = arith.constant 0 : i32
      %sign3A_746 = arith.cmpi slt, %add3A_56, %sign3A_745 : i32
      %sign3A_747 = arith.extui %sign3A_746 : i1 to i32
      %sign3A_748 = arith.subi %sign3A_744, %sign3A_747 : i32
      %sign3A_749 = arith.constant 0 : i32
      %sign3A_750 = arith.cmpi sgt, %jit3A_740, %sign3A_749 : i32
      %sign3A_751 = arith.extui %sign3A_750 : i1 to i32
      %sign3A_752 = arith.constant 0 : i32
      %sign3A_753 = arith.cmpi slt, %jit3A_740, %sign3A_752 : i32
      %sign3A_754 = arith.extui %sign3A_753 : i1 to i32
      %sign3A_755 = arith.subi %sign3A_751, %sign3A_754 : i32
      %ne3A_756 = arith.cmpi ne, %sign3A_748, %sign3A_755 : i32
      %rem3A_757 = arith.remsi %add3A_56, %jit3A_740 : i32
      %ne3A_758 = arith.constant 0 : i32
      %ne3A_759 = arith.cmpi ne, %rem3A_757, %ne3A_758 : i32
      %and3A_760 = arith.andi %ne3A_756, %ne3A_759 : i1
      %sub3A_761 = arith.constant 1 : i32
      %sub3A_762 = arith.subi %div3A_741, %sub3A_761 : i32
      %select_n3A_763 = arith.select %and3A_760, %sub3A_762, %div3A_741 : i32
      %jit3A_764 = arith.constant 2 : i32
      %eq3A_765 = arith.constant 0 : i32
      %eq3A_766 = arith.cmpi eq, %jit3A_764, %eq3A_765 : i32
      %jit3A_767 = arith.constant 1 : i32
      %select_n3A_768 = arith.select %eq3A_766, %jit3A_767, %jit3A_764 : i32
      %rem3A_769 = arith.remsi %select_n3A_763, %select_n3A_768 : i32
      %ne3A_770 = arith.constant 0 : i32
      %ne3A_771 = arith.cmpi ne, %rem3A_769, %ne3A_770 : i32
      %lt3A_772 = arith.constant 0 : i32
      %lt3A_773 = arith.cmpi slt, %rem3A_769, %lt3A_772 : i32
      %lt3A_774 = arith.constant 0 : i32
      %lt3A_775 = arith.cmpi slt, %select_n3A_768, %lt3A_774 : i32
      %ne3A_776 = arith.xori %lt3A_773, %lt3A_775 : i1
      %and3A_777 = arith.andi %ne3A_776, %ne3A_771 : i1
      %add3A_778 = arith.addi %rem3A_769, %select_n3A_768 : i32
      %select_n3A_779 = arith.select %and3A_777, %add3A_778, %rem3A_769 : i32
      %jit3A_780 = arith.constant 16 : i32
      %eq3A_781 = arith.constant 0 : i32
      %eq3A_782 = arith.cmpi eq, %jit3A_780, %eq3A_781 : i32
      %jit3A_783 = arith.constant 1 : i32
      %select_n3A_784 = arith.select %eq3A_782, %jit3A_783, %jit3A_780 : i32
      %rem3A_785 = arith.remsi %add3A_56, %select_n3A_784 : i32
      %ne3A_786 = arith.constant 0 : i32
      %ne3A_787 = arith.cmpi ne, %rem3A_785, %ne3A_786 : i32
      %lt3A_788 = arith.constant 0 : i32
      %lt3A_789 = arith.cmpi slt, %rem3A_785, %lt3A_788 : i32
      %lt3A_790 = arith.constant 0 : i32
      %lt3A_791 = arith.cmpi slt, %select_n3A_784, %lt3A_790 : i32
      %ne3A_792 = arith.xori %lt3A_789, %lt3A_791 : i1
      %and3A_793 = arith.andi %ne3A_792, %ne3A_787 : i1
      %add3A_794 = arith.addi %rem3A_785, %select_n3A_784 : i32
      %select_n3A_795 = arith.select %and3A_793, %add3A_794, %rem3A_785 : i32
      %mul3A_796 = arith.constant 128 : i32
      %mul3A_797 = arith.muli %select_n3A_795, %mul3A_796 : i32
      %dma_wait3A_798 = tpu.memref_slice %arg6[%select_n3A_779, %mul3A_797] : memref<2x2048xi32, #tpu.memory_space<vmem>> -> memref<1x128xi32, #tpu.memory_space<vmem>>
      %dma_wait3A_799 = tpu.memref_squeeze %dma_wait3A_798 : memref<1x128xi32, #tpu.memory_space<vmem>> -> memref<128xi32, #tpu.memory_space<vmem>>
      %dma_wait3A_800 = arith.constant 0 : i32
      %dma_wait3A_801 = arith.constant 0 : i32
      %dma_wait3A_802 = tpu.memref_slice %arg2[%arg0, %dma_wait3A_800, %dma_wait3A_801] : memref<2x100352x16xf32, #tpu.memory_space<hbm>> -> memref<1x100352x16xf32, #tpu.memory_space<hbm>>
      %dma_wait3A_803 = tpu.memref_squeeze %dma_wait3A_802 : memref<1x100352x16xf32, #tpu.memory_space<hbm>> -> memref<100352x16xf32, #tpu.memory_space<hbm>>
      %dma_wait3A_804 = arith.constant 0 : i32
      %dma_wait3A_805 = arith.constant 0 : i32
      %dma_wait3A_806 = tpu.memref_slice %dma_wait3A_803[%dma_wait3A_804, %dma_wait3A_805] : memref<100352x16xf32, #tpu.memory_space<hbm>> -> memref<100352x16xf32, #tpu.memory_space<hbm>>
      tpu.wait_indirect_dma semaphore(%arg13 : memref<!tpu.dma_semaphore, #tpu.memory_space<semaphore_mem>>) src(%dma_wait3A_806 : memref<100352x16xf32, #tpu.memory_space<hbm>>) dst(%arg10 : memref<128x16xf32, #tpu.memory_space<vmem>>)
      "tpu.region"() ({
        %run_scoped3A_807 = tpu.sem_alloc : memref<!tpu.dma_semaphore, #tpu.memory_space<semaphore_mem>>
        %dma_start3A_808 = arith.constant 0 : i32
        %dma_start3A_809 = arith.constant 0 : i32
        %dma_start3A_810 = tpu.memref_slice %arg14[%dma_start3A_808, %dma_start3A_809] : memref<100480x16xf32, #tpu.memory_space<vmem_shared>> -> memref<100480x16xf32, #tpu.memory_space<vmem_shared>>
        tpu.enqueue_indirect_dma source(%arg10 : memref<128x16xf32, #tpu.memory_space<vmem>>) target(%dma_start3A_810 : memref<100480x16xf32, #tpu.memory_space<vmem_shared>>) offsets(%arg8 : memref<128xi32, #tpu.memory_space<vmem>>) semaphore(%run_scoped3A_807 : memref<!tpu.dma_semaphore, #tpu.memory_space<semaphore_mem>>) {add = true}
        %dma_wait3A_811 = arith.constant 0 : i32
        %dma_wait3A_812 = arith.constant 0 : i32
        %dma_wait3A_813 = tpu.memref_slice %arg14[%dma_wait3A_811, %dma_wait3A_812] : memref<100480x16xf32, #tpu.memory_space<vmem_shared>> -> memref<100480x16xf32, #tpu.memory_space<vmem_shared>>
        tpu.wait_indirect_dma semaphore(%run_scoped3A_807 : memref<!tpu.dma_semaphore, #tpu.memory_space<semaphore_mem>>) src(%arg10 : memref<128x16xf32, #tpu.memory_space<vmem>>) dst(%dma_wait3A_813 : memref<100480x16xf32, #tpu.memory_space<vmem_shared>>)
        tpu.yield
      }) : () -> ()
    }
    %scan3A_40 = arith.constant 392 : i32
    %barrier3A_41 = arith.constant 0 : index
    tpu.barrier barrier_id(%barrier3A_41)
    %mul3A_42 = arith.constant 6272 : i32
    %mul3A_43 = arith.muli %arg1, %mul3A_42 : i32
    %mul3A_44 = arith.constant 6272 : i32
    %mul3A_45 = arith.muli %arg1, %mul3A_44 : i32
    %mul3A_46 = arith.constant 16 : i32
    %mul3A_47 = arith.muli %arg0, %mul3A_46 : i32
    "tpu.region"() ({
      %run_scoped3A_48 = tpu.sem_alloc : memref<!tpu.dma_semaphore, #tpu.memory_space<semaphore_mem>>
      %dma_start3A_49 = tpu.memref_slice %arg5[%mul3A_45, %mul3A_47] : memref<100352x32xf32, #tpu.memory_space<hbm>> -> memref<6272x16xf32, #tpu.memory_space<hbm>>
      %dma_start3A_50 = arith.constant 0 : i32
      %dma_start3A_51 = tpu.memref_slice %arg14[%mul3A_43, %dma_start3A_50] : memref<100480x16xf32, #tpu.memory_space<vmem_shared>> -> memref<6272x16xf32, #tpu.memory_space<vmem_shared>>
      tpu.enqueue_dma source(%dma_start3A_51 : memref<6272x16xf32, #tpu.memory_space<vmem_shared>>) target(%dma_start3A_49 : memref<6272x16xf32, #tpu.memory_space<hbm>>) target_semaphore(%run_scoped3A_48 : memref<!tpu.dma_semaphore, #tpu.memory_space<semaphore_mem>>)
      %dma_wait3A = tpu.memref_slice %arg5[%mul3A_45, %mul3A_47] : memref<100352x32xf32, #tpu.memory_space<hbm>> -> memref<6272x16xf32, #tpu.memory_space<hbm>>
      %dma_wait3A_52 = arith.constant 0 : i32
      %dma_wait3A_53 = tpu.memref_slice %arg14[%mul3A_43, %dma_wait3A_52] : memref<100480x16xf32, #tpu.memory_space<vmem_shared>> -> memref<6272x16xf32, #tpu.memory_space<vmem_shared>>
      tpu.wait_dma2 semaphore(%run_scoped3A_48 : memref<!tpu.dma_semaphore, #tpu.memory_space<semaphore_mem>>) src(%dma_wait3A_53 : memref<6272x16xf32, #tpu.memory_space<vmem_shared>>) dst(%dma_wait3A : memref<6272x16xf32, #tpu.memory_space<hbm>>)
      tpu.yield
    }) : () -> ()
    return
  }
}

module attributes {stable_mosaic.version = 14 : i64} {
  func.func @_embed_body(%arg0: i32, %arg1: memref<2048x1xi32, #tpu.memory_space<vmem>>, %arg2: memref<2048x1xi32, #tpu.memory_space<vmem>>, %arg3: memref<16x16xf32, #tpu.memory_space<vmem>>, %arg4: memref<16x16xf32, #tpu.memory_space<vmem>>, %arg5: memref<2048x32xf32, #tpu.memory_space<vmem>>, %arg6: memref<2x2048x16xf32, #tpu.memory_space<vmem>>) attributes {dimension_semantics = [#tpu.dimension_semantics<arbitrary>], iteration_bounds = array<i64: 49>, scalar_prefetch = 0 : i64, scratch_operands = 0 : i64, tpu.core_type = #tpu.core_type<tc>, window_params = [{transform_indices = @transform_0, window_bounds = array<i64: 2048, 1>}, {transform_indices = @transform_1, window_bounds = array<i64: 2048, 1>}, {pipeline_mode = #tpu.pipeline_mode<synchronous>, transform_indices = @transform_2, window_bounds = array<i64: 16, 16>}, {pipeline_mode = #tpu.pipeline_mode<synchronous>, transform_indices = @transform_3, window_bounds = array<i64: 16, 16>}, {transform_indices = @transform_4, window_bounds = array<i64: 2048, 32>}, {transform_indices = @transform_5, window_bounds = array<i64: 2, 2048, 16>}]} {
    %iota3A = tpu.iota {dimensions = array<i32: 1>} : vector<2048x16xi32>
    %get3A = arith.constant 0 : index
    %get3A_0 = arith.constant 0 : index
    %get3A_1 = vector.load %arg1[%get3A, %get3A_0] : memref<2048x1xi32, #tpu.memory_space<vmem>>, vector<2048x1xi32>
    %eq3A = vector.broadcast %get3A_1 : vector<2048x1xi32> to vector<2048x16xi32>
    %eq3A_2 = arith.cmpi eq, %iota3A, %eq3A : vector<2048x16xi32>
    %convert_element_type3A = arith.extui %eq3A_2 : vector<2048x16xi1> to vector<2048x16xi32>
    %convert_element_type3A_3 = arith.sitofp %convert_element_type3A : vector<2048x16xi32> to vector<2048x16xf32>
    %get3A_4 = arith.constant 0 : index
    %get3A_5 = arith.constant 0 : index
    %get3A_6 = vector.load %arg2[%get3A_4, %get3A_5] : memref<2048x1xi32, #tpu.memory_space<vmem>>, vector<2048x1xi32>
    %eq3A_7 = vector.broadcast %get3A_6 : vector<2048x1xi32> to vector<2048x16xi32>
    %eq3A_8 = arith.cmpi eq, %iota3A, %eq3A_7 : vector<2048x16xi32>
    %convert_element_type3A_9 = arith.extui %eq3A_8 : vector<2048x16xi1> to vector<2048x16xi32>
    %convert_element_type3A_10 = arith.sitofp %convert_element_type3A_9 : vector<2048x16xi32> to vector<2048x16xf32>
    %get3A_11 = arith.constant 0 : index
    %get3A_12 = arith.constant 0 : index
    %get3A_13 = vector.load %arg3[%get3A_11, %get3A_12] : memref<16x16xf32, #tpu.memory_space<vmem>>, vector<16x16xf32>
    %dot_general3A = arith.constant dense<0.000000e+00> : vector<2048x16xf32>
    %dot_general3A_14 = tpu.matmul %convert_element_type3A_3, %get3A_13, %dot_general3A {dimension_numbers = #tpu.dot_dimension_numbers<[1], [0], [0], [1], [0, 0, 1, 1], [], []>, transpose_lhs_hint = false} : vector<2048x16xf32>, vector<16x16xf32>, vector<2048x16xf32> -> vector<2048x16xf32>
    %get3A_15 = arith.constant 0 : index
    %get3A_16 = arith.constant 0 : index
    %get3A_17 = vector.load %arg4[%get3A_15, %get3A_16] : memref<16x16xf32, #tpu.memory_space<vmem>>, vector<16x16xf32>
    %dot_general3A_18 = arith.constant dense<0.000000e+00> : vector<2048x16xf32>
    %dot_general3A_19 = tpu.matmul %convert_element_type3A_10, %get3A_17, %dot_general3A_18 {dimension_numbers = #tpu.dot_dimension_numbers<[1], [0], [0], [1], [0, 0, 1, 1], [], []>, transpose_lhs_hint = false} : vector<2048x16xf32>, vector<16x16xf32>, vector<2048x16xf32> -> vector<2048x16xf32>
    %concatenate3A = tpu.concatenate %dot_general3A_14, %dot_general3A_19 in 1 : vector<2048x16xf32>, vector<2048x16xf32> -> vector<2048x32xf32>
    %swap3A = arith.constant 0 : index
    %swap3A_20 = arith.constant 0 : index
    %swap3A_21 = vector.load %arg5[%swap3A, %swap3A_20] : memref<2048x32xf32, #tpu.memory_space<vmem>>, vector<2048x32xf32>
    tpu.vector_store %arg5[%swap3A, %swap3A_20], %concatenate3A {strides = array<i32>} : memref<2048x32xf32, #tpu.memory_space<vmem>>, vector<2048x32xf32>,
    %swap3A_22 = arith.constant 0 : index
    %swap3A_23 = arith.constant 0 : index
    %swap3A_24 = arith.constant 0 : index
    %swap3A_25 = vector.load %arg6[%swap3A_22, %swap3A_23, %swap3A_24] : memref<2x2048x16xf32, #tpu.memory_space<vmem>>, vector<1x2048x16xf32>
    %swap3A_26 = vector.shape_cast %swap3A_25 : vector<1x2048x16xf32> to vector<2048x16xf32>
    %swap3A_27 = vector.shape_cast %dot_general3A_14 : vector<2048x16xf32> to vector<1x2048x16xf32>
    tpu.vector_store %arg6[%swap3A_22, %swap3A_23, %swap3A_24], %swap3A_27 {strides = array<i32>} : memref<2x2048x16xf32, #tpu.memory_space<vmem>>, vector<1x2048x16xf32>,
    %swap3A_28 = arith.constant 1 : index
    %swap3A_29 = arith.constant 0 : index
    %swap3A_30 = arith.constant 0 : index
    %swap3A_31 = vector.load %arg6[%swap3A_28, %swap3A_29, %swap3A_30] : memref<2x2048x16xf32, #tpu.memory_space<vmem>>, vector<1x2048x16xf32>
    %swap3A_32 = vector.shape_cast %swap3A_31 : vector<1x2048x16xf32> to vector<2048x16xf32>
    %swap3A_33 = vector.shape_cast %dot_general3A_19 : vector<2048x16xf32> to vector<1x2048x16xf32>
    tpu.vector_store %arg6[%swap3A_28, %swap3A_29, %swap3A_30], %swap3A_33 {strides = array<i32>} : memref<2x2048x16xf32, #tpu.memory_space<vmem>>, vector<1x2048x16xf32>,
    return
  }
  func.func @transform_0(%arg0: i32) -> (i32, i32) {
    %c0_i32 = arith.constant 0 : i32
    %c0_i32_0 = arith.constant 0 : i32
    return %arg0, %c0_i32 : i32, i32
  }
  func.func @transform_1(%arg0: i32) -> (i32, i32) {
    %c0_i32 = arith.constant 0 : i32
    %c0_i32_0 = arith.constant 0 : i32
    return %arg0, %c0_i32 : i32, i32
  }
  func.func @transform_2(%arg0: i32) -> (i32, i32) {
    %c0_i32 = arith.constant 0 : i32
    %c0_i32_0 = arith.constant 0 : i32
    %c0_i32_1 = arith.constant 0 : i32
    return %c0_i32, %c0_i32_0 : i32, i32
  }
  func.func @transform_3(%arg0: i32) -> (i32, i32) {
    %c0_i32 = arith.constant 0 : i32
    %c0_i32_0 = arith.constant 0 : i32
    %c0_i32_1 = arith.constant 0 : i32
    return %c0_i32, %c0_i32_0 : i32, i32
  }
  func.func @transform_4(%arg0: i32) -> (i32, i32) {
    %c0_i32 = arith.constant 0 : i32
    %c0_i32_0 = arith.constant 0 : i32
    return %arg0, %c0_i32 : i32, i32
  }
  func.func @transform_5(%arg0: i32) -> (i32, i32, i32) {
    %c0_i32 = arith.constant 0 : i32
    %c0_i32_0 = arith.constant 0 : i32
    %c0_i32_1 = arith.constant 0 : i32
    return %c0_i32, %arg0, %c0_i32_0 : i32, i32, i32
  }
}

module attributes {stable_mosaic.version = 14 : i64} {
  func.func @_combine_body(%arg0: i32, %arg1: memref<2048x32xf32, #tpu.memory_space<vmem>>, %arg2: memref<2048x32xf32, #tpu.memory_space<vmem>>, %arg3: memref<2048x1xf32, #tpu.memory_space<vmem>>, %arg4: memref<32x32xf32, #tpu.memory_space<vmem>>, %arg5: memref<32x32xf32, #tpu.memory_space<vmem>>, %arg6: memref<1x32xf32, #tpu.memory_space<vmem>>, %arg7: memref<2048x32xf32, #tpu.memory_space<vmem>>, %arg8: memref<2x2048x16xf32, #tpu.memory_space<vmem>>) attributes {dimension_semantics = [#tpu.dimension_semantics<arbitrary>], iteration_bounds = array<i64: 49>, scalar_prefetch = 0 : i64, scratch_operands = 0 : i64, tpu.core_type = #tpu.core_type<tc>, window_params = [{transform_indices = @transform_0, window_bounds = array<i64: 2048, 32>}, {transform_indices = @transform_1, window_bounds = array<i64: 2048, 32>}, {transform_indices = @transform_2, window_bounds = array<i64: 2048, 1>}, {pipeline_mode = #tpu.pipeline_mode<synchronous>, transform_indices = @transform_3, window_bounds = array<i64: 32, 32>}, {pipeline_mode = #tpu.pipeline_mode<synchronous>, transform_indices = @transform_4, window_bounds = array<i64: 32, 32>}, {pipeline_mode = #tpu.pipeline_mode<synchronous>, transform_indices = @transform_5, window_bounds = array<i64: 1, 32>}, {transform_indices = @transform_6, window_bounds = array<i64: 2048, 32>}, {transform_indices = @transform_7, window_bounds = array<i64: 2, 2048, 16>}]} {
    %get3A = arith.constant 0 : index
    %get3A_0 = arith.constant 0 : index
    %get3A_1 = vector.load %arg3[%get3A, %get3A_0] : memref<2048x1xf32, #tpu.memory_space<vmem>>, vector<2048x1xf32>
    %max3A = arith.constant 1.000000e+00 : f32
    %max3A_2 = vector.broadcast %max3A : f32 to vector<2048x1xf32>
    %max3A_3 = arith.maximumf %get3A_1, %max3A_2 : vector<2048x1xf32>
    %div3A = arith.constant 1.000000e+00 : f32
    %div3A_4 = vector.broadcast %div3A : f32 to vector<2048x1xf32>
    %div3A_5 = arith.divf %div3A_4, %max3A_3 : vector<2048x1xf32>
    %get3A_6 = arith.constant 0 : index
    %get3A_7 = arith.constant 0 : index
    %get3A_8 = vector.load %arg1[%get3A_6, %get3A_7] : memref<2048x32xf32, #tpu.memory_space<vmem>>, vector<2048x32xf32>
    %mul3A = vector.broadcast %div3A_5 : vector<2048x1xf32> to vector<2048x32xf32>
    %mul3A_9 = arith.mulf %get3A_8, %mul3A : vector<2048x32xf32>
    %get3A_10 = arith.constant 0 : index
    %get3A_11 = arith.constant 0 : index
    %get3A_12 = vector.load %arg4[%get3A_10, %get3A_11] : memref<32x32xf32, #tpu.memory_space<vmem>>, vector<32x32xf32>
    %dot_general3A = arith.constant dense<0.000000e+00> : vector<2048x32xf32>
    %dot_general3A_13 = tpu.matmul %mul3A_9, %get3A_12, %dot_general3A {dimension_numbers = #tpu.dot_dimension_numbers<[1], [1], [0], [0], [0, 0, 1, 0], [], []>, transpose_lhs_hint = false} : vector<2048x32xf32>, vector<32x32xf32>, vector<2048x32xf32> -> vector<2048x32xf32>
    %get3A_14 = arith.constant 0 : index
    %get3A_15 = arith.constant 0 : index
    %get3A_16 = vector.load %arg2[%get3A_14, %get3A_15] : memref<2048x32xf32, #tpu.memory_space<vmem>>, vector<2048x32xf32>
    %get3A_17 = arith.constant 0 : index
    %get3A_18 = arith.constant 0 : index
    %get3A_19 = vector.load %arg5[%get3A_17, %get3A_18] : memref<32x32xf32, #tpu.memory_space<vmem>>, vector<32x32xf32>
    %dot_general3A_20 = arith.constant dense<0.000000e+00> : vector<2048x32xf32>
    %dot_general3A_21 = tpu.matmul %get3A_16, %get3A_19, %dot_general3A_20 {dimension_numbers = #tpu.dot_dimension_numbers<[1], [1], [0], [0], [0, 0, 1, 0], [], []>, transpose_lhs_hint = false} : vector<2048x32xf32>, vector<32x32xf32>, vector<2048x32xf32> -> vector<2048x32xf32>
    %add3A = arith.addf %dot_general3A_13, %dot_general3A_21 : vector<2048x32xf32>
    %get3A_22 = arith.constant 0 : index
    %get3A_23 = arith.constant 0 : index
    %get3A_24 = vector.load %arg6[%get3A_22, %get3A_23] : memref<1x32xf32, #tpu.memory_space<vmem>>, vector<1x32xf32>
    %add3A_25 = vector.broadcast %get3A_24 : vector<1x32xf32> to vector<2048x32xf32>
    %add3A_26 = arith.addf %add3A, %add3A_25 : vector<2048x32xf32>
    %max3A_27 = arith.constant 0.000000e+00 : f32
    %max3A_28 = vector.broadcast %max3A_27 : f32 to vector<2048x32xf32>
    %max3A_29 = arith.maximumf %add3A_26, %max3A_28 : vector<2048x32xf32>
    %swap3A = arith.constant 0 : index
    %swap3A_30 = arith.constant 0 : index
    %swap3A_31 = vector.load %arg7[%swap3A, %swap3A_30] : memref<2048x32xf32, #tpu.memory_space<vmem>>, vector<2048x32xf32>
    tpu.vector_store %arg7[%swap3A, %swap3A_30], %max3A_29 {strides = array<i32>} : memref<2048x32xf32, #tpu.memory_space<vmem>>, vector<2048x32xf32>,
    %slice3A = vector.extract_strided_slice %max3A_29 {offsets = [0, 0], sizes = [2048, 16], strides = [1, 1]} : vector<2048x32xf32> to vector<2048x16xf32>
    %swap3A_32 = arith.constant 0 : index
    %swap3A_33 = arith.constant 0 : index
    %swap3A_34 = arith.constant 0 : index
    %swap3A_35 = vector.load %arg8[%swap3A_32, %swap3A_33, %swap3A_34] : memref<2x2048x16xf32, #tpu.memory_space<vmem>>, vector<1x2048x16xf32>
    %swap3A_36 = vector.shape_cast %swap3A_35 : vector<1x2048x16xf32> to vector<2048x16xf32>
    %swap3A_37 = vector.shape_cast %slice3A : vector<2048x16xf32> to vector<1x2048x16xf32>
    tpu.vector_store %arg8[%swap3A_32, %swap3A_33, %swap3A_34], %swap3A_37 {strides = array<i32>} : memref<2x2048x16xf32, #tpu.memory_space<vmem>>, vector<1x2048x16xf32>,
    %slice3A_38 = vector.extract_strided_slice %max3A_29 {offsets = [0, 16], sizes = [2048, 16], strides = [1, 1]} : vector<2048x32xf32> to vector<2048x16xf32>
    %swap3A_39 = arith.constant 1 : index
    %swap3A_40 = arith.constant 0 : index
    %swap3A_41 = arith.constant 0 : index
    %swap3A_42 = vector.load %arg8[%swap3A_39, %swap3A_40, %swap3A_41] : memref<2x2048x16xf32, #tpu.memory_space<vmem>>, vector<1x2048x16xf32>
    %swap3A_43 = vector.shape_cast %swap3A_42 : vector<1x2048x16xf32> to vector<2048x16xf32>
    %swap3A_44 = vector.shape_cast %slice3A_38 : vector<2048x16xf32> to vector<1x2048x16xf32>
    tpu.vector_store %arg8[%swap3A_39, %swap3A_40, %swap3A_41], %swap3A_44 {strides = array<i32>} : memref<2x2048x16xf32, #tpu.memory_space<vmem>>, vector<1x2048x16xf32>,
    return
  }
  func.func @transform_0(%arg0: i32) -> (i32, i32) {
    %c0_i32 = arith.constant 0 : i32
    %c0_i32_0 = arith.constant 0 : i32
    return %arg0, %c0_i32 : i32, i32
  }
  func.func @transform_1(%arg0: i32) -> (i32, i32) {
    %c0_i32 = arith.constant 0 : i32
    %c0_i32_0 = arith.constant 0 : i32
    return %arg0, %c0_i32 : i32, i32
  }
  func.func @transform_2(%arg0: i32) -> (i32, i32) {
    %c0_i32 = arith.constant 0 : i32
    %c0_i32_0 = arith.constant 0 : i32
    return %arg0, %c0_i32 : i32, i32
  }
  func.func @transform_3(%arg0: i32) -> (i32, i32) {
    %c0_i32 = arith.constant 0 : i32
    %c0_i32_0 = arith.constant 0 : i32
    %c0_i32_1 = arith.constant 0 : i32
    return %c0_i32, %c0_i32_0 : i32, i32
  }
  func.func @transform_4(%arg0: i32) -> (i32, i32) {
    %c0_i32 = arith.constant 0 : i32
    %c0_i32_0 = arith.constant 0 : i32
    %c0_i32_1 = arith.constant 0 : i32
    return %c0_i32, %c0_i32_0 : i32, i32
  }
  func.func @transform_5(%arg0: i32) -> (i32, i32) {
    %c0_i32 = arith.constant 0 : i32
    %c0_i32_0 = arith.constant 0 : i32
    %c0_i32_1 = arith.constant 0 : i32
    return %c0_i32, %c0_i32_0 : i32, i32
  }
  func.func @transform_6(%arg0: i32) -> (i32, i32) {
    %c0_i32 = arith.constant 0 : i32
    %c0_i32_0 = arith.constant 0 : i32
    return %arg0, %c0_i32 : i32, i32
  }
  func.func @transform_7(%arg0: i32) -> (i32, i32, i32) {
    %c0_i32 = arith.constant 0 : i32
    %c0_i32_0 = arith.constant 0 : i32
    %c0_i32_1 = arith.constant 0 : i32
    return %c0_i32, %arg0, %c0_i32_0 : i32, i32, i32
  }
}

module attributes {stable_mosaic.version = 14 : i64} {
  func.func @_cpool_body(%arg0: i32, %arg1: memref<2048x32xf32, #tpu.memory_space<vmem>>, %arg2: memref<2048x32xf32, #tpu.memory_space<vmem>>, %arg3: memref<2048x1xf32, #tpu.memory_space<vmem>>, %arg4: memref<1x2048xi32, #tpu.memory_space<vmem>>, %arg5: memref<32x32xf32, #tpu.memory_space<vmem>>, %arg6: memref<32x32xf32, #tpu.memory_space<vmem>>, %arg7: memref<1x32xf32, #tpu.memory_space<vmem>>, %arg8: memref<10x32xf32, #tpu.memory_space<vmem>>, %arg9: memref<1x10xf32, #tpu.memory_space<vmem>>, %arg10: memref<256x10xf32, #tpu.memory_space<vmem>>, %arg11: memref<256x32xf32, #tpu.memory_space<vmem>>, %arg12: memref<256x1xf32, #tpu.memory_space<vmem>>) attributes {dimension_semantics = [#tpu.dimension_semantics<arbitrary>], iteration_bounds = array<i64: 49>, scalar_prefetch = 0 : i64, scratch_operands = 2 : i64, tpu.core_type = #tpu.core_type<tc>, window_params = [{transform_indices = @transform_0, window_bounds = array<i64: 2048, 32>}, {transform_indices = @transform_1, window_bounds = array<i64: 2048, 32>}, {transform_indices = @transform_2, window_bounds = array<i64: 2048, 1>}, {transform_indices = @transform_3, window_bounds = array<i64: 1, 2048>}, {pipeline_mode = #tpu.pipeline_mode<synchronous>, transform_indices = @transform_4, window_bounds = array<i64: 32, 32>}, {pipeline_mode = #tpu.pipeline_mode<synchronous>, transform_indices = @transform_5, window_bounds = array<i64: 32, 32>}, {pipeline_mode = #tpu.pipeline_mode<synchronous>, transform_indices = @transform_6, window_bounds = array<i64: 1, 32>}, {pipeline_mode = #tpu.pipeline_mode<synchronous>, transform_indices = @transform_7, window_bounds = array<i64: 10, 32>}, {pipeline_mode = #tpu.pipeline_mode<synchronous>, transform_indices = @transform_8, window_bounds = array<i64: 1, 10>}, {pipeline_mode = #tpu.pipeline_mode<synchronous>, transform_indices = @transform_9, window_bounds = array<i64: 256, 10>}]} {
    %eq3A = arith.constant 0 : i32
    %eq3A_0 = arith.cmpi eq, %arg0, %eq3A : i32
    %convert_element_type3A = arith.extui %eq3A_0 : i1 to i32
    %cond3A = arith.constant 0 : i32
    %cond3A_1 = arith.cmpi ne, %convert_element_type3A, %cond3A : i32
    scf.if %cond3A_1 {
      %broadcast_in_dim3A_60 = arith.constant 0.000000e+00 : f32
      %broadcast_in_dim3A_61 = vector.broadcast %broadcast_in_dim3A_60 : f32 to vector<256x32xf32>
      %swap3A_62 = arith.constant 0 : index
      %swap3A_63 = arith.constant 0 : index
      %swap3A_64 = vector.load %arg11[%swap3A_62, %swap3A_63] : memref<256x32xf32, #tpu.memory_space<vmem>>, vector<256x32xf32>
      tpu.vector_store %arg11[%swap3A_62, %swap3A_63], %broadcast_in_dim3A_61 {strides = array<i32>} : memref<256x32xf32, #tpu.memory_space<vmem>>, vector<256x32xf32>,
      %broadcast_in_dim3A_65 = arith.constant 0.000000e+00 : f32
      %broadcast_in_dim3A_66 = vector.broadcast %broadcast_in_dim3A_65 : f32 to vector<256x1xf32>
      %swap3A_67 = arith.constant 0 : index
      %swap3A_68 = arith.constant 0 : index
      %swap3A_69 = vector.load %arg12[%swap3A_67, %swap3A_68] : memref<256x1xf32, #tpu.memory_space<vmem>>, vector<256x1xf32>
      tpu.vector_store %arg12[%swap3A_67, %swap3A_68], %broadcast_in_dim3A_66 {strides = array<i32>} : memref<256x1xf32, #tpu.memory_space<vmem>>, vector<256x1xf32>,
    } else {
    }
    %get3A = arith.constant 0 : index
    %get3A_2 = arith.constant 0 : index
    %get3A_3 = vector.load %arg3[%get3A, %get3A_2] : memref<2048x1xf32, #tpu.memory_space<vmem>>, vector<2048x1xf32>
    %max3A = arith.constant 1.000000e+00 : f32
    %max3A_4 = vector.broadcast %max3A : f32 to vector<2048x1xf32>
    %max3A_5 = arith.maximumf %get3A_3, %max3A_4 : vector<2048x1xf32>
    %div3A = arith.constant 1.000000e+00 : f32
    %div3A_6 = vector.broadcast %div3A : f32 to vector<2048x1xf32>
    %div3A_7 = arith.divf %div3A_6, %max3A_5 : vector<2048x1xf32>
    %get3A_8 = arith.constant 0 : index
    %get3A_9 = arith.constant 0 : index
    %get3A_10 = vector.load %arg1[%get3A_8, %get3A_9] : memref<2048x32xf32, #tpu.memory_space<vmem>>, vector<2048x32xf32>
    %mul3A = vector.broadcast %div3A_7 : vector<2048x1xf32> to vector<2048x32xf32>
    %mul3A_11 = arith.mulf %get3A_10, %mul3A : vector<2048x32xf32>
    %get3A_12 = arith.constant 0 : index
    %get3A_13 = arith.constant 0 : index
    %get3A_14 = vector.load %arg5[%get3A_12, %get3A_13] : memref<32x32xf32, #tpu.memory_space<vmem>>, vector<32x32xf32>
    %dot_general3A = arith.constant dense<0.000000e+00> : vector<2048x32xf32>
    %dot_general3A_15 = tpu.matmul %mul3A_11, %get3A_14, %dot_general3A {dimension_numbers = #tpu.dot_dimension_numbers<[1], [1], [0], [0], [0, 0, 1, 0], [], []>, transpose_lhs_hint = false} : vector<2048x32xf32>, vector<32x32xf32>, vector<2048x32xf32> -> vector<2048x32xf32>
    %get3A_16 = arith.constant 0 : index
    %get3A_17 = arith.constant 0 : index
    %get3A_18 = vector.load %arg2[%get3A_16, %get3A_17] : memref<2048x32xf32, #tpu.memory_space<vmem>>, vector<2048x32xf32>
    %get3A_19 = arith.constant 0 : index
    %get3A_20 = arith.constant 0 : index
    %get3A_21 = vector.load %arg6[%get3A_19, %get3A_20] : memref<32x32xf32, #tpu.memory_space<vmem>>, vector<32x32xf32>
    %dot_general3A_22 = arith.constant dense<0.000000e+00> : vector<2048x32xf32>
    %dot_general3A_23 = tpu.matmul %get3A_18, %get3A_21, %dot_general3A_22 {dimension_numbers = #tpu.dot_dimension_numbers<[1], [1], [0], [0], [0, 0, 1, 0], [], []>, transpose_lhs_hint = false} : vector<2048x32xf32>, vector<32x32xf32>, vector<2048x32xf32> -> vector<2048x32xf32>
    %add3A = arith.addf %dot_general3A_15, %dot_general3A_23 : vector<2048x32xf32>
    %get3A_24 = arith.constant 0 : index
    %get3A_25 = arith.constant 0 : index
    %get3A_26 = vector.load %arg7[%get3A_24, %get3A_25] : memref<1x32xf32, #tpu.memory_space<vmem>>, vector<1x32xf32>
    %add3A_27 = vector.broadcast %get3A_26 : vector<1x32xf32> to vector<2048x32xf32>
    %add3A_28 = arith.addf %add3A, %add3A_27 : vector<2048x32xf32>
    %max3A_29 = arith.constant 0.000000e+00 : f32
    %max3A_30 = vector.broadcast %max3A_29 : f32 to vector<2048x32xf32>
    %max3A_31 = arith.maximumf %add3A_28, %max3A_30 : vector<2048x32xf32>
    %iota3A = tpu.iota {dimensions = array<i32: 0>} : vector<256x2048xi32>
    %get3A_32 = arith.constant 0 : index
    %get3A_33 = arith.constant 0 : index
    %get3A_34 = vector.load %arg4[%get3A_32, %get3A_33] : memref<1x2048xi32, #tpu.memory_space<vmem>>, vector<1x2048xi32>
    %eq3A_35 = vector.broadcast %get3A_34 : vector<1x2048xi32> to vector<256x2048xi32>
    %eq3A_36 = arith.cmpi eq, %iota3A, %eq3A_35 : vector<256x2048xi32>
    %convert_element_type3A_37 = arith.extui %eq3A_36 : vector<256x2048xi1> to vector<256x2048xi32>
    %convert_element_type3A_38 = arith.sitofp %convert_element_type3A_37 : vector<256x2048xi32> to vector<256x2048xf32>
    %get3A_39 = arith.constant 0 : index
    %get3A_40 = arith.constant 0 : index
    %get3A_41 = vector.load %arg11[%get3A_39, %get3A_40] : memref<256x32xf32, #tpu.memory_space<vmem>>, vector<256x32xf32>
    %dot_general3A_42 = arith.constant dense<0.000000e+00> : vector<256x32xf32>
    %dot_general3A_43 = tpu.matmul %convert_element_type3A_38, %max3A_31, %dot_general3A_42 {dimension_numbers = #tpu.dot_dimension_numbers<[1], [0], [0], [1], [0, 0, 1, 1], [], []>, transpose_lhs_hint = false} : vector<256x2048xf32>, vector<2048x32xf32>, vector<256x32xf32> -> vector<256x32xf32>
    %add3A_44 = arith.addf %get3A_41, %dot_general3A_43 : vector<256x32xf32>
    %swap3A = arith.constant 0 : index
    %swap3A_45 = arith.constant 0 : index
    %swap3A_46 = vector.load %arg11[%swap3A, %swap3A_45] : memref<256x32xf32, #tpu.memory_space<vmem>>, vector<256x32xf32>
    tpu.vector_store %arg11[%swap3A, %swap3A_45], %add3A_44 {strides = array<i32>} : memref<256x32xf32, #tpu.memory_space<vmem>>, vector<256x32xf32>,
    %get3A_47 = arith.constant 0 : index
    %get3A_48 = arith.constant 0 : index
    %get3A_49 = vector.load %arg12[%get3A_47, %get3A_48] : memref<256x1xf32, #tpu.memory_space<vmem>>, vector<256x1xf32>
    %reduce_sum3A = arith.constant dense<0.000000e+00> : vector<256xf32>
    %reduce_sum3A_50 = vector.multi_reduction <add>, %convert_element_type3A_38, %reduce_sum3A [1] : vector<256x2048xf32> to vector<256xf32>
    %broadcast_in_dim3A = vector.shape_cast %reduce_sum3A_50 : vector<256xf32> to vector<256x1xf32>
    %add3A_51 = arith.addf %get3A_49, %broadcast_in_dim3A : vector<256x1xf32>
    %swap3A_52 = arith.constant 0 : index
    %swap3A_53 = arith.constant 0 : index
    %swap3A_54 = vector.load %arg12[%swap3A_52, %swap3A_53] : memref<256x1xf32, #tpu.memory_space<vmem>>, vector<256x1xf32>
    tpu.vector_store %arg12[%swap3A_52, %swap3A_53], %add3A_51 {strides = array<i32>} : memref<256x1xf32, #tpu.memory_space<vmem>>, vector<256x1xf32>,
    %eq3A_55 = arith.constant 48 : i32
    %eq3A_56 = arith.cmpi eq, %arg0, %eq3A_55 : i32
    %convert_element_type3A_57 = arith.extui %eq3A_56 : i1 to i32
    %cond3A_58 = arith.constant 0 : i32
    %cond3A_59 = arith.cmpi ne, %convert_element_type3A_57, %cond3A_58 : i32
    scf.if %cond3A_59 {
      %get3A_60 = arith.constant 0 : index
      %get3A_61 = arith.constant 0 : index
      %get3A_62 = vector.load %arg11[%get3A_60, %get3A_61] : memref<256x32xf32, #tpu.memory_space<vmem>>, vector<256x32xf32>
      %get3A_63 = arith.constant 0 : index
      %get3A_64 = arith.constant 0 : index
      %get3A_65 = vector.load %arg12[%get3A_63, %get3A_64] : memref<256x1xf32, #tpu.memory_space<vmem>>, vector<256x1xf32>
      %max3A_66 = arith.constant 1.000000e+00 : f32
      %max3A_67 = vector.broadcast %max3A_66 : f32 to vector<256x1xf32>
      %max3A_68 = arith.maximumf %get3A_65, %max3A_67 : vector<256x1xf32>
      %div3A_69 = vector.broadcast %max3A_68 : vector<256x1xf32> to vector<256x32xf32>
      %div3A_70 = arith.divf %get3A_62, %div3A_69 : vector<256x32xf32>
      %get3A_71 = arith.constant 0 : index
      %get3A_72 = arith.constant 0 : index
      %get3A_73 = vector.load %arg8[%get3A_71, %get3A_72] : memref<10x32xf32, #tpu.memory_space<vmem>>, vector<10x32xf32>
      %dot_general3A_74 = arith.constant dense<0.000000e+00> : vector<256x10xf32>
      %dot_general3A_75 = tpu.matmul %div3A_70, %get3A_73, %dot_general3A_74 {dimension_numbers = #tpu.dot_dimension_numbers<[1], [1], [0], [0], [0, 0, 1, 0], [], []>, transpose_lhs_hint = false} : vector<256x32xf32>, vector<10x32xf32>, vector<256x10xf32> -> vector<256x10xf32>
      %get3A_76 = arith.constant 0 : index
      %get3A_77 = arith.constant 0 : index
      %get3A_78 = vector.load %arg9[%get3A_76, %get3A_77] : memref<1x10xf32, #tpu.memory_space<vmem>>, vector<1x10xf32>
      %add3A_79 = vector.broadcast %get3A_78 : vector<1x10xf32> to vector<256x10xf32>
      %add3A_80 = arith.addf %dot_general3A_75, %add3A_79 : vector<256x10xf32>
      %swap3A_81 = arith.constant 0 : index
      %swap3A_82 = arith.constant 0 : index
      %swap3A_83 = vector.load %arg10[%swap3A_81, %swap3A_82] : memref<256x10xf32, #tpu.memory_space<vmem>>, vector<256x10xf32>
      tpu.vector_store %arg10[%swap3A_81, %swap3A_82], %add3A_80 {strides = array<i32>} : memref<256x10xf32, #tpu.memory_space<vmem>>, vector<256x10xf32>,
    } else {
    }
    return
  }
  func.func @transform_0(%arg0: i32) -> (i32, i32) {
    %c0_i32 = arith.constant 0 : i32
    %c0_i32_0 = arith.constant 0 : i32
    return %arg0, %c0_i32 : i32, i32
  }
  func.func @transform_1(%arg0: i32) -> (i32, i32) {
    %c0_i32 = arith.constant 0 : i32
    %c0_i32_0 = arith.constant 0 : i32
    return %arg0, %c0_i32 : i32, i32
  }
  func.func @transform_2(%arg0: i32) -> (i32, i32) {
    %c0_i32 = arith.constant 0 : i32
    %c0_i32_0 = arith.constant 0 : i32
    return %arg0, %c0_i32 : i32, i32
  }
  func.func @transform_3(%arg0: i32) -> (i32, i32) {
    %c0_i32 = arith.constant 0 : i32
    %c0_i32_0 = arith.constant 0 : i32
    return %c0_i32, %arg0 : i32, i32
  }
  func.func @transform_4(%arg0: i32) -> (i32, i32) {
    %c0_i32 = arith.constant 0 : i32
    %c0_i32_0 = arith.constant 0 : i32
    %c0_i32_1 = arith.constant 0 : i32
    return %c0_i32, %c0_i32_0 : i32, i32
  }
  func.func @transform_5(%arg0: i32) -> (i32, i32) {
    %c0_i32 = arith.constant 0 : i32
    %c0_i32_0 = arith.constant 0 : i32
    %c0_i32_1 = arith.constant 0 : i32
    return %c0_i32, %c0_i32_0 : i32, i32
  }
  func.func @transform_6(%arg0: i32) -> (i32, i32) {
    %c0_i32 = arith.constant 0 : i32
    %c0_i32_0 = arith.constant 0 : i32
    %c0_i32_1 = arith.constant 0 : i32
    return %c0_i32, %c0_i32_0 : i32, i32
  }
  func.func @transform_7(%arg0: i32) -> (i32, i32) {
    %c0_i32 = arith.constant 0 : i32
    %c0_i32_0 = arith.constant 0 : i32
    %c0_i32_1 = arith.constant 0 : i32
    return %c0_i32, %c0_i32_0 : i32, i32
  }
  func.func @transform_8(%arg0: i32) -> (i32, i32) {
    %c0_i32 = arith.constant 0 : i32
    %c0_i32_0 = arith.constant 0 : i32
    %c0_i32_1 = arith.constant 0 : i32
    return %c0_i32, %c0_i32_0 : i32, i32
  }
  func.func @transform_9(%arg0: i32) -> (i32, i32) {
    %c0_i32 = arith.constant 0 : i32
    %c0_i32_0 = arith.constant 0 : i32
    %c0_i32_1 = arith.constant 0 : i32
    return %c0_i32, %c0_i32_0 : i32, i32
  }
}

</mosaic_0001>

<sc_bundles>
// kernel: kernel.11.cloned.1.call-start
scs
__scs_entry_jumppad:
0x0: {  	(pc) =	sbr.rel $0x88, $3  }
0x1: {  	(tag) =	ssettag $0x0;
	lr =	simm.s32 $0x1  }
0x2: {  	[smem:$0x3F94] =	sst lr;
	_ =	strace $0xD0000000  }
0x3: {  	_ = 	snop  }
0x4: {  	_ = 	snop  }
0x5: {  	_ = 	snop  }
0x6: {  	_ = 	snop  }
0x7: {  	_ = 	snop  }
__scs_overlays_trampoline_lowered:
0x8: {  	[smem:$0x3FA3] =	sst s0  }
0x9: {  	[smem:$0x3FA4] =	sst s1  }
0xa: {  	[smem:$0x3FA5] =	sst s2  }
0xb: {  	[smem:$0x3FA6] =	sst s3  }
0xc: {  	[smem:$0x3FA7] =	sst s4  }
0xd: {  	[smem:$0x3FA8] =	sst s5  }
0xe: {  	[smem:$0x3FA9] =	sst s6  }
0xf: {  	[smem:$0x3FAA] =	sst s7  }
0x10: {  	[smem:$0x3FAB] =	sst s8  }
0x11: {  	[smem:$0x3FAC] =	sst s9;
	s0 =	simm.s32 @!p0 $0x0  }
0x12: {  	s1 =	sld [smem:$0x3F92];
	s0 =	simm.s32 @p0 $0x1  }
0x13: {  	[smem:$0x3FAD] =	sst s0;
	s0 =	simm.s32 @!p1 $0x0  }
0x14: {  	s2 =	sld [smem:$0x3F91];
	s0 =	simm.s32 @p1 $0x1  }
0x15: {  	[smem:$0x3FAE] =	sst s0;
	s0 =	simm.s32 @!p2 $0x0  }
0x16: {  	s3 =	sld [smem:$0x3FDB];
	s0 =	simm.s32 @p2 $0x1  }
0x17: {  	s4 =	simm.s32 $0x1BF5;
	[smem:$0x3FB0] =	sst s0  }
0x18: {  	s0 =	sld [smem:$0x3F93];
	_ =	swait.ge [sflag:s4], $0x0  }
0x19: {  	s7 =	sld [smem:$0x3F94]  }
0x1a: {  	s8 =	sadd.s32 $0xFFFFE003, lr  }
0x1b: {  	s9 =	sadd.s32 $0xFFFFFEF7, lr;
	s5 =	simm.s32 $0xFFFFFFFF;
	p2 =	slt.u32 s8, $0xFFFFF086  }
0x1c: {  	p1 =	slt.u32 s9, $0xF7A;
	s5 =	simm.s32 @!p2 $0x0  }
0x1d: {  	s5 =	simm.s32 @p1 $0x1;
	p0 =	seq.s32 s7, s2  }
0x1e: {  	s7 =	smul.u32 @!p0 $0xF7A, s2;
	p2 =	seq.s32 @!p0 s5, $0x0  }
0x1f: {  	s9 =	smul.u32 $0xF7A, s1;
	s8 =	simm.s32 @!p0 $0x1BF5;
	p2 =	por !p2, p0  }
0x20: {  	[sflag:s8] =	ssyncset.s32 @!p0 $0xFFFFF086;
	s6 =	sadd.s32 @!p0 s3, s7;
	s7 =	simm.s32 @!p0 $0x108  }
0x21: {  	s3 =	sadd.s32 s3, s9;
	s6 =	sadd.s32 @!p0 $0x88, s6;
	s7 =	simm.s32 @p2 $0x1082  }
0x22: {  	[simem:s7], [sflag:s8] =	dma.local @!p0 [hbm:s6], $0xF7A  }
0x23: {  	s9 =	sor.u32 $0xD0000000, s2;
	s6 =	simm.s32 $0x108;
	_ =	swait.ge @!p0 [sflag:s8], $0x0  }
0x24: {  	s3 =	sadd.s32 $0x88, s3;
	s6 =	simm.s32 @!p1 $0x1082;
	[sflag:s4] =	ssyncset.s32 $0xFFFFF086  }
0x25: {  	[simem:s6], [sflag:s4] =	dma.local [hbm:s3], $0xF7A  }
0x26: {  	[smem:$0x3F94] =	sst s1;
	(tag) =	ssettag s2;
	_ =	strace s9  }
0x27: {  	s1 =	sld [smem:$0x3FA4]  }
0x28: {  	s2 =	sld [smem:$0x3FA5]  }
0x29: {  	s4 =	sld [smem:$0x3FA7]  }
0x2a: {  	p0 =	seq.s32 s5, $0x0;
	s5 =	sld [smem:$0x3FA8]  }
0x2b: {  	s6 =	sld [smem:$0x3FA9]  }
0x2c: {  	s7 =	sld [smem:$0x3FAA]  }
0x2d: {  	s3 =	simm.s32 $0x108;
	s8 =	sld [smem:$0x3FAB]  }
0x2e: {  	s3 =	simm.s32 @!p0 $0x1082;
	s9 =	sld [smem:$0x3FAC]  }
0x2f: {  	lr =	sadd.s32 s0, s3;
	s0 =	sld [smem:$0x3FA3]  }
0x30: {  	s3 =	sld [smem:$0x3FA6]  }
0x31: {  	[smem:$0x3FAF] =	sst s10  }
0x32: {  	s10 =	sld [smem:$0x3FAD];
	_ =	sdelay $0x3  }
0x33: {  	p0 =	seq.s32 s10, $0x1;
	s10 =	sld [smem:$0x3FAF];
	_ =	sdelay $0x3  }
0x34: {  	[smem:$0x3FAF] =	sst s10  }
0x35: {  	s10 =	sld [smem:$0x3FAE];
	_ =	sdelay $0x3  }
0x36: {  	p1 =	seq.s32 s10, $0x1;
	s10 =	sld [smem:$0x3FAF];
	_ =	sdelay $0x3  }
0x37: {  	[smem:$0x3FAF] =	sst s10  }
0x38: {  	s10 =	sld [smem:$0x3FB0]  }
0x39: {  	_ = 	snop;
	(pc) =	sbr.ind lr, $3  }
0x3a: {  	_ = 	snop  }
0x3b: {  	_ = 	snop  }
0x3c: {  	p2 =	seq.s32 s10, $0x1;
	s10 =	sld [smem:$0x3FAF]  }
0x3d: {  	_ =	shalt  }
0x3e: {  	_ =	shalt  }
0x3f: {  	_ =	shalt  }
0x40: {  	_ =	shalt  }
0x41: {  	_ =	shalt  }
0x42: {  	_ =	shalt  }
0x43: {  	_ =	shalt  }
0x44: {  	_ =	shalt  }
0x45: {  	_ =	shalt  }
0x46: {  	_ =	shalt  }
0x47: {  	_ =	shalt  }
0x48: {  	_ =	shalt  }
0x49: {  	_ =	shalt  }
0x4a: {  	_ =	shalt  }
0x4b: {  	_ =	shalt  }
0x4c: {  	_ =	shalt  }
0x4d: {  	_ =	shalt  }
0x4e: {  	_ =	shalt  }
0x4f: {  	_ =	shalt  }
0x50: {  	_ =	shalt  }
0x51: {  	_ =	shalt  }
0x52: {  	_ =	shalt  }
0x53: {  	_ =	shalt  }
0x54: {  	_ =	shalt  }
0x55: {  	_ =	shalt  }
0x56: {  	_ =	shalt  }
0x57: {  	_ =	shalt  }
0x58: {  	_ =	shalt  }
0x59: {  	_ =	shalt  }
0x5a: {  	_ =	shalt  }
0x5b: {  	_ =	shalt  }
0x5c: {  	_ =	shalt  }
0x5d: {  	_ =	shalt  }
0x5e: {  	_ =	shalt  }
0x5f: {  	_ =	shalt  }
0x60: {  	_ =	shalt  }
0x61: {  	_ =	shalt  }
0x62: {  	_ =	shalt  }
0x63: {  	_ =	shalt  }
0x64: {  	_ =	shalt  }
0x65: {  	_ =	shalt  }
0x66: {  	_ =	shalt  }
0x67: {  	_ =	shalt  }
0x68: {  	_ =	shalt  }
0x69: {  	_ =	shalt  }
0x6a: {  	_ =	shalt  }
0x6b: {  	_ =	shalt  }
0x6c: {  	_ =	shalt  }
0x6d: {  	_ =	shalt  }
0x6e: {  	_ =	shalt  }
0x6f: {  	_ =	shalt  }
0x70: {  	_ =	shalt  }
0x71: {  	_ =	shalt  }
0x72: {  	_ =	shalt  }
0x73: {  	_ =	shalt  }
0x74: {  	_ =	shalt  }
0x75: {  	_ =	shalt  }
0x76: {  	_ =	shalt  }
0x77: {  	_ =	shalt  }
0x78: {  	_ =	shalt  }
0x79: {  	_ =	shalt  }
0x7a: {  	_ =	shalt  }
0x7b: {  	_ =	shalt  }
0x7c: {  	_ =	shalt  }
0x7d: {  	_ =	shalt  }
0x7e: {  	_ =	shalt  }
0x7f: {  	_ =	shalt  }
0x80: {  	_ =	shalt  }
0x81: {  	_ =	shalt  }
0x82: {  	_ =	shalt  }
0x83: {  	_ =	shalt  }
0x84: {  	_ =	shalt  }
0x85: {  	_ =	shalt  }
0x86: {  	_ =	shalt  }
0x87: {  	_ =	shalt  }
.Lfunc_end0:
.L_simem_size_0:
called_computation.1_lowered:
.L_overlay_start_0:
0x88: {  	s2 =	sld [smem:$0x3FD9]  }
0x89: {  	s3 =	sld [smem:$0x3FFE];
	_ =	sdelay $0x1  }
0x8a: {  	s1 =	srdreg.scid  }
0x8b: {  	s0 =	sand.u32 $0x1, s1  }
0x8c: {  	s16 =	sshll.u32 s0, $0xA;
	s2 =	sadd.s32 s3, s2  }
0x8d: {  	s2 =	sadd.s32 s2, s16  }
0x8e: {  	[smem:$0x3FBB] =	sst s2  }
0x8f: {  	_ = 	snop  }
0x90: {  	(tm) =	ssettm $0x1  }
0x91: {  	s17 =	sld [smem:$0x3FFB];
	_ =	sdelay $0x3  }
0x92: {  	_ =	strace s17  }
0x93: {  	s2 =	sld [smem:$0x3FFC];
	_ =	sdelay $0x3  }
0x94: {  	_ =	strace s2  }
0x95: {  	s2 =	sld [smem:$0x3FFD];
	_ =	sdelay $0x3  }
0x96: {  	_ =	strace s2  }
0x97: {  	_ =	strace $0x8FFFFFFF  }
0x98: {  	s18 =	sld [smem:$0x3FDB];
	_ =	sdelay $0x1  }
0x99: {  	s19 =	simm.s32 $_scs_section_size  }
0x9a: {  	s4 =	simm.s32 $_size__tile_overlayer_lowered;
	s5 =	simm.s32 $_tile_overlayer_lowered  }
0x9b: {  	s22 =	simm.s32 $0x1BFF;
	s21 =	sshll.u32 s5, $0x1;
	s2 =	sadd.s32 s19, s18  }
0x9c: {  	s6 =	simm.s32 $0x0;
	s20 =	sshll.u32 s4, $0x1;
	s4 =	sadd.s32 s21, s2  }
0x9d: {  	[timem:s6], [sflag:s22] =	dma.local [hbm:s4], s20  }
0x9e: {  	_ =	swait.ge [sflag:s22], s20  }
0x9f: {  	s3 =	ssub.s32 $0x0, s20;
	[sflag:s22] =	ssyncset.done $0x0  }
0xa0: {  	[sflag:s22] =	ssyncadd.s32 s3;
	_ =	sdelay $0x1  }
0xa1: {  	s23 =	simm.s32 $0x1B8B  }
0xa2: {  	_ =	swait.ge [sflag:s23], $0x1  }
0xa3: {  	[sflag:s23] =	ssyncset.done $0x0  }
0xa4: {  	s25 =	simm.s32 $0x1B8E;
	s24 =	sld [smem:$0x3FFE];
	[sflag:s23] =	ssyncadd.s32 $0xFFFFFFFF  }
0xa5: {  	s26 =	simm.s32 $execute0_lowered;
	[smem:$0x3FD2] =	sst s25  }
0xa6: {  	s4 =	sshll.u32 s26, $0x1;
	_ =	strace $0x80000046;
	[dreg:$0x1] =	wrdreg $0xFFFFFFFF  }
0xa7: {  	s28 =	simm.s32 $_size_execute0_lowered;
	s2 =	sadd.s32 s2, s4;
	[dreg:$0x0] =	wrdreg $0x0  }
0xa8: {  	s4 =	sshll.u32 s28, $0x1;
	[dreg:$0x2] =	wrdreg s2  }
0xa9: {  	[dreg:$0x3] =	wrdreg s4  }
0xaa: {  	[dreg:$0x4] =	wrdreg $0xC0  }
0xab: {  	_ =	task [dreg:s6], $0x5FFFF  }
0xac: {  	[dreg:$0x1] =	wrdreg $0xFFFFFFFF  }
0xad: {  	[dreg:$0x0] =	wrdreg $0x60  }
0xae: {  	[dreg:$0x2] =	wrdreg s24  }
0xaf: {  	[dreg:$0x3] =	wrdreg $0x38800  }
0xb0: {  	[dreg:$0x4] =	wrdreg $0xA  }
0xb1: {  	_ =	task.clear_ibuf [dreg:s6], $0x5FFFF;
	_ =	strace $0x90000046  }
0xb2: {  	s29 =	simm.s32 $0xA;
	_ =	strace $0x80000048  }
0xb3: {  	_ =	swait.ge [sflag:s29], $0x1  }
0xb4: {  	[sflag:s29] =	ssyncadd.s32 $0xFFFFFFFF  }
0xb5: {  	_ =	strace $0x90000048  }
0xb6: {  	_ =	sfence  }
0xb7: {  	s30 =	sld [smem:$0x0];
	_ =	sdelay $0x2  }
0xb8: {  	s31 =	sshll.u32 s1, $0xD;
	s1 =	sshrl.u32 s1, $0x2  }
0xb9: {  	s3 =	sand.u32 $0x4000, s31;
	s1 =	sadd.s32 s1, s30  }
0xba: {  	s0 =	sor.u32 s3, s0;
	s1 =	sshll.u32 s1, $0x11  }
0xbb: {  	s0 =	sor.u32 s1, s0  }
0xbc: {  	s0 =	sadd.s32 $0x8F2B, s0  }
0xbd: {  	[sflag:s0] =	ssyncadd.remote.s32 $0x1  }
0xbe: {  	_ =	sfence.sel $0xFFFF  }
0xbf: {  	[dreg:$0x0] =	wrdreg $0xFFFFFFFF;
	(pc) =	sbr.abs _section_cstart, $3  }
0xc0: {  	[dreg:$0x1] =	wrdreg $0xFFFFFFFF  }
0xc1: {  	_ =	task.clear_ibuf [dreg:s6], $0x2FFFF;
	_ =	strace $0x9FFFFFFF  }
0xc2: {  	(tm) =	ssettm $0x7FFFFFFF  }
0xc3: {  	_ =	shalt  }
tec
execute0_lowered:
.L_overlay_start_1:
0x0: {  	(tag) =	ssettag $0x1  }
0x1: {  	s0 =	rddreg [dreg:$0x0]  }
0x2: {  	s1 =	rddreg [dreg:$0x1];
	s2 =	srdreg.scid  }
0x3: {  	s3 =	simm.s32 $0x0;
	s24 =	stileid.u32;
	s15 =	simm.s32 $0x3  }
0x4: {  	s17 =	simm.s32 $0x80;
	s18 =	simm.s32 $0x2080;
	s19 =	simm.s32 $0x2880  }
0x5: {  	s20 =	simm.s32 $0x1;
	s21 =	simm.s32 $0x2000;
	s22 =	simm.s32 $0x2  }
0x6: {  	s5 =	sand.u32 $0x1, s2;
	[smem:$0x7FF] =	sst s3;
	s6 =	smul.u32 $0x31000, s24  }
0x7: {  	s26 =	ssub.s32 $0x320, s24;
	s28 =	sshll.u32 s24, $0xB;
	s12 =	smul.u32 $0x62000, s24  }
0x8: {  	s4 =	smul.u32 $0x31000, s5;
	_ =	strace $0x80000047;
	s7 =	sshll.u32 s5, $0x4  }
0x9: {  	s25 =	ssub.s32 $0x2, s5;
	s5 =	sadd.s32 $0x65000, s0;
	s6 =	sor.u32 s7, s6  }
0xa: {  	s8 =	sshrl.u32 s25, $0x1;
	s11 =	sadd.s32 s4, s0;
	s6 =	sshrl.u32 s6, $0x3  }
0xb: {  	s4 =	sadd.s32 $0x96000, s0;
	s0 =	sadd.s32 s6, s0;
	s6 =	smul.u32 $0x18800, s24  }
0xc: {  	s7 =	sshrl.u32 s26, $0x4;
	s14 =	sshrl.u32 s12, $0x2;
	s13 =	ssub.s32 s25, s8  }
0xd: {  	s8 =	sadd.s32 s28, s1;
	s31 =	sadd.s32 s14, s1;
	s10 =	sshrl.u32 s6, $0x3  }
0xe: {  	s14 =	simm.s32 $0x3080;
	s11 =	sadd.s32 $0x3000, s11;
	s29 =	sadd.s32 s4, s10  }
0xf: {  	v1 =	vlaneseq.u32;
	s13 =	smax.u32 s13, $0x1;
	s30 =	sadd.s32 s5, s10;
	[dreg:$0x3] =	wrdreg s29  }
0x10: {  	v0 =	vimm.f32 $0.0e+00;
	v1 =	vor.u32 $0x18800, v1;
	s23 =	sshrl.u32 s31, $0x3;
	s12 =	sadd.s32 $0xC7000, s0;
	[dreg:$0x4] =	wrdreg s30  }
.LBB2_1:
0x11: {  	s0 =	simm.s32 $0x40;
	s16 =	simm.s32 $0x0  }
.LBB2_2:
0x12: {  	p0 =	sne.s32 s0, $0x1FC0;
	[tilespmem:s16+$0x3080] =	vst v0;
	s16 =	smov.u32 s0;
	s0 =	sadd.s32 $0x40, s0  }
.Ltmp0:
0x13: {  	(pc) =	sbr.rel @p0 .LBB2_2-.Ltmp0, $2  }
0x14: {  	_ =	sdelay $0x2  }
0x15: {  	s16 =	sshra.s32 s16, $0x2  }
0x16: {  	p0 =	sne.s32 s7, $0x1  }
.Ltmp1:
0x17: {  	_ = 	snop;
	(pc) =	sbr.rel @!p0 .LBB2_5-.Ltmp1, $4  }
0x18: {  	[tilespmem:s16+$0x3080] =	vst v0  }
0x19: {  	[spmem:s8] =	stream.linear.scatter [tilespmem:s14], [sflag:$0x3], $0x800, $0x38;
	[tilespmem:$0x1C100] =	vst v63  }
0x1a: {  	_ =	swait.ge [sflag:s15], $0x800  }
0x1b: {  	s0 =	sadd.s32 $0xFFFFFFFF, s7;
	s16 =	smov.u32 s8;
	[sflag:s15] =	ssyncset.done $0x0  }
.LBB2_4:
0x1c: {  	p0 =	sne.s32 s0, $0x1;
	[sflag:s15] =	ssyncadd.s32 $0xFFFFF800;
	s16 =	sadd.s32 $0x8000, s16  }
.Ltmp2:
0x1d: {  	s0 =	sadd.s32 $0xFFFFFFFF, s0;
	(pc) =	sbr.rel @p0 .LBB2_4-.Ltmp2, $4  }
0x1e: {  	_ = 	snop  }
0x1f: {  	[spmem:s16] =	stream.linear.scatter [tilespmem:s14], [sflag:$0x3], $0x800, $0x38;
	[tilespmem:$0x1C100] =	vst v63  }
0x20: {  	_ =	swait.ge [sflag:s15], $0x800  }
0x21: {  	[sflag:s15] =	ssyncset.done $0x0  }
.LBB2_5:
0x22: {  	[sflag:s15] =	ssyncadd.s32 $0xFFFFF800  }
0x23: {  	[bflag:$0x0] =	sbarrier.arrive $0xFFFF  }
0x24: {  	s0 =	simm.s32 $0x0;
	s2 =	rddreg [dreg:$0x3]  }
0x25: {  	[tilespmem:s0], [sflag:$0x3] =	stream.linear.gather [hbm4b:s2+s0], $0x800, $0x38;
	[tilespmem:$0x1C100] =	vst v63  }
0x26: {  	_ =	swait.ge [sflag:s15], $0x800  }
0x27: {  	[sflag:s15] =	ssyncset.done $0x0  }
0x28: {  	s9 =	simm.s32 $0x1000;
	s16 =	rddreg [dreg:$0x4];
	[sflag:s15] =	ssyncadd.s32 $0xFFFFF800  }
0x29: {  	[tilespmem:s9], [sflag:$0x3] =	stream.linear.gather [hbm4b:s16+s0], $0x800, $0x38;
	[tilespmem:$0x1C100] =	vst v63  }
0x2a: {  	_ =	swait.ge [sflag:s15], $0x800  }
0x2b: {  	[sflag:s15] =	ssyncset.done $0x0  }
0x2c: {  	[sflag:s15] =	ssyncadd.s32 $0xFFFFF800  }
0x2d: {  	[tilespmem:s18], [sflag:$0x1] =	stream.indirect.gather [hbm4b:s11+s17], $0x10, s0, s17, $0xb8;
	[tilespmem:$0x1C100] =	vst v63  }
0x2e: {  	p0 =	por $0x0, $0x0;
	s0 =	sand.u32 $0x7, s0  }
0x2f: {  	p1 =	sne.s32 @!p0 s0, $0x6  }
0x30: {  	s0 =	simm.s32 $0x0;
	p0 =	por p1, p0  }
0x31: {  	s16 =	sand.u32 @!p0 $0x1F800, s0  }
0x32: {  	s16 =	sadd.s32 @!p0 $0x800, s16  }
0x33: {  	s24 =	sadd.s32 @!p0 s6, s16  }
0x34: {  	s25 =	simm.s32 @!p0 $0x3;
	s24 =	sshrl.u32 @!p0 s24, $0x3  }
0x35: {  	s26 =	simm.s32 @!p0 $0x0;
	s16 =	sand.u32 @!p0 $0x800, s16;
	s28 =	sadd.s32 @!p0 s4, s24  }
0x36: {  	[tilespmem:s16], [sflag:$0x3] =	stream.linear.gather @!p0 [hbm4b:s28+s26], $0x800, $0x38;
	[tilespmem:$0x1C100] =	vst v63  }
0x37: {  	_ =	swait.ge @!p0 [sflag:s25], $0x800  }
0x38: {  	[sflag:s25] =	ssyncset.done @!p0 $0x0  }
0x39: {  	s24 =	sadd.s32 @!p0 s5, s24;
	s16 =	sor.u32 @!p0 $0x1000, s16;
	[sflag:s25] =	ssyncadd.s32 @!p0 $0xFFFFF800  }
0x3a: {  	[tilespmem:s16], [sflag:$0x3] =	stream.linear.gather @!p0 [hbm4b:s24+s26], $0x800, $0x38;
	[tilespmem:$0x1C100] =	vst v63  }
0x3b: {  	s24 =	sand.u32 $0x800, s0;
	_ =	swait.ge @!p0 [sflag:s25], $0x800  }
0x3c: {  	s0 =	sand.u32 $0x700, s0;
	s29 =	sor.u32 $0x1000, s24;
	[sflag:s25] =	ssyncset.done @!p0 $0x0  }
0x3d: {  	s31 =	sor.u32 s0, s29;
	[sflag:s25] =	ssyncadd.s32 @!p0 $0xFFFFF800  }
0x3e: {  	v2 =	vld [tilespmem:s31+$0x0];
	_ =	sdelay $0x4  }
0x3f: {  	vm0 =	vlt.u32 v2, $0x18800  }
0x40: {  	v2 =	vsel vm0, v2, v1  }
0x41: {  	[tilespmem:$0x2000] =	vst v2  }
0x42: {  	v2 =	vld [tilespmem:s31+$0x10];
	_ =	sdelay $0x4  }
0x43: {  	vm13 =	vlt.u32 v2, $0x18800  }
0x44: {  	v2 =	vsel vm13, v2, v1  }
0x45: {  	[tilespmem:$0x2010] =	vst v2  }
0x46: {  	v2 =	vld [tilespmem:s31+$0x20];
	_ =	sdelay $0x4  }
0x47: {  	vm14 =	vlt.u32 v2, $0x18800  }
0x48: {  	v2 =	vsel vm14, v2, v1  }
0x49: {  	[tilespmem:$0x2020] =	vst v2  }
0x4a: {  	v2 =	vld [tilespmem:s31+$0x30];
	_ =	sdelay $0x4  }
0x4b: {  	vm15 =	vlt.u32 v2, $0x18800  }
0x4c: {  	v2 =	vsel vm15, v2, v1  }
0x4d: {  	[tilespmem:$0x2030] =	vst v2  }
0x4e: {  	v2 =	vld [tilespmem:s31+$0x40];
	_ =	sdelay $0x4  }
0x4f: {  	vm4 =	vlt.u32 v2, $0x18800  }
0x50: {  	v2 =	vsel vm4, v2, v1  }
0x51: {  	[tilespmem:$0x2040] =	vst v2  }
0x52: {  	v2 =	vld [tilespmem:s31+$0x50];
	_ =	sdelay $0x4  }
0x53: {  	vm5 =	vlt.u32 v2, $0x18800  }
0x54: {  	v2 =	vsel vm5, v2, v1  }
0x55: {  	[tilespmem:$0x2050] =	vst v2  }
0x56: {  	v2 =	vld [tilespmem:s31+$0x60];
	_ =	sdelay $0x4  }
0x57: {  	vm6 =	vlt.u32 v2, $0x18800  }
0x58: {  	v2 =	vsel vm6, v2, v1  }
0x59: {  	[tilespmem:$0x2060] =	vst v2  }
0x5a: {  	v2 =	vld [tilespmem:s31+$0x70];
	_ =	sdelay $0x4  }
0x5b: {  	vm7 =	vlt.u32 v2, $0x18800  }
0x5c: {  	s0 =	sor.u32 $0x80, s0;
	v2 =	vsel vm7, v2, v1  }
0x5d: {  	s16 =	sor.u32 s24, s0;
	[tilespmem:$0x2070] =	vst v2  }
0x5e: {  	[tilespmem:s19], [sflag:$0x2] =	stream.indirect.gather [hbm4b:s11+s17], $0x10, s16, s17, $0xb8;
	[tilespmem:$0x1C100] =	vst v63  }
0x5f: {  	_ =	swait.ge [sflag:s20], $0x800  }
0x60: {  	[sflag:s20] =	ssyncset.done $0x0  }
0x61: {  	[sflag:s20] =	ssyncadd.s32 $0xFFFFF800  }
0x62: {  	[spmem:s1] =	stream.indirect.scatter.add.f32 [tilespmem:s18], [sflag:$0x3], $0x10, s21, s17, $0xb8;
	[tilespmem:$0x1C100] =	vst v63  }
0x63: {  	_ =	swait.ge [sflag:s15], $0x800  }
0x64: {  	[sflag:s15] =	ssyncset.done $0x0  }
0x65: {  	[sflag:s15] =	ssyncadd.s32 $0xFFFFF800  }
0x66: {  	v2 =	vld [tilespmem:s16+$0x1000];
	_ =	sdelay $0x4  }
0x67: {  	vm8 =	vlt.u32 v2, $0x18800  }
0x68: {  	v2 =	vsel vm8, v2, v1  }
0x69: {  	s0 =	sor.u32 s0, s29;
	[tilespmem:$0x2000] =	vst v2  }
0x6a: {  	v2 =	vld [tilespmem:s0+$0x10];
	_ =	sdelay $0x4  }
0x6b: {  	vm9 =	vlt.u32 v2, $0x18800  }
0x6c: {  	v2 =	vsel vm9, v2, v1  }
0x6d: {  	[tilespmem:$0x2010] =	vst v2  }
0x6e: {  	v2 =	vld [tilespmem:s0+$0x20];
	_ =	sdelay $0x4  }
0x6f: {  	vm10 =	vlt.u32 v2, $0x18800  }
0x70: {  	v2 =	vsel vm10, v2, v1  }
0x71: {  	[tilespmem:$0x2020] =	vst v2  }
0x72: {  	v2 =	vld [tilespmem:s0+$0x30];
	_ =	sdelay $0x4  }
0x73: {  	vm11 =	vlt.u32 v2, $0x18800  }
0x74: {  	v2 =	vsel vm11, v2, v1  }
0x75: {  	[tilespmem:$0x2030] =	vst v2  }
0x76: {  	v2 =	vld [tilespmem:s0+$0x40];
	_ =	sdelay $0x4  }
0x77: {  	vm12 =	vlt.u32 v2, $0x18800  }
0x78: {  	v2 =	vsel vm12, v2, v1  }
0x79: {  	[tilespmem:$0x2040] =	vst v2  }
0x7a: {  	v2 =	vld [tilespmem:s0+$0x50];
	_ =	sdelay $0x4  }
0x7b: {  	vm13 =	vlt.u32 v2, $0x18800  }
0x7c: {  	v2 =	vsel vm13, v2, v1  }
0x7d: {  	[tilespmem:$0x2050] =	vst v2  }
0x7e: {  	v2 =	vld [tilespmem:s0+$0x60];
	_ =	sdelay $0x4  }
0x7f: {  	vm14 =	vlt.u32 v2, $0x18800  }
0x80: {  	v2 =	vsel vm14, v2, v1  }
0x81: {  	[tilespmem:$0x2060] =	vst v2  }
0x82: {  	v2 =	vld [tilespmem:s0+$0x70];
	_ =	sdelay $0x4  }
0x83: {  	vm15 =	vlt.u32 v2, $0x18800  }
0x84: {  	s25 =	simm.s32 $0x1;
	p0 =	por $0x0, $0x0;
	s0 =	simm.s32 $0x100;
	v2 =	vsel vm15, v2, v1  }
0x85: {  	s24 =	simm.s32 @!p0 $0x2080;
	s16 =	simm.s32 @!p0 $0x80;
	s0 =	sand.u32 @!p0 $0xF00, s0;
	[tilespmem:$0x2070] =	vst v2  }
0x86: {  	[tilespmem:s24], [sflag:$0x1] =	stream.indirect.gather @!p0 [hbm4b:s11+s16], $0x10, s0, s16, $0xb8;
	[tilespmem:$0x1C100] =	vst v63  }
0x87: {  	s28 =	simm.s32 $0x2;
	s0 =	sand.u32 $0x7, s25;
	p0 =	por $0x0, $0x0  }
0x88: {  	s26 =	simm.s32 $0x200;
	_ =	swait.ge [sflag:s22], $0x800;
	p1 =	sne.s32 @!p0 s0, $0x6  }
0x89: {  	s0 =	simm.s32 $0x100;
	[sflag:s22] =	ssyncset.done $0x0;
	p1 =	por p1, p0  }
0x8a: {  	s30 =	sand.u32 $0x800, s0;
	[sflag:s22] =	ssyncadd.s32 $0xFFFFF800;
	s16 =	sand.u32 @!p1 $0x1F800, s0  }
0x8b: {  	[spmem:s1] =	stream.indirect.scatter.add.f32 [tilespmem:s19], [sflag:$0x3], $0x10, s21, s17, $0xb8;
	[tilespmem:$0x1C100] =	vst v63  }
0x8c: {  	s24 =	simm.s32 @!p1 $0x3;
	s16 =	sadd.s32 @!p1 $0x800, s16;
	_ =	swait.ge [sflag:s15], $0x800  }
.LBB2_6:
0x8d: {  	s31 =	sand.u32 @!p1 $0x800, s16  }
0x8e: {  	s16 =	sadd.s32 @!p1 s6, s16;
	[sflag:s15] =	ssyncset.done $0x0;
	s29 =	smov.u32 s28  }
0x8f: {  	s2 =	simm.s32 @!p1 $0x0;
	s16 =	sshrl.u32 @!p1 s16, $0x3;
	[sflag:s15] =	ssyncadd.s32 $0xFFFFF800  }
0x90: {  	s10 =	sor.u32 @!p1 $0x1000, s31;
	s9 =	sadd.s32 @!p1 s4, s16;
	s16 =	sadd.s32 @!p1 s5, s16  }
0x91: {  	[tilespmem:s31], [sflag:$0x3] =	stream.linear.gather @!p1 [hbm4b:s9+s2], $0x800, $0x38;
	[tilespmem:$0x1C100] =	vst v63  }
0x92: {  	s28 =	sadd.s32 $0x1, s28;
	s31 =	sor.u32 $0x1000, s30;
	_ =	swait.ge @!p1 [sflag:s24], $0x800  }
0x93: {  	p0 =	sne.s32 s28, $0x188;
	[sflag:s24] =	ssyncset.done @!p1 $0x0  }
0x94: {  	[sflag:s24] =	ssyncadd.s32 @!p1 $0xFFFFF800  }
0x95: {  	[tilespmem:s10], [sflag:$0x3] =	stream.linear.gather @!p1 [hbm4b:s16+s2], $0x800, $0x38;
	[tilespmem:$0x1C100] =	vst v63  }
0x96: {  	s0 =	sand.u32 $0x700, s0;
	_ =	swait.ge @!p1 [sflag:s24], $0x800  }
0x97: {  	s16 =	sor.u32 s0, s31;
	s0 =	sor.u32 $0x80, s0;
	[sflag:s24] =	ssyncset.done @!p1 $0x0  }
0x98: {  	[sflag:s24] =	ssyncadd.s32 @!p1 $0xFFFFF800  }
0x99: {  	v2 =	vld [tilespmem:s16+$0x0];
	_ =	sdelay $0x4  }
0x9a: {  	vm0 =	vlt.u32 v2, $0x18800  }
0x9b: {  	v2 =	vsel vm0, v2, v1  }
0x9c: {  	[tilespmem:$0x2000] =	vst v2  }
0x9d: {  	v2 =	vld [tilespmem:s16+$0x10];
	_ =	sdelay $0x4  }
0x9e: {  	vm0 =	vlt.u32 v2, $0x18800  }
0x9f: {  	v2 =	vsel vm0, v2, v1  }
0xa0: {  	[tilespmem:$0x2010] =	vst v2  }
0xa1: {  	v2 =	vld [tilespmem:s16+$0x20];
	_ =	sdelay $0x4  }
0xa2: {  	vm0 =	vlt.u32 v2, $0x18800  }
0xa3: {  	v2 =	vsel vm0, v2, v1  }
0xa4: {  	[tilespmem:$0x2020] =	vst v2  }
0xa5: {  	v2 =	vld [tilespmem:s16+$0x30];
	_ =	sdelay $0x4  }
0xa6: {  	vm0 =	vlt.u32 v2, $0x18800  }
0xa7: {  	v2 =	vsel vm0, v2, v1  }
0xa8: {  	[tilespmem:$0x2030] =	vst v2  }
0xa9: {  	v2 =	vld [tilespmem:s16+$0x40];
	_ =	sdelay $0x4  }
0xaa: {  	vm0 =	vlt.u32 v2, $0x18800  }
0xab: {  	v2 =	vsel vm0, v2, v1  }
0xac: {  	[tilespmem:$0x2040] =	vst v2  }
0xad: {  	v2 =	vld [tilespmem:s16+$0x50];
	_ =	sdelay $0x4  }
0xae: {  	vm0 =	vlt.u32 v2, $0x18800  }
0xaf: {  	v2 =	vsel vm0, v2, v1  }
0xb0: {  	[tilespmem:$0x2050] =	vst v2  }
0xb1: {  	v2 =	vld [tilespmem:s16+$0x60];
	_ =	sdelay $0x4  }
0xb2: {  	vm0 =	vlt.u32 v2, $0x18800  }
0xb3: {  	v2 =	vsel vm0, v2, v1  }
0xb4: {  	[tilespmem:$0x2060] =	vst v2  }
0xb5: {  	v2 =	vld [tilespmem:s16+$0x70];
	_ =	sdelay $0x4  }
0xb6: {  	vm0 =	vlt.u32 v2, $0x18800  }
0xb7: {  	s2 =	sor.u32 s30, s0;
	v2 =	vsel vm0, v2, v1  }
0xb8: {  	[tilespmem:$0x2070] =	vst v2  }
0xb9: {  	[tilespmem:s19], [sflag:$0x2] =	stream.indirect.gather [hbm4b:s11+s17], $0x10, s2, s17, $0xb8;
	[tilespmem:$0x1C100] =	vst v63  }
0xba: {  	_ =	swait.ge [sflag:s20], $0x800  }
0xbb: {  	[sflag:s20] =	ssyncset.done $0x0  }
0xbc: {  	[sflag:s20] =	ssyncadd.s32 $0xFFFFF800  }
0xbd: {  	[spmem:s1] =	stream.indirect.scatter.add.f32 [tilespmem:s18], [sflag:$0x3], $0x10, s21, s17, $0xb8;
	[tilespmem:$0x1C100] =	vst v63  }
0xbe: {  	_ =	swait.ge [sflag:s15], $0x800  }
0xbf: {  	[sflag:s15] =	ssyncset.done $0x0  }
0xc0: {  	[sflag:s15] =	ssyncadd.s32 $0xFFFFF800  }
0xc1: {  	v2 =	vld [tilespmem:s2+$0x1000];
	_ =	sdelay $0x4  }
0xc2: {  	vm0 =	vlt.u32 v2, $0x18800  }
0xc3: {  	s0 =	sor.u32 s0, s31;
	v2 =	vsel vm0, v2, v1  }
0xc4: {  	[tilespmem:$0x2000] =	vst v2  }
0xc5: {  	v2 =	vld [tilespmem:s0+$0x10];
	_ =	sdelay $0x4  }
0xc6: {  	vm0 =	vlt.u32 v2, $0x18800  }
0xc7: {  	v2 =	vsel vm0, v2, v1  }
0xc8: {  	[tilespmem:$0x2010] =	vst v2  }
0xc9: {  	v2 =	vld [tilespmem:s0+$0x20];
	_ =	sdelay $0x4  }
0xca: {  	vm0 =	vlt.u32 v2, $0x18800  }
0xcb: {  	v2 =	vsel vm0, v2, v1  }
0xcc: {  	[tilespmem:$0x2020] =	vst v2  }
0xcd: {  	v2 =	vld [tilespmem:s0+$0x30];
	_ =	sdelay $0x4  }
0xce: {  	vm0 =	vlt.u32 v2, $0x18800  }
0xcf: {  	v2 =	vsel vm0, v2, v1  }
0xd0: {  	[tilespmem:$0x2030] =	vst v2  }
0xd1: {  	v2 =	vld [tilespmem:s0+$0x40];
	_ =	sdelay $0x4  }
0xd2: {  	vm0 =	vlt.u32 v2, $0x18800  }
0xd3: {  	v2 =	vsel vm0, v2, v1  }
0xd4: {  	[tilespmem:$0x2040] =	vst v2  }
0xd5: {  	v2 =	vld [tilespmem:s0+$0x50];
	_ =	sdelay $0x4  }
0xd6: {  	vm0 =	vlt.u32 v2, $0x18800  }
0xd7: {  	v2 =	vsel vm0, v2, v1  }
0xd8: {  	[tilespmem:$0x2050] =	vst v2  }
0xd9: {  	v2 =	vld [tilespmem:s0+$0x60];
	_ =	sdelay $0x4  }
0xda: {  	vm0 =	vlt.u32 v2, $0x18800  }
0xdb: {  	v2 =	vsel vm0, v2, v1  }
0xdc: {  	[tilespmem:$0x2060] =	vst v2  }
0xdd: {  	v2 =	vld [tilespmem:s0+$0x70];
	_ =	sdelay $0x4  }
0xde: {  	p1 =	seq.s32 s25, $0x187;
	s25 =	smov.u32 s29;
	vm0 =	vlt.u32 v2, $0x18800  }
0xdf: {  	s9 =	simm.s32 @!p1 $0x2080;
	s2 =	simm.s32 @!p1 $0x80;
	s0 =	sand.u32 @!p1 $0xF00, s26;
	v2 =	vsel vm0, v2, v1  }
0xe0: {  	s10 =	sand.u32 $0x7, s25;
	p2 =	sgt.u32 s25, $0x17F;
	s26 =	sadd.s32 $0x100, s26;
	[tilespmem:$0x2070] =	vst v2  }
0xe1: {  	[tilespmem:s9], [sflag:$0x1] =	stream.indirect.gather @!p1 [hbm4b:s11+s2], $0x10, s0, s2, $0xb8;
	[tilespmem:$0x1C100] =	vst v63  }
.Ltmp3:
0xe2: {  	p1 =	sne.s32 @!p2 s10, $0x6;
	_ =	swait.ge [sflag:s22], $0x800;
	(pc) =	sbr.rel @p0 .LBB2_6-.Ltmp3, $4  }
0xe3: {  	s0 =	sadd.s32 $0xFFFFFF00, s26;
	p1 =	por p1, p2;
	[sflag:s22] =	ssyncset.done $0x0  }
0xe4: {  	s30 =	sand.u32 $0x800, s0;
	s2 =	sand.u32 @!p1 $0x1F800, s0;
	[sflag:s22] =	ssyncadd.s32 $0xFFFFF800  }
0xe5: {  	[spmem:s1] =	stream.indirect.scatter.add.f32 [tilespmem:s19], [sflag:$0x3], $0x10, s21, s17, $0xb8;
	[tilespmem:$0x1C100] =	vst v63  }
0xe6: {  	s24 =	simm.s32 @!p1 $0x3;
	s16 =	sadd.s32 @!p1 $0x800, s2;
	_ =	swait.ge [sflag:s15], $0x800  }
0xe7: {  	s2 =	sadd.s32 @!p1 s6, s16  }
0xe8: {  	s9 =	sand.u32 @!p1 $0x800, s16;
	[sflag:s15] =	ssyncset.done $0x0;
	s2 =	sshrl.u32 @!p1 s2, $0x3  }
0xe9: {  	s10 =	simm.s32 @!p1 $0x0;
	[sflag:s15] =	ssyncadd.s32 $0xFFFFF800;
	s16 =	sadd.s32 @!p1 s4, s2  }
0xea: {  	[tilespmem:s9], [sflag:$0x3] =	stream.linear.gather @!p1 [hbm4b:s16+s10], $0x800, $0x38;
	[tilespmem:$0x1C100] =	vst v63  }
0xeb: {  	_ =	swait.ge @!p1 [sflag:s24], $0x800  }
0xec: {  	[sflag:s24] =	ssyncset.done @!p1 $0x0  }
0xed: {  	s2 =	sadd.s32 @!p1 s5, s2;
	s9 =	sor.u32 @!p1 $0x1000, s9;
	[sflag:s24] =	ssyncadd.s32 @!p1 $0xFFFFF800  }
0xee: {  	[tilespmem:s9], [sflag:$0x3] =	stream.linear.gather @!p1 [hbm4b:s2+s10], $0x800, $0x38;
	[tilespmem:$0x1C100] =	vst v63  }
0xef: {  	_ =	swait.ge @!p1 [sflag:s24], $0x800  }
0xf0: {  	s0 =	sand.u32 $0x700, s0;
	s16 =	sor.u32 $0x1000, s30;
	[sflag:s24] =	ssyncset.done @!p1 $0x0  }
0xf1: {  	s28 =	sor.u32 s0, s16;
	[sflag:s24] =	ssyncadd.s32 @!p1 $0xFFFFF800  }
0xf2: {  	v2 =	vld [tilespmem:s28+$0x0];
	_ =	sdelay $0x4  }
0xf3: {  	vm0 =	vlt.u32 v2, $0x18800  }
0xf4: {  	v2 =	vsel vm0, v2, v1  }
0xf5: {  	[tilespmem:$0x2000] =	vst v2  }
0xf6: {  	v2 =	vld [tilespmem:s28+$0x10];
	_ =	sdelay $0x4  }
0xf7: {  	vm13 =	vlt.u32 v2, $0x18800  }
0xf8: {  	v2 =	vsel vm13, v2, v1  }
0xf9: {  	[tilespmem:$0x2010] =	vst v2  }
0xfa: {  	v2 =	vld [tilespmem:s28+$0x20];
	_ =	sdelay $0x4  }
0xfb: {  	vm14 =	vlt.u32 v2, $0x18800  }
0xfc: {  	v2 =	vsel vm14, v2, v1  }
0xfd: {  	[tilespmem:$0x2020] =	vst v2  }
0xfe: {  	v2 =	vld [tilespmem:s28+$0x30];
	_ =	sdelay $0x4  }
0xff: {  	vm15 =	vlt.u32 v2, $0x18800  }
0x100: {  	v2 =	vsel vm15, v2, v1  }
0x101: {  	[tilespmem:$0x2030] =	vst v2  }
0x102: {  	v2 =	vld [tilespmem:s28+$0x40];
	_ =	sdelay $0x4  }
0x103: {  	vm4 =	vlt.u32 v2, $0x18800  }
0x104: {  	v2 =	vsel vm4, v2, v1  }
0x105: {  	[tilespmem:$0x2040] =	vst v2  }
0x106: {  	v2 =	vld [tilespmem:s28+$0x50];
	_ =	sdelay $0x4  }
0x107: {  	vm5 =	vlt.u32 v2, $0x18800  }
0x108: {  	v2 =	vsel vm5, v2, v1  }
0x109: {  	[tilespmem:$0x2050] =	vst v2  }
0x10a: {  	v2 =	vld [tilespmem:s28+$0x60];
	_ =	sdelay $0x4  }
0x10b: {  	vm6 =	vlt.u32 v2, $0x18800  }
0x10c: {  	v2 =	vsel vm6, v2, v1  }
0x10d: {  	[tilespmem:$0x2060] =	vst v2  }
0x10e: {  	v2 =	vld [tilespmem:s28+$0x70];
	_ =	sdelay $0x4  }
0x10f: {  	vm7 =	vlt.u32 v2, $0x18800  }
0x110: {  	s0 =	sor.u32 $0x80, s0;
	v2 =	vsel vm7, v2, v1  }
0x111: {  	s29 =	sor.u32 s30, s0;
	[tilespmem:$0x2070] =	vst v2  }
0x112: {  	[tilespmem:s19], [sflag:$0x2] =	stream.indirect.gather [hbm4b:s11+s17], $0x10, s29, s17, $0xb8;
	[tilespmem:$0x1C100] =	vst v63  }
0x113: {  	_ =	swait.ge [sflag:s20], $0x800  }
0x114: {  	[sflag:s20] =	ssyncset.done $0x0  }
0x115: {  	[sflag:s20] =	ssyncadd.s32 $0xFFFFF800  }
0x116: {  	[spmem:s1] =	stream.indirect.scatter.add.f32 [tilespmem:s18], [sflag:$0x3], $0x10, s21, s17, $0xb8;
	[tilespmem:$0x1C100] =	vst v63  }
0x117: {  	_ =	swait.ge [sflag:s15], $0x800  }
0x118: {  	[sflag:s15] =	ssyncset.done $0x0  }
0x119: {  	[sflag:s15] =	ssyncadd.s32 $0xFFFFF800  }
0x11a: {  	v2 =	vld [tilespmem:s29+$0x1000];
	_ =	sdelay $0x4  }
0x11b: {  	vm8 =	vlt.u32 v2, $0x18800  }
0x11c: {  	v2 =	vsel vm8, v2, v1  }
0x11d: {  	s0 =	sor.u32 s0, s16;
	[tilespmem:$0x2000] =	vst v2  }
0x11e: {  	v2 =	vld [tilespmem:s0+$0x10];
	_ =	sdelay $0x4  }
0x11f: {  	vm9 =	vlt.u32 v2, $0x18800  }
0x120: {  	v2 =	vsel vm9, v2, v1  }
0x121: {  	[tilespmem:$0x2010] =	vst v2  }
0x122: {  	v2 =	vld [tilespmem:s0+$0x20];
	_ =	sdelay $0x4  }
0x123: {  	vm10 =	vlt.u32 v2, $0x18800  }
0x124: {  	v2 =	vsel vm10, v2, v1  }
0x125: {  	[tilespmem:$0x2020] =	vst v2  }
0x126: {  	v2 =	vld [tilespmem:s0+$0x30];
	_ =	sdelay $0x4  }
0x127: {  	vm11 =	vlt.u32 v2, $0x18800  }
0x128: {  	v2 =	vsel vm11, v2, v1  }
0x129: {  	[tilespmem:$0x2030] =	vst v2  }
0x12a: {  	v2 =	vld [tilespmem:s0+$0x40];
	_ =	sdelay $0x4  }
0x12b: {  	vm12 =	vlt.u32 v2, $0x18800  }
0x12c: {  	v2 =	vsel vm12, v2, v1  }
0x12d: {  	[tilespmem:$0x2040] =	vst v2  }
0x12e: {  	v2 =	vld [tilespmem:s0+$0x50];
	_ =	sdelay $0x4  }
0x12f: {  	vm13 =	vlt.u32 v2, $0x18800  }
0x130: {  	v2 =	vsel vm13, v2, v1  }
0x131: {  	[tilespmem:$0x2050] =	vst v2  }
0x132: {  	v2 =	vld [tilespmem:s0+$0x60];
	_ =	sdelay $0x4  }
0x133: {  	vm14 =	vlt.u32 v2, $0x18800  }
0x134: {  	v2 =	vsel vm14, v2, v1  }
0x135: {  	[tilespmem:$0x2060] =	vst v2  }
0x136: {  	v2 =	vld [tilespmem:s0+$0x70];
	_ =	sdelay $0x4  }
0x137: {  	vm15 =	vlt.u32 v2, $0x18800  }
0x138: {  	p0 =	seq.s32 s25, $0x187;
	v2 =	vsel vm15, v2, v1  }
0x139: {  	s2 =	simm.s32 @!p0 $0x80;
	s9 =	simm.s32 @!p0 $0x2080;
	s0 =	sand.u32 @!p0 $0xF00, s26;
	[tilespmem:$0x2070] =	vst v2  }
0x13a: {  	[tilespmem:s9], [sflag:$0x1] =	stream.indirect.gather @!p0 [hbm4b:s11+s2], $0x10, s0, s2, $0xb8;
	[tilespmem:$0x1C100] =	vst v63  }
0x13b: {  	_ =	swait.ge [sflag:s22], $0x800  }
0x13c: {  	[sflag:s22] =	ssyncset.done $0x0  }
0x13d: {  	[sflag:s22] =	ssyncadd.s32 $0xFFFFF800  }
0x13e: {  	[spmem:s1] =	stream.indirect.scatter.add.f32 [tilespmem:s19], [sflag:$0x3], $0x10, s21, s17, $0xb8;
	[tilespmem:$0x1C100] =	vst v63  }
0x13f: {  	s31 =	simm.s32 $0x4;
	_ =	swait.ge [sflag:s15], $0x800  }
0x140: {  	s3 =	sadd.s32 $0x1, s3;
	s30 =	stileid.u32;
	[sflag:s15] =	ssyncset.done $0x0  }
0x141: {  	s0 =	sshll.u32 s30, $0x6;
	p0 =	sne.s32 s3, s13;
	[sflag:s15] =	ssyncadd.s32 $0xFFFFF800  }
.Ltmp4:
0x142: {  	s0 =	sor.u32 $0x1C03, s0;
	[bflag:$0x0] =	sbarrier.arrive $0xFFFF;
	(pc) =	sbr.rel @p0 .LBB2_1-.Ltmp4, $4  }
0x143: {  	[hbm:s12@s31], [sflag:s0] =	dma.strided [spmem:s23@s22], $0x3100, s20, $0x2   }
0x144: {  	_ =	swait.ge [sflag:s15], $0x3100  }
0x145: {  	[sflag:s15] =	ssyncset.done $0x0  }
0x146: {  	[sflag:s15] =	ssyncadd.s32 $0xFFFFCF00  }
0x147: {  	_ =	sfence.sel $0x180000  }
0x148: {  	[bflag:$0x0] =	sbarrier.arrive $0xFFFF  }
0x149: {  	_ =	strace $0x90000047  }
0x14a: {  	s0 =	stileid.u32;
	[bflag:$0x2] =	sbarrier.arrive $0xFFFF  }
0x14b: {  	p0 =	sne.s32 s0, $0x0;
	s0 =	rddreg [dreg:$0x2]  }
0x14c: {  	s0 =	sadd.s32 @!p0 $0x100000, s0  }
0x14d: {  	[sflag:s0] =	ssyncadd.tile.s32 @!p0 $0x1;
	_ =	shalt  }
.Lfunc_end2:
_tile_overlayer_lowered:
.L_overlay_start_2:
0x14e: {  	(tag) =	ssettag $0x2  }
0x14f: {  	s0 =	rddreg [dreg:$0x0];
	s2 =	stileid.u32  }
0x150: {  	s1 =	rddreg [dreg:$0x1];
	p0 =	sne.s32 s2, $0x0  }
0x151: {  	s3 =	rddreg [dreg:$0x2];
	[bflag:$0x3] =	sbarrier.arrive $0xFFFF;
	s2 =	simm.s32 @!p0 $0x1C03  }
0x152: {  	[timem:s3], [sflag:s2] =	dma.local @!p0 [hbm:s0], s1  }
0x153: {  	s0 =	simm.s32 @!p0 $0x3  }
0x154: {  	_ =	swait.ge @!p0 [sflag:s0], s1  }
0x155: {  	s1 =	ssub.s32 @!p0 $0x0, s1;
	[sflag:s0] =	ssyncset.done @!p0 $0x0  }
0x156: {  	[sflag:s0] =	ssyncadd.s32 @!p0 s1  }
0x157: {  	[bflag:$0x3] =	sbarrier.arrive $0xFFFF  }
0x158: {  	_ =	shalt  }

// kernel: kernel.14.cloned.1.call-start
scs
__scs_entry_jumppad:
0x0: {  	(pc) =	sbr.rel $0x88, $3  }
0x1: {  	(tag) =	ssettag $0x0;
	lr =	simm.s32 $0x1  }
0x2: {  	[smem:$0x3F94] =	sst lr;
	_ =	strace $0xD0000000  }
0x3: {  	_ = 	snop  }
0x4: {  	_ = 	snop  }
0x5: {  	_ = 	snop  }
0x6: {  	_ = 	snop  }
0x7: {  	_ = 	snop  }
__scs_overlays_trampoline_lowered:
0x8: {  	[smem:$0x3FA3] =	sst s0  }
0x9: {  	[smem:$0x3FA4] =	sst s1  }
0xa: {  	[smem:$0x3FA5] =	sst s2  }
0xb: {  	[smem:$0x3FA6] =	sst s3  }
0xc: {  	[smem:$0x3FA7] =	sst s4  }
0xd: {  	[smem:$0x3FA8] =	sst s5  }
0xe: {  	[smem:$0x3FA9] =	sst s6  }
0xf: {  	[smem:$0x3FAA] =	sst s7  }
0x10: {  	[smem:$0x3FAB] =	sst s8  }
0x11: {  	[smem:$0x3FAC] =	sst s9;
	s0 =	simm.s32 @!p0 $0x0  }
0x12: {  	s1 =	sld [smem:$0x3F92];
	s0 =	simm.s32 @p0 $0x1  }
0x13: {  	[smem:$0x3FAD] =	sst s0;
	s0 =	simm.s32 @!p1 $0x0  }
0x14: {  	s2 =	sld [smem:$0x3F91];
	s0 =	simm.s32 @p1 $0x1  }
0x15: {  	[smem:$0x3FAE] =	sst s0;
	s0 =	simm.s32 @!p2 $0x0  }
0x16: {  	s3 =	sld [smem:$0x3FDB];
	s0 =	simm.s32 @p2 $0x1  }
0x17: {  	s4 =	simm.s32 $0x1BF5;
	[smem:$0x3FB0] =	sst s0  }
0x18: {  	s0 =	sld [smem:$0x3F93];
	_ =	swait.ge [sflag:s4], $0x0  }
0x19: {  	s7 =	sld [smem:$0x3F94]  }
0x1a: {  	s8 =	sadd.s32 $0xFFFFE003, lr  }
0x1b: {  	s9 =	sadd.s32 $0xFFFFFEF7, lr;
	s5 =	simm.s32 $0xFFFFFFFF;
	p2 =	slt.u32 s8, $0xFFFFF086  }
0x1c: {  	p1 =	slt.u32 s9, $0xF7A;
	s5 =	simm.s32 @!p2 $0x0  }
0x1d: {  	s5 =	simm.s32 @p1 $0x1;
	p0 =	seq.s32 s7, s2  }
0x1e: {  	s7 =	smul.u32 @!p0 $0xF7A, s2;
	p2 =	seq.s32 @!p0 s5, $0x0  }
0x1f: {  	s9 =	smul.u32 $0xF7A, s1;
	s8 =	simm.s32 @!p0 $0x1BF5;
	p2 =	por !p2, p0  }
0x20: {  	[sflag:s8] =	ssyncset.s32 @!p0 $0xFFFFF086;
	s6 =	sadd.s32 @!p0 s3, s7;
	s7 =	simm.s32 @!p0 $0x108  }
0x21: {  	s3 =	sadd.s32 s3, s9;
	s6 =	sadd.s32 @!p0 $0x88, s6;
	s7 =	simm.s32 @p2 $0x1082  }
0x22: {  	[simem:s7], [sflag:s8] =	dma.local @!p0 [hbm:s6], $0xF7A  }
0x23: {  	s9 =	sor.u32 $0xD0000000, s2;
	s6 =	simm.s32 $0x108;
	_ =	swait.ge @!p0 [sflag:s8], $0x0  }
0x24: {  	s3 =	sadd.s32 $0x88, s3;
	s6 =	simm.s32 @!p1 $0x1082;
	[sflag:s4] =	ssyncset.s32 $0xFFFFF086  }
0x25: {  	[simem:s6], [sflag:s4] =	dma.local [hbm:s3], $0xF7A  }
0x26: {  	[smem:$0x3F94] =	sst s1;
	(tag) =	ssettag s2;
	_ =	strace s9  }
0x27: {  	s1 =	sld [smem:$0x3FA4]  }
0x28: {  	s2 =	sld [smem:$0x3FA5]  }
0x29: {  	s4 =	sld [smem:$0x3FA7]  }
0x2a: {  	p0 =	seq.s32 s5, $0x0;
	s5 =	sld [smem:$0x3FA8]  }
0x2b: {  	s6 =	sld [smem:$0x3FA9]  }
0x2c: {  	s7 =	sld [smem:$0x3FAA]  }
0x2d: {  	s3 =	simm.s32 $0x108;
	s8 =	sld [smem:$0x3FAB]  }
0x2e: {  	s3 =	simm.s32 @!p0 $0x1082;
	s9 =	sld [smem:$0x3FAC]  }
0x2f: {  	lr =	sadd.s32 s0, s3;
	s0 =	sld [smem:$0x3FA3]  }
0x30: {  	s3 =	sld [smem:$0x3FA6]  }
0x31: {  	[smem:$0x3FAF] =	sst s10  }
0x32: {  	s10 =	sld [smem:$0x3FAD];
	_ =	sdelay $0x3  }
0x33: {  	p0 =	seq.s32 s10, $0x1;
	s10 =	sld [smem:$0x3FAF];
	_ =	sdelay $0x3  }
0x34: {  	[smem:$0x3FAF] =	sst s10  }
0x35: {  	s10 =	sld [smem:$0x3FAE];
	_ =	sdelay $0x3  }
0x36: {  	p1 =	seq.s32 s10, $0x1;
	s10 =	sld [smem:$0x3FAF];
	_ =	sdelay $0x3  }
0x37: {  	[smem:$0x3FAF] =	sst s10  }
0x38: {  	s10 =	sld [smem:$0x3FB0]  }
0x39: {  	_ = 	snop;
	(pc) =	sbr.ind lr, $3  }
0x3a: {  	_ = 	snop  }
0x3b: {  	_ = 	snop  }
0x3c: {  	p2 =	seq.s32 s10, $0x1;
	s10 =	sld [smem:$0x3FAF]  }
0x3d: {  	_ =	shalt  }
0x3e: {  	_ =	shalt  }
0x3f: {  	_ =	shalt  }
0x40: {  	_ =	shalt  }
0x41: {  	_ =	shalt  }
0x42: {  	_ =	shalt  }
0x43: {  	_ =	shalt  }
0x44: {  	_ =	shalt  }
0x45: {  	_ =	shalt  }
0x46: {  	_ =	shalt  }
0x47: {  	_ =	shalt  }
0x48: {  	_ =	shalt  }
0x49: {  	_ =	shalt  }
0x4a: {  	_ =	shalt  }
0x4b: {  	_ =	shalt  }
0x4c: {  	_ =	shalt  }
0x4d: {  	_ =	shalt  }
0x4e: {  	_ =	shalt  }
0x4f: {  	_ =	shalt  }
0x50: {  	_ =	shalt  }
0x51: {  	_ =	shalt  }
0x52: {  	_ =	shalt  }
0x53: {  	_ =	shalt  }
0x54: {  	_ =	shalt  }
0x55: {  	_ =	shalt  }
0x56: {  	_ =	shalt  }
0x57: {  	_ =	shalt  }
0x58: {  	_ =	shalt  }
0x59: {  	_ =	shalt  }
0x5a: {  	_ =	shalt  }
0x5b: {  	_ =	shalt  }
0x5c: {  	_ =	shalt  }
0x5d: {  	_ =	shalt  }
0x5e: {  	_ =	shalt  }
0x5f: {  	_ =	shalt  }
0x60: {  	_ =	shalt  }
0x61: {  	_ =	shalt  }
0x62: {  	_ =	shalt  }
0x63: {  	_ =	shalt  }
0x64: {  	_ =	shalt  }
0x65: {  	_ =	shalt  }
0x66: {  	_ =	shalt  }
0x67: {  	_ =	shalt  }
0x68: {  	_ =	shalt  }
0x69: {  	_ =	shalt  }
0x6a: {  	_ =	shalt  }
0x6b: {  	_ =	shalt  }
0x6c: {  	_ =	shalt  }
0x6d: {  	_ =	shalt  }
0x6e: {  	_ =	shalt  }
0x6f: {  	_ =	shalt  }
0x70: {  	_ =	shalt  }
0x71: {  	_ =	shalt  }
0x72: {  	_ =	shalt  }
0x73: {  	_ =	shalt  }
0x74: {  	_ =	shalt  }
0x75: {  	_ =	shalt  }
0x76: {  	_ =	shalt  }
0x77: {  	_ =	shalt  }
0x78: {  	_ =	shalt  }
0x79: {  	_ =	shalt  }
0x7a: {  	_ =	shalt  }
0x7b: {  	_ =	shalt  }
0x7c: {  	_ =	shalt  }
0x7d: {  	_ =	shalt  }
0x7e: {  	_ =	shalt  }
0x7f: {  	_ =	shalt  }
0x80: {  	_ =	shalt  }
0x81: {  	_ =	shalt  }
0x82: {  	_ =	shalt  }
0x83: {  	_ =	shalt  }
0x84: {  	_ =	shalt  }
0x85: {  	_ =	shalt  }
0x86: {  	_ =	shalt  }
0x87: {  	_ =	shalt  }
.Lfunc_end0:
.L_simem_size_0:
called_computation.2_lowered:
.L_overlay_start_0:
0x88: {  	s2 =	sld [smem:$0x3FD9]  }
0x89: {  	s3 =	sld [smem:$0x3FFE];
	_ =	sdelay $0x1  }
0x8a: {  	s1 =	srdreg.scid  }
0x8b: {  	s0 =	sand.u32 $0x1, s1  }
0x8c: {  	s16 =	sshll.u32 s0, $0xA;
	s2 =	sadd.s32 s3, s2  }
0x8d: {  	s2 =	sadd.s32 s2, s16  }
0x8e: {  	[smem:$0x3FBB] =	sst s2  }
0x8f: {  	_ = 	snop  }
0x90: {  	(tm) =	ssettm $0x1  }
0x91: {  	s17 =	sld [smem:$0x3FFB];
	_ =	sdelay $0x3  }
0x92: {  	_ =	strace s17  }
0x93: {  	s2 =	sld [smem:$0x3FFC];
	_ =	sdelay $0x3  }
0x94: {  	_ =	strace s2  }
0x95: {  	s2 =	sld [smem:$0x3FFD];
	_ =	sdelay $0x3  }
0x96: {  	_ =	strace s2  }
0x97: {  	_ =	strace $0x8FFFFFFF  }
0x98: {  	s18 =	sld [smem:$0x3FDB];
	_ =	sdelay $0x1  }
0x99: {  	s19 =	simm.s32 $_scs_section_size  }
0x9a: {  	s4 =	simm.s32 $_size__tile_overlayer_lowered;
	s5 =	simm.s32 $_tile_overlayer_lowered  }
0x9b: {  	s22 =	simm.s32 $0x1BFF;
	s21 =	sshll.u32 s5, $0x1;
	s2 =	sadd.s32 s19, s18  }
0x9c: {  	s6 =	simm.s32 $0x0;
	s20 =	sshll.u32 s4, $0x1;
	s4 =	sadd.s32 s21, s2  }
0x9d: {  	[timem:s6], [sflag:s22] =	dma.local [hbm:s4], s20  }
0x9e: {  	_ =	swait.ge [sflag:s22], s20  }
0x9f: {  	s3 =	ssub.s32 $0x0, s20;
	[sflag:s22] =	ssyncset.done $0x0  }
0xa0: {  	[sflag:s22] =	ssyncadd.s32 s3;
	_ =	sdelay $0x1  }
0xa1: {  	s23 =	simm.s32 $0x1B8B  }
0xa2: {  	_ =	swait.ge [sflag:s23], $0x1  }
0xa3: {  	[sflag:s23] =	ssyncset.done $0x0  }
0xa4: {  	s25 =	simm.s32 $0x1B8E;
	s24 =	sld [smem:$0x3FFE];
	[sflag:s23] =	ssyncadd.s32 $0xFFFFFFFF  }
0xa5: {  	s26 =	simm.s32 $execute0_lowered;
	[smem:$0x3FD2] =	sst s25  }
0xa6: {  	s4 =	sshll.u32 s26, $0x1;
	_ =	strace $0x8000004C;
	[dreg:$0x1] =	wrdreg $0xFFFFFFFF  }
0xa7: {  	s28 =	simm.s32 $_size_execute0_lowered;
	s2 =	sadd.s32 s2, s4;
	[dreg:$0x0] =	wrdreg $0x0  }
0xa8: {  	s4 =	sshll.u32 s28, $0x1;
	[dreg:$0x2] =	wrdreg s2  }
0xa9: {  	[dreg:$0x3] =	wrdreg s4  }
0xaa: {  	[dreg:$0x4] =	wrdreg $0xC0  }
0xab: {  	_ =	task [dreg:s6], $0x5FFFF  }
0xac: {  	[dreg:$0x1] =	wrdreg $0xFFFFFFFF  }
0xad: {  	[dreg:$0x0] =	wrdreg $0x60  }
0xae: {  	[dreg:$0x2] =	wrdreg s24  }
0xaf: {  	[dreg:$0x3] =	wrdreg $0x38800  }
0xb0: {  	[dreg:$0x4] =	wrdreg $0x9  }
0xb1: {  	_ =	task.clear_ibuf [dreg:s6], $0x5FFFF;
	_ =	strace $0x9000004C  }
0xb2: {  	s29 =	simm.s32 $0x9;
	_ =	strace $0x8000004E  }
0xb3: {  	_ =	swait.ge [sflag:s29], $0x1  }
0xb4: {  	[sflag:s29] =	ssyncadd.s32 $0xFFFFFFFF  }
0xb5: {  	_ =	strace $0x9000004E  }
0xb6: {  	_ =	sfence  }
0xb7: {  	s30 =	sld [smem:$0x0];
	_ =	sdelay $0x2  }
0xb8: {  	s31 =	sshll.u32 s1, $0xD;
	s1 =	sshrl.u32 s1, $0x2  }
0xb9: {  	s3 =	sand.u32 $0x4000, s31;
	s1 =	sadd.s32 s1, s30  }
0xba: {  	s0 =	sor.u32 s3, s0;
	s1 =	sshll.u32 s1, $0x11  }
0xbb: {  	s0 =	sor.u32 s1, s0  }
0xbc: {  	s0 =	sadd.s32 $0x8F2B, s0  }
0xbd: {  	[sflag:s0] =	ssyncadd.remote.s32 $0x1  }
0xbe: {  	_ =	sfence.sel $0xFFFF  }
0xbf: {  	[dreg:$0x0] =	wrdreg $0xFFFFFFFF;
	(pc) =	sbr.abs _section_cstart, $3  }
0xc0: {  	[dreg:$0x1] =	wrdreg $0xFFFFFFFF  }
0xc1: {  	_ =	task.clear_ibuf [dreg:s6], $0x2FFFF;
	_ =	strace $0x9FFFFFFF  }
0xc2: {  	(tm) =	ssettm $0x7FFFFFFF  }
0xc3: {  	_ =	shalt  }
tec
execute0_lowered:
.L_overlay_start_1:
0x0: {  	(tag) =	ssettag $0x1  }
0x1: {  	s0 =	rddreg [dreg:$0x0]  }
0x2: {  	s1 =	rddreg [dreg:$0x1];
	s2 =	srdreg.scid  }
0x3: {  	s3 =	simm.s32 $0x0;
	s24 =	stileid.u32;
	s15 =	simm.s32 $0x3  }
0x4: {  	s17 =	simm.s32 $0x80;
	s18 =	simm.s32 $0x2080;
	s19 =	simm.s32 $0x2880  }
0x5: {  	s20 =	simm.s32 $0x1;
	s21 =	simm.s32 $0x2000;
	s22 =	simm.s32 $0x2  }
0x6: {  	s5 =	sand.u32 $0x1, s2;
	[smem:$0x7FF] =	sst s3;
	s6 =	smul.u32 $0x31000, s24  }
0x7: {  	s26 =	ssub.s32 $0x320, s24;
	s28 =	sshll.u32 s24, $0xB;
	s12 =	smul.u32 $0x62000, s24  }
0x8: {  	s4 =	smul.u32 $0x31000, s5;
	_ =	strace $0x8000004D;
	s7 =	sshll.u32 s5, $0x4  }
0x9: {  	s25 =	ssub.s32 $0x2, s5;
	s5 =	sadd.s32 $0x65000, s0;
	s6 =	sor.u32 s7, s6  }
0xa: {  	s8 =	sshrl.u32 s25, $0x1;
	s11 =	sadd.s32 s4, s0;
	s6 =	sshrl.u32 s6, $0x3  }
0xb: {  	s4 =	sadd.s32 $0x96000, s0;
	s0 =	sadd.s32 s6, s0;
	s6 =	smul.u32 $0x18800, s24  }
0xc: {  	s7 =	sshrl.u32 s26, $0x4;
	s14 =	sshrl.u32 s12, $0x2;
	s13 =	ssub.s32 s25, s8  }
0xd: {  	s8 =	sadd.s32 s28, s1;
	s31 =	sadd.s32 s14, s1;
	s10 =	sshrl.u32 s6, $0x3  }
0xe: {  	s14 =	simm.s32 $0x3080;
	s11 =	sadd.s32 $0x3000, s11;
	s29 =	sadd.s32 s4, s10  }
0xf: {  	v1 =	vlaneseq.u32;
	s13 =	smax.u32 s13, $0x1;
	s30 =	sadd.s32 s5, s10;
	[dreg:$0x3] =	wrdreg s29  }
0x10: {  	v0 =	vimm.f32 $0.0e+00;
	v1 =	vor.u32 $0x18800, v1;
	s23 =	sshrl.u32 s31, $0x3;
	s12 =	sadd.s32 $0xC7000, s0;
	[dreg:$0x4] =	wrdreg s30  }
.LBB2_1:
0x11: {  	s0 =	simm.s32 $0x40;
	s16 =	simm.s32 $0x0  }
.LBB2_2:
0x12: {  	p0 =	sne.s32 s0, $0x1FC0;
	[tilespmem:s16+$0x3080] =	vst v0;
	s16 =	smov.u32 s0;
	s0 =	sadd.s32 $0x40, s0  }
.Ltmp0:
0x13: {  	(pc) =	sbr.rel @p0 .LBB2_2-.Ltmp0, $2  }
0x14: {  	_ =	sdelay $0x2  }
0x15: {  	s16 =	sshra.s32 s16, $0x2  }
0x16: {  	p0 =	sne.s32 s7, $0x1  }
.Ltmp1:
0x17: {  	_ = 	snop;
	(pc) =	sbr.rel @!p0 .LBB2_5-.Ltmp1, $4  }
0x18: {  	[tilespmem:s16+$0x3080] =	vst v0  }
0x19: {  	[spmem:s8] =	stream.linear.scatter [tilespmem:s14], [sflag:$0x3], $0x800, $0x38;
	[tilespmem:$0x1C100] =	vst v63  }
0x1a: {  	_ =	swait.ge [sflag:s15], $0x800  }
0x1b: {  	s0 =	sadd.s32 $0xFFFFFFFF, s7;
	s16 =	smov.u32 s8;
	[sflag:s15] =	ssyncset.done $0x0  }
.LBB2_4:
0x1c: {  	p0 =	sne.s32 s0, $0x1;
	[sflag:s15] =	ssyncadd.s32 $0xFFFFF800;
	s16 =	sadd.s32 $0x8000, s16  }
.Ltmp2:
0x1d: {  	s0 =	sadd.s32 $0xFFFFFFFF, s0;
	(pc) =	sbr.rel @p0 .LBB2_4-.Ltmp2, $4  }
0x1e: {  	_ = 	snop  }
0x1f: {  	[spmem:s16] =	stream.linear.scatter [tilespmem:s14], [sflag:$0x3], $0x800, $0x38;
	[tilespmem:$0x1C100] =	vst v63  }
0x20: {  	_ =	swait.ge [sflag:s15], $0x800  }
0x21: {  	[sflag:s15] =	ssyncset.done $0x0  }
.LBB2_5:
0x22: {  	[sflag:s15] =	ssyncadd.s32 $0xFFFFF800  }
0x23: {  	[bflag:$0x0] =	sbarrier.arrive $0xFFFF  }
0x24: {  	s0 =	simm.s32 $0x0;
	s2 =	rddreg [dreg:$0x3]  }
0x25: {  	[tilespmem:s0], [sflag:$0x3] =	stream.linear.gather [hbm4b:s2+s0], $0x800, $0x38;
	[tilespmem:$0x1C100] =	vst v63  }
0x26: {  	_ =	swait.ge [sflag:s15], $0x800  }
0x27: {  	[sflag:s15] =	ssyncset.done $0x0  }
0x28: {  	s9 =	simm.s32 $0x1000;
	s16 =	rddreg [dreg:$0x4];
	[sflag:s15] =	ssyncadd.s32 $0xFFFFF800  }
0x29: {  	[tilespmem:s9], [sflag:$0x3] =	stream.linear.gather [hbm4b:s16+s0], $0x800, $0x38;
	[tilespmem:$0x1C100] =	vst v63  }
0x2a: {  	_ =	swait.ge [sflag:s15], $0x800  }
0x2b: {  	[sflag:s15] =	ssyncset.done $0x0  }
0x2c: {  	[sflag:s15] =	ssyncadd.s32 $0xFFFFF800  }
0x2d: {  	[tilespmem:s18], [sflag:$0x1] =	stream.indirect.gather [hbm4b:s11+s17], $0x10, s0, s17, $0xb8;
	[tilespmem:$0x1C100] =	vst v63  }
0x2e: {  	p0 =	por $0x0, $0x0;
	s0 =	sand.u32 $0x7, s0  }
0x2f: {  	p1 =	sne.s32 @!p0 s0, $0x6  }
0x30: {  	s0 =	simm.s32 $0x0;
	p0 =	por p1, p0  }
0x31: {  	s16 =	sand.u32 @!p0 $0x1F800, s0  }
0x32: {  	s16 =	sadd.s32 @!p0 $0x800, s16  }
0x33: {  	s24 =	sadd.s32 @!p0 s6, s16  }
0x34: {  	s25 =	simm.s32 @!p0 $0x3;
	s24 =	sshrl.u32 @!p0 s24, $0x3  }
0x35: {  	s26 =	simm.s32 @!p0 $0x0;
	s16 =	sand.u32 @!p0 $0x800, s16;
	s28 =	sadd.s32 @!p0 s4, s24  }
0x36: {  	[tilespmem:s16], [sflag:$0x3] =	stream.linear.gather @!p0 [hbm4b:s28+s26], $0x800, $0x38;
	[tilespmem:$0x1C100] =	vst v63  }
0x37: {  	_ =	swait.ge @!p0 [sflag:s25], $0x800  }
0x38: {  	[sflag:s25] =	ssyncset.done @!p0 $0x0  }
0x39: {  	s24 =	sadd.s32 @!p0 s5, s24;
	s16 =	sor.u32 @!p0 $0x1000, s16;
	[sflag:s25] =	ssyncadd.s32 @!p0 $0xFFFFF800  }
0x3a: {  	[tilespmem:s16], [sflag:$0x3] =	stream.linear.gather @!p0 [hbm4b:s24+s26], $0x800, $0x38;
	[tilespmem:$0x1C100] =	vst v63  }
0x3b: {  	s24 =	sand.u32 $0x800, s0;
	_ =	swait.ge @!p0 [sflag:s25], $0x800  }
0x3c: {  	s0 =	sand.u32 $0x700, s0;
	s29 =	sor.u32 $0x1000, s24;
	[sflag:s25] =	ssyncset.done @!p0 $0x0  }
0x3d: {  	s31 =	sor.u32 s0, s29;
	[sflag:s25] =	ssyncadd.s32 @!p0 $0xFFFFF800  }
0x3e: {  	v2 =	vld [tilespmem:s31+$0x0];
	_ =	sdelay $0x4  }
0x3f: {  	vm0 =	vlt.u32 v2, $0x18800  }
0x40: {  	v2 =	vsel vm0, v2, v1  }
0x41: {  	[tilespmem:$0x2000] =	vst v2  }
0x42: {  	v2 =	vld [tilespmem:s31+$0x10];
	_ =	sdelay $0x4  }
0x43: {  	vm13 =	vlt.u32 v2, $0x18800  }
0x44: {  	v2 =	vsel vm13, v2, v1  }
0x45: {  	[tilespmem:$0x2010] =	vst v2  }
0x46: {  	v2 =	vld [tilespmem:s31+$0x20];
	_ =	sdelay $0x4  }
0x47: {  	vm14 =	vlt.u32 v2, $0x18800  }
0x48: {  	v2 =	vsel vm14, v2, v1  }
0x49: {  	[tilespmem:$0x2020] =	vst v2  }
0x4a: {  	v2 =	vld [tilespmem:s31+$0x30];
	_ =	sdelay $0x4  }
0x4b: {  	vm15 =	vlt.u32 v2, $0x18800  }
0x4c: {  	v2 =	vsel vm15, v2, v1  }
0x4d: {  	[tilespmem:$0x2030] =	vst v2  }
0x4e: {  	v2 =	vld [tilespmem:s31+$0x40];
	_ =	sdelay $0x4  }
0x4f: {  	vm4 =	vlt.u32 v2, $0x18800  }
0x50: {  	v2 =	vsel vm4, v2, v1  }
0x51: {  	[tilespmem:$0x2040] =	vst v2  }
0x52: {  	v2 =	vld [tilespmem:s31+$0x50];
	_ =	sdelay $0x4  }
0x53: {  	vm5 =	vlt.u32 v2, $0x18800  }
0x54: {  	v2 =	vsel vm5, v2, v1  }
0x55: {  	[tilespmem:$0x2050] =	vst v2  }
0x56: {  	v2 =	vld [tilespmem:s31+$0x60];
	_ =	sdelay $0x4  }
0x57: {  	vm6 =	vlt.u32 v2, $0x18800  }
0x58: {  	v2 =	vsel vm6, v2, v1  }
0x59: {  	[tilespmem:$0x2060] =	vst v2  }
0x5a: {  	v2 =	vld [tilespmem:s31+$0x70];
	_ =	sdelay $0x4  }
0x5b: {  	vm7 =	vlt.u32 v2, $0x18800  }
0x5c: {  	s0 =	sor.u32 $0x80, s0;
	v2 =	vsel vm7, v2, v1  }
0x5d: {  	s16 =	sor.u32 s24, s0;
	[tilespmem:$0x2070] =	vst v2  }
0x5e: {  	[tilespmem:s19], [sflag:$0x2] =	stream.indirect.gather [hbm4b:s11+s17], $0x10, s16, s17, $0xb8;
	[tilespmem:$0x1C100] =	vst v63  }
0x5f: {  	_ =	swait.ge [sflag:s20], $0x800  }
0x60: {  	[sflag:s20] =	ssyncset.done $0x0  }
0x61: {  	[sflag:s20] =	ssyncadd.s32 $0xFFFFF800  }
0x62: {  	[spmem:s1] =	stream.indirect.scatter.add.f32 [tilespmem:s18], [sflag:$0x3], $0x10, s21, s17, $0xb8;
	[tilespmem:$0x1C100] =	vst v63  }
0x63: {  	_ =	swait.ge [sflag:s15], $0x800  }
0x64: {  	[sflag:s15] =	ssyncset.done $0x0  }
0x65: {  	[sflag:s15] =	ssyncadd.s32 $0xFFFFF800  }
0x66: {  	v2 =	vld [tilespmem:s16+$0x1000];
	_ =	sdelay $0x4  }
0x67: {  	vm8 =	vlt.u32 v2, $0x18800  }
0x68: {  	v2 =	vsel vm8, v2, v1  }
0x69: {  	s0 =	sor.u32 s0, s29;
	[tilespmem:$0x2000] =	vst v2  }
0x6a: {  	v2 =	vld [tilespmem:s0+$0x10];
	_ =	sdelay $0x4  }
0x6b: {  	vm9 =	vlt.u32 v2, $0x18800  }
0x6c: {  	v2 =	vsel vm9, v2, v1  }
0x6d: {  	[tilespmem:$0x2010] =	vst v2  }
0x6e: {  	v2 =	vld [tilespmem:s0+$0x20];
	_ =	sdelay $0x4  }
0x6f: {  	vm10 =	vlt.u32 v2, $0x18800  }
0x70: {  	v2 =	vsel vm10, v2, v1  }
0x71: {  	[tilespmem:$0x2020] =	vst v2  }
0x72: {  	v2 =	vld [tilespmem:s0+$0x30];
	_ =	sdelay $0x4  }
0x73: {  	vm11 =	vlt.u32 v2, $0x18800  }
0x74: {  	v2 =	vsel vm11, v2, v1  }
0x75: {  	[tilespmem:$0x2030] =	vst v2  }
0x76: {  	v2 =	vld [tilespmem:s0+$0x40];
	_ =	sdelay $0x4  }
0x77: {  	vm12 =	vlt.u32 v2, $0x18800  }
0x78: {  	v2 =	vsel vm12, v2, v1  }
0x79: {  	[tilespmem:$0x2040] =	vst v2  }
0x7a: {  	v2 =	vld [tilespmem:s0+$0x50];
	_ =	sdelay $0x4  }
0x7b: {  	vm13 =	vlt.u32 v2, $0x18800  }
0x7c: {  	v2 =	vsel vm13, v2, v1  }
0x7d: {  	[tilespmem:$0x2050] =	vst v2  }
0x7e: {  	v2 =	vld [tilespmem:s0+$0x60];
	_ =	sdelay $0x4  }
0x7f: {  	vm14 =	vlt.u32 v2, $0x18800  }
0x80: {  	v2 =	vsel vm14, v2, v1  }
0x81: {  	[tilespmem:$0x2060] =	vst v2  }
0x82: {  	v2 =	vld [tilespmem:s0+$0x70];
	_ =	sdelay $0x4  }
0x83: {  	vm15 =	vlt.u32 v2, $0x18800  }
0x84: {  	s25 =	simm.s32 $0x1;
	p0 =	por $0x0, $0x0;
	s0 =	simm.s32 $0x100;
	v2 =	vsel vm15, v2, v1  }
0x85: {  	s24 =	simm.s32 @!p0 $0x2080;
	s16 =	simm.s32 @!p0 $0x80;
	s0 =	sand.u32 @!p0 $0xF00, s0;
	[tilespmem:$0x2070] =	vst v2  }
0x86: {  	[tilespmem:s24], [sflag:$0x1] =	stream.indirect.gather @!p0 [hbm4b:s11+s16], $0x10, s0, s16, $0xb8;
	[tilespmem:$0x1C100] =	vst v63  }
0x87: {  	s28 =	simm.s32 $0x2;
	s0 =	sand.u32 $0x7, s25;
	p0 =	por $0x0, $0x0  }
0x88: {  	s26 =	simm.s32 $0x200;
	_ =	swait.ge [sflag:s22], $0x800;
	p1 =	sne.s32 @!p0 s0, $0x6  }
0x89: {  	s0 =	simm.s32 $0x100;
	[sflag:s22] =	ssyncset.done $0x0;
	p1 =	por p1, p0  }
0x8a: {  	s30 =	sand.u32 $0x800, s0;
	[sflag:s22] =	ssyncadd.s32 $0xFFFFF800;
	s16 =	sand.u32 @!p1 $0x1F800, s0  }
0x8b: {  	[spmem:s1] =	stream.indirect.scatter.add.f32 [tilespmem:s19], [sflag:$0x3], $0x10, s21, s17, $0xb8;
	[tilespmem:$0x1C100] =	vst v63  }
0x8c: {  	s24 =	simm.s32 @!p1 $0x3;
	s16 =	sadd.s32 @!p1 $0x800, s16;
	_ =	swait.ge [sflag:s15], $0x800  }
.LBB2_6:
0x8d: {  	s31 =	sand.u32 @!p1 $0x800, s16  }
0x8e: {  	s16 =	sadd.s32 @!p1 s6, s16;
	[sflag:s15] =	ssyncset.done $0x0;
	s29 =	smov.u32 s28  }
0x8f: {  	s2 =	simm.s32 @!p1 $0x0;
	s16 =	sshrl.u32 @!p1 s16, $0x3;
	[sflag:s15] =	ssyncadd.s32 $0xFFFFF800  }
0x90: {  	s10 =	sor.u32 @!p1 $0x1000, s31;
	s9 =	sadd.s32 @!p1 s4, s16;
	s16 =	sadd.s32 @!p1 s5, s16  }
0x91: {  	[tilespmem:s31], [sflag:$0x3] =	stream.linear.gather @!p1 [hbm4b:s9+s2], $0x800, $0x38;
	[tilespmem:$0x1C100] =	vst v63  }
0x92: {  	s28 =	sadd.s32 $0x1, s28;
	s31 =	sor.u32 $0x1000, s30;
	_ =	swait.ge @!p1 [sflag:s24], $0x800  }
0x93: {  	p0 =	sne.s32 s28, $0x188;
	[sflag:s24] =	ssyncset.done @!p1 $0x0  }
0x94: {  	[sflag:s24] =	ssyncadd.s32 @!p1 $0xFFFFF800  }
0x95: {  	[tilespmem:s10], [sflag:$0x3] =	stream.linear.gather @!p1 [hbm4b:s16+s2], $0x800, $0x38;
	[tilespmem:$0x1C100] =	vst v63  }
0x96: {  	s0 =	sand.u32 $0x700, s0;
	_ =	swait.ge @!p1 [sflag:s24], $0x800  }
0x97: {  	s16 =	sor.u32 s0, s31;
	s0 =	sor.u32 $0x80, s0;
	[sflag:s24] =	ssyncset.done @!p1 $0x0  }
0x98: {  	[sflag:s24] =	ssyncadd.s32 @!p1 $0xFFFFF800  }
0x99: {  	v2 =	vld [tilespmem:s16+$0x0];
	_ =	sdelay $0x4  }
0x9a: {  	vm0 =	vlt.u32 v2, $0x18800  }
0x9b: {  	v2 =	vsel vm0, v2, v1  }
0x9c: {  	[tilespmem:$0x2000] =	vst v2  }
0x9d: {  	v2 =	vld [tilespmem:s16+$0x10];
	_ =	sdelay $0x4  }
0x9e: {  	vm0 =	vlt.u32 v2, $0x18800  }
0x9f: {  	v2 =	vsel vm0, v2, v1  }
0xa0: {  	[tilespmem:$0x2010] =	vst v2  }
0xa1: {  	v2 =	vld [tilespmem:s16+$0x20];
	_ =	sdelay $0x4  }
0xa2: {  	vm0 =	vlt.u32 v2, $0x18800  }
0xa3: {  	v2 =	vsel vm0, v2, v1  }
0xa4: {  	[tilespmem:$0x2020] =	vst v2  }
0xa5: {  	v2 =	vld [tilespmem:s16+$0x30];
	_ =	sdelay $0x4  }
0xa6: {  	vm0 =	vlt.u32 v2, $0x18800  }
0xa7: {  	v2 =	vsel vm0, v2, v1  }
0xa8: {  	[tilespmem:$0x2030] =	vst v2  }
0xa9: {  	v2 =	vld [tilespmem:s16+$0x40];
	_ =	sdelay $0x4  }
0xaa: {  	vm0 =	vlt.u32 v2, $0x18800  }
0xab: {  	v2 =	vsel vm0, v2, v1  }
0xac: {  	[tilespmem:$0x2040] =	vst v2  }
0xad: {  	v2 =	vld [tilespmem:s16+$0x50];
	_ =	sdelay $0x4  }
0xae: {  	vm0 =	vlt.u32 v2, $0x18800  }
0xaf: {  	v2 =	vsel vm0, v2, v1  }
0xb0: {  	[tilespmem:$0x2050] =	vst v2  }
0xb1: {  	v2 =	vld [tilespmem:s16+$0x60];
	_ =	sdelay $0x4  }
0xb2: {  	vm0 =	vlt.u32 v2, $0x18800  }
0xb3: {  	v2 =	vsel vm0, v2, v1  }
0xb4: {  	[tilespmem:$0x2060] =	vst v2  }
0xb5: {  	v2 =	vld [tilespmem:s16+$0x70];
	_ =	sdelay $0x4  }
0xb6: {  	vm0 =	vlt.u32 v2, $0x18800  }
0xb7: {  	s2 =	sor.u32 s30, s0;
	v2 =	vsel vm0, v2, v1  }
0xb8: {  	[tilespmem:$0x2070] =	vst v2  }
0xb9: {  	[tilespmem:s19], [sflag:$0x2] =	stream.indirect.gather [hbm4b:s11+s17], $0x10, s2, s17, $0xb8;
	[tilespmem:$0x1C100] =	vst v63  }
0xba: {  	_ =	swait.ge [sflag:s20], $0x800  }
0xbb: {  	[sflag:s20] =	ssyncset.done $0x0  }
0xbc: {  	[sflag:s20] =	ssyncadd.s32 $0xFFFFF800  }
0xbd: {  	[spmem:s1] =	stream.indirect.scatter.add.f32 [tilespmem:s18], [sflag:$0x3], $0x10, s21, s17, $0xb8;
	[tilespmem:$0x1C100] =	vst v63  }
0xbe: {  	_ =	swait.ge [sflag:s15], $0x800  }
0xbf: {  	[sflag:s15] =	ssyncset.done $0x0  }
0xc0: {  	[sflag:s15] =	ssyncadd.s32 $0xFFFFF800  }
0xc1: {  	v2 =	vld [tilespmem:s2+$0x1000];
	_ =	sdelay $0x4  }
0xc2: {  	vm0 =	vlt.u32 v2, $0x18800  }
0xc3: {  	s0 =	sor.u32 s0, s31;
	v2 =	vsel vm0, v2, v1  }
0xc4: {  	[tilespmem:$0x2000] =	vst v2  }
0xc5: {  	v2 =	vld [tilespmem:s0+$0x10];
	_ =	sdelay $0x4  }
0xc6: {  	vm0 =	vlt.u32 v2, $0x18800  }
0xc7: {  	v2 =	vsel vm0, v2, v1  }
0xc8: {  	[tilespmem:$0x2010] =	vst v2  }
0xc9: {  	v2 =	vld [tilespmem:s0+$0x20];
	_ =	sdelay $0x4  }
0xca: {  	vm0 =	vlt.u32 v2, $0x18800  }
0xcb: {  	v2 =	vsel vm0, v2, v1  }
0xcc: {  	[tilespmem:$0x2020] =	vst v2  }
0xcd: {  	v2 =	vld [tilespmem:s0+$0x30];
	_ =	sdelay $0x4  }
0xce: {  	vm0 =	vlt.u32 v2, $0x18800  }
0xcf: {  	v2 =	vsel vm0, v2, v1  }
0xd0: {  	[tilespmem:$0x2030] =	vst v2  }
0xd1: {  	v2 =	vld [tilespmem:s0+$0x40];
	_ =	sdelay $0x4  }
0xd2: {  	vm0 =	vlt.u32 v2, $0x18800  }
0xd3: {  	v2 =	vsel vm0, v2, v1  }
0xd4: {  	[tilespmem:$0x2040] =	vst v2  }
0xd5: {  	v2 =	vld [tilespmem:s0+$0x50];
	_ =	sdelay $0x4  }
0xd6: {  	vm0 =	vlt.u32 v2, $0x18800  }
0xd7: {  	v2 =	vsel vm0, v2, v1  }
0xd8: {  	[tilespmem:$0x2050] =	vst v2  }
0xd9: {  	v2 =	vld [tilespmem:s0+$0x60];
	_ =	sdelay $0x4  }
0xda: {  	vm0 =	vlt.u32 v2, $0x18800  }
0xdb: {  	v2 =	vsel vm0, v2, v1  }
0xdc: {  	[tilespmem:$0x2060] =	vst v2  }
0xdd: {  	v2 =	vld [tilespmem:s0+$0x70];
	_ =	sdelay $0x4  }
0xde: {  	p1 =	seq.s32 s25, $0x187;
	s25 =	smov.u32 s29;
	vm0 =	vlt.u32 v2, $0x18800  }
0xdf: {  	s9 =	simm.s32 @!p1 $0x2080;
	s2 =	simm.s32 @!p1 $0x80;
	s0 =	sand.u32 @!p1 $0xF00, s26;
	v2 =	vsel vm0, v2, v1  }
0xe0: {  	s10 =	sand.u32 $0x7, s25;
	p2 =	sgt.u32 s25, $0x17F;
	s26 =	sadd.s32 $0x100, s26;
	[tilespmem:$0x2070] =	vst v2  }
0xe1: {  	[tilespmem:s9], [sflag:$0x1] =	stream.indirect.gather @!p1 [hbm4b:s11+s2], $0x10, s0, s2, $0xb8;
	[tilespmem:$0x1C100] =	vst v63  }
.Ltmp3:
0xe2: {  	p1 =	sne.s32 @!p2 s10, $0x6;
	_ =	swait.ge [sflag:s22], $0x800;
	(pc) =	sbr.rel @p0 .LBB2_6-.Ltmp3, $4  }
0xe3: {  	s0 =	sadd.s32 $0xFFFFFF00, s26;
	p1 =	por p1, p2;
	[sflag:s22] =	ssyncset.done $0x0  }
0xe4: {  	s30 =	sand.u32 $0x800, s0;
	s2 =	sand.u32 @!p1 $0x1F800, s0;
	[sflag:s22] =	ssyncadd.s32 $0xFFFFF800  }
0xe5: {  	[spmem:s1] =	stream.indirect.scatter.add.f32 [tilespmem:s19], [sflag:$0x3], $0x10, s21, s17, $0xb8;
	[tilespmem:$0x1C100] =	vst v63  }
0xe6: {  	s24 =	simm.s32 @!p1 $0x3;
	s16 =	sadd.s32 @!p1 $0x800, s2;
	_ =	swait.ge [sflag:s15], $0x800  }
0xe7: {  	s2 =	sadd.s32 @!p1 s6, s16  }
0xe8: {  	s9 =	sand.u32 @!p1 $0x800, s16;
	[sflag:s15] =	ssyncset.done $0x0;
	s2 =	sshrl.u32 @!p1 s2, $0x3  }
0xe9: {  	s10 =	simm.s32 @!p1 $0x0;
	[sflag:s15] =	ssyncadd.s32 $0xFFFFF800;
	s16 =	sadd.s32 @!p1 s4, s2  }
0xea: {  	[tilespmem:s9], [sflag:$0x3] =	stream.linear.gather @!p1 [hbm4b:s16+s10], $0x800, $0x38;
	[tilespmem:$0x1C100] =	vst v63  }
0xeb: {  	_ =	swait.ge @!p1 [sflag:s24], $0x800  }
0xec: {  	[sflag:s24] =	ssyncset.done @!p1 $0x0  }
0xed: {  	s2 =	sadd.s32 @!p1 s5, s2;
	s9 =	sor.u32 @!p1 $0x1000, s9;
	[sflag:s24] =	ssyncadd.s32 @!p1 $0xFFFFF800  }
0xee: {  	[tilespmem:s9], [sflag:$0x3] =	stream.linear.gather @!p1 [hbm4b:s2+s10], $0x800, $0x38;
	[tilespmem:$0x1C100] =	vst v63  }
0xef: {  	_ =	swait.ge @!p1 [sflag:s24], $0x800  }
0xf0: {  	s0 =	sand.u32 $0x700, s0;
	s16 =	sor.u32 $0x1000, s30;
	[sflag:s24] =	ssyncset.done @!p1 $0x0  }
0xf1: {  	s28 =	sor.u32 s0, s16;
	[sflag:s24] =	ssyncadd.s32 @!p1 $0xFFFFF800  }
0xf2: {  	v2 =	vld [tilespmem:s28+$0x0];
	_ =	sdelay $0x4  }
0xf3: {  	vm0 =	vlt.u32 v2, $0x18800  }
0xf4: {  	v2 =	vsel vm0, v2, v1  }
0xf5: {  	[tilespmem:$0x2000] =	vst v2  }
0xf6: {  	v2 =	vld [tilespmem:s28+$0x10];
	_ =	sdelay $0x4  }
0xf7: {  	vm13 =	vlt.u32 v2, $0x18800  }
0xf8: {  	v2 =	vsel vm13, v2, v1  }
0xf9: {  	[tilespmem:$0x2010] =	vst v2  }
0xfa: {  	v2 =	vld [tilespmem:s28+$0x20];
	_ =	sdelay $0x4  }
0xfb: {  	vm14 =	vlt.u32 v2, $0x18800  }
0xfc: {  	v2 =	vsel vm14, v2, v1  }
0xfd: {  	[tilespmem:$0x2020] =	vst v2  }
0xfe: {  	v2 =	vld [tilespmem:s28+$0x30];
	_ =	sdelay $0x4  }
0xff: {  	vm15 =	vlt.u32 v2, $0x18800  }
0x100: {  	v2 =	vsel vm15, v2, v1  }
0x101: {  	[tilespmem:$0x2030] =	vst v2  }
0x102: {  	v2 =	vld [tilespmem:s28+$0x40];
	_ =	sdelay $0x4  }
0x103: {  	vm4 =	vlt.u32 v2, $0x18800  }
0x104: {  	v2 =	vsel vm4, v2, v1  }
0x105: {  	[tilespmem:$0x2040] =	vst v2  }
0x106: {  	v2 =	vld [tilespmem:s28+$0x50];
	_ =	sdelay $0x4  }
0x107: {  	vm5 =	vlt.u32 v2, $0x18800  }
0x108: {  	v2 =	vsel vm5, v2, v1  }
0x109: {  	[tilespmem:$0x2050] =	vst v2  }
0x10a: {  	v2 =	vld [tilespmem:s28+$0x60];
	_ =	sdelay $0x4  }
0x10b: {  	vm6 =	vlt.u32 v2, $0x18800  }
0x10c: {  	v2 =	vsel vm6, v2, v1  }
0x10d: {  	[tilespmem:$0x2060] =	vst v2  }
0x10e: {  	v2 =	vld [tilespmem:s28+$0x70];
	_ =	sdelay $0x4  }
0x10f: {  	vm7 =	vlt.u32 v2, $0x18800  }
0x110: {  	s0 =	sor.u32 $0x80, s0;
	v2 =	vsel vm7, v2, v1  }
0x111: {  	s29 =	sor.u32 s30, s0;
	[tilespmem:$0x2070] =	vst v2  }
0x112: {  	[tilespmem:s19], [sflag:$0x2] =	stream.indirect.gather [hbm4b:s11+s17], $0x10, s29, s17, $0xb8;
	[tilespmem:$0x1C100] =	vst v63  }
0x113: {  	_ =	swait.ge [sflag:s20], $0x800  }
0x114: {  	[sflag:s20] =	ssyncset.done $0x0  }
0x115: {  	[sflag:s20] =	ssyncadd.s32 $0xFFFFF800  }
0x116: {  	[spmem:s1] =	stream.indirect.scatter.add.f32 [tilespmem:s18], [sflag:$0x3], $0x10, s21, s17, $0xb8;
	[tilespmem:$0x1C100] =	vst v63  }
0x117: {  	_ =	swait.ge [sflag:s15], $0x800  }
0x118: {  	[sflag:s15] =	ssyncset.done $0x0  }
0x119: {  	[sflag:s15] =	ssyncadd.s32 $0xFFFFF800  }
0x11a: {  	v2 =	vld [tilespmem:s29+$0x1000];
	_ =	sdelay $0x4  }
0x11b: {  	vm8 =	vlt.u32 v2, $0x18800  }
0x11c: {  	v2 =	vsel vm8, v2, v1  }
0x11d: {  	s0 =	sor.u32 s0, s16;
	[tilespmem:$0x2000] =	vst v2  }
0x11e: {  	v2 =	vld [tilespmem:s0+$0x10];
	_ =	sdelay $0x4  }
0x11f: {  	vm9 =	vlt.u32 v2, $0x18800  }
0x120: {  	v2 =	vsel vm9, v2, v1  }
0x121: {  	[tilespmem:$0x2010] =	vst v2  }
0x122: {  	v2 =	vld [tilespmem:s0+$0x20];
	_ =	sdelay $0x4  }
0x123: {  	vm10 =	vlt.u32 v2, $0x18800  }
0x124: {  	v2 =	vsel vm10, v2, v1  }
0x125: {  	[tilespmem:$0x2020] =	vst v2  }
0x126: {  	v2 =	vld [tilespmem:s0+$0x30];
	_ =	sdelay $0x4  }
0x127: {  	vm11 =	vlt.u32 v2, $0x18800  }
0x128: {  	v2 =	vsel vm11, v2, v1  }
0x129: {  	[tilespmem:$0x2030] =	vst v2  }
0x12a: {  	v2 =	vld [tilespmem:s0+$0x40];
	_ =	sdelay $0x4  }
0x12b: {  	vm12 =	vlt.u32 v2, $0x18800  }
0x12c: {  	v2 =	vsel vm12, v2, v1  }
0x12d: {  	[tilespmem:$0x2040] =	vst v2  }
0x12e: {  	v2 =	vld [tilespmem:s0+$0x50];
	_ =	sdelay $0x4  }
0x12f: {  	vm13 =	vlt.u32 v2, $0x18800  }
0x130: {  	v2 =	vsel vm13, v2, v1  }
0x131: {  	[tilespmem:$0x2050] =	vst v2  }
0x132: {  	v2 =	vld [tilespmem:s0+$0x60];
	_ =	sdelay $0x4  }
0x133: {  	vm14 =	vlt.u32 v2, $0x18800  }
0x134: {  	v2 =	vsel vm14, v2, v1  }
0x135: {  	[tilespmem:$0x2060] =	vst v2  }
0x136: {  	v2 =	vld [tilespmem:s0+$0x70];
	_ =	sdelay $0x4  }
0x137: {  	vm15 =	vlt.u32 v2, $0x18800  }
0x138: {  	p0 =	seq.s32 s25, $0x187;
	v2 =	vsel vm15, v2, v1  }
0x139: {  	s2 =	simm.s32 @!p0 $0x80;
	s9 =	simm.s32 @!p0 $0x2080;
	s0 =	sand.u32 @!p0 $0xF00, s26;
	[tilespmem:$0x2070] =	vst v2  }
0x13a: {  	[tilespmem:s9], [sflag:$0x1] =	stream.indirect.gather @!p0 [hbm4b:s11+s2], $0x10, s0, s2, $0xb8;
	[tilespmem:$0x1C100] =	vst v63  }
0x13b: {  	_ =	swait.ge [sflag:s22], $0x800  }
0x13c: {  	[sflag:s22] =	ssyncset.done $0x0  }
0x13d: {  	[sflag:s22] =	ssyncadd.s32 $0xFFFFF800  }
0x13e: {  	[spmem:s1] =	stream.indirect.scatter.add.f32 [tilespmem:s19], [sflag:$0x3], $0x10, s21, s17, $0xb8;
	[tilespmem:$0x1C100] =	vst v63  }
0x13f: {  	s31 =	simm.s32 $0x4;
	_ =	swait.ge [sflag:s15], $0x800  }
0x140: {  	s3 =	sadd.s32 $0x1, s3;
	s30 =	stileid.u32;
	[sflag:s15] =	ssyncset.done $0x0  }
0x141: {  	s0 =	sshll.u32 s30, $0x6;
	p0 =	sne.s32 s3, s13;
	[sflag:s15] =	ssyncadd.s32 $0xFFFFF800  }
.Ltmp4:
0x142: {  	s0 =	sor.u32 $0x1C03, s0;
	[bflag:$0x0] =	sbarrier.arrive $0xFFFF;
	(pc) =	sbr.rel @p0 .LBB2_1-.Ltmp4, $4  }
0x143: {  	[hbm:s12@s31], [sflag:s0] =	dma.strided [spmem:s23@s22], $0x3100, s20, $0x2   }
0x144: {  	_ =	swait.ge [sflag:s15], $0x3100  }
0x145: {  	[sflag:s15] =	ssyncset.done $0x0  }
0x146: {  	[sflag:s15] =	ssyncadd.s32 $0xFFFFCF00  }
0x147: {  	_ =	sfence.sel $0x180000  }
0x148: {  	[bflag:$0x0] =	sbarrier.arrive $0xFFFF  }
0x149: {  	_ =	strace $0x9000004D  }
0x14a: {  	s0 =	stileid.u32;
	[bflag:$0x2] =	sbarrier.arrive $0xFFFF  }
0x14b: {  	p0 =	sne.s32 s0, $0x0;
	s0 =	rddreg [dreg:$0x2]  }
0x14c: {  	s0 =	sadd.s32 @!p0 $0x100000, s0  }
0x14d: {  	[sflag:s0] =	ssyncadd.tile.s32 @!p0 $0x1;
	_ =	shalt  }
.Lfunc_end2:
_tile_overlayer_lowered:
.L_overlay_start_2:
0x14e: {  	(tag) =	ssettag $0x2  }
0x14f: {  	s0 =	rddreg [dreg:$0x0];
	s2 =	stileid.u32  }
0x150: {  	s1 =	rddreg [dreg:$0x1];
	p0 =	sne.s32 s2, $0x0  }
0x151: {  	s3 =	rddreg [dreg:$0x2];
	[bflag:$0x3] =	sbarrier.arrive $0xFFFF;
	s2 =	simm.s32 @!p0 $0x1C03  }
0x152: {  	[timem:s3], [sflag:s2] =	dma.local @!p0 [hbm:s0], s1  }
0x153: {  	s0 =	simm.s32 @!p0 $0x3  }
0x154: {  	_ =	swait.ge @!p0 [sflag:s0], s1  }
0x155: {  	s1 =	ssub.s32 @!p0 $0x0, s1;
	[sflag:s0] =	ssyncset.done @!p0 $0x0  }
0x156: {  	[sflag:s0] =	ssyncadd.s32 @!p0 s1  }
0x157: {  	[bflag:$0x3] =	sbarrier.arrive $0xFFFF  }
0x158: {  	_ =	shalt  }

// kernel: kernel.8.cloned.1.call-start
scs
__scs_entry_jumppad:
0x0: {  	(pc) =	sbr.rel $0x88, $3  }
0x1: {  	(tag) =	ssettag $0x0;
	lr =	simm.s32 $0x1  }
0x2: {  	[smem:$0x3F94] =	sst lr;
	_ =	strace $0xD0000000  }
0x3: {  	_ = 	snop  }
0x4: {  	_ = 	snop  }
0x5: {  	_ = 	snop  }
0x6: {  	_ = 	snop  }
0x7: {  	_ = 	snop  }
__scs_overlays_trampoline_lowered:
0x8: {  	[smem:$0x3FA3] =	sst s0  }
0x9: {  	[smem:$0x3FA4] =	sst s1  }
0xa: {  	[smem:$0x3FA5] =	sst s2  }
0xb: {  	[smem:$0x3FA6] =	sst s3  }
0xc: {  	[smem:$0x3FA7] =	sst s4  }
0xd: {  	[smem:$0x3FA8] =	sst s5  }
0xe: {  	[smem:$0x3FA9] =	sst s6  }
0xf: {  	[smem:$0x3FAA] =	sst s7  }
0x10: {  	[smem:$0x3FAB] =	sst s8  }
0x11: {  	[smem:$0x3FAC] =	sst s9;
	s0 =	simm.s32 @!p0 $0x0  }
0x12: {  	s1 =	sld [smem:$0x3F92];
	s0 =	simm.s32 @p0 $0x1  }
0x13: {  	[smem:$0x3FAD] =	sst s0;
	s0 =	simm.s32 @!p1 $0x0  }
0x14: {  	s2 =	sld [smem:$0x3F91];
	s0 =	simm.s32 @p1 $0x1  }
0x15: {  	[smem:$0x3FAE] =	sst s0;
	s0 =	simm.s32 @!p2 $0x0  }
0x16: {  	s3 =	sld [smem:$0x3FDB];
	s0 =	simm.s32 @p2 $0x1  }
0x17: {  	s4 =	simm.s32 $0x1BF5;
	[smem:$0x3FB0] =	sst s0  }
0x18: {  	s0 =	sld [smem:$0x3F93];
	_ =	swait.ge [sflag:s4], $0x0  }
0x19: {  	s7 =	sld [smem:$0x3F94]  }
0x1a: {  	s8 =	sadd.s32 $0xFFFFE003, lr  }
0x1b: {  	s9 =	sadd.s32 $0xFFFFFEF7, lr;
	s5 =	simm.s32 $0xFFFFFFFF;
	p2 =	slt.u32 s8, $0xFFFFF086  }
0x1c: {  	p1 =	slt.u32 s9, $0xF7A;
	s5 =	simm.s32 @!p2 $0x0  }
0x1d: {  	s5 =	simm.s32 @p1 $0x1;
	p0 =	seq.s32 s7, s2  }
0x1e: {  	s7 =	smul.u32 @!p0 $0xF7A, s2;
	p2 =	seq.s32 @!p0 s5, $0x0  }
0x1f: {  	s9 =	smul.u32 $0xF7A, s1;
	s8 =	simm.s32 @!p0 $0x1BF5;
	p2 =	por !p2, p0  }
0x20: {  	[sflag:s8] =	ssyncset.s32 @!p0 $0xFFFFF086;
	s6 =	sadd.s32 @!p0 s3, s7;
	s7 =	simm.s32 @!p0 $0x108  }
0x21: {  	s3 =	sadd.s32 s3, s9;
	s6 =	sadd.s32 @!p0 $0x88, s6;
	s7 =	simm.s32 @p2 $0x1082  }
0x22: {  	[simem:s7], [sflag:s8] =	dma.local @!p0 [hbm:s6], $0xF7A  }
0x23: {  	s9 =	sor.u32 $0xD0000000, s2;
	s6 =	simm.s32 $0x108;
	_ =	swait.ge @!p0 [sflag:s8], $0x0  }
0x24: {  	s3 =	sadd.s32 $0x88, s3;
	s6 =	simm.s32 @!p1 $0x1082;
	[sflag:s4] =	ssyncset.s32 $0xFFFFF086  }
0x25: {  	[simem:s6], [sflag:s4] =	dma.local [hbm:s3], $0xF7A  }
0x26: {  	[smem:$0x3F94] =	sst s1;
	(tag) =	ssettag s2;
	_ =	strace s9  }
0x27: {  	s1 =	sld [smem:$0x3FA4]  }
0x28: {  	s2 =	sld [smem:$0x3FA5]  }
0x29: {  	s4 =	sld [smem:$0x3FA7]  }
0x2a: {  	p0 =	seq.s32 s5, $0x0;
	s5 =	sld [smem:$0x3FA8]  }
0x2b: {  	s6 =	sld [smem:$0x3FA9]  }
0x2c: {  	s7 =	sld [smem:$0x3FAA]  }
0x2d: {  	s3 =	simm.s32 $0x108;
	s8 =	sld [smem:$0x3FAB]  }
0x2e: {  	s3 =	simm.s32 @!p0 $0x1082;
	s9 =	sld [smem:$0x3FAC]  }
0x2f: {  	lr =	sadd.s32 s0, s3;
	s0 =	sld [smem:$0x3FA3]  }
0x30: {  	s3 =	sld [smem:$0x3FA6]  }
0x31: {  	[smem:$0x3FAF] =	sst s10  }
0x32: {  	s10 =	sld [smem:$0x3FAD];
	_ =	sdelay $0x3  }
0x33: {  	p0 =	seq.s32 s10, $0x1;
	s10 =	sld [smem:$0x3FAF];
	_ =	sdelay $0x3  }
0x34: {  	[smem:$0x3FAF] =	sst s10  }
0x35: {  	s10 =	sld [smem:$0x3FAE];
	_ =	sdelay $0x3  }
0x36: {  	p1 =	seq.s32 s10, $0x1;
	s10 =	sld [smem:$0x3FAF];
	_ =	sdelay $0x3  }
0x37: {  	[smem:$0x3FAF] =	sst s10  }
0x38: {  	s10 =	sld [smem:$0x3FB0]  }
0x39: {  	_ = 	snop;
	(pc) =	sbr.ind lr, $3  }
0x3a: {  	_ = 	snop  }
0x3b: {  	_ = 	snop  }
0x3c: {  	p2 =	seq.s32 s10, $0x1;
	s10 =	sld [smem:$0x3FAF]  }
0x3d: {  	_ =	shalt  }
0x3e: {  	_ =	shalt  }
0x3f: {  	_ =	shalt  }
0x40: {  	_ =	shalt  }
0x41: {  	_ =	shalt  }
0x42: {  	_ =	shalt  }
0x43: {  	_ =	shalt  }
0x44: {  	_ =	shalt  }
0x45: {  	_ =	shalt  }
0x46: {  	_ =	shalt  }
0x47: {  	_ =	shalt  }
0x48: {  	_ =	shalt  }
0x49: {  	_ =	shalt  }
0x4a: {  	_ =	shalt  }
0x4b: {  	_ =	shalt  }
0x4c: {  	_ =	shalt  }
0x4d: {  	_ =	shalt  }
0x4e: {  	_ =	shalt  }
0x4f: {  	_ =	shalt  }
0x50: {  	_ =	shalt  }
0x51: {  	_ =	shalt  }
0x52: {  	_ =	shalt  }
0x53: {  	_ =	shalt  }
0x54: {  	_ =	shalt  }
0x55: {  	_ =	shalt  }
0x56: {  	_ =	shalt  }
0x57: {  	_ =	shalt  }
0x58: {  	_ =	shalt  }
0x59: {  	_ =	shalt  }
0x5a: {  	_ =	shalt  }
0x5b: {  	_ =	shalt  }
0x5c: {  	_ =	shalt  }
0x5d: {  	_ =	shalt  }
0x5e: {  	_ =	shalt  }
0x5f: {  	_ =	shalt  }
0x60: {  	_ =	shalt  }
0x61: {  	_ =	shalt  }
0x62: {  	_ =	shalt  }
0x63: {  	_ =	shalt  }
0x64: {  	_ =	shalt  }
0x65: {  	_ =	shalt  }
0x66: {  	_ =	shalt  }
0x67: {  	_ =	shalt  }
0x68: {  	_ =	shalt  }
0x69: {  	_ =	shalt  }
0x6a: {  	_ =	shalt  }
0x6b: {  	_ =	shalt  }
0x6c: {  	_ =	shalt  }
0x6d: {  	_ =	shalt  }
0x6e: {  	_ =	shalt  }
0x6f: {  	_ =	shalt  }
0x70: {  	_ =	shalt  }
0x71: {  	_ =	shalt  }
0x72: {  	_ =	shalt  }
0x73: {  	_ =	shalt  }
0x74: {  	_ =	shalt  }
0x75: {  	_ =	shalt  }
0x76: {  	_ =	shalt  }
0x77: {  	_ =	shalt  }
0x78: {  	_ =	shalt  }
0x79: {  	_ =	shalt  }
0x7a: {  	_ =	shalt  }
0x7b: {  	_ =	shalt  }
0x7c: {  	_ =	shalt  }
0x7d: {  	_ =	shalt  }
0x7e: {  	_ =	shalt  }
0x7f: {  	_ =	shalt  }
0x80: {  	_ =	shalt  }
0x81: {  	_ =	shalt  }
0x82: {  	_ =	shalt  }
0x83: {  	_ =	shalt  }
0x84: {  	_ =	shalt  }
0x85: {  	_ =	shalt  }
0x86: {  	_ =	shalt  }
0x87: {  	_ =	shalt  }
.Lfunc_end0:
.L_simem_size_0:
called_computation_lowered:
.L_overlay_start_0:
0x88: {  	s2 =	sld [smem:$0x3FD9]  }
0x89: {  	s3 =	sld [smem:$0x3FFE];
	_ =	sdelay $0x1  }
0x8a: {  	s1 =	srdreg.scid  }
0x8b: {  	s0 =	sand.u32 $0x1, s1  }
0x8c: {  	s17 =	sshll.u32 s0, $0xA;
	s2 =	sadd.s32 s3, s2  }
0x8d: {  	s2 =	sadd.s32 s2, s17  }
0x8e: {  	[smem:$0x3FBB] =	sst s2  }
0x8f: {  	_ = 	snop  }
0x90: {  	(tm) =	ssettm $0x1  }
0x91: {  	s18 =	sld [smem:$0x3FFB];
	_ =	sdelay $0x3  }
0x92: {  	_ =	strace s18  }
0x93: {  	s2 =	sld [smem:$0x3FFC];
	_ =	sdelay $0x3  }
0x94: {  	_ =	strace s2  }
0x95: {  	s2 =	sld [smem:$0x3FFD];
	_ =	sdelay $0x3  }
0x96: {  	_ =	strace s2  }
0x97: {  	_ =	strace $0x8FFFFFFF  }
0x98: {  	s19 =	sld [smem:$0x3FDB];
	_ =	sdelay $0x1  }
0x99: {  	s20 =	simm.s32 $_scs_section_size  }
0x9a: {  	s4 =	simm.s32 $_size__tile_overlayer_lowered;
	s5 =	simm.s32 $_tile_overlayer_lowered  }
0x9b: {  	s6 =	simm.s32 $0x1BFF;
	s21 =	sshll.u32 s5, $0x1;
	s3 =	sadd.s32 s20, s19  }
0x9c: {  	s22 =	simm.s32 $0x0;
	s4 =	sshll.u32 s4, $0x1;
	s5 =	sadd.s32 s21, s3  }
0x9d: {  	[timem:s22], [sflag:s6] =	dma.local [hbm:s5], s4  }
0x9e: {  	_ =	swait.ge [sflag:s6], s4  }
0x9f: {  	s4 =	ssub.s32 $0x0, s4;
	[sflag:s6] =	ssyncset.done $0x0  }
0xa0: {  	[sflag:s6] =	ssyncadd.s32 s4;
	_ =	sdelay $0x1  }
0xa1: {  	s23 =	simm.s32 $0x1B8B  }
0xa2: {  	_ =	swait.ge [sflag:s23], $0x1  }
0xa3: {  	[sflag:s23] =	ssyncset.done $0x0  }
0xa4: {  	[sflag:s23] =	ssyncadd.s32 $0xFFFFFFFF  }
0xa5: {  	s4 =	sld [smem:$0x0]  }
0xa6: {  	s5 =	sand.u32 $0xFFFFFFFE, s1  }
0xa7: {  	p0 =	sne.s32 s1, s5  }
0xa8: {  	s5 =	sshll.u32 @p0 s5, $0xE  }
0xa9: {  	s5 =	sadd.s32 @p0 $0x11B8D, s5;
	s6 =	sshll.u32 @p0 s4, $0x11  }
0xaa: {  	s5 =	sor.u32 @p0 s6, s5  }
0xab: {  	[sflag:s5] =	ssyncadd.remote.s32 @p0 $0x1;
	_ =	sdelay $0x1  }
0xac: {  	s5 =	simm.s32 @p0 $0x1B8D  }
0xad: {  	_ =	swait.eq @p0 [sflag:s5], $0x1  }
0xae: {  	[sflag:s5] =	ssyncadd.s32 @p0 $0xFFFFFFFF  }
0xaf: {  	s6 =	sshll.u32 @!p0 s1, $0xE  }
0xb0: {  	s6 =	sor.u32 @!p0 $0x4000, s6;
	s5 =	simm.s32 @!p0 $0x1B8D  }
0xb1: {  	s4 =	sshll.u32 @!p0 s4, $0x11;
	s6 =	sadd.s32 @!p0 $0x11B8D, s6;
	_ =	swait.eq @!p0 [sflag:s5], $0x1  }
0xb2: {  	s4 =	sor.u32 @!p0 s4, s6;
	[sflag:s5] =	ssyncadd.s32 @!p0 $0xFFFFFFFF  }
0xb3: {  	s25 =	simm.s32 $0x1B8E;
	s24 =	sld [smem:$0x3FFE];
	[sflag:s4] =	ssyncadd.remote.s32 @!p0 $0x1  }
0xb4: {  	s26 =	simm.s32 $execute0_lowered;
	[smem:$0x3FD2] =	sst s25  }
0xb5: {  	s5 =	sshll.u32 s26, $0x1;
	_ =	strace $0x80000049;
	[dreg:$0x1] =	wrdreg $0xFFFFFFFF  }
0xb6: {  	s28 =	simm.s32 $_size_execute0_lowered;
	s3 =	sadd.s32 s3, s5;
	[dreg:$0x0] =	wrdreg $0x0  }
0xb7: {  	s5 =	sshll.u32 s28, $0x1;
	[dreg:$0x2] =	wrdreg s3  }
0xb8: {  	[dreg:$0x3] =	wrdreg s5  }
0xb9: {  	[dreg:$0x4] =	wrdreg $0xC0  }
0xba: {  	_ =	task [dreg:s22], $0x5FFFF  }
0xbb: {  	[dreg:$0x1] =	wrdreg $0xFFFFFFFF  }
0xbc: {  	[dreg:$0x0] =	wrdreg $0x60  }
0xbd: {  	[dreg:$0x2] =	wrdreg s24  }
0xbe: {  	[dreg:$0x3] =	wrdreg $0xD8800  }
0xbf: {  	[dreg:$0x4] =	wrdreg $0x9  }
0xc0: {  	_ =	task.clear_ibuf [dreg:s22], $0x5FFFF;
	_ =	strace $0x90000049  }
0xc1: {  	s29 =	simm.s32 $0x9;
	_ =	strace $0x8000004B  }
0xc2: {  	_ =	swait.ge [sflag:s29], $0x1  }
0xc3: {  	[sflag:s29] =	ssyncadd.s32 $0xFFFFFFFF  }
0xc4: {  	_ =	strace $0x9000004B  }
0xc5: {  	_ =	sfence  }
0xc6: {  	s30 =	sld [smem:$0x0];
	_ =	sdelay $0x2  }
0xc7: {  	s31 =	sshll.u32 s1, $0xD;
	s1 =	sshrl.u32 s1, $0x2  }
0xc8: {  	s4 =	sand.u32 $0x4000, s31;
	s1 =	sadd.s32 s1, s30  }
0xc9: {  	s0 =	sor.u32 s4, s0;
	s1 =	sshll.u32 s1, $0x11  }
0xca: {  	s0 =	sor.u32 s1, s0  }
0xcb: {  	s0 =	sadd.s32 $0x8F2B, s0  }
0xcc: {  	[sflag:s0] =	ssyncadd.remote.s32 $0x1  }
0xcd: {  	_ =	sfence.sel $0xFFFF  }
0xce: {  	[dreg:$0x0] =	wrdreg $0xFFFFFFFF;
	(pc) =	sbr.abs _section_cstart, $3  }
0xcf: {  	[dreg:$0x1] =	wrdreg $0xFFFFFFFF  }
0xd0: {  	_ =	task.clear_ibuf [dreg:s22], $0x2FFFF;
	_ =	strace $0x9FFFFFFF  }
0xd1: {  	(tm) =	ssettm $0x7FFFFFFF  }
tec
execute0_lowered:
.L_overlay_start_1:
0x0: {  	(tag) =	ssettag $0x1  }
0x1: {  	s4 =	rddreg [dreg:$0x0]  }
0x2: {  	s0 =	srdreg.scid;
	s2 =	rddreg [dreg:$0x1]  }
0x3: {  	s1 =	stileid.u32;
	s3 =	simm.s32 $0x0;
	s11 =	simm.s32 $0x80  }
0x4: {  	s5 =	sand.u32 $0x1, s0;
	s0 =	rddreg [dreg:$0x2];
	s7 =	smul.u32 $0x188, s1  }
0x5: {  	s12 =	simm.s32 $0x800;
	[smem:$0x7FF] =	sst s3;
	s8 =	smul.u32 $0x3100, s1  }
0x6: {  	s30 =	ssub.s32 $0x28, s1;
	s31 =	sshll.u32 s1, $0xB;
	s6 =	smul.u32 $0x1880, s5  }
0x7: {  	s9 =	ssub.s32 $0x2, s5;
	_ =	strace $0x8000004A;
	s29 =	smul.u32 $0xC400, s5  }
0x8: {  	s5 =	sadd.s32 s31, s2;
	s28 =	sshrl.u32 s9, $0x1;
	s10 =	sadd.s32 s8, s4  }
0x9: {  	s8 =	sshrl.u32 s8, $0x2;
	s6 =	sadd.s32 s7, s6;
	s7 =	ssub.s32 s9, s28  }
0xa: {  	s13 =	sadd.s32 s8, s2;
	s8 =	sadd.s32 $0x65000, s10;
	s9 =	simm.s32 $0xD080  }
0xb: {  	v1 =	vlaneseq.u32;
	v2 =	vimm.f32 $0.0e+00;
	s10 =	simm.s32 $0x1;
	s6 =	sadd.s32 s6, s4;
	s4 =	sshrl.u32 s30, $0x4  }
0xc: {  	v4 =	vimm.f32 $1.000000000e+00;
	v3 =	vor.u32 $0xC400, v1;
	v0 =	vmov s29;
	s7 =	smax.u32 s7, $0x1;
	s13 =	sshrl.u32 s13, $0x3;
	s6 =	sadd.s32 $0x129000, s6  }
.LBB2_1:
0xd: {  	s14 =	simm.s32 $0x0  }
.LBB2_2:
0xe: {  	p0 =	sne.s32 s14, $0x1FC0  }
.Ltmp0:
0xf: {  	_ = 	snop;
	(pc) =	sbr.rel @p0 .LBB2_2-.Ltmp0, $3  }
0x10: {  	_ =	sdelay $0x1  }
0x11: {  	s15 =	sshra.s32 s14, $0x2  }
0x12: {  	s14 =	sadd.s32 $0x40, s14;
	[tilespmem:s15+$0xD080] =	vst v2  }
0x13: {  	s14 =	simm.s32 $0x40;
	s15 =	simm.s32 $0x0  }
.LBB2_4:
0x14: {  	p0 =	sne.s32 s14, $0x31FC0;
	[tilespmem:s15+$0x880] =	vst v2;
	s15 =	smov.u32 s14;
	s14 =	sadd.s32 $0x40, s14  }
.Ltmp1:
0x15: {  	(pc) =	sbr.rel @p0 .LBB2_4-.Ltmp1, $2  }
0x16: {  	_ =	sdelay $0x2  }
0x17: {  	s15 =	sshra.s32 s15, $0x2  }
0x18: {  	p0 =	sne.s32 s4, $0x1  }
.Ltmp2:
0x19: {  	_ = 	snop;
	(pc) =	sbr.rel @!p0 .LBB2_7-.Ltmp2, $4  }
0x1a: {  	[tilespmem:s15+$0x880] =	vst v2  }
0x1b: {  	[spmem:s5] =	stream.linear.scatter [tilespmem:s9], [sflag:$0x1], $0x800, $0x38;
	[tilespmem:$0xE500] =	vst v63  }
0x1c: {  	_ =	swait.ge [sflag:s10], $0x800  }
0x1d: {  	s14 =	sadd.s32 $0xFFFFFFFF, s4;
	s15 =	smov.u32 s5;
	[sflag:s10] =	ssyncset.done $0x0  }
.LBB2_6:
0x1e: {  	p0 =	sne.s32 s14, $0x1;
	[sflag:s10] =	ssyncadd.s32 $0xFFFFF800;
	s15 =	sadd.s32 $0x8000, s15  }
.Ltmp3:
0x1f: {  	s14 =	sadd.s32 $0xFFFFFFFF, s14;
	(pc) =	sbr.rel @p0 .LBB2_6-.Ltmp3, $4  }
0x20: {  	_ = 	snop  }
0x21: {  	[spmem:s15] =	stream.linear.scatter [tilespmem:s9], [sflag:$0x1], $0x800, $0x38;
	[tilespmem:$0xE500] =	vst v63  }
0x22: {  	_ =	swait.ge [sflag:s10], $0x800  }
0x23: {  	[sflag:s10] =	ssyncset.done $0x0  }
.LBB2_7:
0x24: {  	[sflag:s10] =	ssyncadd.s32 $0xFFFFF800  }
0x25: {  	s15 =	simm.s32 $0x0;
	s16 =	smov.u32 s8;
	[bflag:$0x0] =	sbarrier.arrive $0xFFFF  }
.LBB2_8:
0x26: {  	s14 =	sand.u32 $0xF, s15  }
0x27: {  	p0 =	sne.s32 s14, $0x0  }
0x28: {  	s17 =	simm.s32 @!p0 $0x0  }
0x29: {  	[tilespmem:s17], [sflag:$0x1] =	stream.linear.gather @!p0 [hbm4b:s16+s17], $0x800, $0x38;
	[tilespmem:$0xE500] =	vst v63  }
0x2a: {  	s17 =	simm.s32 @!p0 $0x1  }
0x2b: {  	_ =	swait.ge @!p0 [sflag:s17], $0x800  }
0x2c: {  	[sflag:s17] =	ssyncset.done @!p0 $0x0  }
0x2d: {  	s31 =	sshll.u32 s14, $0x7;
	[sflag:s17] =	ssyncadd.s32 @!p0 $0xFFFFF800  }
0x2e: {  	v5 =	vld [tilespmem:s31+$0x0];
	_ =	sdelay $0x4  }
0x2f: {  	v5 =	vsub.s32 v5, v0  }
0x30: {  	vm0 =	vlt.u32 v5, $0xC400  }
0x31: {  	v5 =	vsel vm0, v5, v3;
	_ =	sdelay $0x3  }
0x32: {  	s14 =	simm.s32 $0x880  }
0x33: {  	[tilespmem:v5+s14+$0x0] =	vst.idx.add.f32.msk $0xffff, v4  }
0x34: {  	v5 =	vld [tilespmem:s31+$0x10];
	_ =	sdelay $0x4  }
0x35: {  	v5 =	vsub.s32 v5, v0  }
0x36: {  	vm9 =	vlt.u32 v5, $0xC400  }
0x37: {  	v5 =	vsel vm9, v5, v3;
	_ =	sdelay $0x4  }
0x38: {  	[tilespmem:v5+s14+$0x0] =	vst.idx.add.f32.msk $0xffff, v4  }
0x39: {  	v5 =	vld [tilespmem:s31+$0x20];
	_ =	sdelay $0x4  }
0x3a: {  	v5 =	vsub.s32 v5, v0  }
0x3b: {  	vm10 =	vlt.u32 v5, $0xC400  }
0x3c: {  	v5 =	vsel vm10, v5, v3;
	_ =	sdelay $0x4  }
0x3d: {  	[tilespmem:v5+s14+$0x0] =	vst.idx.add.f32.msk $0xffff, v4  }
0x3e: {  	v5 =	vld [tilespmem:s31+$0x30];
	_ =	sdelay $0x4  }
0x3f: {  	v5 =	vsub.s32 v5, v0  }
0x40: {  	vm11 =	vlt.u32 v5, $0xC400  }
0x41: {  	v5 =	vsel vm11, v5, v3;
	_ =	sdelay $0x4  }
0x42: {  	[tilespmem:v5+s14+$0x0] =	vst.idx.add.f32.msk $0xffff, v4  }
0x43: {  	v5 =	vld [tilespmem:s31+$0x40];
	_ =	sdelay $0x4  }
0x44: {  	v5 =	vsub.s32 v5, v0  }
0x45: {  	vm12 =	vlt.u32 v5, $0xC400  }
0x46: {  	v5 =	vsel vm12, v5, v3;
	_ =	sdelay $0x4  }
0x47: {  	[tilespmem:v5+s14+$0x0] =	vst.idx.add.f32.msk $0xffff, v4  }
0x48: {  	v5 =	vld [tilespmem:s31+$0x50];
	_ =	sdelay $0x4  }
0x49: {  	v5 =	vsub.s32 v5, v0  }
0x4a: {  	vm13 =	vlt.u32 v5, $0xC400  }
0x4b: {  	v5 =	vsel vm13, v5, v3;
	_ =	sdelay $0x4  }
0x4c: {  	[tilespmem:v5+s14+$0x0] =	vst.idx.add.f32.msk $0xffff, v4  }
0x4d: {  	v5 =	vld [tilespmem:s31+$0x60];
	_ =	sdelay $0x4  }
0x4e: {  	v5 =	vsub.s32 v5, v0  }
0x4f: {  	vm14 =	vlt.u32 v5, $0xC400  }
0x50: {  	v5 =	vsel vm14, v5, v3;
	_ =	sdelay $0x4  }
0x51: {  	[tilespmem:v5+s14+$0x0] =	vst.idx.add.f32.msk $0xffff, v4  }
0x52: {  	v5 =	vld [tilespmem:s31+$0x70];
	_ =	sdelay $0x4  }
0x53: {  	v5 =	vsub.s32 v5, v0  }
0x54: {  	s15 =	sadd.s32 $0x1, s15;
	vm15 =	vlt.u32 v5, $0xC400  }
0x55: {  	p0 =	sne.s32 s15, $0x310;
	v5 =	vsel vm15, v5, v3  }
.Ltmp4:
0x56: {  	_ = 	snop;
	(pc) =	sbr.rel @p0 .LBB2_8-.Ltmp4, $2  }
0x57: {  	_ =	sdelay $0x2  }
0x58: {  	s16 =	sadd.s32 $0x10, s16;
	[tilespmem:v5+s14+$0x0] =	vst.idx.add.f32.msk $0xffff, v4  }
0x59: {  	s15 =	simm.s32 $0x70  }
0x5a: {  	s16 =	simm.s32 $0x60;
	v5 =	vor.u32 s15, v1  }
0x5b: {  	s25 =	simm.s32 $0x50;
	v6 =	vor.u32 s16, v1;
	[tilespmem:$0x870] =	vst v5  }
0x5c: {  	s26 =	simm.s32 $0x0;
	v5 =	vor.u32 s25, v1;
	[tilespmem:$0x860] =	vst v6  }
0x5d: {  	s28 =	simm.s32 $0x40;
	v6 =	vor.u32 s26, v1;
	[tilespmem:$0x850] =	vst v5  }
0x5e: {  	s29 =	simm.s32 $0x20;
	[tilespmem:$0x800] =	vst v6;
	v5 =	vor.u32 s28, v1  }
0x5f: {  	s30 =	simm.s32 $0x30;
	v6 =	vor.u32 s29, v1;
	[tilespmem:$0x840] =	vst v5  }
0x60: {  	s31 =	simm.s32 $0x10;
	v5 =	vor.u32 s30, v1;
	[tilespmem:$0x820] =	vst v6  }
0x61: {  	v6 =	vor.u32 s31, v1;
	[tilespmem:$0x830] =	vst v5  }
0x62: {  	s15 =	simm.s32 $0xF0;
	[tilespmem:$0x810] =	vst v6  }
0x63: {  	[spmem:s2] =	stream.indirect.scatter.add.f32 [tilespmem:s14], [sflag:$0x1], $0x10, s12, s11, $0xb8;
	[tilespmem:$0xE500] =	vst v63  }
.LBB2_10:
0x64: {  	p0 =	sne.s32 s15, $0xC70;
	_ =	swait.ge [sflag:s10], $0x800;
	s14 =	sadd.s32 $0x800, s14  }
0x65: {  	s16 =	smov.u32 s15;
	s15 =	sadd.s32 $0x80, s15;
	[sflag:s10] =	ssyncset.done $0x0  }
0x66: {  	s17 =	sadd.s32 $0xFFFFFFF0, s16;
	v5 =	vor.u32 s16, v1;
	[sflag:s10] =	ssyncadd.s32 $0xFFFFF800  }
0x67: {  	s18 =	sadd.s32 $0xFFFFFFE0, s16;
	v6 =	vor.u32 s17, v1;
	[tilespmem:$0x870] =	vst v5  }
0x68: {  	s17 =	sadd.s32 $0xFFFFFF90, s16;
	v5 =	vor.u32 s18, v1;
	[tilespmem:$0x860] =	vst v6  }
0x69: {  	v6 =	vor.u32 s17, v1;
	s17 =	sadd.s32 $0xFFFFFFD0, s16;
	[tilespmem:$0x850] =	vst v5  }
0x6a: {  	s19 =	sadd.s32 $0xFFFFFFB0, s16;
	s18 =	sadd.s32 $0xFFFFFFA0, s16;
	s16 =	sadd.s32 $0xFFFFFFC0, s16;
	v5 =	vor.u32 s17, v1;
	[tilespmem:$0x800] =	vst v6  }
.Ltmp5:
0x6b: {  	v7 =	vor.u32 s19, v1;
	v8 =	vor.u32 s16, v1;
	v6 =	vor.u32 s18, v1;
	[tilespmem:$0x840] =	vst v5;
	(pc) =	sbr.rel @p0 .LBB2_10-.Ltmp5, $4  }
0x6c: {  	[tilespmem:$0x820] =	vst v7  }
0x6d: {  	[tilespmem:$0x830] =	vst v8  }
0x6e: {  	[tilespmem:$0x810] =	vst v6  }
0x6f: {  	[spmem:s2] =	stream.indirect.scatter.add.f32 [tilespmem:s14], [sflag:$0x1], $0x10, s12, s11, $0xb8;
	[tilespmem:$0xE500] =	vst v63  }
0x70: {  	_ =	swait.ge [sflag:s10], $0x800  }
0x71: {  	s3 =	sadd.s32 $0x1, s3;
	[sflag:s10] =	ssyncset.done $0x0  }
0x72: {  	s14 =	sshll.u32 s1, $0x6;
	p0 =	sne.s32 s3, s7;
	[sflag:s10] =	ssyncadd.s32 $0xFFFFF800  }
.Ltmp6:
0x73: {  	s14 =	sor.u32 $0x1C01, s14;
	[bflag:$0x0] =	sbarrier.arrive $0xFFFF;
	(pc) =	sbr.rel @p0 .LBB2_1-.Ltmp6, $4  }
0x74: {  	[hbm:s6], [sflag:s14] =	dma.local [spmem:s13], $0x188  }
0x75: {  	_ =	swait.ge [sflag:s10], $0x188  }
0x76: {  	[sflag:s10] =	ssyncset.done $0x0  }
0x77: {  	[sflag:s10] =	ssyncadd.s32 $0xFFFFFE78  }
0x78: {  	_ =	sfence.sel $0x180000  }
0x79: {  	[bflag:$0x0] =	sbarrier.arrive $0xFFFF  }
0x7a: {  	p0 =	sne.s32 s1, $0x0;
	_ =	strace $0x9000004A  }
0x7b: {  	s0 =	sadd.s32 @!p0 $0x100000, s0;
	[bflag:$0x2] =	sbarrier.arrive $0xFFFF  }
0x7c: {  	[sflag:s0] =	ssyncadd.tile.s32 @!p0 $0x1;
	_ =	shalt  }
.Lfunc_end2:
_tile_overlayer_lowered:
.L_overlay_start_2:
0x7d: {  	(tag) =	ssettag $0x2  }
0x7e: {  	s0 =	rddreg [dreg:$0x0];
	s2 =	stileid.u32  }
0x7f: {  	s1 =	rddreg [dreg:$0x1];
	p0 =	sne.s32 s2, $0x0  }
0x80: {  	s3 =	rddreg [dreg:$0x2];
	[bflag:$0x3] =	sbarrier.arrive $0xFFFF;
	s2 =	simm.s32 @!p0 $0x1C01  }
0x81: {  	[timem:s3], [sflag:s2] =	dma.local @!p0 [hbm:s0], s1  }
0x82: {  	s0 =	simm.s32 @!p0 $0x1  }
0x83: {  	_ =	swait.ge @!p0 [sflag:s0], s1  }
0x84: {  	s1 =	ssub.s32 @!p0 $0x0, s1;
	[sflag:s0] =	ssyncset.done @!p0 $0x0  }
0x85: {  	[sflag:s0] =	ssyncadd.s32 @!p0 s1  }
0x86: {  	[bflag:$0x3] =	sbarrier.arrive $0xFFFF  }
0x87: {  	_ =	shalt  }

</sc_bundles>
